<compile_context>
chip_gen: v7x
topology: tpu7x:2x2x1
jax: 0.10.2.dev20260603
libtpu: 0.0.44.dev20260713+nightly
codegen_flags: <defaults>
</compile_context>

<pallas_src>
import functools
import jax
import jax.numpy as jnp
from jax import lax
from jax.experimental import pallas as pl
from jax.experimental.pallas import tpu as pltpu
from jax.experimental.pallas import tpu_sc as plsc

_N = 10000
_E = 320000
_D = 128
_B = 16
_NW = 32
_CH = 128
_NCHUNK = 80
_NCPAD = _NCHUNK + 4
_EP = _NW * _NCHUNK * _CH
_NP = 10112
_RPS = _NP // 16

def _sc_aggregate_body(y_hbm, src_hbm, dst_hbm, zero_hbm, out_hbm,
                       spE, spO, dpE, dpO, buf0, buf1, aggr,
                       gsem0, gsem1, ssem0, ssem1,
                       isemSE, isemDE, isemSO, isemDO):
    cid = lax.axis_index("c")
    sid = lax.axis_index("s")
    wid = sid * 2 + cid
    r0 = sid * _RPS

    pltpu.sync_copy(zero_hbm.at[pl.ds(r0, _RPS)], aggr.at[pl.ds(r0, _RPS)])
    plsc.subcore_barrier()

    pltpu.sync_copy(src_hbm.at[wid].at[pl.ds(0, 2)], spE)
    pltpu.sync_copy(dst_hbm.at[wid].at[pl.ds(0, 2)], dpE)
    pltpu.async_copy(y_hbm.at[spE.at[0]], buf0, gsem0)

    def body(t, carry):
        c0 = 4 * t
        pltpu.make_async_copy(y_hbm.at[spE.at[0]], buf0, gsem0).wait()
        pltpu.async_copy(buf0, aggr.at[dpE.at[0]], ssem0, add=True)

        @pl.when(t > 0)
        def _w():
            pltpu.make_async_copy(buf1, aggr.at[dpO.at[1]], ssem1).wait()

        pltpu.async_copy(src_hbm.at[wid].at[pl.ds(c0 + 2, 2)], spO, isemSO)
        pltpu.async_copy(dst_hbm.at[wid].at[pl.ds(c0 + 2, 2)], dpO, isemDO)
        pltpu.async_copy(y_hbm.at[spE.at[1]], buf1, gsem1)
        pltpu.make_async_copy(y_hbm.at[spE.at[1]], buf1, gsem1).wait()
        pltpu.async_copy(buf1, aggr.at[dpE.at[1]], ssem1, add=True)
        pltpu.make_async_copy(buf0, aggr.at[dpE.at[0]], ssem0).wait()
        pltpu.make_async_copy(src_hbm.at[wid].at[pl.ds(c0 + 2, 2)], spO, isemSO).wait()
        pltpu.make_async_copy(dst_hbm.at[wid].at[pl.ds(c0 + 2, 2)], dpO, isemDO).wait()
        pltpu.async_copy(y_hbm.at[spO.at[0]], buf0, gsem0)
        pltpu.make_async_copy(y_hbm.at[spO.at[0]], buf0, gsem0).wait()
        pltpu.async_copy(buf0, aggr.at[dpO.at[0]], ssem0, add=True)
        pltpu.make_async_copy(buf1, aggr.at[dpE.at[1]], ssem1).wait()
        pltpu.async_copy(src_hbm.at[wid].at[pl.ds(c0 + 4, 2)], spE, isemSE)
        pltpu.async_copy(dst_hbm.at[wid].at[pl.ds(c0 + 4, 2)], dpE, isemDE)
        pltpu.async_copy(y_hbm.at[spO.at[1]], buf1, gsem1)
        pltpu.make_async_copy(y_hbm.at[spO.at[1]], buf1, gsem1).wait()
        pltpu.async_copy(buf1, aggr.at[dpO.at[1]], ssem1, add=True)
        pltpu.make_async_copy(buf0, aggr.at[dpO.at[0]], ssem0).wait()
        pltpu.make_async_copy(src_hbm.at[wid].at[pl.ds(c0 + 4, 2)], spE, isemSE).wait()
        pltpu.make_async_copy(dst_hbm.at[wid].at[pl.ds(c0 + 4, 2)], dpE, isemDE).wait()
        pltpu.async_copy(y_hbm.at[spE.at[0]], buf0, gsem0)
        return carry

    lax.fori_loop(0, _NCHUNK // 4, body, 0)
    pltpu.make_async_copy(buf1, aggr.at[dpO.at[1]], ssem1).wait()
    pltpu.make_async_copy(y_hbm.at[spE.at[0]], buf0, gsem0).wait()

    plsc.subcore_barrier()
    pltpu.sync_copy(aggr.at[pl.ds(r0, _RPS)],
                    out_hbm.at[cid].at[pl.ds(r0, _RPS)])


@functools.cache
def _sc_aggregate_call():
    mesh = plsc.VectorSubcoreMesh(core_axis_name="c", subcore_axis_name="s")
    return pl.kernel(
        _sc_aggregate_body,
        out_type=jax.ShapeDtypeStruct((2, _NP, _D), jnp.float32),
        mesh=mesh,
        scratch_types=[
            pltpu.VMEM((2, _CH), jnp.int32),
            pltpu.VMEM((2, _CH), jnp.int32),
            pltpu.VMEM((2, _CH), jnp.int32),
            pltpu.VMEM((2, _CH), jnp.int32),
            pltpu.VMEM((_CH, _D), jnp.float32),
            pltpu.VMEM((_CH, _D), jnp.float32),
            pltpu.VMEM_SHARED((_NP, _D), jnp.float32),
            pltpu.SemaphoreType.DMA,
            pltpu.SemaphoreType.DMA,
            pltpu.SemaphoreType.DMA,
            pltpu.SemaphoreType.DMA,
            pltpu.SemaphoreType.DMA,
            pltpu.SemaphoreType.DMA,
            pltpu.SemaphoreType.DMA,
            pltpu.SemaphoreType.DMA,
        ],
    )


_RB = 1000


def _pre_body(h_ref, wr_ref, ww_ref, b_ref, y_ref, z_ref):
    h = h_ref[...]
    y_ref[...] = jnp.dot(h, wr_ref[...], preferred_element_type=jnp.float32, precision=jax.lax.Precision.HIGHEST)
    z_ref[...] = jnp.dot(h, ww_ref[...], preferred_element_type=jnp.float32, precision=jax.lax.Precision.HIGHEST) + b_ref[...]


def _mid_body(p_ref, z_ref, wr_ref, ww_ref, b_ref, y_ref, z2_ref):
    h = jnp.maximum(p_ref[0] + p_ref[1] + z_ref[...], 0.0)
    y_ref[...] = jnp.dot(h, wr_ref[...], preferred_element_type=jnp.float32, precision=jax.lax.Precision.HIGHEST)
    z2_ref[...] = jnp.dot(h, ww_ref[...], preferred_element_type=jnp.float32, precision=jax.lax.Precision.HIGHEST) + b_ref[...]


def _post_body(p_ref, z_ref, bt_ref, fcw_ref, fcb_ref, rw_ref, rb_ref,
               out_ref, sums, cnts):
    i = pl.program_id(0)

    @pl.when(i == 0)
    def _init():
        sums[...] = jnp.zeros_like(sums)
        cnts[...] = jnp.zeros_like(cnts)

    h = jnp.maximum(p_ref[0] + p_ref[1] + z_ref[...], 0.0)
    bt = bt_ref[0, 0, :]
    mask = (bt[None, :] == lax.broadcasted_iota(jnp.int32, (_B, _RB), 0)
            ).astype(jnp.float32)
    sums[...] += jnp.dot(mask, h, preferred_element_type=jnp.float32, precision=jax.lax.Precision.HIGHEST)
    cnts[...] += jnp.sum(mask, axis=1, keepdims=True)

    @pl.when(i == pl.num_programs(0) - 1)
    def _finish():
        pooled = sums[...] / jnp.maximum(cnts[...], 1.0)
        fc = jnp.dot(pooled, fcw_ref[...],
                     preferred_element_type=jnp.float32, precision=jax.lax.Precision.HIGHEST) + fcb_ref[...]
        o = jnp.dot(fc, rw_ref[...],
                    preferred_element_type=jnp.float32, precision=jax.lax.Precision.HIGHEST) + rb_ref[...]
        out_ref[...] = jnp.broadcast_to(o, (_B, _D))


_row_spec = pl.BlockSpec((_RB, _D), lambda i: (i, 0))
_p_spec = pl.BlockSpec((2, _RB, _D), lambda i: (0, i, 0))
_w_spec = pl.BlockSpec((_D, _D), lambda i: (0, 0))
_b_spec = pl.BlockSpec((1, _D), lambda i: (0, 0))

_pre_call = pl.pallas_call(
    _pre_body,
    grid=(_N // _RB,),
    in_specs=[_row_spec, _w_spec, _w_spec, _b_spec],
    out_specs=[_row_spec, _row_spec],
    out_shape=[jax.ShapeDtypeStruct((_N, _D), jnp.float32)] * 2,
)

_mid_call = pl.pallas_call(
    _mid_body,
    grid=(_N // _RB,),
    in_specs=[_p_spec, _row_spec, _w_spec, _w_spec, _b_spec],
    out_specs=[_row_spec, _row_spec],
    out_shape=[jax.ShapeDtypeStruct((_N, _D), jnp.float32)] * 2,
)

_post_call = pl.pallas_call(
    _post_body,
    grid=(_N // _RB,),
    in_specs=[
        _p_spec,
        _row_spec,
        pl.BlockSpec((1, 1, _RB), lambda i: (i, 0, 0)),
        _w_spec,
        _b_spec,
        pl.BlockSpec((_D, 1), lambda i: (0, 0)),
        pl.BlockSpec((1, 1), lambda i: (0, 0)),
    ],
    out_specs=pl.BlockSpec((_B, _D), lambda i: (0, 0)),
    out_shape=jax.ShapeDtypeStruct((_B, _D), jnp.float32),
    scratch_shapes=[
        pltpu.VMEM((_B, _D), jnp.float32),
        pltpu.VMEM((_B, _D), jnp.float32),
    ],
)


def kernel(x, edge_index, batch, W1_rel, W1_root, b1, W2_rel, W2_root, b2,
           W3_rel, W3_root, b3, W4_rel, W4_root, b4, fc_W, fc_b, reg_W, reg_b):
    src = edge_index[0]
    dst = edge_index[1]
    pad = _EP - _E
    tail = jnp.zeros((_NW, _NCPAD - _NCHUNK, _CH), jnp.int32)
    srcp = jnp.concatenate(
        [src, jnp.zeros((pad,), jnp.int32)]).reshape(_NW, _NCHUNK, _CH)
    srcp = jnp.concatenate([srcp, tail], axis=1)
    dstp = jnp.concatenate(
        [dst, jnp.full((pad,), _N, jnp.int32)]).reshape(_NW, _NCHUNK, _CH)
    dstp = jnp.concatenate([dstp, tail], axis=1)
    zero_init = jnp.zeros((_NP, _D), jnp.float32)
    bt = batch.reshape(_N // _RB, 1, _RB)

    y, z = _pre_call(x, W1_rel, W1_root, b1.reshape(1, _D))
    for (wr, ww, b) in ((W2_rel, W2_root, b2), (W3_rel, W3_root, b3),
                        (W4_rel, W4_root, b4)):
        p = _sc_aggregate_call()(y, srcp, dstp, zero_init)
        y, z = _mid_call(p, z, wr, ww, b.reshape(1, _D))
    p = _sc_aggregate_call()(y, srcp, dstp, zero_init)
    out = _post_call(p, z, bt, fc_W, fc_b.reshape(1, _D), reg_W,
                     reg_b.reshape(1, 1))
    return out[:, :1]

# --- scband reference (transcript-rebuilt; emitter-appended) ---
"""Pipeline reference for scband-gcn-66348654789162 (READ-ONLY COPY).

The authoritative reference and input builder live on the scoring server;
editing this copy changes nothing except your own understanding.
"""

import jax, jax.numpy as jnp
import numpy as np

N = 10000
E = 320000
D = 128
H = 128
FC = 128
OUT = 1
B = 16


def setup_inputs(seed: int = 0) -> dict:
    key = jax.random.key(seed)
    ks = jax.random.split(key, 24)
    s = 0.05
    inp = {}
    inp['x'] = jax.random.normal(ks[0], (N, D), dtype=jnp.float32)
    inp['edge_index'] = jax.random.randint(ks[1], (2, E), 0, N, dtype=jnp.int32)
    inp['batch'] = jnp.sort(jax.random.randint(ks[2], (N,), 0, B, dtype=jnp.int32))
    dims = [(D, H), (H, H), (H, H), (H, H)]
    for i, (din, dout) in enumerate(dims, start=1):
        inp[f'W{i}_rel'] = jax.random.normal(ks[2 + 3 * i], (din, dout), dtype=jnp.float32) * s
        inp[f'W{i}_root'] = jax.random.normal(ks[3 + 3 * i], (din, dout), dtype=jnp.float32) * s
        inp[f'b{i}'] = jnp.zeros((dout,), dtype=jnp.float32)
    inp['fc_W'] = jax.random.normal(ks[18], (H, FC), dtype=jnp.float32) * s
    inp['fc_b'] = jnp.zeros((FC,), dtype=jnp.float32)
    inp['reg_W'] = jax.random.normal(ks[19], (FC, OUT), dtype=jnp.float32) * s
    inp['reg_b'] = jnp.zeros((OUT,), dtype=jnp.float32)
    return inp


def _graph_conv(x, src, dst, W_rel, W_root, b):
    # PyG GraphConv (aggr='add'): out_i = W_rel @ sum_{j in N(i)} x_j + W_root @ x_i + b
    msg = jnp.take(x, src, axis=0)
    aggr = jax.ops.segment_sum(msg, dst, num_segments=x.shape[0])
    return aggr @ W_rel + x @ W_root + b


def reference(x, edge_index, batch, W1_rel, W1_root, b1, W2_rel, W2_root, b2,
              W3_rel, W3_root, b3, W4_rel, W4_root, b4, fc_W, fc_b, reg_W, reg_b):
    src = edge_index[0]
    dst = edge_index[1]
    h = jax.nn.relu(_graph_conv(x, src, dst, W1_rel, W1_root, b1))
    h = jax.nn.relu(_graph_conv(h, src, dst, W2_rel, W2_root, b2))
    h = jax.nn.relu(_graph_conv(h, src, dst, W3_rel, W3_root, b3))
    h = jax.nn.relu(_graph_conv(h, src, dst, W4_rel, W4_root, b4))
    # global_mean_pool over batch ids
    sums = jax.ops.segment_sum(h, batch, num_segments=B)
    cnts = jax.ops.segment_sum(jnp.ones((h.shape[0], 1), dtype=h.dtype), batch, num_segments=B)
    pooled = sums / jnp.maximum(cnts, 1.0)
    # dropout is identity in eval mode
    h = pooled @ fc_W + fc_b
    out = h @ reg_W + reg_b
    return out

if __name__ == "__main__":
    import jax
    _d = setup_inputs()
    print(jax.jit(kernel)(*tuple(_d.values())))

</pallas_src>

<mosaic_0001>
#map = affine_map<(d0, d1) -> (0, 0)>
#map1 = affine_map<(d0, d1) -> (0, 0, 0)>
module attributes {stable_mosaic.version = 14 : i64} {
  func.func @_sc_aggregate_body(%arg0: i32, %arg1: i32, %arg2: memref<10000x128xf32, #tpu.memory_space<hbm>>, %arg3: memref<32x84x128xi32, #tpu.memory_space<hbm>>, %arg4: memref<32x84x128xi32, #tpu.memory_space<hbm>>, %arg5: memref<10112x128xf32, #tpu.memory_space<hbm>>, %arg6: memref<2x10112x128xf32, #tpu.memory_space<hbm>>, %arg7: memref<2x128xi32, #tpu.memory_space<vmem>>, %arg8: memref<2x128xi32, #tpu.memory_space<vmem>>, %arg9: memref<2x128xi32, #tpu.memory_space<vmem>>, %arg10: memref<2x128xi32, #tpu.memory_space<vmem>>, %arg11: memref<128x128xf32, #tpu.memory_space<vmem>>, %arg12: memref<128x128xf32, #tpu.memory_space<vmem>>, %arg13: memref<10112x128xf32, #tpu.memory_space<vmem_shared>>, %arg14: memref<!tpu.dma_semaphore, #tpu.memory_space<semaphore_mem>>, %arg15: memref<!tpu.dma_semaphore, #tpu.memory_space<semaphore_mem>>, %arg16: memref<!tpu.dma_semaphore, #tpu.memory_space<semaphore_mem>>, %arg17: memref<!tpu.dma_semaphore, #tpu.memory_space<semaphore_mem>>, %arg18: memref<!tpu.dma_semaphore, #tpu.memory_space<semaphore_mem>>, %arg19: memref<!tpu.dma_semaphore, #tpu.memory_space<semaphore_mem>>, %arg20: memref<!tpu.dma_semaphore, #tpu.memory_space<semaphore_mem>>, %arg21: memref<!tpu.dma_semaphore, #tpu.memory_space<semaphore_mem>>) attributes {dimension_semantics = [#tpu.dimension_semantics<core_parallel>, #tpu.dimension_semantics<subcore_parallel>], iteration_bounds = array<i64: 2, 16>, scalar_prefetch = 0 : i64, scratch_operands = 15 : i64, tpu.core_type = #tpu.core_type<sc_vector_subcore>, window_params = [{transform_indices = #map}, {transform_indices = #map1}, {transform_indices = #map1}, {transform_indices = #map}, {transform_indices = #map1}]} {
    %mul3A = arith.constant 2 : i32
    %mul3A_0 = arith.muli %arg1, %mul3A : i32
    %add3A = arith.addi %mul3A_0, %arg0 : i32
    %mul3A_1 = arith.constant 632 : i32
    %mul3A_2 = arith.muli %arg1, %mul3A_1 : i32
    "tpu.region"() ({
      %run_scoped3A = tpu.sem_alloc : memref<!tpu.dma_semaphore, #tpu.memory_space<semaphore_mem>>
      %dma_start3A_28 = arith.constant 0 : i32
      %dma_start3A_29 = tpu.memref_slice %arg13[%mul3A_2, %dma_start3A_28] : memref<10112x128xf32, #tpu.memory_space<vmem_shared>> -> memref<632x128xf32, #tpu.memory_space<vmem_shared>>
      %dma_start3A_30 = arith.constant 0 : i32
      %dma_start3A_31 = tpu.memref_slice %arg5[%mul3A_2, %dma_start3A_30] : memref<10112x128xf32, #tpu.memory_space<hbm>> -> memref<632x128xf32, #tpu.memory_space<hbm>>
      tpu.enqueue_dma source(%dma_start3A_31 : memref<632x128xf32, #tpu.memory_space<hbm>>) target(%dma_start3A_29 : memref<632x128xf32, #tpu.memory_space<vmem_shared>>) target_semaphore(%run_scoped3A : memref<!tpu.dma_semaphore, #tpu.memory_space<semaphore_mem>>)
      %dma_wait3A_32 = arith.constant 0 : i32
      %dma_wait3A_33 = tpu.memref_slice %arg13[%mul3A_2, %dma_wait3A_32] : memref<10112x128xf32, #tpu.memory_space<vmem_shared>> -> memref<632x128xf32, #tpu.memory_space<vmem_shared>>
      %dma_wait3A_34 = arith.constant 0 : i32
      %dma_wait3A_35 = tpu.memref_slice %arg5[%mul3A_2, %dma_wait3A_34] : memref<10112x128xf32, #tpu.memory_space<hbm>> -> memref<632x128xf32, #tpu.memory_space<hbm>>
      tpu.wait_dma2 semaphore(%run_scoped3A : memref<!tpu.dma_semaphore, #tpu.memory_space<semaphore_mem>>) src(%dma_wait3A_35 : memref<632x128xf32, #tpu.memory_space<hbm>>) dst(%dma_wait3A_33 : memref<632x128xf32, #tpu.memory_space<vmem_shared>>)
      tpu.yield
    }) : () -> ()
    %barrier3A = arith.constant 0 : index
    tpu.barrier barrier_id(%barrier3A)
    "tpu.region"() ({
      %run_scoped3A = tpu.sem_alloc : memref<!tpu.dma_semaphore, #tpu.memory_space<semaphore_mem>>
      %dma_start3A_28 = arith.constant 0 : i32
      %dma_start3A_29 = arith.constant 0 : i32
      %dma_start3A_30 = tpu.memref_slice %arg3[%add3A, %dma_start3A_28, %dma_start3A_29] : memref<32x84x128xi32, #tpu.memory_space<hbm>> -> memref<1x84x128xi32, #tpu.memory_space<hbm>>
      %dma_start3A_31 = tpu.memref_squeeze %dma_start3A_30 : memref<1x84x128xi32, #tpu.memory_space<hbm>> -> memref<84x128xi32, #tpu.memory_space<hbm>>
      %dma_start3A_32 = arith.constant 0 : i32
      %dma_start3A_33 = arith.constant 0 : i32
      %dma_start3A_34 = tpu.memref_slice %dma_start3A_31[%dma_start3A_32, %dma_start3A_33] : memref<84x128xi32, #tpu.memory_space<hbm>> -> memref<2x128xi32, #tpu.memory_space<hbm>>
      %dma_start3A_35 = arith.constant 0 : i32
      %dma_start3A_36 = arith.constant 0 : i32
      %dma_start3A_37 = tpu.memref_slice %arg3[%add3A, %dma_start3A_35, %dma_start3A_36] : memref<32x84x128xi32, #tpu.memory_space<hbm>> -> memref<1x84x128xi32, #tpu.memory_space<hbm>>
      %dma_start3A_38 = tpu.memref_squeeze %dma_start3A_37 : memref<1x84x128xi32, #tpu.memory_space<hbm>> -> memref<84x128xi32, #tpu.memory_space<hbm>>
      %dma_start3A_39 = arith.constant 0 : i32
      %dma_start3A_40 = arith.constant 0 : i32
      %dma_start3A_41 = tpu.memref_slice %dma_start3A_38[%dma_start3A_39, %dma_start3A_40] : memref<84x128xi32, #tpu.memory_space<hbm>> -> memref<2x128xi32, #tpu.memory_space<hbm>>
      tpu.enqueue_dma source(%dma_start3A_41 : memref<2x128xi32, #tpu.memory_space<hbm>>) target(%arg7 : memref<2x128xi32, #tpu.memory_space<vmem>>) target_semaphore(%run_scoped3A : memref<!tpu.dma_semaphore, #tpu.memory_space<semaphore_mem>>)
      %dma_wait3A_42 = arith.constant 0 : i32
      %dma_wait3A_43 = arith.constant 0 : i32
      %dma_wait3A_44 = tpu.memref_slice %arg3[%add3A, %dma_wait3A_42, %dma_wait3A_43] : memref<32x84x128xi32, #tpu.memory_space<hbm>> -> memref<1x84x128xi32, #tpu.memory_space<hbm>>
      %dma_wait3A_45 = tpu.memref_squeeze %dma_wait3A_44 : memref<1x84x128xi32, #tpu.memory_space<hbm>> -> memref<84x128xi32, #tpu.memory_space<hbm>>
      %dma_wait3A_46 = arith.constant 0 : i32
      %dma_wait3A_47 = arith.constant 0 : i32
      %dma_wait3A_48 = tpu.memref_slice %dma_wait3A_45[%dma_wait3A_46, %dma_wait3A_47] : memref<84x128xi32, #tpu.memory_space<hbm>> -> memref<2x128xi32, #tpu.memory_space<hbm>>
      %dma_wait3A_49 = arith.constant 0 : i32
      %dma_wait3A_50 = arith.constant 0 : i32
      %dma_wait3A_51 = tpu.memref_slice %arg3[%add3A, %dma_wait3A_49, %dma_wait3A_50] : memref<32x84x128xi32, #tpu.memory_space<hbm>> -> memref<1x84x128xi32, #tpu.memory_space<hbm>>
      %dma_wait3A_52 = tpu.memref_squeeze %dma_wait3A_51 : memref<1x84x128xi32, #tpu.memory_space<hbm>> -> memref<84x128xi32, #tpu.memory_space<hbm>>
      %dma_wait3A_53 = arith.constant 0 : i32
      %dma_wait3A_54 = arith.constant 0 : i32
      %dma_wait3A_55 = tpu.memref_slice %dma_wait3A_52[%dma_wait3A_53, %dma_wait3A_54] : memref<84x128xi32, #tpu.memory_space<hbm>> -> memref<2x128xi32, #tpu.memory_space<hbm>>
      tpu.wait_dma2 semaphore(%run_scoped3A : memref<!tpu.dma_semaphore, #tpu.memory_space<semaphore_mem>>) src(%dma_wait3A_55 : memref<2x128xi32, #tpu.memory_space<hbm>>) dst(%arg7 : memref<2x128xi32, #tpu.memory_space<vmem>>)
      tpu.yield
    }) : () -> ()
    "tpu.region"() ({
      %run_scoped3A = tpu.sem_alloc : memref<!tpu.dma_semaphore, #tpu.memory_space<semaphore_mem>>
      %dma_start3A_28 = arith.constant 0 : i32
      %dma_start3A_29 = arith.constant 0 : i32
      %dma_start3A_30 = tpu.memref_slice %arg4[%add3A, %dma_start3A_28, %dma_start3A_29] : memref<32x84x128xi32, #tpu.memory_space<hbm>> -> memref<1x84x128xi32, #tpu.memory_space<hbm>>
      %dma_start3A_31 = tpu.memref_squeeze %dma_start3A_30 : memref<1x84x128xi32, #tpu.memory_space<hbm>> -> memref<84x128xi32, #tpu.memory_space<hbm>>
      %dma_start3A_32 = arith.constant 0 : i32
      %dma_start3A_33 = arith.constant 0 : i32
      %dma_start3A_34 = tpu.memref_slice %dma_start3A_31[%dma_start3A_32, %dma_start3A_33] : memref<84x128xi32, #tpu.memory_space<hbm>> -> memref<2x128xi32, #tpu.memory_space<hbm>>
      %dma_start3A_35 = arith.constant 0 : i32
      %dma_start3A_36 = arith.constant 0 : i32
      %dma_start3A_37 = tpu.memref_slice %arg4[%add3A, %dma_start3A_35, %dma_start3A_36] : memref<32x84x128xi32, #tpu.memory_space<hbm>> -> memref<1x84x128xi32, #tpu.memory_space<hbm>>
      %dma_start3A_38 = tpu.memref_squeeze %dma_start3A_37 : memref<1x84x128xi32, #tpu.memory_space<hbm>> -> memref<84x128xi32, #tpu.memory_space<hbm>>
      %dma_start3A_39 = arith.constant 0 : i32
      %dma_start3A_40 = arith.constant 0 : i32
      %dma_start3A_41 = tpu.memref_slice %dma_start3A_38[%dma_start3A_39, %dma_start3A_40] : memref<84x128xi32, #tpu.memory_space<hbm>> -> memref<2x128xi32, #tpu.memory_space<hbm>>
      tpu.enqueue_dma source(%dma_start3A_41 : memref<2x128xi32, #tpu.memory_space<hbm>>) target(%arg9 : memref<2x128xi32, #tpu.memory_space<vmem>>) target_semaphore(%run_scoped3A : memref<!tpu.dma_semaphore, #tpu.memory_space<semaphore_mem>>)
      %dma_wait3A_42 = arith.constant 0 : i32
      %dma_wait3A_43 = arith.constant 0 : i32
      %dma_wait3A_44 = tpu.memref_slice %arg4[%add3A, %dma_wait3A_42, %dma_wait3A_43] : memref<32x84x128xi32, #tpu.memory_space<hbm>> -> memref<1x84x128xi32, #tpu.memory_space<hbm>>
      %dma_wait3A_45 = tpu.memref_squeeze %dma_wait3A_44 : memref<1x84x128xi32, #tpu.memory_space<hbm>> -> memref<84x128xi32, #tpu.memory_space<hbm>>
      %dma_wait3A_46 = arith.constant 0 : i32
      %dma_wait3A_47 = arith.constant 0 : i32
      %dma_wait3A_48 = tpu.memref_slice %dma_wait3A_45[%dma_wait3A_46, %dma_wait3A_47] : memref<84x128xi32, #tpu.memory_space<hbm>> -> memref<2x128xi32, #tpu.memory_space<hbm>>
      %dma_wait3A_49 = arith.constant 0 : i32
      %dma_wait3A_50 = arith.constant 0 : i32
      %dma_wait3A_51 = tpu.memref_slice %arg4[%add3A, %dma_wait3A_49, %dma_wait3A_50] : memref<32x84x128xi32, #tpu.memory_space<hbm>> -> memref<1x84x128xi32, #tpu.memory_space<hbm>>
      %dma_wait3A_52 = tpu.memref_squeeze %dma_wait3A_51 : memref<1x84x128xi32, #tpu.memory_space<hbm>> -> memref<84x128xi32, #tpu.memory_space<hbm>>
      %dma_wait3A_53 = arith.constant 0 : i32
      %dma_wait3A_54 = arith.constant 0 : i32
      %dma_wait3A_55 = tpu.memref_slice %dma_wait3A_52[%dma_wait3A_53, %dma_wait3A_54] : memref<84x128xi32, #tpu.memory_space<hbm>> -> memref<2x128xi32, #tpu.memory_space<hbm>>
      tpu.wait_dma2 semaphore(%run_scoped3A : memref<!tpu.dma_semaphore, #tpu.memory_space<semaphore_mem>>) src(%dma_wait3A_55 : memref<2x128xi32, #tpu.memory_space<hbm>>) dst(%arg9 : memref<2x128xi32, #tpu.memory_space<vmem>>)
      tpu.yield
    }) : () -> ()
    %dma_start3A = arith.constant 0 : i32
    %dma_start3A_3 = arith.constant 0 : i32
    %dma_start3A_4 = tpu.memref_slice %arg7[%dma_start3A, %dma_start3A_3] : memref<2x128xi32, #tpu.memory_space<vmem>> -> memref<1x128xi32, #tpu.memory_space<vmem>>
    %dma_start3A_5 = tpu.memref_squeeze %dma_start3A_4 : memref<1x128xi32, #tpu.memory_space<vmem>> -> memref<128xi32, #tpu.memory_space<vmem>>
    %dma_start3A_6 = arith.constant 0 : i32
    %dma_start3A_7 = arith.constant 0 : i32
    %dma_start3A_8 = tpu.memref_slice %arg2[%dma_start3A_6, %dma_start3A_7] : memref<10000x128xf32, #tpu.memory_space<hbm>> -> memref<10000x128xf32, #tpu.memory_space<hbm>>
    tpu.enqueue_indirect_dma source(%dma_start3A_8 : memref<10000x128xf32, #tpu.memory_space<hbm>>) target(%arg11 : memref<128x128xf32, #tpu.memory_space<vmem>>) offsets(%dma_start3A_5 : memref<128xi32, #tpu.memory_space<vmem>>) semaphore(%arg14 : memref<!tpu.dma_semaphore, #tpu.memory_space<semaphore_mem>>)
    %scan3A = arith.constant 0 : i32
    %scan3A_9 = arith.constant 0 : i32
    %scan3A_10 = arith.constant 20 : i32
    %scan3A_11 = arith.addi %scan3A_9, %scan3A_10 : i32
    %scan3A_12 = arith.constant 1 : i32
    scf.for %scan3A_28 = %scan3A_9 to %scan3A_11 step %scan3A_12  : i32 {
      %mul3A_29 = arith.constant 4 : i32
      %mul3A_30 = arith.muli %mul3A_29, %scan3A_28 : i32
      %dma_wait3A_31 = arith.constant 0 : i32
      %dma_wait3A_32 = arith.constant 0 : i32
      %dma_wait3A_33 = tpu.memref_slice %arg7[%dma_wait3A_31, %dma_wait3A_32] : memref<2x128xi32, #tpu.memory_space<vmem>> -> memref<1x128xi32, #tpu.memory_space<vmem>>
      %dma_wait3A_34 = tpu.memref_squeeze %dma_wait3A_33 : memref<1x128xi32, #tpu.memory_space<vmem>> -> memref<128xi32, #tpu.memory_space<vmem>>
      %dma_wait3A_35 = arith.constant 0 : i32
      %dma_wait3A_36 = arith.constant 0 : i32
      %dma_wait3A_37 = tpu.memref_slice %arg2[%dma_wait3A_35, %dma_wait3A_36] : memref<10000x128xf32, #tpu.memory_space<hbm>> -> memref<10000x128xf32, #tpu.memory_space<hbm>>
      tpu.wait_indirect_dma semaphore(%arg14 : memref<!tpu.dma_semaphore, #tpu.memory_space<semaphore_mem>>) src(%dma_wait3A_37 : memref<10000x128xf32, #tpu.memory_space<hbm>>) dst(%arg11 : memref<128x128xf32, #tpu.memory_space<vmem>>)
      %dma_start3A_38 = arith.constant 0 : i32
      %dma_start3A_39 = arith.constant 0 : i32
      %dma_start3A_40 = tpu.memref_slice %arg9[%dma_start3A_38, %dma_start3A_39] : memref<2x128xi32, #tpu.memory_space<vmem>> -> memref<1x128xi32, #tpu.memory_space<vmem>>
      %dma_start3A_41 = tpu.memref_squeeze %dma_start3A_40 : memref<1x128xi32, #tpu.memory_space<vmem>> -> memref<128xi32, #tpu.memory_space<vmem>>
      %dma_start3A_42 = arith.constant 0 : i32
      %dma_start3A_43 = arith.constant 0 : i32
      %dma_start3A_44 = tpu.memref_slice %arg13[%dma_start3A_42, %dma_start3A_43] : memref<10112x128xf32, #tpu.memory_space<vmem_shared>> -> memref<10112x128xf32, #tpu.memory_space<vmem_shared>>
      tpu.enqueue_indirect_dma source(%arg11 : memref<128x128xf32, #tpu.memory_space<vmem>>) target(%dma_start3A_44 : memref<10112x128xf32, #tpu.memory_space<vmem_shared>>) offsets(%dma_start3A_41 : memref<128xi32, #tpu.memory_space<vmem>>) semaphore(%arg16 : memref<!tpu.dma_semaphore, #tpu.memory_space<semaphore_mem>>) {add = true}
      %gt3A = arith.constant 0 : i32
      %gt3A_45 = arith.cmpi sgt, %scan3A_28, %gt3A : i32
      %convert_element_type3A = arith.extui %gt3A_45 : i1 to i32
      %cond3A = arith.constant 0 : i32
      %cond3A_46 = arith.cmpi ne, %convert_element_type3A, %cond3A : i32
      scf.if %cond3A_46 {
        %dma_wait3A_250 = arith.constant 1 : i32
        %dma_wait3A_251 = arith.constant 0 : i32
        %dma_wait3A_252 = tpu.memref_slice %arg10[%dma_wait3A_250, %dma_wait3A_251] : memref<2x128xi32, #tpu.memory_space<vmem>> -> memref<1x128xi32, #tpu.memory_space<vmem>>
        %dma_wait3A_253 = tpu.memref_squeeze %dma_wait3A_252 : memref<1x128xi32, #tpu.memory_space<vmem>> -> memref<128xi32, #tpu.memory_space<vmem>>
        %dma_wait3A_254 = arith.constant 0 : i32
        %dma_wait3A_255 = arith.constant 0 : i32
        %dma_wait3A_256 = tpu.memref_slice %arg13[%dma_wait3A_254, %dma_wait3A_255] : memref<10112x128xf32, #tpu.memory_space<vmem_shared>> -> memref<10112x128xf32, #tpu.memory_space<vmem_shared>>
        tpu.wait_indirect_dma semaphore(%arg17 : memref<!tpu.dma_semaphore, #tpu.memory_space<semaphore_mem>>) src(%arg12 : memref<128x128xf32, #tpu.memory_space<vmem>>) dst(%dma_wait3A_256 : memref<10112x128xf32, #tpu.memory_space<vmem_shared>>)
      } else {
      }
      %add3A_47 = arith.constant 2 : i32
      %add3A_48 = arith.addi %mul3A_30, %add3A_47 : i32
      %dma_start3A_49 = arith.constant 0 : i32
      %dma_start3A_50 = arith.constant 0 : i32
      %dma_start3A_51 = tpu.memref_slice %arg3[%add3A, %dma_start3A_49, %dma_start3A_50] : memref<32x84x128xi32, #tpu.memory_space<hbm>> -> memref<1x84x128xi32, #tpu.memory_space<hbm>>
      %dma_start3A_52 = tpu.memref_squeeze %dma_start3A_51 : memref<1x84x128xi32, #tpu.memory_space<hbm>> -> memref<84x128xi32, #tpu.memory_space<hbm>>
      %dma_start3A_53 = arith.constant 0 : i32
      %dma_start3A_54 = tpu.memref_slice %dma_start3A_52[%add3A_48, %dma_start3A_53] : memref<84x128xi32, #tpu.memory_space<hbm>> -> memref<2x128xi32, #tpu.memory_space<hbm>>
      %dma_start3A_55 = arith.constant 0 : i32
      %dma_start3A_56 = arith.constant 0 : i32
      %dma_start3A_57 = tpu.memref_slice %arg3[%add3A, %dma_start3A_55, %dma_start3A_56] : memref<32x84x128xi32, #tpu.memory_space<hbm>> -> memref<1x84x128xi32, #tpu.memory_space<hbm>>
      %dma_start3A_58 = tpu.memref_squeeze %dma_start3A_57 : memref<1x84x128xi32, #tpu.memory_space<hbm>> -> memref<84x128xi32, #tpu.memory_space<hbm>>
      %dma_start3A_59 = arith.constant 0 : i32
      %dma_start3A_60 = tpu.memref_slice %dma_start3A_58[%add3A_48, %dma_start3A_59] : memref<84x128xi32, #tpu.memory_space<hbm>> -> memref<2x128xi32, #tpu.memory_space<hbm>>
      tpu.enqueue_dma source(%dma_start3A_60 : memref<2x128xi32, #tpu.memory_space<hbm>>) target(%arg8 : memref<2x128xi32, #tpu.memory_space<vmem>>) target_semaphore(%arg20 : memref<!tpu.dma_semaphore, #tpu.memory_space<semaphore_mem>>)
      %add3A_61 = arith.constant 2 : i32
      %add3A_62 = arith.addi %mul3A_30, %add3A_61 : i32
      %dma_start3A_63 = arith.constant 0 : i32
      %dma_start3A_64 = arith.constant 0 : i32
      %dma_start3A_65 = tpu.memref_slice %arg4[%add3A, %dma_start3A_63, %dma_start3A_64] : memref<32x84x128xi32, #tpu.memory_space<hbm>> -> memref<1x84x128xi32, #tpu.memory_space<hbm>>
      %dma_start3A_66 = tpu.memref_squeeze %dma_start3A_65 : memref<1x84x128xi32, #tpu.memory_space<hbm>> -> memref<84x128xi32, #tpu.memory_space<hbm>>
      %dma_start3A_67 = arith.constant 0 : i32
      %dma_start3A_68 = tpu.memref_slice %dma_start3A_66[%add3A_62, %dma_start3A_67] : memref<84x128xi32, #tpu.memory_space<hbm>> -> memref<2x128xi32, #tpu.memory_space<hbm>>
      %dma_start3A_69 = arith.constant 0 : i32
      %dma_start3A_70 = arith.constant 0 : i32
      %dma_start3A_71 = tpu.memref_slice %arg4[%add3A, %dma_start3A_69, %dma_start3A_70] : memref<32x84x128xi32, #tpu.memory_space<hbm>> -> memref<1x84x128xi32, #tpu.memory_space<hbm>>
      %dma_start3A_72 = tpu.memref_squeeze %dma_start3A_71 : memref<1x84x128xi32, #tpu.memory_space<hbm>> -> memref<84x128xi32, #tpu.memory_space<hbm>>
      %dma_start3A_73 = arith.constant 0 : i32
      %dma_start3A_74 = tpu.memref_slice %dma_start3A_72[%add3A_62, %dma_start3A_73] : memref<84x128xi32, #tpu.memory_space<hbm>> -> memref<2x128xi32, #tpu.memory_space<hbm>>
      tpu.enqueue_dma source(%dma_start3A_74 : memref<2x128xi32, #tpu.memory_space<hbm>>) target(%arg10 : memref<2x128xi32, #tpu.memory_space<vmem>>) target_semaphore(%arg21 : memref<!tpu.dma_semaphore, #tpu.memory_space<semaphore_mem>>)
      %dma_start3A_75 = arith.constant 1 : i32
      %dma_start3A_76 = arith.constant 0 : i32
      %dma_start3A_77 = tpu.memref_slice %arg7[%dma_start3A_75, %dma_start3A_76] : memref<2x128xi32, #tpu.memory_space<vmem>> -> memref<1x128xi32, #tpu.memory_space<vmem>>
      %dma_start3A_78 = tpu.memref_squeeze %dma_start3A_77 : memref<1x128xi32, #tpu.memory_space<vmem>> -> memref<128xi32, #tpu.memory_space<vmem>>
      %dma_start3A_79 = arith.constant 0 : i32
      %dma_start3A_80 = arith.constant 0 : i32
      %dma_start3A_81 = tpu.memref_slice %arg2[%dma_start3A_79, %dma_start3A_80] : memref<10000x128xf32, #tpu.memory_space<hbm>> -> memref<10000x128xf32, #tpu.memory_space<hbm>>
      tpu.enqueue_indirect_dma source(%dma_start3A_81 : memref<10000x128xf32, #tpu.memory_space<hbm>>) target(%arg12 : memref<128x128xf32, #tpu.memory_space<vmem>>) offsets(%dma_start3A_78 : memref<128xi32, #tpu.memory_space<vmem>>) semaphore(%arg15 : memref<!tpu.dma_semaphore, #tpu.memory_space<semaphore_mem>>)
      %dma_wait3A_82 = arith.constant 1 : i32
      %dma_wait3A_83 = arith.constant 0 : i32
      %dma_wait3A_84 = tpu.memref_slice %arg7[%dma_wait3A_82, %dma_wait3A_83] : memref<2x128xi32, #tpu.memory_space<vmem>> -> memref<1x128xi32, #tpu.memory_space<vmem>>
      %dma_wait3A_85 = tpu.memref_squeeze %dma_wait3A_84 : memref<1x128xi32, #tpu.memory_space<vmem>> -> memref<128xi32, #tpu.memory_space<vmem>>
      %dma_wait3A_86 = arith.constant 0 : i32
      %dma_wait3A_87 = arith.constant 0 : i32
      %dma_wait3A_88 = tpu.memref_slice %arg2[%dma_wait3A_86, %dma_wait3A_87] : memref<10000x128xf32, #tpu.memory_space<hbm>> -> memref<10000x128xf32, #tpu.memory_space<hbm>>
      tpu.wait_indirect_dma semaphore(%arg15 : memref<!tpu.dma_semaphore, #tpu.memory_space<semaphore_mem>>) src(%dma_wait3A_88 : memref<10000x128xf32, #tpu.memory_space<hbm>>) dst(%arg12 : memref<128x128xf32, #tpu.memory_space<vmem>>)
      %dma_start3A_89 = arith.constant 1 : i32
      %dma_start3A_90 = arith.constant 0 : i32
      %dma_start3A_91 = tpu.memref_slice %arg9[%dma_start3A_89, %dma_start3A_90] : memref<2x128xi32, #tpu.memory_space<vmem>> -> memref<1x128xi32, #tpu.memory_space<vmem>>
      %dma_start3A_92 = tpu.memref_squeeze %dma_start3A_91 : memref<1x128xi32, #tpu.memory_space<vmem>> -> memref<128xi32, #tpu.memory_space<vmem>>
      %dma_start3A_93 = arith.constant 0 : i32
      %dma_start3A_94 = arith.constant 0 : i32
      %dma_start3A_95 = tpu.memref_slice %arg13[%dma_start3A_93, %dma_start3A_94] : memref<10112x128xf32, #tpu.memory_space<vmem_shared>> -> memref<10112x128xf32, #tpu.memory_space<vmem_shared>>
      tpu.enqueue_indirect_dma source(%arg12 : memref<128x128xf32, #tpu.memory_space<vmem>>) target(%dma_start3A_95 : memref<10112x128xf32, #tpu.memory_space<vmem_shared>>) offsets(%dma_start3A_92 : memref<128xi32, #tpu.memory_space<vmem>>) semaphore(%arg17 : memref<!tpu.dma_semaphore, #tpu.memory_space<semaphore_mem>>) {add = true}
      %dma_wait3A_96 = arith.constant 0 : i32
      %dma_wait3A_97 = arith.constant 0 : i32
      %dma_wait3A_98 = tpu.memref_slice %arg9[%dma_wait3A_96, %dma_wait3A_97] : memref<2x128xi32, #tpu.memory_space<vmem>> -> memref<1x128xi32, #tpu.memory_space<vmem>>
      %dma_wait3A_99 = tpu.memref_squeeze %dma_wait3A_98 : memref<1x128xi32, #tpu.memory_space<vmem>> -> memref<128xi32, #tpu.memory_space<vmem>>
      %dma_wait3A_100 = arith.constant 0 : i32
      %dma_wait3A_101 = arith.constant 0 : i32
      %dma_wait3A_102 = tpu.memref_slice %arg13[%dma_wait3A_100, %dma_wait3A_101] : memref<10112x128xf32, #tpu.memory_space<vmem_shared>> -> memref<10112x128xf32, #tpu.memory_space<vmem_shared>>
      tpu.wait_indirect_dma semaphore(%arg16 : memref<!tpu.dma_semaphore, #tpu.memory_space<semaphore_mem>>) src(%arg11 : memref<128x128xf32, #tpu.memory_space<vmem>>) dst(%dma_wait3A_102 : memref<10112x128xf32, #tpu.memory_space<vmem_shared>>)
      %add3A_103 = arith.constant 2 : i32
      %add3A_104 = arith.addi %mul3A_30, %add3A_103 : i32
      %dma_wait3A_105 = arith.constant 0 : i32
      %dma_wait3A_106 = arith.constant 0 : i32
      %dma_wait3A_107 = tpu.memref_slice %arg3[%add3A, %dma_wait3A_105, %dma_wait3A_106] : memref<32x84x128xi32, #tpu.memory_space<hbm>> -> memref<1x84x128xi32, #tpu.memory_space<hbm>>
      %dma_wait3A_108 = tpu.memref_squeeze %dma_wait3A_107 : memref<1x84x128xi32, #tpu.memory_space<hbm>> -> memref<84x128xi32, #tpu.memory_space<hbm>>
      %dma_wait3A_109 = arith.constant 0 : i32
      %dma_wait3A_110 = tpu.memref_slice %dma_wait3A_108[%add3A_104, %dma_wait3A_109] : memref<84x128xi32, #tpu.memory_space<hbm>> -> memref<2x128xi32, #tpu.memory_space<hbm>>
      %dma_wait3A_111 = arith.constant 0 : i32
      %dma_wait3A_112 = arith.constant 0 : i32
      %dma_wait3A_113 = tpu.memref_slice %arg3[%add3A, %dma_wait3A_111, %dma_wait3A_112] : memref<32x84x128xi32, #tpu.memory_space<hbm>> -> memref<1x84x128xi32, #tpu.memory_space<hbm>>
      %dma_wait3A_114 = tpu.memref_squeeze %dma_wait3A_113 : memref<1x84x128xi32, #tpu.memory_space<hbm>> -> memref<84x128xi32, #tpu.memory_space<hbm>>
      %dma_wait3A_115 = arith.constant 0 : i32
      %dma_wait3A_116 = tpu.memref_slice %dma_wait3A_114[%add3A_104, %dma_wait3A_115] : memref<84x128xi32, #tpu.memory_space<hbm>> -> memref<2x128xi32, #tpu.memory_space<hbm>>
      tpu.wait_dma2 semaphore(%arg20 : memref<!tpu.dma_semaphore, #tpu.memory_space<semaphore_mem>>) src(%dma_wait3A_116 : memref<2x128xi32, #tpu.memory_space<hbm>>) dst(%arg8 : memref<2x128xi32, #tpu.memory_space<vmem>>)
      %add3A_117 = arith.constant 2 : i32
      %add3A_118 = arith.addi %mul3A_30, %add3A_117 : i32
      %dma_wait3A_119 = arith.constant 0 : i32
      %dma_wait3A_120 = arith.constant 0 : i32
      %dma_wait3A_121 = tpu.memref_slice %arg4[%add3A, %dma_wait3A_119, %dma_wait3A_120] : memref<32x84x128xi32, #tpu.memory_space<hbm>> -> memref<1x84x128xi32, #tpu.memory_space<hbm>>
      %dma_wait3A_122 = tpu.memref_squeeze %dma_wait3A_121 : memref<1x84x128xi32, #tpu.memory_space<hbm>> -> memref<84x128xi32, #tpu.memory_space<hbm>>
      %dma_wait3A_123 = arith.constant 0 : i32
      %dma_wait3A_124 = tpu.memref_slice %dma_wait3A_122[%add3A_118, %dma_wait3A_123] : memref<84x128xi32, #tpu.memory_space<hbm>> -> memref<2x128xi32, #tpu.memory_space<hbm>>
      %dma_wait3A_125 = arith.constant 0 : i32
      %dma_wait3A_126 = arith.constant 0 : i32
      %dma_wait3A_127 = tpu.memref_slice %arg4[%add3A, %dma_wait3A_125, %dma_wait3A_126] : memref<32x84x128xi32, #tpu.memory_space<hbm>> -> memref<1x84x128xi32, #tpu.memory_space<hbm>>
      %dma_wait3A_128 = tpu.memref_squeeze %dma_wait3A_127 : memref<1x84x128xi32, #tpu.memory_space<hbm>> -> memref<84x128xi32, #tpu.memory_space<hbm>>
      %dma_wait3A_129 = arith.constant 0 : i32
      %dma_wait3A_130 = tpu.memref_slice %dma_wait3A_128[%add3A_118, %dma_wait3A_129] : memref<84x128xi32, #tpu.memory_space<hbm>> -> memref<2x128xi32, #tpu.memory_space<hbm>>
      tpu.wait_dma2 semaphore(%arg21 : memref<!tpu.dma_semaphore, #tpu.memory_space<semaphore_mem>>) src(%dma_wait3A_130 : memref<2x128xi32, #tpu.memory_space<hbm>>) dst(%arg10 : memref<2x128xi32, #tpu.memory_space<vmem>>)
      %dma_start3A_131 = arith.constant 0 : i32
      %dma_start3A_132 = arith.constant 0 : i32
      %dma_start3A_133 = tpu.memref_slice %arg8[%dma_start3A_131, %dma_start3A_132] : memref<2x128xi32, #tpu.memory_space<vmem>> -> memref<1x128xi32, #tpu.memory_space<vmem>>
      %dma_start3A_134 = tpu.memref_squeeze %dma_start3A_133 : memref<1x128xi32, #tpu.memory_space<vmem>> -> memref<128xi32, #tpu.memory_space<vmem>>
      %dma_start3A_135 = arith.constant 0 : i32
      %dma_start3A_136 = arith.constant 0 : i32
      %dma_start3A_137 = tpu.memref_slice %arg2[%dma_start3A_135, %dma_start3A_136] : memref<10000x128xf32, #tpu.memory_space<hbm>> -> memref<10000x128xf32, #tpu.memory_space<hbm>>
      tpu.enqueue_indirect_dma source(%dma_start3A_137 : memref<10000x128xf32, #tpu.memory_space<hbm>>) target(%arg11 : memref<128x128xf32, #tpu.memory_space<vmem>>) offsets(%dma_start3A_134 : memref<128xi32, #tpu.memory_space<vmem>>) semaphore(%arg14 : memref<!tpu.dma_semaphore, #tpu.memory_space<semaphore_mem>>)
      %dma_wait3A_138 = arith.constant 0 : i32
      %dma_wait3A_139 = arith.constant 0 : i32
      %dma_wait3A_140 = tpu.memref_slice %arg8[%dma_wait3A_138, %dma_wait3A_139] : memref<2x128xi32, #tpu.memory_space<vmem>> -> memref<1x128xi32, #tpu.memory_space<vmem>>
      %dma_wait3A_141 = tpu.memref_squeeze %dma_wait3A_140 : memref<1x128xi32, #tpu.memory_space<vmem>> -> memref<128xi32, #tpu.memory_space<vmem>>
      %dma_wait3A_142 = arith.constant 0 : i32
      %dma_wait3A_143 = arith.constant 0 : i32
      %dma_wait3A_144 = tpu.memref_slice %arg2[%dma_wait3A_142, %dma_wait3A_143] : memref<10000x128xf32, #tpu.memory_space<hbm>> -> memref<10000x128xf32, #tpu.memory_space<hbm>>
      tpu.wait_indirect_dma semaphore(%arg14 : memref<!tpu.dma_semaphore, #tpu.memory_space<semaphore_mem>>) src(%dma_wait3A_144 : memref<10000x128xf32, #tpu.memory_space<hbm>>) dst(%arg11 : memref<128x128xf32, #tpu.memory_space<vmem>>)
      %dma_start3A_145 = arith.constant 0 : i32
      %dma_start3A_146 = arith.constant 0 : i32
      %dma_start3A_147 = tpu.memref_slice %arg10[%dma_start3A_145, %dma_start3A_146] : memref<2x128xi32, #tpu.memory_space<vmem>> -> memref<1x128xi32, #tpu.memory_space<vmem>>
      %dma_start3A_148 = tpu.memref_squeeze %dma_start3A_147 : memref<1x128xi32, #tpu.memory_space<vmem>> -> memref<128xi32, #tpu.memory_space<vmem>>
      %dma_start3A_149 = arith.constant 0 : i32
      %dma_start3A_150 = arith.constant 0 : i32
      %dma_start3A_151 = tpu.memref_slice %arg13[%dma_start3A_149, %dma_start3A_150] : memref<10112x128xf32, #tpu.memory_space<vmem_shared>> -> memref<10112x128xf32, #tpu.memory_space<vmem_shared>>
      tpu.enqueue_indirect_dma source(%arg11 : memref<128x128xf32, #tpu.memory_space<vmem>>) target(%dma_start3A_151 : memref<10112x128xf32, #tpu.memory_space<vmem_shared>>) offsets(%dma_start3A_148 : memref<128xi32, #tpu.memory_space<vmem>>) semaphore(%arg16 : memref<!tpu.dma_semaphore, #tpu.memory_space<semaphore_mem>>) {add = true}
      %dma_wait3A_152 = arith.constant 1 : i32
      %dma_wait3A_153 = arith.constant 0 : i32
      %dma_wait3A_154 = tpu.memref_slice %arg9[%dma_wait3A_152, %dma_wait3A_153] : memref<2x128xi32, #tpu.memory_space<vmem>> -> memref<1x128xi32, #tpu.memory_space<vmem>>
      %dma_wait3A_155 = tpu.memref_squeeze %dma_wait3A_154 : memref<1x128xi32, #tpu.memory_space<vmem>> -> memref<128xi32, #tpu.memory_space<vmem>>
      %dma_wait3A_156 = arith.constant 0 : i32
      %dma_wait3A_157 = arith.constant 0 : i32
      %dma_wait3A_158 = tpu.memref_slice %arg13[%dma_wait3A_156, %dma_wait3A_157] : memref<10112x128xf32, #tpu.memory_space<vmem_shared>> -> memref<10112x128xf32, #tpu.memory_space<vmem_shared>>
      tpu.wait_indirect_dma semaphore(%arg17 : memref<!tpu.dma_semaphore, #tpu.memory_space<semaphore_mem>>) src(%arg12 : memref<128x128xf32, #tpu.memory_space<vmem>>) dst(%dma_wait3A_158 : memref<10112x128xf32, #tpu.memory_space<vmem_shared>>)
      %add3A_159 = arith.constant 4 : i32
      %add3A_160 = arith.addi %mul3A_30, %add3A_159 : i32
      %dma_start3A_161 = arith.constant 0 : i32
      %dma_start3A_162 = arith.constant 0 : i32
      %dma_start3A_163 = tpu.memref_slice %arg3[%add3A, %dma_start3A_161, %dma_start3A_162] : memref<32x84x128xi32, #tpu.memory_space<hbm>> -> memref<1x84x128xi32, #tpu.memory_space<hbm>>
      %dma_start3A_164 = tpu.memref_squeeze %dma_start3A_163 : memref<1x84x128xi32, #tpu.memory_space<hbm>> -> memref<84x128xi32, #tpu.memory_space<hbm>>
      %dma_start3A_165 = arith.constant 0 : i32
      %dma_start3A_166 = tpu.memref_slice %dma_start3A_164[%add3A_160, %dma_start3A_165] : memref<84x128xi32, #tpu.memory_space<hbm>> -> memref<2x128xi32, #tpu.memory_space<hbm>>
      %dma_start3A_167 = arith.constant 0 : i32
      %dma_start3A_168 = arith.constant 0 : i32
      %dma_start3A_169 = tpu.memref_slice %arg3[%add3A, %dma_start3A_167, %dma_start3A_168] : memref<32x84x128xi32, #tpu.memory_space<hbm>> -> memref<1x84x128xi32, #tpu.memory_space<hbm>>
      %dma_start3A_170 = tpu.memref_squeeze %dma_start3A_169 : memref<1x84x128xi32, #tpu.memory_space<hbm>> -> memref<84x128xi32, #tpu.memory_space<hbm>>
      %dma_start3A_171 = arith.constant 0 : i32
      %dma_start3A_172 = tpu.memref_slice %dma_start3A_170[%add3A_160, %dma_start3A_171] : memref<84x128xi32, #tpu.memory_space<hbm>> -> memref<2x128xi32, #tpu.memory_space<hbm>>
      tpu.enqueue_dma source(%dma_start3A_172 : memref<2x128xi32, #tpu.memory_space<hbm>>) target(%arg7 : memref<2x128xi32, #tpu.memory_space<vmem>>) target_semaphore(%arg18 : memref<!tpu.dma_semaphore, #tpu.memory_space<semaphore_mem>>)
      %add3A_173 = arith.constant 4 : i32
      %add3A_174 = arith.addi %mul3A_30, %add3A_173 : i32
      %dma_start3A_175 = arith.constant 0 : i32
      %dma_start3A_176 = arith.constant 0 : i32
      %dma_start3A_177 = tpu.memref_slice %arg4[%add3A, %dma_start3A_175, %dma_start3A_176] : memref<32x84x128xi32, #tpu.memory_space<hbm>> -> memref<1x84x128xi32, #tpu.memory_space<hbm>>
      %dma_start3A_178 = tpu.memref_squeeze %dma_start3A_177 : memref<1x84x128xi32, #tpu.memory_space<hbm>> -> memref<84x128xi32, #tpu.memory_space<hbm>>
      %dma_start3A_179 = arith.constant 0 : i32
      %dma_start3A_180 = tpu.memref_slice %dma_start3A_178[%add3A_174, %dma_start3A_179] : memref<84x128xi32, #tpu.memory_space<hbm>> -> memref<2x128xi32, #tpu.memory_space<hbm>>
      %dma_start3A_181 = arith.constant 0 : i32
      %dma_start3A_182 = arith.constant 0 : i32
      %dma_start3A_183 = tpu.memref_slice %arg4[%add3A, %dma_start3A_181, %dma_start3A_182] : memref<32x84x128xi32, #tpu.memory_space<hbm>> -> memref<1x84x128xi32, #tpu.memory_space<hbm>>
      %dma_start3A_184 = tpu.memref_squeeze %dma_start3A_183 : memref<1x84x128xi32, #tpu.memory_space<hbm>> -> memref<84x128xi32, #tpu.memory_space<hbm>>
      %dma_start3A_185 = arith.constant 0 : i32
      %dma_start3A_186 = tpu.memref_slice %dma_start3A_184[%add3A_174, %dma_start3A_185] : memref<84x128xi32, #tpu.memory_space<hbm>> -> memref<2x128xi32, #tpu.memory_space<hbm>>
      tpu.enqueue_dma source(%dma_start3A_186 : memref<2x128xi32, #tpu.memory_space<hbm>>) target(%arg9 : memref<2x128xi32, #tpu.memory_space<vmem>>) target_semaphore(%arg19 : memref<!tpu.dma_semaphore, #tpu.memory_space<semaphore_mem>>)
      %dma_start3A_187 = arith.constant 1 : i32
      %dma_start3A_188 = arith.constant 0 : i32
      %dma_start3A_189 = tpu.memref_slice %arg8[%dma_start3A_187, %dma_start3A_188] : memref<2x128xi32, #tpu.memory_space<vmem>> -> memref<1x128xi32, #tpu.memory_space<vmem>>
      %dma_start3A_190 = tpu.memref_squeeze %dma_start3A_189 : memref<1x128xi32, #tpu.memory_space<vmem>> -> memref<128xi32, #tpu.memory_space<vmem>>
      %dma_start3A_191 = arith.constant 0 : i32
      %dma_start3A_192 = arith.constant 0 : i32
      %dma_start3A_193 = tpu.memref_slice %arg2[%dma_start3A_191, %dma_start3A_192] : memref<10000x128xf32, #tpu.memory_space<hbm>> -> memref<10000x128xf32, #tpu.memory_space<hbm>>
      tpu.enqueue_indirect_dma source(%dma_start3A_193 : memref<10000x128xf32, #tpu.memory_space<hbm>>) target(%arg12 : memref<128x128xf32, #tpu.memory_space<vmem>>) offsets(%dma_start3A_190 : memref<128xi32, #tpu.memory_space<vmem>>) semaphore(%arg15 : memref<!tpu.dma_semaphore, #tpu.memory_space<semaphore_mem>>)
      %dma_wait3A_194 = arith.constant 1 : i32
      %dma_wait3A_195 = arith.constant 0 : i32
      %dma_wait3A_196 = tpu.memref_slice %arg8[%dma_wait3A_194, %dma_wait3A_195] : memref<2x128xi32, #tpu.memory_space<vmem>> -> memref<1x128xi32, #tpu.memory_space<vmem>>
      %dma_wait3A_197 = tpu.memref_squeeze %dma_wait3A_196 : memref<1x128xi32, #tpu.memory_space<vmem>> -> memref<128xi32, #tpu.memory_space<vmem>>
      %dma_wait3A_198 = arith.constant 0 : i32
      %dma_wait3A_199 = arith.constant 0 : i32
      %dma_wait3A_200 = tpu.memref_slice %arg2[%dma_wait3A_198, %dma_wait3A_199] : memref<10000x128xf32, #tpu.memory_space<hbm>> -> memref<10000x128xf32, #tpu.memory_space<hbm>>
      tpu.wait_indirect_dma semaphore(%arg15 : memref<!tpu.dma_semaphore, #tpu.memory_space<semaphore_mem>>) src(%dma_wait3A_200 : memref<10000x128xf32, #tpu.memory_space<hbm>>) dst(%arg12 : memref<128x128xf32, #tpu.memory_space<vmem>>)
      %dma_start3A_201 = arith.constant 1 : i32
      %dma_start3A_202 = arith.constant 0 : i32
      %dma_start3A_203 = tpu.memref_slice %arg10[%dma_start3A_201, %dma_start3A_202] : memref<2x128xi32, #tpu.memory_space<vmem>> -> memref<1x128xi32, #tpu.memory_space<vmem>>
      %dma_start3A_204 = tpu.memref_squeeze %dma_start3A_203 : memref<1x128xi32, #tpu.memory_space<vmem>> -> memref<128xi32, #tpu.memory_space<vmem>>
      %dma_start3A_205 = arith.constant 0 : i32
      %dma_start3A_206 = arith.constant 0 : i32
      %dma_start3A_207 = tpu.memref_slice %arg13[%dma_start3A_205, %dma_start3A_206] : memref<10112x128xf32, #tpu.memory_space<vmem_shared>> -> memref<10112x128xf32, #tpu.memory_space<vmem_shared>>
      tpu.enqueue_indirect_dma source(%arg12 : memref<128x128xf32, #tpu.memory_space<vmem>>) target(%dma_start3A_207 : memref<10112x128xf32, #tpu.memory_space<vmem_shared>>) offsets(%dma_start3A_204 : memref<128xi32, #tpu.memory_space<vmem>>) semaphore(%arg17 : memref<!tpu.dma_semaphore, #tpu.memory_space<semaphore_mem>>) {add = true}
      %dma_wait3A_208 = arith.constant 0 : i32
      %dma_wait3A_209 = arith.constant 0 : i32
      %dma_wait3A_210 = tpu.memref_slice %arg10[%dma_wait3A_208, %dma_wait3A_209] : memref<2x128xi32, #tpu.memory_space<vmem>> -> memref<1x128xi32, #tpu.memory_space<vmem>>
      %dma_wait3A_211 = tpu.memref_squeeze %dma_wait3A_210 : memref<1x128xi32, #tpu.memory_space<vmem>> -> memref<128xi32, #tpu.memory_space<vmem>>
      %dma_wait3A_212 = arith.constant 0 : i32
      %dma_wait3A_213 = arith.constant 0 : i32
      %dma_wait3A_214 = tpu.memref_slice %arg13[%dma_wait3A_212, %dma_wait3A_213] : memref<10112x128xf32, #tpu.memory_space<vmem_shared>> -> memref<10112x128xf32, #tpu.memory_space<vmem_shared>>
      tpu.wait_indirect_dma semaphore(%arg16 : memref<!tpu.dma_semaphore, #tpu.memory_space<semaphore_mem>>) src(%arg11 : memref<128x128xf32, #tpu.memory_space<vmem>>) dst(%dma_wait3A_214 : memref<10112x128xf32, #tpu.memory_space<vmem_shared>>)
      %add3A_215 = arith.constant 4 : i32
      %add3A_216 = arith.addi %mul3A_30, %add3A_215 : i32
      %dma_wait3A_217 = arith.constant 0 : i32
      %dma_wait3A_218 = arith.constant 0 : i32
      %dma_wait3A_219 = tpu.memref_slice %arg3[%add3A, %dma_wait3A_217, %dma_wait3A_218] : memref<32x84x128xi32, #tpu.memory_space<hbm>> -> memref<1x84x128xi32, #tpu.memory_space<hbm>>
      %dma_wait3A_220 = tpu.memref_squeeze %dma_wait3A_219 : memref<1x84x128xi32, #tpu.memory_space<hbm>> -> memref<84x128xi32, #tpu.memory_space<hbm>>
      %dma_wait3A_221 = arith.constant 0 : i32
      %dma_wait3A_222 = tpu.memref_slice %dma_wait3A_220[%add3A_216, %dma_wait3A_221] : memref<84x128xi32, #tpu.memory_space<hbm>> -> memref<2x128xi32, #tpu.memory_space<hbm>>
      %dma_wait3A_223 = arith.constant 0 : i32
      %dma_wait3A_224 = arith.constant 0 : i32
      %dma_wait3A_225 = tpu.memref_slice %arg3[%add3A, %dma_wait3A_223, %dma_wait3A_224] : memref<32x84x128xi32, #tpu.memory_space<hbm>> -> memref<1x84x128xi32, #tpu.memory_space<hbm>>
      %dma_wait3A_226 = tpu.memref_squeeze %dma_wait3A_225 : memref<1x84x128xi32, #tpu.memory_space<hbm>> -> memref<84x128xi32, #tpu.memory_space<hbm>>
      %dma_wait3A_227 = arith.constant 0 : i32
      %dma_wait3A_228 = tpu.memref_slice %dma_wait3A_226[%add3A_216, %dma_wait3A_227] : memref<84x128xi32, #tpu.memory_space<hbm>> -> memref<2x128xi32, #tpu.memory_space<hbm>>
      tpu.wait_dma2 semaphore(%arg18 : memref<!tpu.dma_semaphore, #tpu.memory_space<semaphore_mem>>) src(%dma_wait3A_228 : memref<2x128xi32, #tpu.memory_space<hbm>>) dst(%arg7 : memref<2x128xi32, #tpu.memory_space<vmem>>)
      %add3A_229 = arith.constant 4 : i32
      %add3A_230 = arith.addi %mul3A_30, %add3A_229 : i32
      %dma_wait3A_231 = arith.constant 0 : i32
      %dma_wait3A_232 = arith.constant 0 : i32
      %dma_wait3A_233 = tpu.memref_slice %arg4[%add3A, %dma_wait3A_231, %dma_wait3A_232] : memref<32x84x128xi32, #tpu.memory_space<hbm>> -> memref<1x84x128xi32, #tpu.memory_space<hbm>>
      %dma_wait3A_234 = tpu.memref_squeeze %dma_wait3A_233 : memref<1x84x128xi32, #tpu.memory_space<hbm>> -> memref<84x128xi32, #tpu.memory_space<hbm>>
      %dma_wait3A_235 = arith.constant 0 : i32
      %dma_wait3A_236 = tpu.memref_slice %dma_wait3A_234[%add3A_230, %dma_wait3A_235] : memref<84x128xi32, #tpu.memory_space<hbm>> -> memref<2x128xi32, #tpu.memory_space<hbm>>
      %dma_wait3A_237 = arith.constant 0 : i32
      %dma_wait3A_238 = arith.constant 0 : i32
      %dma_wait3A_239 = tpu.memref_slice %arg4[%add3A, %dma_wait3A_237, %dma_wait3A_238] : memref<32x84x128xi32, #tpu.memory_space<hbm>> -> memref<1x84x128xi32, #tpu.memory_space<hbm>>
      %dma_wait3A_240 = tpu.memref_squeeze %dma_wait3A_239 : memref<1x84x128xi32, #tpu.memory_space<hbm>> -> memref<84x128xi32, #tpu.memory_space<hbm>>
      %dma_wait3A_241 = arith.constant 0 : i32
      %dma_wait3A_242 = tpu.memref_slice %dma_wait3A_240[%add3A_230, %dma_wait3A_241] : memref<84x128xi32, #tpu.memory_space<hbm>> -> memref<2x128xi32, #tpu.memory_space<hbm>>
      tpu.wait_dma2 semaphore(%arg19 : memref<!tpu.dma_semaphore, #tpu.memory_space<semaphore_mem>>) src(%dma_wait3A_242 : memref<2x128xi32, #tpu.memory_space<hbm>>) dst(%arg9 : memref<2x128xi32, #tpu.memory_space<vmem>>)
      %dma_start3A_243 = arith.constant 0 : i32
      %dma_start3A_244 = arith.constant 0 : i32
      %dma_start3A_245 = tpu.memref_slice %arg7[%dma_start3A_243, %dma_start3A_244] : memref<2x128xi32, #tpu.memory_space<vmem>> -> memref<1x128xi32, #tpu.memory_space<vmem>>
      %dma_start3A_246 = tpu.memref_squeeze %dma_start3A_245 : memref<1x128xi32, #tpu.memory_space<vmem>> -> memref<128xi32, #tpu.memory_space<vmem>>
      %dma_start3A_247 = arith.constant 0 : i32
      %dma_start3A_248 = arith.constant 0 : i32
      %dma_start3A_249 = tpu.memref_slice %arg2[%dma_start3A_247, %dma_start3A_248] : memref<10000x128xf32, #tpu.memory_space<hbm>> -> memref<10000x128xf32, #tpu.memory_space<hbm>>
      tpu.enqueue_indirect_dma source(%dma_start3A_249 : memref<10000x128xf32, #tpu.memory_space<hbm>>) target(%arg11 : memref<128x128xf32, #tpu.memory_space<vmem>>) offsets(%dma_start3A_246 : memref<128xi32, #tpu.memory_space<vmem>>) semaphore(%arg14 : memref<!tpu.dma_semaphore, #tpu.memory_space<semaphore_mem>>)
    }
    %scan3A_13 = arith.constant 20 : i32
    %dma_wait3A = arith.constant 1 : i32
    %dma_wait3A_14 = arith.constant 0 : i32
    %dma_wait3A_15 = tpu.memref_slice %arg10[%dma_wait3A, %dma_wait3A_14] : memref<2x128xi32, #tpu.memory_space<vmem>> -> memref<1x128xi32, #tpu.memory_space<vmem>>
    %dma_wait3A_16 = tpu.memref_squeeze %dma_wait3A_15 : memref<1x128xi32, #tpu.memory_space<vmem>> -> memref<128xi32, #tpu.memory_space<vmem>>
    %dma_wait3A_17 = arith.constant 0 : i32
    %dma_wait3A_18 = arith.constant 0 : i32
    %dma_wait3A_19 = tpu.memref_slice %arg13[%dma_wait3A_17, %dma_wait3A_18] : memref<10112x128xf32, #tpu.memory_space<vmem_shared>> -> memref<10112x128xf32, #tpu.memory_space<vmem_shared>>
    tpu.wait_indirect_dma semaphore(%arg17 : memref<!tpu.dma_semaphore, #tpu.memory_space<semaphore_mem>>) src(%arg12 : memref<128x128xf32, #tpu.memory_space<vmem>>) dst(%dma_wait3A_19 : memref<10112x128xf32, #tpu.memory_space<vmem_shared>>)
    %dma_wait3A_20 = arith.constant 0 : i32
    %dma_wait3A_21 = arith.constant 0 : i32
    %dma_wait3A_22 = tpu.memref_slice %arg7[%dma_wait3A_20, %dma_wait3A_21] : memref<2x128xi32, #tpu.memory_space<vmem>> -> memref<1x128xi32, #tpu.memory_space<vmem>>
    %dma_wait3A_23 = tpu.memref_squeeze %dma_wait3A_22 : memref<1x128xi32, #tpu.memory_space<vmem>> -> memref<128xi32, #tpu.memory_space<vmem>>
    %dma_wait3A_24 = arith.constant 0 : i32
    %dma_wait3A_25 = arith.constant 0 : i32
    %dma_wait3A_26 = tpu.memref_slice %arg2[%dma_wait3A_24, %dma_wait3A_25] : memref<10000x128xf32, #tpu.memory_space<hbm>> -> memref<10000x128xf32, #tpu.memory_space<hbm>>
    tpu.wait_indirect_dma semaphore(%arg14 : memref<!tpu.dma_semaphore, #tpu.memory_space<semaphore_mem>>) src(%dma_wait3A_26 : memref<10000x128xf32, #tpu.memory_space<hbm>>) dst(%arg11 : memref<128x128xf32, #tpu.memory_space<vmem>>)
    %barrier3A_27 = arith.constant 0 : index
    tpu.barrier barrier_id(%barrier3A_27)
    "tpu.region"() ({
      %run_scoped3A = tpu.sem_alloc : memref<!tpu.dma_semaphore, #tpu.memory_space<semaphore_mem>>
      %dma_start3A_28 = arith.constant 0 : i32
      %dma_start3A_29 = arith.constant 0 : i32
      %dma_start3A_30 = tpu.memref_slice %arg6[%arg0, %dma_start3A_28, %dma_start3A_29] : memref<2x10112x128xf32, #tpu.memory_space<hbm>> -> memref<1x10112x128xf32, #tpu.memory_space<hbm>>
      %dma_start3A_31 = tpu.memref_squeeze %dma_start3A_30 : memref<1x10112x128xf32, #tpu.memory_space<hbm>> -> memref<10112x128xf32, #tpu.memory_space<hbm>>
      %dma_start3A_32 = arith.constant 0 : i32
      %dma_start3A_33 = tpu.memref_slice %dma_start3A_31[%mul3A_2, %dma_start3A_32] : memref<10112x128xf32, #tpu.memory_space<hbm>> -> memref<632x128xf32, #tpu.memory_space<hbm>>
      %dma_start3A_34 = arith.constant 0 : i32
      %dma_start3A_35 = tpu.memref_slice %arg13[%mul3A_2, %dma_start3A_34] : memref<10112x128xf32, #tpu.memory_space<vmem_shared>> -> memref<632x128xf32, #tpu.memory_space<vmem_shared>>
      tpu.enqueue_dma source(%dma_start3A_35 : memref<632x128xf32, #tpu.memory_space<vmem_shared>>) target(%dma_start3A_33 : memref<632x128xf32, #tpu.memory_space<hbm>>) target_semaphore(%run_scoped3A : memref<!tpu.dma_semaphore, #tpu.memory_space<semaphore_mem>>)
      %dma_wait3A_36 = arith.constant 0 : i32
      %dma_wait3A_37 = arith.constant 0 : i32
      %dma_wait3A_38 = tpu.memref_slice %arg6[%arg0, %dma_wait3A_36, %dma_wait3A_37] : memref<2x10112x128xf32, #tpu.memory_space<hbm>> -> memref<1x10112x128xf32, #tpu.memory_space<hbm>>
      %dma_wait3A_39 = tpu.memref_squeeze %dma_wait3A_38 : memref<1x10112x128xf32, #tpu.memory_space<hbm>> -> memref<10112x128xf32, #tpu.memory_space<hbm>>
      %dma_wait3A_40 = arith.constant 0 : i32
      %dma_wait3A_41 = tpu.memref_slice %dma_wait3A_39[%mul3A_2, %dma_wait3A_40] : memref<10112x128xf32, #tpu.memory_space<hbm>> -> memref<632x128xf32, #tpu.memory_space<hbm>>
      %dma_wait3A_42 = arith.constant 0 : i32
      %dma_wait3A_43 = tpu.memref_slice %arg13[%mul3A_2, %dma_wait3A_42] : memref<10112x128xf32, #tpu.memory_space<vmem_shared>> -> memref<632x128xf32, #tpu.memory_space<vmem_shared>>
      tpu.wait_dma2 semaphore(%run_scoped3A : memref<!tpu.dma_semaphore, #tpu.memory_space<semaphore_mem>>) src(%dma_wait3A_43 : memref<632x128xf32, #tpu.memory_space<vmem_shared>>) dst(%dma_wait3A_41 : memref<632x128xf32, #tpu.memory_space<hbm>>)
      tpu.yield
    }) : () -> ()
    return
  }
}

#map = affine_map<(d0, d1) -> (0, 0)>
#map1 = affine_map<(d0, d1) -> (0, 0, 0)>
module attributes {stable_mosaic.version = 14 : i64} {
  func.func @_sc_aggregate_body(%arg0: i32, %arg1: i32, %arg2: memref<10000x128xf32, #tpu.memory_space<hbm>>, %arg3: memref<32x84x128xi32, #tpu.memory_space<hbm>>, %arg4: memref<32x84x128xi32, #tpu.memory_space<hbm>>, %arg5: memref<10112x128xf32, #tpu.memory_space<hbm>>, %arg6: memref<2x10112x128xf32, #tpu.memory_space<hbm>>, %arg7: memref<2x128xi32, #tpu.memory_space<vmem>>, %arg8: memref<2x128xi32, #tpu.memory_space<vmem>>, %arg9: memref<2x128xi32, #tpu.memory_space<vmem>>, %arg10: memref<2x128xi32, #tpu.memory_space<vmem>>, %arg11: memref<128x128xf32, #tpu.memory_space<vmem>>, %arg12: memref<128x128xf32, #tpu.memory_space<vmem>>, %arg13: memref<10112x128xf32, #tpu.memory_space<vmem_shared>>, %arg14: memref<!tpu.dma_semaphore, #tpu.memory_space<semaphore_mem>>, %arg15: memref<!tpu.dma_semaphore, #tpu.memory_space<semaphore_mem>>, %arg16: memref<!tpu.dma_semaphore, #tpu.memory_space<semaphore_mem>>, %arg17: memref<!tpu.dma_semaphore, #tpu.memory_space<semaphore_mem>>, %arg18: memref<!tpu.dma_semaphore, #tpu.memory_space<semaphore_mem>>, %arg19: memref<!tpu.dma_semaphore, #tpu.memory_space<semaphore_mem>>, %arg20: memref<!tpu.dma_semaphore, #tpu.memory_space<semaphore_mem>>, %arg21: memref<!tpu.dma_semaphore, #tpu.memory_space<semaphore_mem>>) attributes {dimension_semantics = [#tpu.dimension_semantics<core_parallel>, #tpu.dimension_semantics<subcore_parallel>], iteration_bounds = array<i64: 2, 16>, scalar_prefetch = 0 : i64, scratch_operands = 15 : i64, tpu.core_type = #tpu.core_type<sc_vector_subcore>, window_params = [{transform_indices = #map}, {transform_indices = #map1}, {transform_indices = #map1}, {transform_indices = #map}, {transform_indices = #map1}]} {
    %mul3A = arith.constant 2 : i32
    %mul3A_0 = arith.muli %arg1, %mul3A : i32
    %add3A = arith.addi %mul3A_0, %arg0 : i32
    %mul3A_1 = arith.constant 632 : i32
    %mul3A_2 = arith.muli %arg1, %mul3A_1 : i32
    "tpu.region"() ({
      %run_scoped3A = tpu.sem_alloc : memref<!tpu.dma_semaphore, #tpu.memory_space<semaphore_mem>>
      %dma_start3A_28 = arith.constant 0 : i32
      %dma_start3A_29 = tpu.memref_slice %arg13[%mul3A_2, %dma_start3A_28] : memref<10112x128xf32, #tpu.memory_space<vmem_shared>> -> memref<632x128xf32, #tpu.memory_space<vmem_shared>>
      %dma_start3A_30 = arith.constant 0 : i32
      %dma_start3A_31 = tpu.memref_slice %arg5[%mul3A_2, %dma_start3A_30] : memref<10112x128xf32, #tpu.memory_space<hbm>> -> memref<632x128xf32, #tpu.memory_space<hbm>>
      tpu.enqueue_dma source(%dma_start3A_31 : memref<632x128xf32, #tpu.memory_space<hbm>>) target(%dma_start3A_29 : memref<632x128xf32, #tpu.memory_space<vmem_shared>>) target_semaphore(%run_scoped3A : memref<!tpu.dma_semaphore, #tpu.memory_space<semaphore_mem>>)
      %dma_wait3A_32 = arith.constant 0 : i32
      %dma_wait3A_33 = tpu.memref_slice %arg13[%mul3A_2, %dma_wait3A_32] : memref<10112x128xf32, #tpu.memory_space<vmem_shared>> -> memref<632x128xf32, #tpu.memory_space<vmem_shared>>
      %dma_wait3A_34 = arith.constant 0 : i32
      %dma_wait3A_35 = tpu.memref_slice %arg5[%mul3A_2, %dma_wait3A_34] : memref<10112x128xf32, #tpu.memory_space<hbm>> -> memref<632x128xf32, #tpu.memory_space<hbm>>
      tpu.wait_dma2 semaphore(%run_scoped3A : memref<!tpu.dma_semaphore, #tpu.memory_space<semaphore_mem>>) src(%dma_wait3A_35 : memref<632x128xf32, #tpu.memory_space<hbm>>) dst(%dma_wait3A_33 : memref<632x128xf32, #tpu.memory_space<vmem_shared>>)
      tpu.yield
    }) : () -> ()
    %barrier3A = arith.constant 0 : index
    tpu.barrier barrier_id(%barrier3A)
    "tpu.region"() ({
      %run_scoped3A = tpu.sem_alloc : memref<!tpu.dma_semaphore, #tpu.memory_space<semaphore_mem>>
      %dma_start3A_28 = arith.constant 0 : i32
      %dma_start3A_29 = arith.constant 0 : i32
      %dma_start3A_30 = tpu.memref_slice %arg3[%add3A, %dma_start3A_28, %dma_start3A_29] : memref<32x84x128xi32, #tpu.memory_space<hbm>> -> memref<1x84x128xi32, #tpu.memory_space<hbm>>
      %dma_start3A_31 = tpu.memref_squeeze %dma_start3A_30 : memref<1x84x128xi32, #tpu.memory_space<hbm>> -> memref<84x128xi32, #tpu.memory_space<hbm>>
      %dma_start3A_32 = arith.constant 0 : i32
      %dma_start3A_33 = arith.constant 0 : i32
      %dma_start3A_34 = tpu.memref_slice %dma_start3A_31[%dma_start3A_32, %dma_start3A_33] : memref<84x128xi32, #tpu.memory_space<hbm>> -> memref<2x128xi32, #tpu.memory_space<hbm>>
      %dma_start3A_35 = arith.constant 0 : i32
      %dma_start3A_36 = arith.constant 0 : i32
      %dma_start3A_37 = tpu.memref_slice %arg3[%add3A, %dma_start3A_35, %dma_start3A_36] : memref<32x84x128xi32, #tpu.memory_space<hbm>> -> memref<1x84x128xi32, #tpu.memory_space<hbm>>
      %dma_start3A_38 = tpu.memref_squeeze %dma_start3A_37 : memref<1x84x128xi32, #tpu.memory_space<hbm>> -> memref<84x128xi32, #tpu.memory_space<hbm>>
      %dma_start3A_39 = arith.constant 0 : i32
      %dma_start3A_40 = arith.constant 0 : i32
      %dma_start3A_41 = tpu.memref_slice %dma_start3A_38[%dma_start3A_39, %dma_start3A_40] : memref<84x128xi32, #tpu.memory_space<hbm>> -> memref<2x128xi32, #tpu.memory_space<hbm>>
      tpu.enqueue_dma source(%dma_start3A_41 : memref<2x128xi32, #tpu.memory_space<hbm>>) target(%arg7 : memref<2x128xi32, #tpu.memory_space<vmem>>) target_semaphore(%run_scoped3A : memref<!tpu.dma_semaphore, #tpu.memory_space<semaphore_mem>>)
      %dma_wait3A_42 = arith.constant 0 : i32
      %dma_wait3A_43 = arith.constant 0 : i32
      %dma_wait3A_44 = tpu.memref_slice %arg3[%add3A, %dma_wait3A_42, %dma_wait3A_43] : memref<32x84x128xi32, #tpu.memory_space<hbm>> -> memref<1x84x128xi32, #tpu.memory_space<hbm>>
      %dma_wait3A_45 = tpu.memref_squeeze %dma_wait3A_44 : memref<1x84x128xi32, #tpu.memory_space<hbm>> -> memref<84x128xi32, #tpu.memory_space<hbm>>
      %dma_wait3A_46 = arith.constant 0 : i32
      %dma_wait3A_47 = arith.constant 0 : i32
      %dma_wait3A_48 = tpu.memref_slice %dma_wait3A_45[%dma_wait3A_46, %dma_wait3A_47] : memref<84x128xi32, #tpu.memory_space<hbm>> -> memref<2x128xi32, #tpu.memory_space<hbm>>
      %dma_wait3A_49 = arith.constant 0 : i32
      %dma_wait3A_50 = arith.constant 0 : i32
      %dma_wait3A_51 = tpu.memref_slice %arg3[%add3A, %dma_wait3A_49, %dma_wait3A_50] : memref<32x84x128xi32, #tpu.memory_space<hbm>> -> memref<1x84x128xi32, #tpu.memory_space<hbm>>
      %dma_wait3A_52 = tpu.memref_squeeze %dma_wait3A_51 : memref<1x84x128xi32, #tpu.memory_space<hbm>> -> memref<84x128xi32, #tpu.memory_space<hbm>>
      %dma_wait3A_53 = arith.constant 0 : i32
      %dma_wait3A_54 = arith.constant 0 : i32
      %dma_wait3A_55 = tpu.memref_slice %dma_wait3A_52[%dma_wait3A_53, %dma_wait3A_54] : memref<84x128xi32, #tpu.memory_space<hbm>> -> memref<2x128xi32, #tpu.memory_space<hbm>>
      tpu.wait_dma2 semaphore(%run_scoped3A : memref<!tpu.dma_semaphore, #tpu.memory_space<semaphore_mem>>) src(%dma_wait3A_55 : memref<2x128xi32, #tpu.memory_space<hbm>>) dst(%arg7 : memref<2x128xi32, #tpu.memory_space<vmem>>)
      tpu.yield
    }) : () -> ()
    "tpu.region"() ({
      %run_scoped3A = tpu.sem_alloc : memref<!tpu.dma_semaphore, #tpu.memory_space<semaphore_mem>>
      %dma_start3A_28 = arith.constant 0 : i32
      %dma_start3A_29 = arith.constant 0 : i32
      %dma_start3A_30 = tpu.memref_slice %arg4[%add3A, %dma_start3A_28, %dma_start3A_29] : memref<32x84x128xi32, #tpu.memory_space<hbm>> -> memref<1x84x128xi32, #tpu.memory_space<hbm>>
      %dma_start3A_31 = tpu.memref_squeeze %dma_start3A_30 : memref<1x84x128xi32, #tpu.memory_space<hbm>> -> memref<84x128xi32, #tpu.memory_space<hbm>>
      %dma_start3A_32 = arith.constant 0 : i32
      %dma_start3A_33 = arith.constant 0 : i32
      %dma_start3A_34 = tpu.memref_slice %dma_start3A_31[%dma_start3A_32, %dma_start3A_33] : memref<84x128xi32, #tpu.memory_space<hbm>> -> memref<2x128xi32, #tpu.memory_space<hbm>>
      %dma_start3A_35 = arith.constant 0 : i32
      %dma_start3A_36 = arith.constant 0 : i32
      %dma_start3A_37 = tpu.memref_slice %arg4[%add3A, %dma_start3A_35, %dma_start3A_36] : memref<32x84x128xi32, #tpu.memory_space<hbm>> -> memref<1x84x128xi32, #tpu.memory_space<hbm>>
      %dma_start3A_38 = tpu.memref_squeeze %dma_start3A_37 : memref<1x84x128xi32, #tpu.memory_space<hbm>> -> memref<84x128xi32, #tpu.memory_space<hbm>>
      %dma_start3A_39 = arith.constant 0 : i32
      %dma_start3A_40 = arith.constant 0 : i32
      %dma_start3A_41 = tpu.memref_slice %dma_start3A_38[%dma_start3A_39, %dma_start3A_40] : memref<84x128xi32, #tpu.memory_space<hbm>> -> memref<2x128xi32, #tpu.memory_space<hbm>>
      tpu.enqueue_dma source(%dma_start3A_41 : memref<2x128xi32, #tpu.memory_space<hbm>>) target(%arg9 : memref<2x128xi32, #tpu.memory_space<vmem>>) target_semaphore(%run_scoped3A : memref<!tpu.dma_semaphore, #tpu.memory_space<semaphore_mem>>)
      %dma_wait3A_42 = arith.constant 0 : i32
      %dma_wait3A_43 = arith.constant 0 : i32
      %dma_wait3A_44 = tpu.memref_slice %arg4[%add3A, %dma_wait3A_42, %dma_wait3A_43] : memref<32x84x128xi32, #tpu.memory_space<hbm>> -> memref<1x84x128xi32, #tpu.memory_space<hbm>>
      %dma_wait3A_45 = tpu.memref_squeeze %dma_wait3A_44 : memref<1x84x128xi32, #tpu.memory_space<hbm>> -> memref<84x128xi32, #tpu.memory_space<hbm>>
      %dma_wait3A_46 = arith.constant 0 : i32
      %dma_wait3A_47 = arith.constant 0 : i32
      %dma_wait3A_48 = tpu.memref_slice %dma_wait3A_45[%dma_wait3A_46, %dma_wait3A_47] : memref<84x128xi32, #tpu.memory_space<hbm>> -> memref<2x128xi32, #tpu.memory_space<hbm>>
      %dma_wait3A_49 = arith.constant 0 : i32
      %dma_wait3A_50 = arith.constant 0 : i32
      %dma_wait3A_51 = tpu.memref_slice %arg4[%add3A, %dma_wait3A_49, %dma_wait3A_50] : memref<32x84x128xi32, #tpu.memory_space<hbm>> -> memref<1x84x128xi32, #tpu.memory_space<hbm>>
      %dma_wait3A_52 = tpu.memref_squeeze %dma_wait3A_51 : memref<1x84x128xi32, #tpu.memory_space<hbm>> -> memref<84x128xi32, #tpu.memory_space<hbm>>
      %dma_wait3A_53 = arith.constant 0 : i32
      %dma_wait3A_54 = arith.constant 0 : i32
      %dma_wait3A_55 = tpu.memref_slice %dma_wait3A_52[%dma_wait3A_53, %dma_wait3A_54] : memref<84x128xi32, #tpu.memory_space<hbm>> -> memref<2x128xi32, #tpu.memory_space<hbm>>
      tpu.wait_dma2 semaphore(%run_scoped3A : memref<!tpu.dma_semaphore, #tpu.memory_space<semaphore_mem>>) src(%dma_wait3A_55 : memref<2x128xi32, #tpu.memory_space<hbm>>) dst(%arg9 : memref<2x128xi32, #tpu.memory_space<vmem>>)
      tpu.yield
    }) : () -> ()
    %dma_start3A = arith.constant 0 : i32
    %dma_start3A_3 = arith.constant 0 : i32
    %dma_start3A_4 = tpu.memref_slice %arg7[%dma_start3A, %dma_start3A_3] : memref<2x128xi32, #tpu.memory_space<vmem>> -> memref<1x128xi32, #tpu.memory_space<vmem>>
    %dma_start3A_5 = tpu.memref_squeeze %dma_start3A_4 : memref<1x128xi32, #tpu.memory_space<vmem>> -> memref<128xi32, #tpu.memory_space<vmem>>
    %dma_start3A_6 = arith.constant 0 : i32
    %dma_start3A_7 = arith.constant 0 : i32
    %dma_start3A_8 = tpu.memref_slice %arg2[%dma_start3A_6, %dma_start3A_7] : memref<10000x128xf32, #tpu.memory_space<hbm>> -> memref<10000x128xf32, #tpu.memory_space<hbm>>
    tpu.enqueue_indirect_dma source(%dma_start3A_8 : memref<10000x128xf32, #tpu.memory_space<hbm>>) target(%arg11 : memref<128x128xf32, #tpu.memory_space<vmem>>) offsets(%dma_start3A_5 : memref<128xi32, #tpu.memory_space<vmem>>) semaphore(%arg14 : memref<!tpu.dma_semaphore, #tpu.memory_space<semaphore_mem>>)
    %scan3A = arith.constant 0 : i32
    %scan3A_9 = arith.constant 0 : i32
    %scan3A_10 = arith.constant 20 : i32
    %scan3A_11 = arith.addi %scan3A_9, %scan3A_10 : i32
    %scan3A_12 = arith.constant 1 : i32
    scf.for %scan3A_28 = %scan3A_9 to %scan3A_11 step %scan3A_12  : i32 {
      %mul3A_29 = arith.constant 4 : i32
      %mul3A_30 = arith.muli %mul3A_29, %scan3A_28 : i32
      %dma_wait3A_31 = arith.constant 0 : i32
      %dma_wait3A_32 = arith.constant 0 : i32
      %dma_wait3A_33 = tpu.memref_slice %arg7[%dma_wait3A_31, %dma_wait3A_32] : memref<2x128xi32, #tpu.memory_space<vmem>> -> memref<1x128xi32, #tpu.memory_space<vmem>>
      %dma_wait3A_34 = tpu.memref_squeeze %dma_wait3A_33 : memref<1x128xi32, #tpu.memory_space<vmem>> -> memref<128xi32, #tpu.memory_space<vmem>>
      %dma_wait3A_35 = arith.constant 0 : i32
      %dma_wait3A_36 = arith.constant 0 : i32
      %dma_wait3A_37 = tpu.memref_slice %arg2[%dma_wait3A_35, %dma_wait3A_36] : memref<10000x128xf32, #tpu.memory_space<hbm>> -> memref<10000x128xf32, #tpu.memory_space<hbm>>
      tpu.wait_indirect_dma semaphore(%arg14 : memref<!tpu.dma_semaphore, #tpu.memory_space<semaphore_mem>>) src(%dma_wait3A_37 : memref<10000x128xf32, #tpu.memory_space<hbm>>) dst(%arg11 : memref<128x128xf32, #tpu.memory_space<vmem>>)
      %dma_start3A_38 = arith.constant 0 : i32
      %dma_start3A_39 = arith.constant 0 : i32
      %dma_start3A_40 = tpu.memref_slice %arg9[%dma_start3A_38, %dma_start3A_39] : memref<2x128xi32, #tpu.memory_space<vmem>> -> memref<1x128xi32, #tpu.memory_space<vmem>>
      %dma_start3A_41 = tpu.memref_squeeze %dma_start3A_40 : memref<1x128xi32, #tpu.memory_space<vmem>> -> memref<128xi32, #tpu.memory_space<vmem>>
      %dma_start3A_42 = arith.constant 0 : i32
      %dma_start3A_43 = arith.constant 0 : i32
      %dma_start3A_44 = tpu.memref_slice %arg13[%dma_start3A_42, %dma_start3A_43] : memref<10112x128xf32, #tpu.memory_space<vmem_shared>> -> memref<10112x128xf32, #tpu.memory_space<vmem_shared>>
      tpu.enqueue_indirect_dma source(%arg11 : memref<128x128xf32, #tpu.memory_space<vmem>>) target(%dma_start3A_44 : memref<10112x128xf32, #tpu.memory_space<vmem_shared>>) offsets(%dma_start3A_41 : memref<128xi32, #tpu.memory_space<vmem>>) semaphore(%arg16 : memref<!tpu.dma_semaphore, #tpu.memory_space<semaphore_mem>>) {add = true}
      %gt3A = arith.constant 0 : i32
      %gt3A_45 = arith.cmpi sgt, %scan3A_28, %gt3A : i32
      %convert_element_type3A = arith.extui %gt3A_45 : i1 to i32
      %cond3A = arith.constant 0 : i32
      %cond3A_46 = arith.cmpi ne, %convert_element_type3A, %cond3A : i32
      scf.if %cond3A_46 {
        %dma_wait3A_250 = arith.constant 1 : i32
        %dma_wait3A_251 = arith.constant 0 : i32
        %dma_wait3A_252 = tpu.memref_slice %arg10[%dma_wait3A_250, %dma_wait3A_251] : memref<2x128xi32, #tpu.memory_space<vmem>> -> memref<1x128xi32, #tpu.memory_space<vmem>>
        %dma_wait3A_253 = tpu.memref_squeeze %dma_wait3A_252 : memref<1x128xi32, #tpu.memory_space<vmem>> -> memref<128xi32, #tpu.memory_space<vmem>>
        %dma_wait3A_254 = arith.constant 0 : i32
        %dma_wait3A_255 = arith.constant 0 : i32
        %dma_wait3A_256 = tpu.memref_slice %arg13[%dma_wait3A_254, %dma_wait3A_255] : memref<10112x128xf32, #tpu.memory_space<vmem_shared>> -> memref<10112x128xf32, #tpu.memory_space<vmem_shared>>
        tpu.wait_indirect_dma semaphore(%arg17 : memref<!tpu.dma_semaphore, #tpu.memory_space<semaphore_mem>>) src(%arg12 : memref<128x128xf32, #tpu.memory_space<vmem>>) dst(%dma_wait3A_256 : memref<10112x128xf32, #tpu.memory_space<vmem_shared>>)
      } else {
      }
      %add3A_47 = arith.constant 2 : i32
      %add3A_48 = arith.addi %mul3A_30, %add3A_47 : i32
      %dma_start3A_49 = arith.constant 0 : i32
      %dma_start3A_50 = arith.constant 0 : i32
      %dma_start3A_51 = tpu.memref_slice %arg3[%add3A, %dma_start3A_49, %dma_start3A_50] : memref<32x84x128xi32, #tpu.memory_space<hbm>> -> memref<1x84x128xi32, #tpu.memory_space<hbm>>
      %dma_start3A_52 = tpu.memref_squeeze %dma_start3A_51 : memref<1x84x128xi32, #tpu.memory_space<hbm>> -> memref<84x128xi32, #tpu.memory_space<hbm>>
      %dma_start3A_53 = arith.constant 0 : i32
      %dma_start3A_54 = tpu.memref_slice %dma_start3A_52[%add3A_48, %dma_start3A_53] : memref<84x128xi32, #tpu.memory_space<hbm>> -> memref<2x128xi32, #tpu.memory_space<hbm>>
      %dma_start3A_55 = arith.constant 0 : i32
      %dma_start3A_56 = arith.constant 0 : i32
      %dma_start3A_57 = tpu.memref_slice %arg3[%add3A, %dma_start3A_55, %dma_start3A_56] : memref<32x84x128xi32, #tpu.memory_space<hbm>> -> memref<1x84x128xi32, #tpu.memory_space<hbm>>
      %dma_start3A_58 = tpu.memref_squeeze %dma_start3A_57 : memref<1x84x128xi32, #tpu.memory_space<hbm>> -> memref<84x128xi32, #tpu.memory_space<hbm>>
      %dma_start3A_59 = arith.constant 0 : i32
      %dma_start3A_60 = tpu.memref_slice %dma_start3A_58[%add3A_48, %dma_start3A_59] : memref<84x128xi32, #tpu.memory_space<hbm>> -> memref<2x128xi32, #tpu.memory_space<hbm>>
      tpu.enqueue_dma source(%dma_start3A_60 : memref<2x128xi32, #tpu.memory_space<hbm>>) target(%arg8 : memref<2x128xi32, #tpu.memory_space<vmem>>) target_semaphore(%arg20 : memref<!tpu.dma_semaphore, #tpu.memory_space<semaphore_mem>>)
      %add3A_61 = arith.constant 2 : i32
      %add3A_62 = arith.addi %mul3A_30, %add3A_61 : i32
      %dma_start3A_63 = arith.constant 0 : i32
      %dma_start3A_64 = arith.constant 0 : i32
      %dma_start3A_65 = tpu.memref_slice %arg4[%add3A, %dma_start3A_63, %dma_start3A_64] : memref<32x84x128xi32, #tpu.memory_space<hbm>> -> memref<1x84x128xi32, #tpu.memory_space<hbm>>
      %dma_start3A_66 = tpu.memref_squeeze %dma_start3A_65 : memref<1x84x128xi32, #tpu.memory_space<hbm>> -> memref<84x128xi32, #tpu.memory_space<hbm>>
      %dma_start3A_67 = arith.constant 0 : i32
      %dma_start3A_68 = tpu.memref_slice %dma_start3A_66[%add3A_62, %dma_start3A_67] : memref<84x128xi32, #tpu.memory_space<hbm>> -> memref<2x128xi32, #tpu.memory_space<hbm>>
      %dma_start3A_69 = arith.constant 0 : i32
      %dma_start3A_70 = arith.constant 0 : i32
      %dma_start3A_71 = tpu.memref_slice %arg4[%add3A, %dma_start3A_69, %dma_start3A_70] : memref<32x84x128xi32, #tpu.memory_space<hbm>> -> memref<1x84x128xi32, #tpu.memory_space<hbm>>
      %dma_start3A_72 = tpu.memref_squeeze %dma_start3A_71 : memref<1x84x128xi32, #tpu.memory_space<hbm>> -> memref<84x128xi32, #tpu.memory_space<hbm>>
      %dma_start3A_73 = arith.constant 0 : i32
      %dma_start3A_74 = tpu.memref_slice %dma_start3A_72[%add3A_62, %dma_start3A_73] : memref<84x128xi32, #tpu.memory_space<hbm>> -> memref<2x128xi32, #tpu.memory_space<hbm>>
      tpu.enqueue_dma source(%dma_start3A_74 : memref<2x128xi32, #tpu.memory_space<hbm>>) target(%arg10 : memref<2x128xi32, #tpu.memory_space<vmem>>) target_semaphore(%arg21 : memref<!tpu.dma_semaphore, #tpu.memory_space<semaphore_mem>>)
      %dma_start3A_75 = arith.constant 1 : i32
      %dma_start3A_76 = arith.constant 0 : i32
      %dma_start3A_77 = tpu.memref_slice %arg7[%dma_start3A_75, %dma_start3A_76] : memref<2x128xi32, #tpu.memory_space<vmem>> -> memref<1x128xi32, #tpu.memory_space<vmem>>
      %dma_start3A_78 = tpu.memref_squeeze %dma_start3A_77 : memref<1x128xi32, #tpu.memory_space<vmem>> -> memref<128xi32, #tpu.memory_space<vmem>>
      %dma_start3A_79 = arith.constant 0 : i32
      %dma_start3A_80 = arith.constant 0 : i32
      %dma_start3A_81 = tpu.memref_slice %arg2[%dma_start3A_79, %dma_start3A_80] : memref<10000x128xf32, #tpu.memory_space<hbm>> -> memref<10000x128xf32, #tpu.memory_space<hbm>>
      tpu.enqueue_indirect_dma source(%dma_start3A_81 : memref<10000x128xf32, #tpu.memory_space<hbm>>) target(%arg12 : memref<128x128xf32, #tpu.memory_space<vmem>>) offsets(%dma_start3A_78 : memref<128xi32, #tpu.memory_space<vmem>>) semaphore(%arg15 : memref<!tpu.dma_semaphore, #tpu.memory_space<semaphore_mem>>)
      %dma_wait3A_82 = arith.constant 1 : i32
      %dma_wait3A_83 = arith.constant 0 : i32
      %dma_wait3A_84 = tpu.memref_slice %arg7[%dma_wait3A_82, %dma_wait3A_83] : memref<2x128xi32, #tpu.memory_space<vmem>> -> memref<1x128xi32, #tpu.memory_space<vmem>>
      %dma_wait3A_85 = tpu.memref_squeeze %dma_wait3A_84 : memref<1x128xi32, #tpu.memory_space<vmem>> -> memref<128xi32, #tpu.memory_space<vmem>>
      %dma_wait3A_86 = arith.constant 0 : i32
      %dma_wait3A_87 = arith.constant 0 : i32
      %dma_wait3A_88 = tpu.memref_slice %arg2[%dma_wait3A_86, %dma_wait3A_87] : memref<10000x128xf32, #tpu.memory_space<hbm>> -> memref<10000x128xf32, #tpu.memory_space<hbm>>
      tpu.wait_indirect_dma semaphore(%arg15 : memref<!tpu.dma_semaphore, #tpu.memory_space<semaphore_mem>>) src(%dma_wait3A_88 : memref<10000x128xf32, #tpu.memory_space<hbm>>) dst(%arg12 : memref<128x128xf32, #tpu.memory_space<vmem>>)
      %dma_start3A_89 = arith.constant 1 : i32
      %dma_start3A_90 = arith.constant 0 : i32
      %dma_start3A_91 = tpu.memref_slice %arg9[%dma_start3A_89, %dma_start3A_90] : memref<2x128xi32, #tpu.memory_space<vmem>> -> memref<1x128xi32, #tpu.memory_space<vmem>>
      %dma_start3A_92 = tpu.memref_squeeze %dma_start3A_91 : memref<1x128xi32, #tpu.memory_space<vmem>> -> memref<128xi32, #tpu.memory_space<vmem>>
      %dma_start3A_93 = arith.constant 0 : i32
      %dma_start3A_94 = arith.constant 0 : i32
      %dma_start3A_95 = tpu.memref_slice %arg13[%dma_start3A_93, %dma_start3A_94] : memref<10112x128xf32, #tpu.memory_space<vmem_shared>> -> memref<10112x128xf32, #tpu.memory_space<vmem_shared>>
      tpu.enqueue_indirect_dma source(%arg12 : memref<128x128xf32, #tpu.memory_space<vmem>>) target(%dma_start3A_95 : memref<10112x128xf32, #tpu.memory_space<vmem_shared>>) offsets(%dma_start3A_92 : memref<128xi32, #tpu.memory_space<vmem>>) semaphore(%arg17 : memref<!tpu.dma_semaphore, #tpu.memory_space<semaphore_mem>>) {add = true}
      %dma_wait3A_96 = arith.constant 0 : i32
      %dma_wait3A_97 = arith.constant 0 : i32
      %dma_wait3A_98 = tpu.memref_slice %arg9[%dma_wait3A_96, %dma_wait3A_97] : memref<2x128xi32, #tpu.memory_space<vmem>> -> memref<1x128xi32, #tpu.memory_space<vmem>>
      %dma_wait3A_99 = tpu.memref_squeeze %dma_wait3A_98 : memref<1x128xi32, #tpu.memory_space<vmem>> -> memref<128xi32, #tpu.memory_space<vmem>>
      %dma_wait3A_100 = arith.constant 0 : i32
      %dma_wait3A_101 = arith.constant 0 : i32
      %dma_wait3A_102 = tpu.memref_slice %arg13[%dma_wait3A_100, %dma_wait3A_101] : memref<10112x128xf32, #tpu.memory_space<vmem_shared>> -> memref<10112x128xf32, #tpu.memory_space<vmem_shared>>
      tpu.wait_indirect_dma semaphore(%arg16 : memref<!tpu.dma_semaphore, #tpu.memory_space<semaphore_mem>>) src(%arg11 : memref<128x128xf32, #tpu.memory_space<vmem>>) dst(%dma_wait3A_102 : memref<10112x128xf32, #tpu.memory_space<vmem_shared>>)
      %add3A_103 = arith.constant 2 : i32
      %add3A_104 = arith.addi %mul3A_30, %add3A_103 : i32
      %dma_wait3A_105 = arith.constant 0 : i32
      %dma_wait3A_106 = arith.constant 0 : i32
      %dma_wait3A_107 = tpu.memref_slice %arg3[%add3A, %dma_wait3A_105, %dma_wait3A_106] : memref<32x84x128xi32, #tpu.memory_space<hbm>> -> memref<1x84x128xi32, #tpu.memory_space<hbm>>
      %dma_wait3A_108 = tpu.memref_squeeze %dma_wait3A_107 : memref<1x84x128xi32, #tpu.memory_space<hbm>> -> memref<84x128xi32, #tpu.memory_space<hbm>>
      %dma_wait3A_109 = arith.constant 0 : i32
      %dma_wait3A_110 = tpu.memref_slice %dma_wait3A_108[%add3A_104, %dma_wait3A_109] : memref<84x128xi32, #tpu.memory_space<hbm>> -> memref<2x128xi32, #tpu.memory_space<hbm>>
      %dma_wait3A_111 = arith.constant 0 : i32
      %dma_wait3A_112 = arith.constant 0 : i32
      %dma_wait3A_113 = tpu.memref_slice %arg3[%add3A, %dma_wait3A_111, %dma_wait3A_112] : memref<32x84x128xi32, #tpu.memory_space<hbm>> -> memref<1x84x128xi32, #tpu.memory_space<hbm>>
      %dma_wait3A_114 = tpu.memref_squeeze %dma_wait3A_113 : memref<1x84x128xi32, #tpu.memory_space<hbm>> -> memref<84x128xi32, #tpu.memory_space<hbm>>
      %dma_wait3A_115 = arith.constant 0 : i32
      %dma_wait3A_116 = tpu.memref_slice %dma_wait3A_114[%add3A_104, %dma_wait3A_115] : memref<84x128xi32, #tpu.memory_space<hbm>> -> memref<2x128xi32, #tpu.memory_space<hbm>>
      tpu.wait_dma2 semaphore(%arg20 : memref<!tpu.dma_semaphore, #tpu.memory_space<semaphore_mem>>) src(%dma_wait3A_116 : memref<2x128xi32, #tpu.memory_space<hbm>>) dst(%arg8 : memref<2x128xi32, #tpu.memory_space<vmem>>)
      %add3A_117 = arith.constant 2 : i32
      %add3A_118 = arith.addi %mul3A_30, %add3A_117 : i32
      %dma_wait3A_119 = arith.constant 0 : i32
      %dma_wait3A_120 = arith.constant 0 : i32
      %dma_wait3A_121 = tpu.memref_slice %arg4[%add3A, %dma_wait3A_119, %dma_wait3A_120] : memref<32x84x128xi32, #tpu.memory_space<hbm>> -> memref<1x84x128xi32, #tpu.memory_space<hbm>>
      %dma_wait3A_122 = tpu.memref_squeeze %dma_wait3A_121 : memref<1x84x128xi32, #tpu.memory_space<hbm>> -> memref<84x128xi32, #tpu.memory_space<hbm>>
      %dma_wait3A_123 = arith.constant 0 : i32
      %dma_wait3A_124 = tpu.memref_slice %dma_wait3A_122[%add3A_118, %dma_wait3A_123] : memref<84x128xi32, #tpu.memory_space<hbm>> -> memref<2x128xi32, #tpu.memory_space<hbm>>
      %dma_wait3A_125 = arith.constant 0 : i32
      %dma_wait3A_126 = arith.constant 0 : i32
      %dma_wait3A_127 = tpu.memref_slice %arg4[%add3A, %dma_wait3A_125, %dma_wait3A_126] : memref<32x84x128xi32, #tpu.memory_space<hbm>> -> memref<1x84x128xi32, #tpu.memory_space<hbm>>
      %dma_wait3A_128 = tpu.memref_squeeze %dma_wait3A_127 : memref<1x84x128xi32, #tpu.memory_space<hbm>> -> memref<84x128xi32, #tpu.memory_space<hbm>>
      %dma_wait3A_129 = arith.constant 0 : i32
      %dma_wait3A_130 = tpu.memref_slice %dma_wait3A_128[%add3A_118, %dma_wait3A_129] : memref<84x128xi32, #tpu.memory_space<hbm>> -> memref<2x128xi32, #tpu.memory_space<hbm>>
      tpu.wait_dma2 semaphore(%arg21 : memref<!tpu.dma_semaphore, #tpu.memory_space<semaphore_mem>>) src(%dma_wait3A_130 : memref<2x128xi32, #tpu.memory_space<hbm>>) dst(%arg10 : memref<2x128xi32, #tpu.memory_space<vmem>>)
      %dma_start3A_131 = arith.constant 0 : i32
      %dma_start3A_132 = arith.constant 0 : i32
      %dma_start3A_133 = tpu.memref_slice %arg8[%dma_start3A_131, %dma_start3A_132] : memref<2x128xi32, #tpu.memory_space<vmem>> -> memref<1x128xi32, #tpu.memory_space<vmem>>
      %dma_start3A_134 = tpu.memref_squeeze %dma_start3A_133 : memref<1x128xi32, #tpu.memory_space<vmem>> -> memref<128xi32, #tpu.memory_space<vmem>>
      %dma_start3A_135 = arith.constant 0 : i32
      %dma_start3A_136 = arith.constant 0 : i32
      %dma_start3A_137 = tpu.memref_slice %arg2[%dma_start3A_135, %dma_start3A_136] : memref<10000x128xf32, #tpu.memory_space<hbm>> -> memref<10000x128xf32, #tpu.memory_space<hbm>>
      tpu.enqueue_indirect_dma source(%dma_start3A_137 : memref<10000x128xf32, #tpu.memory_space<hbm>>) target(%arg11 : memref<128x128xf32, #tpu.memory_space<vmem>>) offsets(%dma_start3A_134 : memref<128xi32, #tpu.memory_space<vmem>>) semaphore(%arg14 : memref<!tpu.dma_semaphore, #tpu.memory_space<semaphore_mem>>)
      %dma_wait3A_138 = arith.constant 0 : i32
      %dma_wait3A_139 = arith.constant 0 : i32
      %dma_wait3A_140 = tpu.memref_slice %arg8[%dma_wait3A_138, %dma_wait3A_139] : memref<2x128xi32, #tpu.memory_space<vmem>> -> memref<1x128xi32, #tpu.memory_space<vmem>>
      %dma_wait3A_141 = tpu.memref_squeeze %dma_wait3A_140 : memref<1x128xi32, #tpu.memory_space<vmem>> -> memref<128xi32, #tpu.memory_space<vmem>>
      %dma_wait3A_142 = arith.constant 0 : i32
      %dma_wait3A_143 = arith.constant 0 : i32
      %dma_wait3A_144 = tpu.memref_slice %arg2[%dma_wait3A_142, %dma_wait3A_143] : memref<10000x128xf32, #tpu.memory_space<hbm>> -> memref<10000x128xf32, #tpu.memory_space<hbm>>
      tpu.wait_indirect_dma semaphore(%arg14 : memref<!tpu.dma_semaphore, #tpu.memory_space<semaphore_mem>>) src(%dma_wait3A_144 : memref<10000x128xf32, #tpu.memory_space<hbm>>) dst(%arg11 : memref<128x128xf32, #tpu.memory_space<vmem>>)
      %dma_start3A_145 = arith.constant 0 : i32
      %dma_start3A_146 = arith.constant 0 : i32
      %dma_start3A_147 = tpu.memref_slice %arg10[%dma_start3A_145, %dma_start3A_146] : memref<2x128xi32, #tpu.memory_space<vmem>> -> memref<1x128xi32, #tpu.memory_space<vmem>>
      %dma_start3A_148 = tpu.memref_squeeze %dma_start3A_147 : memref<1x128xi32, #tpu.memory_space<vmem>> -> memref<128xi32, #tpu.memory_space<vmem>>
      %dma_start3A_149 = arith.constant 0 : i32
      %dma_start3A_150 = arith.constant 0 : i32
      %dma_start3A_151 = tpu.memref_slice %arg13[%dma_start3A_149, %dma_start3A_150] : memref<10112x128xf32, #tpu.memory_space<vmem_shared>> -> memref<10112x128xf32, #tpu.memory_space<vmem_shared>>
      tpu.enqueue_indirect_dma source(%arg11 : memref<128x128xf32, #tpu.memory_space<vmem>>) target(%dma_start3A_151 : memref<10112x128xf32, #tpu.memory_space<vmem_shared>>) offsets(%dma_start3A_148 : memref<128xi32, #tpu.memory_space<vmem>>) semaphore(%arg16 : memref<!tpu.dma_semaphore, #tpu.memory_space<semaphore_mem>>) {add = true}
      %dma_wait3A_152 = arith.constant 1 : i32
      %dma_wait3A_153 = arith.constant 0 : i32
      %dma_wait3A_154 = tpu.memref_slice %arg9[%dma_wait3A_152, %dma_wait3A_153] : memref<2x128xi32, #tpu.memory_space<vmem>> -> memref<1x128xi32, #tpu.memory_space<vmem>>
      %dma_wait3A_155 = tpu.memref_squeeze %dma_wait3A_154 : memref<1x128xi32, #tpu.memory_space<vmem>> -> memref<128xi32, #tpu.memory_space<vmem>>
      %dma_wait3A_156 = arith.constant 0 : i32
      %dma_wait3A_157 = arith.constant 0 : i32
      %dma_wait3A_158 = tpu.memref_slice %arg13[%dma_wait3A_156, %dma_wait3A_157] : memref<10112x128xf32, #tpu.memory_space<vmem_shared>> -> memref<10112x128xf32, #tpu.memory_space<vmem_shared>>
      tpu.wait_indirect_dma semaphore(%arg17 : memref<!tpu.dma_semaphore, #tpu.memory_space<semaphore_mem>>) src(%arg12 : memref<128x128xf32, #tpu.memory_space<vmem>>) dst(%dma_wait3A_158 : memref<10112x128xf32, #tpu.memory_space<vmem_shared>>)
      %add3A_159 = arith.constant 4 : i32
      %add3A_160 = arith.addi %mul3A_30, %add3A_159 : i32
      %dma_start3A_161 = arith.constant 0 : i32
      %dma_start3A_162 = arith.constant 0 : i32
      %dma_start3A_163 = tpu.memref_slice %arg3[%add3A, %dma_start3A_161, %dma_start3A_162] : memref<32x84x128xi32, #tpu.memory_space<hbm>> -> memref<1x84x128xi32, #tpu.memory_space<hbm>>
      %dma_start3A_164 = tpu.memref_squeeze %dma_start3A_163 : memref<1x84x128xi32, #tpu.memory_space<hbm>> -> memref<84x128xi32, #tpu.memory_space<hbm>>
      %dma_start3A_165 = arith.constant 0 : i32
      %dma_start3A_166 = tpu.memref_slice %dma_start3A_164[%add3A_160, %dma_start3A_165] : memref<84x128xi32, #tpu.memory_space<hbm>> -> memref<2x128xi32, #tpu.memory_space<hbm>>
      %dma_start3A_167 = arith.constant 0 : i32
      %dma_start3A_168 = arith.constant 0 : i32
      %dma_start3A_169 = tpu.memref_slice %arg3[%add3A, %dma_start3A_167, %dma_start3A_168] : memref<32x84x128xi32, #tpu.memory_space<hbm>> -> memref<1x84x128xi32, #tpu.memory_space<hbm>>
      %dma_start3A_170 = tpu.memref_squeeze %dma_start3A_169 : memref<1x84x128xi32, #tpu.memory_space<hbm>> -> memref<84x128xi32, #tpu.memory_space<hbm>>
      %dma_start3A_171 = arith.constant 0 : i32
      %dma_start3A_172 = tpu.memref_slice %dma_start3A_170[%add3A_160, %dma_start3A_171] : memref<84x128xi32, #tpu.memory_space<hbm>> -> memref<2x128xi32, #tpu.memory_space<hbm>>
      tpu.enqueue_dma source(%dma_start3A_172 : memref<2x128xi32, #tpu.memory_space<hbm>>) target(%arg7 : memref<2x128xi32, #tpu.memory_space<vmem>>) target_semaphore(%arg18 : memref<!tpu.dma_semaphore, #tpu.memory_space<semaphore_mem>>)
      %add3A_173 = arith.constant 4 : i32
      %add3A_174 = arith.addi %mul3A_30, %add3A_173 : i32
      %dma_start3A_175 = arith.constant 0 : i32
      %dma_start3A_176 = arith.constant 0 : i32
      %dma_start3A_177 = tpu.memref_slice %arg4[%add3A, %dma_start3A_175, %dma_start3A_176] : memref<32x84x128xi32, #tpu.memory_space<hbm>> -> memref<1x84x128xi32, #tpu.memory_space<hbm>>
      %dma_start3A_178 = tpu.memref_squeeze %dma_start3A_177 : memref<1x84x128xi32, #tpu.memory_space<hbm>> -> memref<84x128xi32, #tpu.memory_space<hbm>>
      %dma_start3A_179 = arith.constant 0 : i32
      %dma_start3A_180 = tpu.memref_slice %dma_start3A_178[%add3A_174, %dma_start3A_179] : memref<84x128xi32, #tpu.memory_space<hbm>> -> memref<2x128xi32, #tpu.memory_space<hbm>>
      %dma_start3A_181 = arith.constant 0 : i32
      %dma_start3A_182 = arith.constant 0 : i32
      %dma_start3A_183 = tpu.memref_slice %arg4[%add3A, %dma_start3A_181, %dma_start3A_182] : memref<32x84x128xi32, #tpu.memory_space<hbm>> -> memref<1x84x128xi32, #tpu.memory_space<hbm>>
      %dma_start3A_184 = tpu.memref_squeeze %dma_start3A_183 : memref<1x84x128xi32, #tpu.memory_space<hbm>> -> memref<84x128xi32, #tpu.memory_space<hbm>>
      %dma_start3A_185 = arith.constant 0 : i32
      %dma_start3A_186 = tpu.memref_slice %dma_start3A_184[%add3A_174, %dma_start3A_185] : memref<84x128xi32, #tpu.memory_space<hbm>> -> memref<2x128xi32, #tpu.memory_space<hbm>>
      tpu.enqueue_dma source(%dma_start3A_186 : memref<2x128xi32, #tpu.memory_space<hbm>>) target(%arg9 : memref<2x128xi32, #tpu.memory_space<vmem>>) target_semaphore(%arg19 : memref<!tpu.dma_semaphore, #tpu.memory_space<semaphore_mem>>)
      %dma_start3A_187 = arith.constant 1 : i32
      %dma_start3A_188 = arith.constant 0 : i32
      %dma_start3A_189 = tpu.memref_slice %arg8[%dma_start3A_187, %dma_start3A_188] : memref<2x128xi32, #tpu.memory_space<vmem>> -> memref<1x128xi32, #tpu.memory_space<vmem>>
      %dma_start3A_190 = tpu.memref_squeeze %dma_start3A_189 : memref<1x128xi32, #tpu.memory_space<vmem>> -> memref<128xi32, #tpu.memory_space<vmem>>
      %dma_start3A_191 = arith.constant 0 : i32
      %dma_start3A_192 = arith.constant 0 : i32
      %dma_start3A_193 = tpu.memref_slice %arg2[%dma_start3A_191, %dma_start3A_192] : memref<10000x128xf32, #tpu.memory_space<hbm>> -> memref<10000x128xf32, #tpu.memory_space<hbm>>
      tpu.enqueue_indirect_dma source(%dma_start3A_193 : memref<10000x128xf32, #tpu.memory_space<hbm>>) target(%arg12 : memref<128x128xf32, #tpu.memory_space<vmem>>) offsets(%dma_start3A_190 : memref<128xi32, #tpu.memory_space<vmem>>) semaphore(%arg15 : memref<!tpu.dma_semaphore, #tpu.memory_space<semaphore_mem>>)
      %dma_wait3A_194 = arith.constant 1 : i32
      %dma_wait3A_195 = arith.constant 0 : i32
      %dma_wait3A_196 = tpu.memref_slice %arg8[%dma_wait3A_194, %dma_wait3A_195] : memref<2x128xi32, #tpu.memory_space<vmem>> -> memref<1x128xi32, #tpu.memory_space<vmem>>
      %dma_wait3A_197 = tpu.memref_squeeze %dma_wait3A_196 : memref<1x128xi32, #tpu.memory_space<vmem>> -> memref<128xi32, #tpu.memory_space<vmem>>
      %dma_wait3A_198 = arith.constant 0 : i32
      %dma_wait3A_199 = arith.constant 0 : i32
      %dma_wait3A_200 = tpu.memref_slice %arg2[%dma_wait3A_198, %dma_wait3A_199] : memref<10000x128xf32, #tpu.memory_space<hbm>> -> memref<10000x128xf32, #tpu.memory_space<hbm>>
      tpu.wait_indirect_dma semaphore(%arg15 : memref<!tpu.dma_semaphore, #tpu.memory_space<semaphore_mem>>) src(%dma_wait3A_200 : memref<10000x128xf32, #tpu.memory_space<hbm>>) dst(%arg12 : memref<128x128xf32, #tpu.memory_space<vmem>>)
      %dma_start3A_201 = arith.constant 1 : i32
      %dma_start3A_202 = arith.constant 0 : i32
      %dma_start3A_203 = tpu.memref_slice %arg10[%dma_start3A_201, %dma_start3A_202] : memref<2x128xi32, #tpu.memory_space<vmem>> -> memref<1x128xi32, #tpu.memory_space<vmem>>
      %dma_start3A_204 = tpu.memref_squeeze %dma_start3A_203 : memref<1x128xi32, #tpu.memory_space<vmem>> -> memref<128xi32, #tpu.memory_space<vmem>>
      %dma_start3A_205 = arith.constant 0 : i32
      %dma_start3A_206 = arith.constant 0 : i32
      %dma_start3A_207 = tpu.memref_slice %arg13[%dma_start3A_205, %dma_start3A_206] : memref<10112x128xf32, #tpu.memory_space<vmem_shared>> -> memref<10112x128xf32, #tpu.memory_space<vmem_shared>>
      tpu.enqueue_indirect_dma source(%arg12 : memref<128x128xf32, #tpu.memory_space<vmem>>) target(%dma_start3A_207 : memref<10112x128xf32, #tpu.memory_space<vmem_shared>>) offsets(%dma_start3A_204 : memref<128xi32, #tpu.memory_space<vmem>>) semaphore(%arg17 : memref<!tpu.dma_semaphore, #tpu.memory_space<semaphore_mem>>) {add = true}
      %dma_wait3A_208 = arith.constant 0 : i32
      %dma_wait3A_209 = arith.constant 0 : i32
      %dma_wait3A_210 = tpu.memref_slice %arg10[%dma_wait3A_208, %dma_wait3A_209] : memref<2x128xi32, #tpu.memory_space<vmem>> -> memref<1x128xi32, #tpu.memory_space<vmem>>
      %dma_wait3A_211 = tpu.memref_squeeze %dma_wait3A_210 : memref<1x128xi32, #tpu.memory_space<vmem>> -> memref<128xi32, #tpu.memory_space<vmem>>
      %dma_wait3A_212 = arith.constant 0 : i32
      %dma_wait3A_213 = arith.constant 0 : i32
      %dma_wait3A_214 = tpu.memref_slice %arg13[%dma_wait3A_212, %dma_wait3A_213] : memref<10112x128xf32, #tpu.memory_space<vmem_shared>> -> memref<10112x128xf32, #tpu.memory_space<vmem_shared>>
      tpu.wait_indirect_dma semaphore(%arg16 : memref<!tpu.dma_semaphore, #tpu.memory_space<semaphore_mem>>) src(%arg11 : memref<128x128xf32, #tpu.memory_space<vmem>>) dst(%dma_wait3A_214 : memref<10112x128xf32, #tpu.memory_space<vmem_shared>>)
      %add3A_215 = arith.constant 4 : i32
      %add3A_216 = arith.addi %mul3A_30, %add3A_215 : i32
      %dma_wait3A_217 = arith.constant 0 : i32
      %dma_wait3A_218 = arith.constant 0 : i32
      %dma_wait3A_219 = tpu.memref_slice %arg3[%add3A, %dma_wait3A_217, %dma_wait3A_218] : memref<32x84x128xi32, #tpu.memory_space<hbm>> -> memref<1x84x128xi32, #tpu.memory_space<hbm>>
      %dma_wait3A_220 = tpu.memref_squeeze %dma_wait3A_219 : memref<1x84x128xi32, #tpu.memory_space<hbm>> -> memref<84x128xi32, #tpu.memory_space<hbm>>
      %dma_wait3A_221 = arith.constant 0 : i32
      %dma_wait3A_222 = tpu.memref_slice %dma_wait3A_220[%add3A_216, %dma_wait3A_221] : memref<84x128xi32, #tpu.memory_space<hbm>> -> memref<2x128xi32, #tpu.memory_space<hbm>>
      %dma_wait3A_223 = arith.constant 0 : i32
      %dma_wait3A_224 = arith.constant 0 : i32
      %dma_wait3A_225 = tpu.memref_slice %arg3[%add3A, %dma_wait3A_223, %dma_wait3A_224] : memref<32x84x128xi32, #tpu.memory_space<hbm>> -> memref<1x84x128xi32, #tpu.memory_space<hbm>>
      %dma_wait3A_226 = tpu.memref_squeeze %dma_wait3A_225 : memref<1x84x128xi32, #tpu.memory_space<hbm>> -> memref<84x128xi32, #tpu.memory_space<hbm>>
      %dma_wait3A_227 = arith.constant 0 : i32
      %dma_wait3A_228 = tpu.memref_slice %dma_wait3A_226[%add3A_216, %dma_wait3A_227] : memref<84x128xi32, #tpu.memory_space<hbm>> -> memref<2x128xi32, #tpu.memory_space<hbm>>
      tpu.wait_dma2 semaphore(%arg18 : memref<!tpu.dma_semaphore, #tpu.memory_space<semaphore_mem>>) src(%dma_wait3A_228 : memref<2x128xi32, #tpu.memory_space<hbm>>) dst(%arg7 : memref<2x128xi32, #tpu.memory_space<vmem>>)
      %add3A_229 = arith.constant 4 : i32
      %add3A_230 = arith.addi %mul3A_30, %add3A_229 : i32
      %dma_wait3A_231 = arith.constant 0 : i32
      %dma_wait3A_232 = arith.constant 0 : i32
      %dma_wait3A_233 = tpu.memref_slice %arg4[%add3A, %dma_wait3A_231, %dma_wait3A_232] : memref<32x84x128xi32, #tpu.memory_space<hbm>> -> memref<1x84x128xi32, #tpu.memory_space<hbm>>
      %dma_wait3A_234 = tpu.memref_squeeze %dma_wait3A_233 : memref<1x84x128xi32, #tpu.memory_space<hbm>> -> memref<84x128xi32, #tpu.memory_space<hbm>>
      %dma_wait3A_235 = arith.constant 0 : i32
      %dma_wait3A_236 = tpu.memref_slice %dma_wait3A_234[%add3A_230, %dma_wait3A_235] : memref<84x128xi32, #tpu.memory_space<hbm>> -> memref<2x128xi32, #tpu.memory_space<hbm>>
      %dma_wait3A_237 = arith.constant 0 : i32
      %dma_wait3A_238 = arith.constant 0 : i32
      %dma_wait3A_239 = tpu.memref_slice %arg4[%add3A, %dma_wait3A_237, %dma_wait3A_238] : memref<32x84x128xi32, #tpu.memory_space<hbm>> -> memref<1x84x128xi32, #tpu.memory_space<hbm>>
      %dma_wait3A_240 = tpu.memref_squeeze %dma_wait3A_239 : memref<1x84x128xi32, #tpu.memory_space<hbm>> -> memref<84x128xi32, #tpu.memory_space<hbm>>
      %dma_wait3A_241 = arith.constant 0 : i32
      %dma_wait3A_242 = tpu.memref_slice %dma_wait3A_240[%add3A_230, %dma_wait3A_241] : memref<84x128xi32, #tpu.memory_space<hbm>> -> memref<2x128xi32, #tpu.memory_space<hbm>>
      tpu.wait_dma2 semaphore(%arg19 : memref<!tpu.dma_semaphore, #tpu.memory_space<semaphore_mem>>) src(%dma_wait3A_242 : memref<2x128xi32, #tpu.memory_space<hbm>>) dst(%arg9 : memref<2x128xi32, #tpu.memory_space<vmem>>)
      %dma_start3A_243 = arith.constant 0 : i32
      %dma_start3A_244 = arith.constant 0 : i32
      %dma_start3A_245 = tpu.memref_slice %arg7[%dma_start3A_243, %dma_start3A_244] : memref<2x128xi32, #tpu.memory_space<vmem>> -> memref<1x128xi32, #tpu.memory_space<vmem>>
      %dma_start3A_246 = tpu.memref_squeeze %dma_start3A_245 : memref<1x128xi32, #tpu.memory_space<vmem>> -> memref<128xi32, #tpu.memory_space<vmem>>
      %dma_start3A_247 = arith.constant 0 : i32
      %dma_start3A_248 = arith.constant 0 : i32
      %dma_start3A_249 = tpu.memref_slice %arg2[%dma_start3A_247, %dma_start3A_248] : memref<10000x128xf32, #tpu.memory_space<hbm>> -> memref<10000x128xf32, #tpu.memory_space<hbm>>
      tpu.enqueue_indirect_dma source(%dma_start3A_249 : memref<10000x128xf32, #tpu.memory_space<hbm>>) target(%arg11 : memref<128x128xf32, #tpu.memory_space<vmem>>) offsets(%dma_start3A_246 : memref<128xi32, #tpu.memory_space<vmem>>) semaphore(%arg14 : memref<!tpu.dma_semaphore, #tpu.memory_space<semaphore_mem>>)
    }
    %scan3A_13 = arith.constant 20 : i32
    %dma_wait3A = arith.constant 1 : i32
    %dma_wait3A_14 = arith.constant 0 : i32
    %dma_wait3A_15 = tpu.memref_slice %arg10[%dma_wait3A, %dma_wait3A_14] : memref<2x128xi32, #tpu.memory_space<vmem>> -> memref<1x128xi32, #tpu.memory_space<vmem>>
    %dma_wait3A_16 = tpu.memref_squeeze %dma_wait3A_15 : memref<1x128xi32, #tpu.memory_space<vmem>> -> memref<128xi32, #tpu.memory_space<vmem>>
    %dma_wait3A_17 = arith.constant 0 : i32
    %dma_wait3A_18 = arith.constant 0 : i32
    %dma_wait3A_19 = tpu.memref_slice %arg13[%dma_wait3A_17, %dma_wait3A_18] : memref<10112x128xf32, #tpu.memory_space<vmem_shared>> -> memref<10112x128xf32, #tpu.memory_space<vmem_shared>>
    tpu.wait_indirect_dma semaphore(%arg17 : memref<!tpu.dma_semaphore, #tpu.memory_space<semaphore_mem>>) src(%arg12 : memref<128x128xf32, #tpu.memory_space<vmem>>) dst(%dma_wait3A_19 : memref<10112x128xf32, #tpu.memory_space<vmem_shared>>)
    %dma_wait3A_20 = arith.constant 0 : i32
    %dma_wait3A_21 = arith.constant 0 : i32
    %dma_wait3A_22 = tpu.memref_slice %arg7[%dma_wait3A_20, %dma_wait3A_21] : memref<2x128xi32, #tpu.memory_space<vmem>> -> memref<1x128xi32, #tpu.memory_space<vmem>>
    %dma_wait3A_23 = tpu.memref_squeeze %dma_wait3A_22 : memref<1x128xi32, #tpu.memory_space<vmem>> -> memref<128xi32, #tpu.memory_space<vmem>>
    %dma_wait3A_24 = arith.constant 0 : i32
    %dma_wait3A_25 = arith.constant 0 : i32
    %dma_wait3A_26 = tpu.memref_slice %arg2[%dma_wait3A_24, %dma_wait3A_25] : memref<10000x128xf32, #tpu.memory_space<hbm>> -> memref<10000x128xf32, #tpu.memory_space<hbm>>
    tpu.wait_indirect_dma semaphore(%arg14 : memref<!tpu.dma_semaphore, #tpu.memory_space<semaphore_mem>>) src(%dma_wait3A_26 : memref<10000x128xf32, #tpu.memory_space<hbm>>) dst(%arg11 : memref<128x128xf32, #tpu.memory_space<vmem>>)
    %barrier3A_27 = arith.constant 0 : index
    tpu.barrier barrier_id(%barrier3A_27)
    "tpu.region"() ({
      %run_scoped3A = tpu.sem_alloc : memref<!tpu.dma_semaphore, #tpu.memory_space<semaphore_mem>>
      %dma_start3A_28 = arith.constant 0 : i32
      %dma_start3A_29 = arith.constant 0 : i32
      %dma_start3A_30 = tpu.memref_slice %arg6[%arg0, %dma_start3A_28, %dma_start3A_29] : memref<2x10112x128xf32, #tpu.memory_space<hbm>> -> memref<1x10112x128xf32, #tpu.memory_space<hbm>>
      %dma_start3A_31 = tpu.memref_squeeze %dma_start3A_30 : memref<1x10112x128xf32, #tpu.memory_space<hbm>> -> memref<10112x128xf32, #tpu.memory_space<hbm>>
      %dma_start3A_32 = arith.constant 0 : i32
      %dma_start3A_33 = tpu.memref_slice %dma_start3A_31[%mul3A_2, %dma_start3A_32] : memref<10112x128xf32, #tpu.memory_space<hbm>> -> memref<632x128xf32, #tpu.memory_space<hbm>>
      %dma_start3A_34 = arith.constant 0 : i32
      %dma_start3A_35 = tpu.memref_slice %arg13[%mul3A_2, %dma_start3A_34] : memref<10112x128xf32, #tpu.memory_space<vmem_shared>> -> memref<632x128xf32, #tpu.memory_space<vmem_shared>>
      tpu.enqueue_dma source(%dma_start3A_35 : memref<632x128xf32, #tpu.memory_space<vmem_shared>>) target(%dma_start3A_33 : memref<632x128xf32, #tpu.memory_space<hbm>>) target_semaphore(%run_scoped3A : memref<!tpu.dma_semaphore, #tpu.memory_space<semaphore_mem>>)
      %dma_wait3A_36 = arith.constant 0 : i32
      %dma_wait3A_37 = arith.constant 0 : i32
      %dma_wait3A_38 = tpu.memref_slice %arg6[%arg0, %dma_wait3A_36, %dma_wait3A_37] : memref<2x10112x128xf32, #tpu.memory_space<hbm>> -> memref<1x10112x128xf32, #tpu.memory_space<hbm>>
      %dma_wait3A_39 = tpu.memref_squeeze %dma_wait3A_38 : memref<1x10112x128xf32, #tpu.memory_space<hbm>> -> memref<10112x128xf32, #tpu.memory_space<hbm>>
      %dma_wait3A_40 = arith.constant 0 : i32
      %dma_wait3A_41 = tpu.memref_slice %dma_wait3A_39[%mul3A_2, %dma_wait3A_40] : memref<10112x128xf32, #tpu.memory_space<hbm>> -> memref<632x128xf32, #tpu.memory_space<hbm>>
      %dma_wait3A_42 = arith.constant 0 : i32
      %dma_wait3A_43 = tpu.memref_slice %arg13[%mul3A_2, %dma_wait3A_42] : memref<10112x128xf32, #tpu.memory_space<vmem_shared>> -> memref<632x128xf32, #tpu.memory_space<vmem_shared>>
      tpu.wait_dma2 semaphore(%run_scoped3A : memref<!tpu.dma_semaphore, #tpu.memory_space<semaphore_mem>>) src(%dma_wait3A_43 : memref<632x128xf32, #tpu.memory_space<vmem_shared>>) dst(%dma_wait3A_41 : memref<632x128xf32, #tpu.memory_space<hbm>>)
      tpu.yield
    }) : () -> ()
    return
  }
}

#map = affine_map<(d0, d1) -> (0, 0)>
#map1 = affine_map<(d0, d1) -> (0, 0, 0)>
module attributes {stable_mosaic.version = 14 : i64} {
  func.func @_sc_aggregate_body(%arg0: i32, %arg1: i32, %arg2: memref<10000x128xf32, #tpu.memory_space<hbm>>, %arg3: memref<32x84x128xi32, #tpu.memory_space<hbm>>, %arg4: memref<32x84x128xi32, #tpu.memory_space<hbm>>, %arg5: memref<10112x128xf32, #tpu.memory_space<hbm>>, %arg6: memref<2x10112x128xf32, #tpu.memory_space<hbm>>, %arg7: memref<2x128xi32, #tpu.memory_space<vmem>>, %arg8: memref<2x128xi32, #tpu.memory_space<vmem>>, %arg9: memref<2x128xi32, #tpu.memory_space<vmem>>, %arg10: memref<2x128xi32, #tpu.memory_space<vmem>>, %arg11: memref<128x128xf32, #tpu.memory_space<vmem>>, %arg12: memref<128x128xf32, #tpu.memory_space<vmem>>, %arg13: memref<10112x128xf32, #tpu.memory_space<vmem_shared>>, %arg14: memref<!tpu.dma_semaphore, #tpu.memory_space<semaphore_mem>>, %arg15: memref<!tpu.dma_semaphore, #tpu.memory_space<semaphore_mem>>, %arg16: memref<!tpu.dma_semaphore, #tpu.memory_space<semaphore_mem>>, %arg17: memref<!tpu.dma_semaphore, #tpu.memory_space<semaphore_mem>>, %arg18: memref<!tpu.dma_semaphore, #tpu.memory_space<semaphore_mem>>, %arg19: memref<!tpu.dma_semaphore, #tpu.memory_space<semaphore_mem>>, %arg20: memref<!tpu.dma_semaphore, #tpu.memory_space<semaphore_mem>>, %arg21: memref<!tpu.dma_semaphore, #tpu.memory_space<semaphore_mem>>) attributes {dimension_semantics = [#tpu.dimension_semantics<core_parallel>, #tpu.dimension_semantics<subcore_parallel>], iteration_bounds = array<i64: 2, 16>, scalar_prefetch = 0 : i64, scratch_operands = 15 : i64, tpu.core_type = #tpu.core_type<sc_vector_subcore>, window_params = [{transform_indices = #map}, {transform_indices = #map1}, {transform_indices = #map1}, {transform_indices = #map}, {transform_indices = #map1}]} {
    %mul3A = arith.constant 2 : i32
    %mul3A_0 = arith.muli %arg1, %mul3A : i32
    %add3A = arith.addi %mul3A_0, %arg0 : i32
    %mul3A_1 = arith.constant 632 : i32
    %mul3A_2 = arith.muli %arg1, %mul3A_1 : i32
    "tpu.region"() ({
      %run_scoped3A = tpu.sem_alloc : memref<!tpu.dma_semaphore, #tpu.memory_space<semaphore_mem>>
      %dma_start3A_28 = arith.constant 0 : i32
      %dma_start3A_29 = tpu.memref_slice %arg13[%mul3A_2, %dma_start3A_28] : memref<10112x128xf32, #tpu.memory_space<vmem_shared>> -> memref<632x128xf32, #tpu.memory_space<vmem_shared>>
      %dma_start3A_30 = arith.constant 0 : i32
      %dma_start3A_31 = tpu.memref_slice %arg5[%mul3A_2, %dma_start3A_30] : memref<10112x128xf32, #tpu.memory_space<hbm>> -> memref<632x128xf32, #tpu.memory_space<hbm>>
      tpu.enqueue_dma source(%dma_start3A_31 : memref<632x128xf32, #tpu.memory_space<hbm>>) target(%dma_start3A_29 : memref<632x128xf32, #tpu.memory_space<vmem_shared>>) target_semaphore(%run_scoped3A : memref<!tpu.dma_semaphore, #tpu.memory_space<semaphore_mem>>)
      %dma_wait3A_32 = arith.constant 0 : i32
      %dma_wait3A_33 = tpu.memref_slice %arg13[%mul3A_2, %dma_wait3A_32] : memref<10112x128xf32, #tpu.memory_space<vmem_shared>> -> memref<632x128xf32, #tpu.memory_space<vmem_shared>>
      %dma_wait3A_34 = arith.constant 0 : i32
      %dma_wait3A_35 = tpu.memref_slice %arg5[%mul3A_2, %dma_wait3A_34] : memref<10112x128xf32, #tpu.memory_space<hbm>> -> memref<632x128xf32, #tpu.memory_space<hbm>>
      tpu.wait_dma2 semaphore(%run_scoped3A : memref<!tpu.dma_semaphore, #tpu.memory_space<semaphore_mem>>) src(%dma_wait3A_35 : memref<632x128xf32, #tpu.memory_space<hbm>>) dst(%dma_wait3A_33 : memref<632x128xf32, #tpu.memory_space<vmem_shared>>)
      tpu.yield
    }) : () -> ()
    %barrier3A = arith.constant 0 : index
    tpu.barrier barrier_id(%barrier3A)
    "tpu.region"() ({
      %run_scoped3A = tpu.sem_alloc : memref<!tpu.dma_semaphore, #tpu.memory_space<semaphore_mem>>
      %dma_start3A_28 = arith.constant 0 : i32
      %dma_start3A_29 = arith.constant 0 : i32
      %dma_start3A_30 = tpu.memref_slice %arg3[%add3A, %dma_start3A_28, %dma_start3A_29] : memref<32x84x128xi32, #tpu.memory_space<hbm>> -> memref<1x84x128xi32, #tpu.memory_space<hbm>>
      %dma_start3A_31 = tpu.memref_squeeze %dma_start3A_30 : memref<1x84x128xi32, #tpu.memory_space<hbm>> -> memref<84x128xi32, #tpu.memory_space<hbm>>
      %dma_start3A_32 = arith.constant 0 : i32
      %dma_start3A_33 = arith.constant 0 : i32
      %dma_start3A_34 = tpu.memref_slice %dma_start3A_31[%dma_start3A_32, %dma_start3A_33] : memref<84x128xi32, #tpu.memory_space<hbm>> -> memref<2x128xi32, #tpu.memory_space<hbm>>
      %dma_start3A_35 = arith.constant 0 : i32
      %dma_start3A_36 = arith.constant 0 : i32
      %dma_start3A_37 = tpu.memref_slice %arg3[%add3A, %dma_start3A_35, %dma_start3A_36] : memref<32x84x128xi32, #tpu.memory_space<hbm>> -> memref<1x84x128xi32, #tpu.memory_space<hbm>>
      %dma_start3A_38 = tpu.memref_squeeze %dma_start3A_37 : memref<1x84x128xi32, #tpu.memory_space<hbm>> -> memref<84x128xi32, #tpu.memory_space<hbm>>
      %dma_start3A_39 = arith.constant 0 : i32
      %dma_start3A_40 = arith.constant 0 : i32
      %dma_start3A_41 = tpu.memref_slice %dma_start3A_38[%dma_start3A_39, %dma_start3A_40] : memref<84x128xi32, #tpu.memory_space<hbm>> -> memref<2x128xi32, #tpu.memory_space<hbm>>
      tpu.enqueue_dma source(%dma_start3A_41 : memref<2x128xi32, #tpu.memory_space<hbm>>) target(%arg7 : memref<2x128xi32, #tpu.memory_space<vmem>>) target_semaphore(%run_scoped3A : memref<!tpu.dma_semaphore, #tpu.memory_space<semaphore_mem>>)
      %dma_wait3A_42 = arith.constant 0 : i32
      %dma_wait3A_43 = arith.constant 0 : i32
      %dma_wait3A_44 = tpu.memref_slice %arg3[%add3A, %dma_wait3A_42, %dma_wait3A_43] : memref<32x84x128xi32, #tpu.memory_space<hbm>> -> memref<1x84x128xi32, #tpu.memory_space<hbm>>
      %dma_wait3A_45 = tpu.memref_squeeze %dma_wait3A_44 : memref<1x84x128xi32, #tpu.memory_space<hbm>> -> memref<84x128xi32, #tpu.memory_space<hbm>>
      %dma_wait3A_46 = arith.constant 0 : i32
      %dma_wait3A_47 = arith.constant 0 : i32
      %dma_wait3A_48 = tpu.memref_slice %dma_wait3A_45[%dma_wait3A_46, %dma_wait3A_47] : memref<84x128xi32, #tpu.memory_space<hbm>> -> memref<2x128xi32, #tpu.memory_space<hbm>>
      %dma_wait3A_49 = arith.constant 0 : i32
      %dma_wait3A_50 = arith.constant 0 : i32
      %dma_wait3A_51 = tpu.memref_slice %arg3[%add3A, %dma_wait3A_49, %dma_wait3A_50] : memref<32x84x128xi32, #tpu.memory_space<hbm>> -> memref<1x84x128xi32, #tpu.memory_space<hbm>>
      %dma_wait3A_52 = tpu.memref_squeeze %dma_wait3A_51 : memref<1x84x128xi32, #tpu.memory_space<hbm>> -> memref<84x128xi32, #tpu.memory_space<hbm>>
      %dma_wait3A_53 = arith.constant 0 : i32
      %dma_wait3A_54 = arith.constant 0 : i32
      %dma_wait3A_55 = tpu.memref_slice %dma_wait3A_52[%dma_wait3A_53, %dma_wait3A_54] : memref<84x128xi32, #tpu.memory_space<hbm>> -> memref<2x128xi32, #tpu.memory_space<hbm>>
      tpu.wait_dma2 semaphore(%run_scoped3A : memref<!tpu.dma_semaphore, #tpu.memory_space<semaphore_mem>>) src(%dma_wait3A_55 : memref<2x128xi32, #tpu.memory_space<hbm>>) dst(%arg7 : memref<2x128xi32, #tpu.memory_space<vmem>>)
      tpu.yield
    }) : () -> ()
    "tpu.region"() ({
      %run_scoped3A = tpu.sem_alloc : memref<!tpu.dma_semaphore, #tpu.memory_space<semaphore_mem>>
      %dma_start3A_28 = arith.constant 0 : i32
      %dma_start3A_29 = arith.constant 0 : i32
      %dma_start3A_30 = tpu.memref_slice %arg4[%add3A, %dma_start3A_28, %dma_start3A_29] : memref<32x84x128xi32, #tpu.memory_space<hbm>> -> memref<1x84x128xi32, #tpu.memory_space<hbm>>
      %dma_start3A_31 = tpu.memref_squeeze %dma_start3A_30 : memref<1x84x128xi32, #tpu.memory_space<hbm>> -> memref<84x128xi32, #tpu.memory_space<hbm>>
      %dma_start3A_32 = arith.constant 0 : i32
      %dma_start3A_33 = arith.constant 0 : i32
      %dma_start3A_34 = tpu.memref_slice %dma_start3A_31[%dma_start3A_32, %dma_start3A_33] : memref<84x128xi32, #tpu.memory_space<hbm>> -> memref<2x128xi32, #tpu.memory_space<hbm>>
      %dma_start3A_35 = arith.constant 0 : i32
      %dma_start3A_36 = arith.constant 0 : i32
      %dma_start3A_37 = tpu.memref_slice %arg4[%add3A, %dma_start3A_35, %dma_start3A_36] : memref<32x84x128xi32, #tpu.memory_space<hbm>> -> memref<1x84x128xi32, #tpu.memory_space<hbm>>
      %dma_start3A_38 = tpu.memref_squeeze %dma_start3A_37 : memref<1x84x128xi32, #tpu.memory_space<hbm>> -> memref<84x128xi32, #tpu.memory_space<hbm>>
      %dma_start3A_39 = arith.constant 0 : i32
      %dma_start3A_40 = arith.constant 0 : i32
      %dma_start3A_41 = tpu.memref_slice %dma_start3A_38[%dma_start3A_39, %dma_start3A_40] : memref<84x128xi32, #tpu.memory_space<hbm>> -> memref<2x128xi32, #tpu.memory_space<hbm>>
      tpu.enqueue_dma source(%dma_start3A_41 : memref<2x128xi32, #tpu.memory_space<hbm>>) target(%arg9 : memref<2x128xi32, #tpu.memory_space<vmem>>) target_semaphore(%run_scoped3A : memref<!tpu.dma_semaphore, #tpu.memory_space<semaphore_mem>>)
      %dma_wait3A_42 = arith.constant 0 : i32
      %dma_wait3A_43 = arith.constant 0 : i32
      %dma_wait3A_44 = tpu.memref_slice %arg4[%add3A, %dma_wait3A_42, %dma_wait3A_43] : memref<32x84x128xi32, #tpu.memory_space<hbm>> -> memref<1x84x128xi32, #tpu.memory_space<hbm>>
      %dma_wait3A_45 = tpu.memref_squeeze %dma_wait3A_44 : memref<1x84x128xi32, #tpu.memory_space<hbm>> -> memref<84x128xi32, #tpu.memory_space<hbm>>
      %dma_wait3A_46 = arith.constant 0 : i32
      %dma_wait3A_47 = arith.constant 0 : i32
      %dma_wait3A_48 = tpu.memref_slice %dma_wait3A_45[%dma_wait3A_46, %dma_wait3A_47] : memref<84x128xi32, #tpu.memory_space<hbm>> -> memref<2x128xi32, #tpu.memory_space<hbm>>
      %dma_wait3A_49 = arith.constant 0 : i32
      %dma_wait3A_50 = arith.constant 0 : i32
      %dma_wait3A_51 = tpu.memref_slice %arg4[%add3A, %dma_wait3A_49, %dma_wait3A_50] : memref<32x84x128xi32, #tpu.memory_space<hbm>> -> memref<1x84x128xi32, #tpu.memory_space<hbm>>
      %dma_wait3A_52 = tpu.memref_squeeze %dma_wait3A_51 : memref<1x84x128xi32, #tpu.memory_space<hbm>> -> memref<84x128xi32, #tpu.memory_space<hbm>>
      %dma_wait3A_53 = arith.constant 0 : i32
      %dma_wait3A_54 = arith.constant 0 : i32
      %dma_wait3A_55 = tpu.memref_slice %dma_wait3A_52[%dma_wait3A_53, %dma_wait3A_54] : memref<84x128xi32, #tpu.memory_space<hbm>> -> memref<2x128xi32, #tpu.memory_space<hbm>>
      tpu.wait_dma2 semaphore(%run_scoped3A : memref<!tpu.dma_semaphore, #tpu.memory_space<semaphore_mem>>) src(%dma_wait3A_55 : memref<2x128xi32, #tpu.memory_space<hbm>>) dst(%arg9 : memref<2x128xi32, #tpu.memory_space<vmem>>)
      tpu.yield
    }) : () -> ()
    %dma_start3A = arith.constant 0 : i32
    %dma_start3A_3 = arith.constant 0 : i32
    %dma_start3A_4 = tpu.memref_slice %arg7[%dma_start3A, %dma_start3A_3] : memref<2x128xi32, #tpu.memory_space<vmem>> -> memref<1x128xi32, #tpu.memory_space<vmem>>
    %dma_start3A_5 = tpu.memref_squeeze %dma_start3A_4 : memref<1x128xi32, #tpu.memory_space<vmem>> -> memref<128xi32, #tpu.memory_space<vmem>>
    %dma_start3A_6 = arith.constant 0 : i32
    %dma_start3A_7 = arith.constant 0 : i32
    %dma_start3A_8 = tpu.memref_slice %arg2[%dma_start3A_6, %dma_start3A_7] : memref<10000x128xf32, #tpu.memory_space<hbm>> -> memref<10000x128xf32, #tpu.memory_space<hbm>>
    tpu.enqueue_indirect_dma source(%dma_start3A_8 : memref<10000x128xf32, #tpu.memory_space<hbm>>) target(%arg11 : memref<128x128xf32, #tpu.memory_space<vmem>>) offsets(%dma_start3A_5 : memref<128xi32, #tpu.memory_space<vmem>>) semaphore(%arg14 : memref<!tpu.dma_semaphore, #tpu.memory_space<semaphore_mem>>)
    %scan3A = arith.constant 0 : i32
    %scan3A_9 = arith.constant 0 : i32
    %scan3A_10 = arith.constant 20 : i32
    %scan3A_11 = arith.addi %scan3A_9, %scan3A_10 : i32
    %scan3A_12 = arith.constant 1 : i32
    scf.for %scan3A_28 = %scan3A_9 to %scan3A_11 step %scan3A_12  : i32 {
      %mul3A_29 = arith.constant 4 : i32
      %mul3A_30 = arith.muli %mul3A_29, %scan3A_28 : i32
      %dma_wait3A_31 = arith.constant 0 : i32
      %dma_wait3A_32 = arith.constant 0 : i32
      %dma_wait3A_33 = tpu.memref_slice %arg7[%dma_wait3A_31, %dma_wait3A_32] : memref<2x128xi32, #tpu.memory_space<vmem>> -> memref<1x128xi32, #tpu.memory_space<vmem>>
      %dma_wait3A_34 = tpu.memref_squeeze %dma_wait3A_33 : memref<1x128xi32, #tpu.memory_space<vmem>> -> memref<128xi32, #tpu.memory_space<vmem>>
      %dma_wait3A_35 = arith.constant 0 : i32
      %dma_wait3A_36 = arith.constant 0 : i32
      %dma_wait3A_37 = tpu.memref_slice %arg2[%dma_wait3A_35, %dma_wait3A_36] : memref<10000x128xf32, #tpu.memory_space<hbm>> -> memref<10000x128xf32, #tpu.memory_space<hbm>>
      tpu.wait_indirect_dma semaphore(%arg14 : memref<!tpu.dma_semaphore, #tpu.memory_space<semaphore_mem>>) src(%dma_wait3A_37 : memref<10000x128xf32, #tpu.memory_space<hbm>>) dst(%arg11 : memref<128x128xf32, #tpu.memory_space<vmem>>)
      %dma_start3A_38 = arith.constant 0 : i32
      %dma_start3A_39 = arith.constant 0 : i32
      %dma_start3A_40 = tpu.memref_slice %arg9[%dma_start3A_38, %dma_start3A_39] : memref<2x128xi32, #tpu.memory_space<vmem>> -> memref<1x128xi32, #tpu.memory_space<vmem>>
      %dma_start3A_41 = tpu.memref_squeeze %dma_start3A_40 : memref<1x128xi32, #tpu.memory_space<vmem>> -> memref<128xi32, #tpu.memory_space<vmem>>
      %dma_start3A_42 = arith.constant 0 : i32
      %dma_start3A_43 = arith.constant 0 : i32
      %dma_start3A_44 = tpu.memref_slice %arg13[%dma_start3A_42, %dma_start3A_43] : memref<10112x128xf32, #tpu.memory_space<vmem_shared>> -> memref<10112x128xf32, #tpu.memory_space<vmem_shared>>
      tpu.enqueue_indirect_dma source(%arg11 : memref<128x128xf32, #tpu.memory_space<vmem>>) target(%dma_start3A_44 : memref<10112x128xf32, #tpu.memory_space<vmem_shared>>) offsets(%dma_start3A_41 : memref<128xi32, #tpu.memory_space<vmem>>) semaphore(%arg16 : memref<!tpu.dma_semaphore, #tpu.memory_space<semaphore_mem>>) {add = true}
      %gt3A = arith.constant 0 : i32
      %gt3A_45 = arith.cmpi sgt, %scan3A_28, %gt3A : i32
      %convert_element_type3A = arith.extui %gt3A_45 : i1 to i32
      %cond3A = arith.constant 0 : i32
      %cond3A_46 = arith.cmpi ne, %convert_element_type3A, %cond3A : i32
      scf.if %cond3A_46 {
        %dma_wait3A_250 = arith.constant 1 : i32
        %dma_wait3A_251 = arith.constant 0 : i32
        %dma_wait3A_252 = tpu.memref_slice %arg10[%dma_wait3A_250, %dma_wait3A_251] : memref<2x128xi32, #tpu.memory_space<vmem>> -> memref<1x128xi32, #tpu.memory_space<vmem>>
        %dma_wait3A_253 = tpu.memref_squeeze %dma_wait3A_252 : memref<1x128xi32, #tpu.memory_space<vmem>> -> memref<128xi32, #tpu.memory_space<vmem>>
        %dma_wait3A_254 = arith.constant 0 : i32
        %dma_wait3A_255 = arith.constant 0 : i32
        %dma_wait3A_256 = tpu.memref_slice %arg13[%dma_wait3A_254, %dma_wait3A_255] : memref<10112x128xf32, #tpu.memory_space<vmem_shared>> -> memref<10112x128xf32, #tpu.memory_space<vmem_shared>>
        tpu.wait_indirect_dma semaphore(%arg17 : memref<!tpu.dma_semaphore, #tpu.memory_space<semaphore_mem>>) src(%arg12 : memref<128x128xf32, #tpu.memory_space<vmem>>) dst(%dma_wait3A_256 : memref<10112x128xf32, #tpu.memory_space<vmem_shared>>)
      } else {
      }
      %add3A_47 = arith.constant 2 : i32
      %add3A_48 = arith.addi %mul3A_30, %add3A_47 : i32
      %dma_start3A_49 = arith.constant 0 : i32
      %dma_start3A_50 = arith.constant 0 : i32
      %dma_start3A_51 = tpu.memref_slice %arg3[%add3A, %dma_start3A_49, %dma_start3A_50] : memref<32x84x128xi32, #tpu.memory_space<hbm>> -> memref<1x84x128xi32, #tpu.memory_space<hbm>>
      %dma_start3A_52 = tpu.memref_squeeze %dma_start3A_51 : memref<1x84x128xi32, #tpu.memory_space<hbm>> -> memref<84x128xi32, #tpu.memory_space<hbm>>
      %dma_start3A_53 = arith.constant 0 : i32
      %dma_start3A_54 = tpu.memref_slice %dma_start3A_52[%add3A_48, %dma_start3A_53] : memref<84x128xi32, #tpu.memory_space<hbm>> -> memref<2x128xi32, #tpu.memory_space<hbm>>
      %dma_start3A_55 = arith.constant 0 : i32
      %dma_start3A_56 = arith.constant 0 : i32
      %dma_start3A_57 = tpu.memref_slice %arg3[%add3A, %dma_start3A_55, %dma_start3A_56] : memref<32x84x128xi32, #tpu.memory_space<hbm>> -> memref<1x84x128xi32, #tpu.memory_space<hbm>>
      %dma_start3A_58 = tpu.memref_squeeze %dma_start3A_57 : memref<1x84x128xi32, #tpu.memory_space<hbm>> -> memref<84x128xi32, #tpu.memory_space<hbm>>
      %dma_start3A_59 = arith.constant 0 : i32
      %dma_start3A_60 = tpu.memref_slice %dma_start3A_58[%add3A_48, %dma_start3A_59] : memref<84x128xi32, #tpu.memory_space<hbm>> -> memref<2x128xi32, #tpu.memory_space<hbm>>
      tpu.enqueue_dma source(%dma_start3A_60 : memref<2x128xi32, #tpu.memory_space<hbm>>) target(%arg8 : memref<2x128xi32, #tpu.memory_space<vmem>>) target_semaphore(%arg20 : memref<!tpu.dma_semaphore, #tpu.memory_space<semaphore_mem>>)
      %add3A_61 = arith.constant 2 : i32
      %add3A_62 = arith.addi %mul3A_30, %add3A_61 : i32
      %dma_start3A_63 = arith.constant 0 : i32
      %dma_start3A_64 = arith.constant 0 : i32
      %dma_start3A_65 = tpu.memref_slice %arg4[%add3A, %dma_start3A_63, %dma_start3A_64] : memref<32x84x128xi32, #tpu.memory_space<hbm>> -> memref<1x84x128xi32, #tpu.memory_space<hbm>>
      %dma_start3A_66 = tpu.memref_squeeze %dma_start3A_65 : memref<1x84x128xi32, #tpu.memory_space<hbm>> -> memref<84x128xi32, #tpu.memory_space<hbm>>
      %dma_start3A_67 = arith.constant 0 : i32
      %dma_start3A_68 = tpu.memref_slice %dma_start3A_66[%add3A_62, %dma_start3A_67] : memref<84x128xi32, #tpu.memory_space<hbm>> -> memref<2x128xi32, #tpu.memory_space<hbm>>
      %dma_start3A_69 = arith.constant 0 : i32
      %dma_start3A_70 = arith.constant 0 : i32
      %dma_start3A_71 = tpu.memref_slice %arg4[%add3A, %dma_start3A_69, %dma_start3A_70] : memref<32x84x128xi32, #tpu.memory_space<hbm>> -> memref<1x84x128xi32, #tpu.memory_space<hbm>>
      %dma_start3A_72 = tpu.memref_squeeze %dma_start3A_71 : memref<1x84x128xi32, #tpu.memory_space<hbm>> -> memref<84x128xi32, #tpu.memory_space<hbm>>
      %dma_start3A_73 = arith.constant 0 : i32
      %dma_start3A_74 = tpu.memref_slice %dma_start3A_72[%add3A_62, %dma_start3A_73] : memref<84x128xi32, #tpu.memory_space<hbm>> -> memref<2x128xi32, #tpu.memory_space<hbm>>
      tpu.enqueue_dma source(%dma_start3A_74 : memref<2x128xi32, #tpu.memory_space<hbm>>) target(%arg10 : memref<2x128xi32, #tpu.memory_space<vmem>>) target_semaphore(%arg21 : memref<!tpu.dma_semaphore, #tpu.memory_space<semaphore_mem>>)
      %dma_start3A_75 = arith.constant 1 : i32
      %dma_start3A_76 = arith.constant 0 : i32
      %dma_start3A_77 = tpu.memref_slice %arg7[%dma_start3A_75, %dma_start3A_76] : memref<2x128xi32, #tpu.memory_space<vmem>> -> memref<1x128xi32, #tpu.memory_space<vmem>>
      %dma_start3A_78 = tpu.memref_squeeze %dma_start3A_77 : memref<1x128xi32, #tpu.memory_space<vmem>> -> memref<128xi32, #tpu.memory_space<vmem>>
      %dma_start3A_79 = arith.constant 0 : i32
      %dma_start3A_80 = arith.constant 0 : i32
      %dma_start3A_81 = tpu.memref_slice %arg2[%dma_start3A_79, %dma_start3A_80] : memref<10000x128xf32, #tpu.memory_space<hbm>> -> memref<10000x128xf32, #tpu.memory_space<hbm>>
      tpu.enqueue_indirect_dma source(%dma_start3A_81 : memref<10000x128xf32, #tpu.memory_space<hbm>>) target(%arg12 : memref<128x128xf32, #tpu.memory_space<vmem>>) offsets(%dma_start3A_78 : memref<128xi32, #tpu.memory_space<vmem>>) semaphore(%arg15 : memref<!tpu.dma_semaphore, #tpu.memory_space<semaphore_mem>>)
      %dma_wait3A_82 = arith.constant 1 : i32
      %dma_wait3A_83 = arith.constant 0 : i32
      %dma_wait3A_84 = tpu.memref_slice %arg7[%dma_wait3A_82, %dma_wait3A_83] : memref<2x128xi32, #tpu.memory_space<vmem>> -> memref<1x128xi32, #tpu.memory_space<vmem>>
      %dma_wait3A_85 = tpu.memref_squeeze %dma_wait3A_84 : memref<1x128xi32, #tpu.memory_space<vmem>> -> memref<128xi32, #tpu.memory_space<vmem>>
      %dma_wait3A_86 = arith.constant 0 : i32
      %dma_wait3A_87 = arith.constant 0 : i32
      %dma_wait3A_88 = tpu.memref_slice %arg2[%dma_wait3A_86, %dma_wait3A_87] : memref<10000x128xf32, #tpu.memory_space<hbm>> -> memref<10000x128xf32, #tpu.memory_space<hbm>>
      tpu.wait_indirect_dma semaphore(%arg15 : memref<!tpu.dma_semaphore, #tpu.memory_space<semaphore_mem>>) src(%dma_wait3A_88 : memref<10000x128xf32, #tpu.memory_space<hbm>>) dst(%arg12 : memref<128x128xf32, #tpu.memory_space<vmem>>)
      %dma_start3A_89 = arith.constant 1 : i32
      %dma_start3A_90 = arith.constant 0 : i32
      %dma_start3A_91 = tpu.memref_slice %arg9[%dma_start3A_89, %dma_start3A_90] : memref<2x128xi32, #tpu.memory_space<vmem>> -> memref<1x128xi32, #tpu.memory_space<vmem>>
      %dma_start3A_92 = tpu.memref_squeeze %dma_start3A_91 : memref<1x128xi32, #tpu.memory_space<vmem>> -> memref<128xi32, #tpu.memory_space<vmem>>
      %dma_start3A_93 = arith.constant 0 : i32
      %dma_start3A_94 = arith.constant 0 : i32
      %dma_start3A_95 = tpu.memref_slice %arg13[%dma_start3A_93, %dma_start3A_94] : memref<10112x128xf32, #tpu.memory_space<vmem_shared>> -> memref<10112x128xf32, #tpu.memory_space<vmem_shared>>
      tpu.enqueue_indirect_dma source(%arg12 : memref<128x128xf32, #tpu.memory_space<vmem>>) target(%dma_start3A_95 : memref<10112x128xf32, #tpu.memory_space<vmem_shared>>) offsets(%dma_start3A_92 : memref<128xi32, #tpu.memory_space<vmem>>) semaphore(%arg17 : memref<!tpu.dma_semaphore, #tpu.memory_space<semaphore_mem>>) {add = true}
      %dma_wait3A_96 = arith.constant 0 : i32
      %dma_wait3A_97 = arith.constant 0 : i32
      %dma_wait3A_98 = tpu.memref_slice %arg9[%dma_wait3A_96, %dma_wait3A_97] : memref<2x128xi32, #tpu.memory_space<vmem>> -> memref<1x128xi32, #tpu.memory_space<vmem>>
      %dma_wait3A_99 = tpu.memref_squeeze %dma_wait3A_98 : memref<1x128xi32, #tpu.memory_space<vmem>> -> memref<128xi32, #tpu.memory_space<vmem>>
      %dma_wait3A_100 = arith.constant 0 : i32
      %dma_wait3A_101 = arith.constant 0 : i32
      %dma_wait3A_102 = tpu.memref_slice %arg13[%dma_wait3A_100, %dma_wait3A_101] : memref<10112x128xf32, #tpu.memory_space<vmem_shared>> -> memref<10112x128xf32, #tpu.memory_space<vmem_shared>>
      tpu.wait_indirect_dma semaphore(%arg16 : memref<!tpu.dma_semaphore, #tpu.memory_space<semaphore_mem>>) src(%arg11 : memref<128x128xf32, #tpu.memory_space<vmem>>) dst(%dma_wait3A_102 : memref<10112x128xf32, #tpu.memory_space<vmem_shared>>)
      %add3A_103 = arith.constant 2 : i32
      %add3A_104 = arith.addi %mul3A_30, %add3A_103 : i32
      %dma_wait3A_105 = arith.constant 0 : i32
      %dma_wait3A_106 = arith.constant 0 : i32
      %dma_wait3A_107 = tpu.memref_slice %arg3[%add3A, %dma_wait3A_105, %dma_wait3A_106] : memref<32x84x128xi32, #tpu.memory_space<hbm>> -> memref<1x84x128xi32, #tpu.memory_space<hbm>>
      %dma_wait3A_108 = tpu.memref_squeeze %dma_wait3A_107 : memref<1x84x128xi32, #tpu.memory_space<hbm>> -> memref<84x128xi32, #tpu.memory_space<hbm>>
      %dma_wait3A_109 = arith.constant 0 : i32
      %dma_wait3A_110 = tpu.memref_slice %dma_wait3A_108[%add3A_104, %dma_wait3A_109] : memref<84x128xi32, #tpu.memory_space<hbm>> -> memref<2x128xi32, #tpu.memory_space<hbm>>
      %dma_wait3A_111 = arith.constant 0 : i32
      %dma_wait3A_112 = arith.constant 0 : i32
      %dma_wait3A_113 = tpu.memref_slice %arg3[%add3A, %dma_wait3A_111, %dma_wait3A_112] : memref<32x84x128xi32, #tpu.memory_space<hbm>> -> memref<1x84x128xi32, #tpu.memory_space<hbm>>
      %dma_wait3A_114 = tpu.memref_squeeze %dma_wait3A_113 : memref<1x84x128xi32, #tpu.memory_space<hbm>> -> memref<84x128xi32, #tpu.memory_space<hbm>>
      %dma_wait3A_115 = arith.constant 0 : i32
      %dma_wait3A_116 = tpu.memref_slice %dma_wait3A_114[%add3A_104, %dma_wait3A_115] : memref<84x128xi32, #tpu.memory_space<hbm>> -> memref<2x128xi32, #tpu.memory_space<hbm>>
      tpu.wait_dma2 semaphore(%arg20 : memref<!tpu.dma_semaphore, #tpu.memory_space<semaphore_mem>>) src(%dma_wait3A_116 : memref<2x128xi32, #tpu.memory_space<hbm>>) dst(%arg8 : memref<2x128xi32, #tpu.memory_space<vmem>>)
      %add3A_117 = arith.constant 2 : i32
      %add3A_118 = arith.addi %mul3A_30, %add3A_117 : i32
      %dma_wait3A_119 = arith.constant 0 : i32
      %dma_wait3A_120 = arith.constant 0 : i32
      %dma_wait3A_121 = tpu.memref_slice %arg4[%add3A, %dma_wait3A_119, %dma_wait3A_120] : memref<32x84x128xi32, #tpu.memory_space<hbm>> -> memref<1x84x128xi32, #tpu.memory_space<hbm>>
      %dma_wait3A_122 = tpu.memref_squeeze %dma_wait3A_121 : memref<1x84x128xi32, #tpu.memory_space<hbm>> -> memref<84x128xi32, #tpu.memory_space<hbm>>
      %dma_wait3A_123 = arith.constant 0 : i32
      %dma_wait3A_124 = tpu.memref_slice %dma_wait3A_122[%add3A_118, %dma_wait3A_123] : memref<84x128xi32, #tpu.memory_space<hbm>> -> memref<2x128xi32, #tpu.memory_space<hbm>>
      %dma_wait3A_125 = arith.constant 0 : i32
      %dma_wait3A_126 = arith.constant 0 : i32
      %dma_wait3A_127 = tpu.memref_slice %arg4[%add3A, %dma_wait3A_125, %dma_wait3A_126] : memref<32x84x128xi32, #tpu.memory_space<hbm>> -> memref<1x84x128xi32, #tpu.memory_space<hbm>>
      %dma_wait3A_128 = tpu.memref_squeeze %dma_wait3A_127 : memref<1x84x128xi32, #tpu.memory_space<hbm>> -> memref<84x128xi32, #tpu.memory_space<hbm>>
      %dma_wait3A_129 = arith.constant 0 : i32
      %dma_wait3A_130 = tpu.memref_slice %dma_wait3A_128[%add3A_118, %dma_wait3A_129] : memref<84x128xi32, #tpu.memory_space<hbm>> -> memref<2x128xi32, #tpu.memory_space<hbm>>
      tpu.wait_dma2 semaphore(%arg21 : memref<!tpu.dma_semaphore, #tpu.memory_space<semaphore_mem>>) src(%dma_wait3A_130 : memref<2x128xi32, #tpu.memory_space<hbm>>) dst(%arg10 : memref<2x128xi32, #tpu.memory_space<vmem>>)
      %dma_start3A_131 = arith.constant 0 : i32
      %dma_start3A_132 = arith.constant 0 : i32
      %dma_start3A_133 = tpu.memref_slice %arg8[%dma_start3A_131, %dma_start3A_132] : memref<2x128xi32, #tpu.memory_space<vmem>> -> memref<1x128xi32, #tpu.memory_space<vmem>>
      %dma_start3A_134 = tpu.memref_squeeze %dma_start3A_133 : memref<1x128xi32, #tpu.memory_space<vmem>> -> memref<128xi32, #tpu.memory_space<vmem>>
      %dma_start3A_135 = arith.constant 0 : i32
      %dma_start3A_136 = arith.constant 0 : i32
      %dma_start3A_137 = tpu.memref_slice %arg2[%dma_start3A_135, %dma_start3A_136] : memref<10000x128xf32, #tpu.memory_space<hbm>> -> memref<10000x128xf32, #tpu.memory_space<hbm>>
      tpu.enqueue_indirect_dma source(%dma_start3A_137 : memref<10000x128xf32, #tpu.memory_space<hbm>>) target(%arg11 : memref<128x128xf32, #tpu.memory_space<vmem>>) offsets(%dma_start3A_134 : memref<128xi32, #tpu.memory_space<vmem>>) semaphore(%arg14 : memref<!tpu.dma_semaphore, #tpu.memory_space<semaphore_mem>>)
      %dma_wait3A_138 = arith.constant 0 : i32
      %dma_wait3A_139 = arith.constant 0 : i32
      %dma_wait3A_140 = tpu.memref_slice %arg8[%dma_wait3A_138, %dma_wait3A_139] : memref<2x128xi32, #tpu.memory_space<vmem>> -> memref<1x128xi32, #tpu.memory_space<vmem>>
      %dma_wait3A_141 = tpu.memref_squeeze %dma_wait3A_140 : memref<1x128xi32, #tpu.memory_space<vmem>> -> memref<128xi32, #tpu.memory_space<vmem>>
      %dma_wait3A_142 = arith.constant 0 : i32
      %dma_wait3A_143 = arith.constant 0 : i32
      %dma_wait3A_144 = tpu.memref_slice %arg2[%dma_wait3A_142, %dma_wait3A_143] : memref<10000x128xf32, #tpu.memory_space<hbm>> -> memref<10000x128xf32, #tpu.memory_space<hbm>>
      tpu.wait_indirect_dma semaphore(%arg14 : memref<!tpu.dma_semaphore, #tpu.memory_space<semaphore_mem>>) src(%dma_wait3A_144 : memref<10000x128xf32, #tpu.memory_space<hbm>>) dst(%arg11 : memref<128x128xf32, #tpu.memory_space<vmem>>)
      %dma_start3A_145 = arith.constant 0 : i32
      %dma_start3A_146 = arith.constant 0 : i32
      %dma_start3A_147 = tpu.memref_slice %arg10[%dma_start3A_145, %dma_start3A_146] : memref<2x128xi32, #tpu.memory_space<vmem>> -> memref<1x128xi32, #tpu.memory_space<vmem>>
      %dma_start3A_148 = tpu.memref_squeeze %dma_start3A_147 : memref<1x128xi32, #tpu.memory_space<vmem>> -> memref<128xi32, #tpu.memory_space<vmem>>
      %dma_start3A_149 = arith.constant 0 : i32
      %dma_start3A_150 = arith.constant 0 : i32
      %dma_start3A_151 = tpu.memref_slice %arg13[%dma_start3A_149, %dma_start3A_150] : memref<10112x128xf32, #tpu.memory_space<vmem_shared>> -> memref<10112x128xf32, #tpu.memory_space<vmem_shared>>
      tpu.enqueue_indirect_dma source(%arg11 : memref<128x128xf32, #tpu.memory_space<vmem>>) target(%dma_start3A_151 : memref<10112x128xf32, #tpu.memory_space<vmem_shared>>) offsets(%dma_start3A_148 : memref<128xi32, #tpu.memory_space<vmem>>) semaphore(%arg16 : memref<!tpu.dma_semaphore, #tpu.memory_space<semaphore_mem>>) {add = true}
      %dma_wait3A_152 = arith.constant 1 : i32
      %dma_wait3A_153 = arith.constant 0 : i32
      %dma_wait3A_154 = tpu.memref_slice %arg9[%dma_wait3A_152, %dma_wait3A_153] : memref<2x128xi32, #tpu.memory_space<vmem>> -> memref<1x128xi32, #tpu.memory_space<vmem>>
      %dma_wait3A_155 = tpu.memref_squeeze %dma_wait3A_154 : memref<1x128xi32, #tpu.memory_space<vmem>> -> memref<128xi32, #tpu.memory_space<vmem>>
      %dma_wait3A_156 = arith.constant 0 : i32
      %dma_wait3A_157 = arith.constant 0 : i32
      %dma_wait3A_158 = tpu.memref_slice %arg13[%dma_wait3A_156, %dma_wait3A_157] : memref<10112x128xf32, #tpu.memory_space<vmem_shared>> -> memref<10112x128xf32, #tpu.memory_space<vmem_shared>>
      tpu.wait_indirect_dma semaphore(%arg17 : memref<!tpu.dma_semaphore, #tpu.memory_space<semaphore_mem>>) src(%arg12 : memref<128x128xf32, #tpu.memory_space<vmem>>) dst(%dma_wait3A_158 : memref<10112x128xf32, #tpu.memory_space<vmem_shared>>)
      %add3A_159 = arith.constant 4 : i32
      %add3A_160 = arith.addi %mul3A_30, %add3A_159 : i32
      %dma_start3A_161 = arith.constant 0 : i32
      %dma_start3A_162 = arith.constant 0 : i32
      %dma_start3A_163 = tpu.memref_slice %arg3[%add3A, %dma_start3A_161, %dma_start3A_162] : memref<32x84x128xi32, #tpu.memory_space<hbm>> -> memref<1x84x128xi32, #tpu.memory_space<hbm>>
      %dma_start3A_164 = tpu.memref_squeeze %dma_start3A_163 : memref<1x84x128xi32, #tpu.memory_space<hbm>> -> memref<84x128xi32, #tpu.memory_space<hbm>>
      %dma_start3A_165 = arith.constant 0 : i32
      %dma_start3A_166 = tpu.memref_slice %dma_start3A_164[%add3A_160, %dma_start3A_165] : memref<84x128xi32, #tpu.memory_space<hbm>> -> memref<2x128xi32, #tpu.memory_space<hbm>>
      %dma_start3A_167 = arith.constant 0 : i32
      %dma_start3A_168 = arith.constant 0 : i32
      %dma_start3A_169 = tpu.memref_slice %arg3[%add3A, %dma_start3A_167, %dma_start3A_168] : memref<32x84x128xi32, #tpu.memory_space<hbm>> -> memref<1x84x128xi32, #tpu.memory_space<hbm>>
      %dma_start3A_170 = tpu.memref_squeeze %dma_start3A_169 : memref<1x84x128xi32, #tpu.memory_space<hbm>> -> memref<84x128xi32, #tpu.memory_space<hbm>>
      %dma_start3A_171 = arith.constant 0 : i32
      %dma_start3A_172 = tpu.memref_slice %dma_start3A_170[%add3A_160, %dma_start3A_171] : memref<84x128xi32, #tpu.memory_space<hbm>> -> memref<2x128xi32, #tpu.memory_space<hbm>>
      tpu.enqueue_dma source(%dma_start3A_172 : memref<2x128xi32, #tpu.memory_space<hbm>>) target(%arg7 : memref<2x128xi32, #tpu.memory_space<vmem>>) target_semaphore(%arg18 : memref<!tpu.dma_semaphore, #tpu.memory_space<semaphore_mem>>)
      %add3A_173 = arith.constant 4 : i32
      %add3A_174 = arith.addi %mul3A_30, %add3A_173 : i32
      %dma_start3A_175 = arith.constant 0 : i32
      %dma_start3A_176 = arith.constant 0 : i32
      %dma_start3A_177 = tpu.memref_slice %arg4[%add3A, %dma_start3A_175, %dma_start3A_176] : memref<32x84x128xi32, #tpu.memory_space<hbm>> -> memref<1x84x128xi32, #tpu.memory_space<hbm>>
      %dma_start3A_178 = tpu.memref_squeeze %dma_start3A_177 : memref<1x84x128xi32, #tpu.memory_space<hbm>> -> memref<84x128xi32, #tpu.memory_space<hbm>>
      %dma_start3A_179 = arith.constant 0 : i32
      %dma_start3A_180 = tpu.memref_slice %dma_start3A_178[%add3A_174, %dma_start3A_179] : memref<84x128xi32, #tpu.memory_space<hbm>> -> memref<2x128xi32, #tpu.memory_space<hbm>>
      %dma_start3A_181 = arith.constant 0 : i32
      %dma_start3A_182 = arith.constant 0 : i32
      %dma_start3A_183 = tpu.memref_slice %arg4[%add3A, %dma_start3A_181, %dma_start3A_182] : memref<32x84x128xi32, #tpu.memory_space<hbm>> -> memref<1x84x128xi32, #tpu.memory_space<hbm>>
      %dma_start3A_184 = tpu.memref_squeeze %dma_start3A_183 : memref<1x84x128xi32, #tpu.memory_space<hbm>> -> memref<84x128xi32, #tpu.memory_space<hbm>>
      %dma_start3A_185 = arith.constant 0 : i32
      %dma_start3A_186 = tpu.memref_slice %dma_start3A_184[%add3A_174, %dma_start3A_185] : memref<84x128xi32, #tpu.memory_space<hbm>> -> memref<2x128xi32, #tpu.memory_space<hbm>>
      tpu.enqueue_dma source(%dma_start3A_186 : memref<2x128xi32, #tpu.memory_space<hbm>>) target(%arg9 : memref<2x128xi32, #tpu.memory_space<vmem>>) target_semaphore(%arg19 : memref<!tpu.dma_semaphore, #tpu.memory_space<semaphore_mem>>)
      %dma_start3A_187 = arith.constant 1 : i32
      %dma_start3A_188 = arith.constant 0 : i32
      %dma_start3A_189 = tpu.memref_slice %arg8[%dma_start3A_187, %dma_start3A_188] : memref<2x128xi32, #tpu.memory_space<vmem>> -> memref<1x128xi32, #tpu.memory_space<vmem>>
      %dma_start3A_190 = tpu.memref_squeeze %dma_start3A_189 : memref<1x128xi32, #tpu.memory_space<vmem>> -> memref<128xi32, #tpu.memory_space<vmem>>
      %dma_start3A_191 = arith.constant 0 : i32
      %dma_start3A_192 = arith.constant 0 : i32
      %dma_start3A_193 = tpu.memref_slice %arg2[%dma_start3A_191, %dma_start3A_192] : memref<10000x128xf32, #tpu.memory_space<hbm>> -> memref<10000x128xf32, #tpu.memory_space<hbm>>
      tpu.enqueue_indirect_dma source(%dma_start3A_193 : memref<10000x128xf32, #tpu.memory_space<hbm>>) target(%arg12 : memref<128x128xf32, #tpu.memory_space<vmem>>) offsets(%dma_start3A_190 : memref<128xi32, #tpu.memory_space<vmem>>) semaphore(%arg15 : memref<!tpu.dma_semaphore, #tpu.memory_space<semaphore_mem>>)
      %dma_wait3A_194 = arith.constant 1 : i32
      %dma_wait3A_195 = arith.constant 0 : i32
      %dma_wait3A_196 = tpu.memref_slice %arg8[%dma_wait3A_194, %dma_wait3A_195] : memref<2x128xi32, #tpu.memory_space<vmem>> -> memref<1x128xi32, #tpu.memory_space<vmem>>
      %dma_wait3A_197 = tpu.memref_squeeze %dma_wait3A_196 : memref<1x128xi32, #tpu.memory_space<vmem>> -> memref<128xi32, #tpu.memory_space<vmem>>
      %dma_wait3A_198 = arith.constant 0 : i32
      %dma_wait3A_199 = arith.constant 0 : i32
      %dma_wait3A_200 = tpu.memref_slice %arg2[%dma_wait3A_198, %dma_wait3A_199] : memref<10000x128xf32, #tpu.memory_space<hbm>> -> memref<10000x128xf32, #tpu.memory_space<hbm>>
      tpu.wait_indirect_dma semaphore(%arg15 : memref<!tpu.dma_semaphore, #tpu.memory_space<semaphore_mem>>) src(%dma_wait3A_200 : memref<10000x128xf32, #tpu.memory_space<hbm>>) dst(%arg12 : memref<128x128xf32, #tpu.memory_space<vmem>>)
      %dma_start3A_201 = arith.constant 1 : i32
      %dma_start3A_202 = arith.constant 0 : i32
      %dma_start3A_203 = tpu.memref_slice %arg10[%dma_start3A_201, %dma_start3A_202] : memref<2x128xi32, #tpu.memory_space<vmem>> -> memref<1x128xi32, #tpu.memory_space<vmem>>
      %dma_start3A_204 = tpu.memref_squeeze %dma_start3A_203 : memref<1x128xi32, #tpu.memory_space<vmem>> -> memref<128xi32, #tpu.memory_space<vmem>>
      %dma_start3A_205 = arith.constant 0 : i32
      %dma_start3A_206 = arith.constant 0 : i32
      %dma_start3A_207 = tpu.memref_slice %arg13[%dma_start3A_205, %dma_start3A_206] : memref<10112x128xf32, #tpu.memory_space<vmem_shared>> -> memref<10112x128xf32, #tpu.memory_space<vmem_shared>>
      tpu.enqueue_indirect_dma source(%arg12 : memref<128x128xf32, #tpu.memory_space<vmem>>) target(%dma_start3A_207 : memref<10112x128xf32, #tpu.memory_space<vmem_shared>>) offsets(%dma_start3A_204 : memref<128xi32, #tpu.memory_space<vmem>>) semaphore(%arg17 : memref<!tpu.dma_semaphore, #tpu.memory_space<semaphore_mem>>) {add = true}
      %dma_wait3A_208 = arith.constant 0 : i32
      %dma_wait3A_209 = arith.constant 0 : i32
      %dma_wait3A_210 = tpu.memref_slice %arg10[%dma_wait3A_208, %dma_wait3A_209] : memref<2x128xi32, #tpu.memory_space<vmem>> -> memref<1x128xi32, #tpu.memory_space<vmem>>
      %dma_wait3A_211 = tpu.memref_squeeze %dma_wait3A_210 : memref<1x128xi32, #tpu.memory_space<vmem>> -> memref<128xi32, #tpu.memory_space<vmem>>
      %dma_wait3A_212 = arith.constant 0 : i32
      %dma_wait3A_213 = arith.constant 0 : i32
      %dma_wait3A_214 = tpu.memref_slice %arg13[%dma_wait3A_212, %dma_wait3A_213] : memref<10112x128xf32, #tpu.memory_space<vmem_shared>> -> memref<10112x128xf32, #tpu.memory_space<vmem_shared>>
      tpu.wait_indirect_dma semaphore(%arg16 : memref<!tpu.dma_semaphore, #tpu.memory_space<semaphore_mem>>) src(%arg11 : memref<128x128xf32, #tpu.memory_space<vmem>>) dst(%dma_wait3A_214 : memref<10112x128xf32, #tpu.memory_space<vmem_shared>>)
      %add3A_215 = arith.constant 4 : i32
      %add3A_216 = arith.addi %mul3A_30, %add3A_215 : i32
      %dma_wait3A_217 = arith.constant 0 : i32
      %dma_wait3A_218 = arith.constant 0 : i32
      %dma_wait3A_219 = tpu.memref_slice %arg3[%add3A, %dma_wait3A_217, %dma_wait3A_218] : memref<32x84x128xi32, #tpu.memory_space<hbm>> -> memref<1x84x128xi32, #tpu.memory_space<hbm>>
      %dma_wait3A_220 = tpu.memref_squeeze %dma_wait3A_219 : memref<1x84x128xi32, #tpu.memory_space<hbm>> -> memref<84x128xi32, #tpu.memory_space<hbm>>
      %dma_wait3A_221 = arith.constant 0 : i32
      %dma_wait3A_222 = tpu.memref_slice %dma_wait3A_220[%add3A_216, %dma_wait3A_221] : memref<84x128xi32, #tpu.memory_space<hbm>> -> memref<2x128xi32, #tpu.memory_space<hbm>>
      %dma_wait3A_223 = arith.constant 0 : i32
      %dma_wait3A_224 = arith.constant 0 : i32
      %dma_wait3A_225 = tpu.memref_slice %arg3[%add3A, %dma_wait3A_223, %dma_wait3A_224] : memref<32x84x128xi32, #tpu.memory_space<hbm>> -> memref<1x84x128xi32, #tpu.memory_space<hbm>>
      %dma_wait3A_226 = tpu.memref_squeeze %dma_wait3A_225 : memref<1x84x128xi32, #tpu.memory_space<hbm>> -> memref<84x128xi32, #tpu.memory_space<hbm>>
      %dma_wait3A_227 = arith.constant 0 : i32
      %dma_wait3A_228 = tpu.memref_slice %dma_wait3A_226[%add3A_216, %dma_wait3A_227] : memref<84x128xi32, #tpu.memory_space<hbm>> -> memref<2x128xi32, #tpu.memory_space<hbm>>
      tpu.wait_dma2 semaphore(%arg18 : memref<!tpu.dma_semaphore, #tpu.memory_space<semaphore_mem>>) src(%dma_wait3A_228 : memref<2x128xi32, #tpu.memory_space<hbm>>) dst(%arg7 : memref<2x128xi32, #tpu.memory_space<vmem>>)
      %add3A_229 = arith.constant 4 : i32
      %add3A_230 = arith.addi %mul3A_30, %add3A_229 : i32
      %dma_wait3A_231 = arith.constant 0 : i32
      %dma_wait3A_232 = arith.constant 0 : i32
      %dma_wait3A_233 = tpu.memref_slice %arg4[%add3A, %dma_wait3A_231, %dma_wait3A_232] : memref<32x84x128xi32, #tpu.memory_space<hbm>> -> memref<1x84x128xi32, #tpu.memory_space<hbm>>
      %dma_wait3A_234 = tpu.memref_squeeze %dma_wait3A_233 : memref<1x84x128xi32, #tpu.memory_space<hbm>> -> memref<84x128xi32, #tpu.memory_space<hbm>>
      %dma_wait3A_235 = arith.constant 0 : i32
      %dma_wait3A_236 = tpu.memref_slice %dma_wait3A_234[%add3A_230, %dma_wait3A_235] : memref<84x128xi32, #tpu.memory_space<hbm>> -> memref<2x128xi32, #tpu.memory_space<hbm>>
      %dma_wait3A_237 = arith.constant 0 : i32
      %dma_wait3A_238 = arith.constant 0 : i32
      %dma_wait3A_239 = tpu.memref_slice %arg4[%add3A, %dma_wait3A_237, %dma_wait3A_238] : memref<32x84x128xi32, #tpu.memory_space<hbm>> -> memref<1x84x128xi32, #tpu.memory_space<hbm>>
      %dma_wait3A_240 = tpu.memref_squeeze %dma_wait3A_239 : memref<1x84x128xi32, #tpu.memory_space<hbm>> -> memref<84x128xi32, #tpu.memory_space<hbm>>
      %dma_wait3A_241 = arith.constant 0 : i32
      %dma_wait3A_242 = tpu.memref_slice %dma_wait3A_240[%add3A_230, %dma_wait3A_241] : memref<84x128xi32, #tpu.memory_space<hbm>> -> memref<2x128xi32, #tpu.memory_space<hbm>>
      tpu.wait_dma2 semaphore(%arg19 : memref<!tpu.dma_semaphore, #tpu.memory_space<semaphore_mem>>) src(%dma_wait3A_242 : memref<2x128xi32, #tpu.memory_space<hbm>>) dst(%arg9 : memref<2x128xi32, #tpu.memory_space<vmem>>)
      %dma_start3A_243 = arith.constant 0 : i32
      %dma_start3A_244 = arith.constant 0 : i32
      %dma_start3A_245 = tpu.memref_slice %arg7[%dma_start3A_243, %dma_start3A_244] : memref<2x128xi32, #tpu.memory_space<vmem>> -> memref<1x128xi32, #tpu.memory_space<vmem>>
      %dma_start3A_246 = tpu.memref_squeeze %dma_start3A_245 : memref<1x128xi32, #tpu.memory_space<vmem>> -> memref<128xi32, #tpu.memory_space<vmem>>
      %dma_start3A_247 = arith.constant 0 : i32
      %dma_start3A_248 = arith.constant 0 : i32
      %dma_start3A_249 = tpu.memref_slice %arg2[%dma_start3A_247, %dma_start3A_248] : memref<10000x128xf32, #tpu.memory_space<hbm>> -> memref<10000x128xf32, #tpu.memory_space<hbm>>
      tpu.enqueue_indirect_dma source(%dma_start3A_249 : memref<10000x128xf32, #tpu.memory_space<hbm>>) target(%arg11 : memref<128x128xf32, #tpu.memory_space<vmem>>) offsets(%dma_start3A_246 : memref<128xi32, #tpu.memory_space<vmem>>) semaphore(%arg14 : memref<!tpu.dma_semaphore, #tpu.memory_space<semaphore_mem>>)
    }
    %scan3A_13 = arith.constant 20 : i32
    %dma_wait3A = arith.constant 1 : i32
    %dma_wait3A_14 = arith.constant 0 : i32
    %dma_wait3A_15 = tpu.memref_slice %arg10[%dma_wait3A, %dma_wait3A_14] : memref<2x128xi32, #tpu.memory_space<vmem>> -> memref<1x128xi32, #tpu.memory_space<vmem>>
    %dma_wait3A_16 = tpu.memref_squeeze %dma_wait3A_15 : memref<1x128xi32, #tpu.memory_space<vmem>> -> memref<128xi32, #tpu.memory_space<vmem>>
    %dma_wait3A_17 = arith.constant 0 : i32
    %dma_wait3A_18 = arith.constant 0 : i32
    %dma_wait3A_19 = tpu.memref_slice %arg13[%dma_wait3A_17, %dma_wait3A_18] : memref<10112x128xf32, #tpu.memory_space<vmem_shared>> -> memref<10112x128xf32, #tpu.memory_space<vmem_shared>>
    tpu.wait_indirect_dma semaphore(%arg17 : memref<!tpu.dma_semaphore, #tpu.memory_space<semaphore_mem>>) src(%arg12 : memref<128x128xf32, #tpu.memory_space<vmem>>) dst(%dma_wait3A_19 : memref<10112x128xf32, #tpu.memory_space<vmem_shared>>)
    %dma_wait3A_20 = arith.constant 0 : i32
    %dma_wait3A_21 = arith.constant 0 : i32
    %dma_wait3A_22 = tpu.memref_slice %arg7[%dma_wait3A_20, %dma_wait3A_21] : memref<2x128xi32, #tpu.memory_space<vmem>> -> memref<1x128xi32, #tpu.memory_space<vmem>>
    %dma_wait3A_23 = tpu.memref_squeeze %dma_wait3A_22 : memref<1x128xi32, #tpu.memory_space<vmem>> -> memref<128xi32, #tpu.memory_space<vmem>>
    %dma_wait3A_24 = arith.constant 0 : i32
    %dma_wait3A_25 = arith.constant 0 : i32
    %dma_wait3A_26 = tpu.memref_slice %arg2[%dma_wait3A_24, %dma_wait3A_25] : memref<10000x128xf32, #tpu.memory_space<hbm>> -> memref<10000x128xf32, #tpu.memory_space<hbm>>
    tpu.wait_indirect_dma semaphore(%arg14 : memref<!tpu.dma_semaphore, #tpu.memory_space<semaphore_mem>>) src(%dma_wait3A_26 : memref<10000x128xf32, #tpu.memory_space<hbm>>) dst(%arg11 : memref<128x128xf32, #tpu.memory_space<vmem>>)
    %barrier3A_27 = arith.constant 0 : index
    tpu.barrier barrier_id(%barrier3A_27)
    "tpu.region"() ({
      %run_scoped3A = tpu.sem_alloc : memref<!tpu.dma_semaphore, #tpu.memory_space<semaphore_mem>>
      %dma_start3A_28 = arith.constant 0 : i32
      %dma_start3A_29 = arith.constant 0 : i32
      %dma_start3A_30 = tpu.memref_slice %arg6[%arg0, %dma_start3A_28, %dma_start3A_29] : memref<2x10112x128xf32, #tpu.memory_space<hbm>> -> memref<1x10112x128xf32, #tpu.memory_space<hbm>>
      %dma_start3A_31 = tpu.memref_squeeze %dma_start3A_30 : memref<1x10112x128xf32, #tpu.memory_space<hbm>> -> memref<10112x128xf32, #tpu.memory_space<hbm>>
      %dma_start3A_32 = arith.constant 0 : i32
      %dma_start3A_33 = tpu.memref_slice %dma_start3A_31[%mul3A_2, %dma_start3A_32] : memref<10112x128xf32, #tpu.memory_space<hbm>> -> memref<632x128xf32, #tpu.memory_space<hbm>>
      %dma_start3A_34 = arith.constant 0 : i32
      %dma_start3A_35 = tpu.memref_slice %arg13[%mul3A_2, %dma_start3A_34] : memref<10112x128xf32, #tpu.memory_space<vmem_shared>> -> memref<632x128xf32, #tpu.memory_space<vmem_shared>>
      tpu.enqueue_dma source(%dma_start3A_35 : memref<632x128xf32, #tpu.memory_space<vmem_shared>>) target(%dma_start3A_33 : memref<632x128xf32, #tpu.memory_space<hbm>>) target_semaphore(%run_scoped3A : memref<!tpu.dma_semaphore, #tpu.memory_space<semaphore_mem>>)
      %dma_wait3A_36 = arith.constant 0 : i32
      %dma_wait3A_37 = arith.constant 0 : i32
      %dma_wait3A_38 = tpu.memref_slice %arg6[%arg0, %dma_wait3A_36, %dma_wait3A_37] : memref<2x10112x128xf32, #tpu.memory_space<hbm>> -> memref<1x10112x128xf32, #tpu.memory_space<hbm>>
      %dma_wait3A_39 = tpu.memref_squeeze %dma_wait3A_38 : memref<1x10112x128xf32, #tpu.memory_space<hbm>> -> memref<10112x128xf32, #tpu.memory_space<hbm>>
      %dma_wait3A_40 = arith.constant 0 : i32
      %dma_wait3A_41 = tpu.memref_slice %dma_wait3A_39[%mul3A_2, %dma_wait3A_40] : memref<10112x128xf32, #tpu.memory_space<hbm>> -> memref<632x128xf32, #tpu.memory_space<hbm>>
      %dma_wait3A_42 = arith.constant 0 : i32
      %dma_wait3A_43 = tpu.memref_slice %arg13[%mul3A_2, %dma_wait3A_42] : memref<10112x128xf32, #tpu.memory_space<vmem_shared>> -> memref<632x128xf32, #tpu.memory_space<vmem_shared>>
      tpu.wait_dma2 semaphore(%run_scoped3A : memref<!tpu.dma_semaphore, #tpu.memory_space<semaphore_mem>>) src(%dma_wait3A_43 : memref<632x128xf32, #tpu.memory_space<vmem_shared>>) dst(%dma_wait3A_41 : memref<632x128xf32, #tpu.memory_space<hbm>>)
      tpu.yield
    }) : () -> ()
    return
  }
}

#map = affine_map<(d0, d1) -> (0, 0)>
#map1 = affine_map<(d0, d1) -> (0, 0, 0)>
module attributes {stable_mosaic.version = 14 : i64} {
  func.func @_sc_aggregate_body(%arg0: i32, %arg1: i32, %arg2: memref<10000x128xf32, #tpu.memory_space<hbm>>, %arg3: memref<32x84x128xi32, #tpu.memory_space<hbm>>, %arg4: memref<32x84x128xi32, #tpu.memory_space<hbm>>, %arg5: memref<10112x128xf32, #tpu.memory_space<hbm>>, %arg6: memref<2x10112x128xf32, #tpu.memory_space<hbm>>, %arg7: memref<2x128xi32, #tpu.memory_space<vmem>>, %arg8: memref<2x128xi32, #tpu.memory_space<vmem>>, %arg9: memref<2x128xi32, #tpu.memory_space<vmem>>, %arg10: memref<2x128xi32, #tpu.memory_space<vmem>>, %arg11: memref<128x128xf32, #tpu.memory_space<vmem>>, %arg12: memref<128x128xf32, #tpu.memory_space<vmem>>, %arg13: memref<10112x128xf32, #tpu.memory_space<vmem_shared>>, %arg14: memref<!tpu.dma_semaphore, #tpu.memory_space<semaphore_mem>>, %arg15: memref<!tpu.dma_semaphore, #tpu.memory_space<semaphore_mem>>, %arg16: memref<!tpu.dma_semaphore, #tpu.memory_space<semaphore_mem>>, %arg17: memref<!tpu.dma_semaphore, #tpu.memory_space<semaphore_mem>>, %arg18: memref<!tpu.dma_semaphore, #tpu.memory_space<semaphore_mem>>, %arg19: memref<!tpu.dma_semaphore, #tpu.memory_space<semaphore_mem>>, %arg20: memref<!tpu.dma_semaphore, #tpu.memory_space<semaphore_mem>>, %arg21: memref<!tpu.dma_semaphore, #tpu.memory_space<semaphore_mem>>) attributes {dimension_semantics = [#tpu.dimension_semantics<core_parallel>, #tpu.dimension_semantics<subcore_parallel>], iteration_bounds = array<i64: 2, 16>, scalar_prefetch = 0 : i64, scratch_operands = 15 : i64, tpu.core_type = #tpu.core_type<sc_vector_subcore>, window_params = [{transform_indices = #map}, {transform_indices = #map1}, {transform_indices = #map1}, {transform_indices = #map}, {transform_indices = #map1}]} {
    %mul3A = arith.constant 2 : i32
    %mul3A_0 = arith.muli %arg1, %mul3A : i32
    %add3A = arith.addi %mul3A_0, %arg0 : i32
    %mul3A_1 = arith.constant 632 : i32
    %mul3A_2 = arith.muli %arg1, %mul3A_1 : i32
    "tpu.region"() ({
      %run_scoped3A = tpu.sem_alloc : memref<!tpu.dma_semaphore, #tpu.memory_space<semaphore_mem>>
      %dma_start3A_28 = arith.constant 0 : i32
      %dma_start3A_29 = tpu.memref_slice %arg13[%mul3A_2, %dma_start3A_28] : memref<10112x128xf32, #tpu.memory_space<vmem_shared>> -> memref<632x128xf32, #tpu.memory_space<vmem_shared>>
      %dma_start3A_30 = arith.constant 0 : i32
      %dma_start3A_31 = tpu.memref_slice %arg5[%mul3A_2, %dma_start3A_30] : memref<10112x128xf32, #tpu.memory_space<hbm>> -> memref<632x128xf32, #tpu.memory_space<hbm>>
      tpu.enqueue_dma source(%dma_start3A_31 : memref<632x128xf32, #tpu.memory_space<hbm>>) target(%dma_start3A_29 : memref<632x128xf32, #tpu.memory_space<vmem_shared>>) target_semaphore(%run_scoped3A : memref<!tpu.dma_semaphore, #tpu.memory_space<semaphore_mem>>)
      %dma_wait3A_32 = arith.constant 0 : i32
      %dma_wait3A_33 = tpu.memref_slice %arg13[%mul3A_2, %dma_wait3A_32] : memref<10112x128xf32, #tpu.memory_space<vmem_shared>> -> memref<632x128xf32, #tpu.memory_space<vmem_shared>>
      %dma_wait3A_34 = arith.constant 0 : i32
      %dma_wait3A_35 = tpu.memref_slice %arg5[%mul3A_2, %dma_wait3A_34] : memref<10112x128xf32, #tpu.memory_space<hbm>> -> memref<632x128xf32, #tpu.memory_space<hbm>>
      tpu.wait_dma2 semaphore(%run_scoped3A : memref<!tpu.dma_semaphore, #tpu.memory_space<semaphore_mem>>) src(%dma_wait3A_35 : memref<632x128xf32, #tpu.memory_space<hbm>>) dst(%dma_wait3A_33 : memref<632x128xf32, #tpu.memory_space<vmem_shared>>)
      tpu.yield
    }) : () -> ()
    %barrier3A = arith.constant 0 : index
    tpu.barrier barrier_id(%barrier3A)
    "tpu.region"() ({
      %run_scoped3A = tpu.sem_alloc : memref<!tpu.dma_semaphore, #tpu.memory_space<semaphore_mem>>
      %dma_start3A_28 = arith.constant 0 : i32
      %dma_start3A_29 = arith.constant 0 : i32
      %dma_start3A_30 = tpu.memref_slice %arg3[%add3A, %dma_start3A_28, %dma_start3A_29] : memref<32x84x128xi32, #tpu.memory_space<hbm>> -> memref<1x84x128xi32, #tpu.memory_space<hbm>>
      %dma_start3A_31 = tpu.memref_squeeze %dma_start3A_30 : memref<1x84x128xi32, #tpu.memory_space<hbm>> -> memref<84x128xi32, #tpu.memory_space<hbm>>
      %dma_start3A_32 = arith.constant 0 : i32
      %dma_start3A_33 = arith.constant 0 : i32
      %dma_start3A_34 = tpu.memref_slice %dma_start3A_31[%dma_start3A_32, %dma_start3A_33] : memref<84x128xi32, #tpu.memory_space<hbm>> -> memref<2x128xi32, #tpu.memory_space<hbm>>
      %dma_start3A_35 = arith.constant 0 : i32
      %dma_start3A_36 = arith.constant 0 : i32
      %dma_start3A_37 = tpu.memref_slice %arg3[%add3A, %dma_start3A_35, %dma_start3A_36] : memref<32x84x128xi32, #tpu.memory_space<hbm>> -> memref<1x84x128xi32, #tpu.memory_space<hbm>>
      %dma_start3A_38 = tpu.memref_squeeze %dma_start3A_37 : memref<1x84x128xi32, #tpu.memory_space<hbm>> -> memref<84x128xi32, #tpu.memory_space<hbm>>
      %dma_start3A_39 = arith.constant 0 : i32
      %dma_start3A_40 = arith.constant 0 : i32
      %dma_start3A_41 = tpu.memref_slice %dma_start3A_38[%dma_start3A_39, %dma_start3A_40] : memref<84x128xi32, #tpu.memory_space<hbm>> -> memref<2x128xi32, #tpu.memory_space<hbm>>
      tpu.enqueue_dma source(%dma_start3A_41 : memref<2x128xi32, #tpu.memory_space<hbm>>) target(%arg7 : memref<2x128xi32, #tpu.memory_space<vmem>>) target_semaphore(%run_scoped3A : memref<!tpu.dma_semaphore, #tpu.memory_space<semaphore_mem>>)
      %dma_wait3A_42 = arith.constant 0 : i32
      %dma_wait3A_43 = arith.constant 0 : i32
      %dma_wait3A_44 = tpu.memref_slice %arg3[%add3A, %dma_wait3A_42, %dma_wait3A_43] : memref<32x84x128xi32, #tpu.memory_space<hbm>> -> memref<1x84x128xi32, #tpu.memory_space<hbm>>
      %dma_wait3A_45 = tpu.memref_squeeze %dma_wait3A_44 : memref<1x84x128xi32, #tpu.memory_space<hbm>> -> memref<84x128xi32, #tpu.memory_space<hbm>>
      %dma_wait3A_46 = arith.constant 0 : i32
      %dma_wait3A_47 = arith.constant 0 : i32
      %dma_wait3A_48 = tpu.memref_slice %dma_wait3A_45[%dma_wait3A_46, %dma_wait3A_47] : memref<84x128xi32, #tpu.memory_space<hbm>> -> memref<2x128xi32, #tpu.memory_space<hbm>>
      %dma_wait3A_49 = arith.constant 0 : i32
      %dma_wait3A_50 = arith.constant 0 : i32
      %dma_wait3A_51 = tpu.memref_slice %arg3[%add3A, %dma_wait3A_49, %dma_wait3A_50] : memref<32x84x128xi32, #tpu.memory_space<hbm>> -> memref<1x84x128xi32, #tpu.memory_space<hbm>>
      %dma_wait3A_52 = tpu.memref_squeeze %dma_wait3A_51 : memref<1x84x128xi32, #tpu.memory_space<hbm>> -> memref<84x128xi32, #tpu.memory_space<hbm>>
      %dma_wait3A_53 = arith.constant 0 : i32
      %dma_wait3A_54 = arith.constant 0 : i32
      %dma_wait3A_55 = tpu.memref_slice %dma_wait3A_52[%dma_wait3A_53, %dma_wait3A_54] : memref<84x128xi32, #tpu.memory_space<hbm>> -> memref<2x128xi32, #tpu.memory_space<hbm>>
      tpu.wait_dma2 semaphore(%run_scoped3A : memref<!tpu.dma_semaphore, #tpu.memory_space<semaphore_mem>>) src(%dma_wait3A_55 : memref<2x128xi32, #tpu.memory_space<hbm>>) dst(%arg7 : memref<2x128xi32, #tpu.memory_space<vmem>>)
      tpu.yield
    }) : () -> ()
    "tpu.region"() ({
      %run_scoped3A = tpu.sem_alloc : memref<!tpu.dma_semaphore, #tpu.memory_space<semaphore_mem>>
      %dma_start3A_28 = arith.constant 0 : i32
      %dma_start3A_29 = arith.constant 0 : i32
      %dma_start3A_30 = tpu.memref_slice %arg4[%add3A, %dma_start3A_28, %dma_start3A_29] : memref<32x84x128xi32, #tpu.memory_space<hbm>> -> memref<1x84x128xi32, #tpu.memory_space<hbm>>
      %dma_start3A_31 = tpu.memref_squeeze %dma_start3A_30 : memref<1x84x128xi32, #tpu.memory_space<hbm>> -> memref<84x128xi32, #tpu.memory_space<hbm>>
      %dma_start3A_32 = arith.constant 0 : i32
      %dma_start3A_33 = arith.constant 0 : i32
      %dma_start3A_34 = tpu.memref_slice %dma_start3A_31[%dma_start3A_32, %dma_start3A_33] : memref<84x128xi32, #tpu.memory_space<hbm>> -> memref<2x128xi32, #tpu.memory_space<hbm>>
      %dma_start3A_35 = arith.constant 0 : i32
      %dma_start3A_36 = arith.constant 0 : i32
      %dma_start3A_37 = tpu.memref_slice %arg4[%add3A, %dma_start3A_35, %dma_start3A_36] : memref<32x84x128xi32, #tpu.memory_space<hbm>> -> memref<1x84x128xi32, #tpu.memory_space<hbm>>
      %dma_start3A_38 = tpu.memref_squeeze %dma_start3A_37 : memref<1x84x128xi32, #tpu.memory_space<hbm>> -> memref<84x128xi32, #tpu.memory_space<hbm>>
      %dma_start3A_39 = arith.constant 0 : i32
      %dma_start3A_40 = arith.constant 0 : i32
      %dma_start3A_41 = tpu.memref_slice %dma_start3A_38[%dma_start3A_39, %dma_start3A_40] : memref<84x128xi32, #tpu.memory_space<hbm>> -> memref<2x128xi32, #tpu.memory_space<hbm>>
      tpu.enqueue_dma source(%dma_start3A_41 : memref<2x128xi32, #tpu.memory_space<hbm>>) target(%arg9 : memref<2x128xi32, #tpu.memory_space<vmem>>) target_semaphore(%run_scoped3A : memref<!tpu.dma_semaphore, #tpu.memory_space<semaphore_mem>>)
      %dma_wait3A_42 = arith.constant 0 : i32
      %dma_wait3A_43 = arith.constant 0 : i32
      %dma_wait3A_44 = tpu.memref_slice %arg4[%add3A, %dma_wait3A_42, %dma_wait3A_43] : memref<32x84x128xi32, #tpu.memory_space<hbm>> -> memref<1x84x128xi32, #tpu.memory_space<hbm>>
      %dma_wait3A_45 = tpu.memref_squeeze %dma_wait3A_44 : memref<1x84x128xi32, #tpu.memory_space<hbm>> -> memref<84x128xi32, #tpu.memory_space<hbm>>
      %dma_wait3A_46 = arith.constant 0 : i32
      %dma_wait3A_47 = arith.constant 0 : i32
      %dma_wait3A_48 = tpu.memref_slice %dma_wait3A_45[%dma_wait3A_46, %dma_wait3A_47] : memref<84x128xi32, #tpu.memory_space<hbm>> -> memref<2x128xi32, #tpu.memory_space<hbm>>
      %dma_wait3A_49 = arith.constant 0 : i32
      %dma_wait3A_50 = arith.constant 0 : i32
      %dma_wait3A_51 = tpu.memref_slice %arg4[%add3A, %dma_wait3A_49, %dma_wait3A_50] : memref<32x84x128xi32, #tpu.memory_space<hbm>> -> memref<1x84x128xi32, #tpu.memory_space<hbm>>
      %dma_wait3A_52 = tpu.memref_squeeze %dma_wait3A_51 : memref<1x84x128xi32, #tpu.memory_space<hbm>> -> memref<84x128xi32, #tpu.memory_space<hbm>>
      %dma_wait3A_53 = arith.constant 0 : i32
      %dma_wait3A_54 = arith.constant 0 : i32
      %dma_wait3A_55 = tpu.memref_slice %dma_wait3A_52[%dma_wait3A_53, %dma_wait3A_54] : memref<84x128xi32, #tpu.memory_space<hbm>> -> memref<2x128xi32, #tpu.memory_space<hbm>>
      tpu.wait_dma2 semaphore(%run_scoped3A : memref<!tpu.dma_semaphore, #tpu.memory_space<semaphore_mem>>) src(%dma_wait3A_55 : memref<2x128xi32, #tpu.memory_space<hbm>>) dst(%arg9 : memref<2x128xi32, #tpu.memory_space<vmem>>)
      tpu.yield
    }) : () -> ()
    %dma_start3A = arith.constant 0 : i32
    %dma_start3A_3 = arith.constant 0 : i32
    %dma_start3A_4 = tpu.memref_slice %arg7[%dma_start3A, %dma_start3A_3] : memref<2x128xi32, #tpu.memory_space<vmem>> -> memref<1x128xi32, #tpu.memory_space<vmem>>
    %dma_start3A_5 = tpu.memref_squeeze %dma_start3A_4 : memref<1x128xi32, #tpu.memory_space<vmem>> -> memref<128xi32, #tpu.memory_space<vmem>>
    %dma_start3A_6 = arith.constant 0 : i32
    %dma_start3A_7 = arith.constant 0 : i32
    %dma_start3A_8 = tpu.memref_slice %arg2[%dma_start3A_6, %dma_start3A_7] : memref<10000x128xf32, #tpu.memory_space<hbm>> -> memref<10000x128xf32, #tpu.memory_space<hbm>>
    tpu.enqueue_indirect_dma source(%dma_start3A_8 : memref<10000x128xf32, #tpu.memory_space<hbm>>) target(%arg11 : memref<128x128xf32, #tpu.memory_space<vmem>>) offsets(%dma_start3A_5 : memref<128xi32, #tpu.memory_space<vmem>>) semaphore(%arg14 : memref<!tpu.dma_semaphore, #tpu.memory_space<semaphore_mem>>)
    %scan3A = arith.constant 0 : i32
    %scan3A_9 = arith.constant 0 : i32
    %scan3A_10 = arith.constant 20 : i32
    %scan3A_11 = arith.addi %scan3A_9, %scan3A_10 : i32
    %scan3A_12 = arith.constant 1 : i32
    scf.for %scan3A_28 = %scan3A_9 to %scan3A_11 step %scan3A_12  : i32 {
      %mul3A_29 = arith.constant 4 : i32
      %mul3A_30 = arith.muli %mul3A_29, %scan3A_28 : i32
      %dma_wait3A_31 = arith.constant 0 : i32
      %dma_wait3A_32 = arith.constant 0 : i32
      %dma_wait3A_33 = tpu.memref_slice %arg7[%dma_wait3A_31, %dma_wait3A_32] : memref<2x128xi32, #tpu.memory_space<vmem>> -> memref<1x128xi32, #tpu.memory_space<vmem>>
      %dma_wait3A_34 = tpu.memref_squeeze %dma_wait3A_33 : memref<1x128xi32, #tpu.memory_space<vmem>> -> memref<128xi32, #tpu.memory_space<vmem>>
      %dma_wait3A_35 = arith.constant 0 : i32
      %dma_wait3A_36 = arith.constant 0 : i32
      %dma_wait3A_37 = tpu.memref_slice %arg2[%dma_wait3A_35, %dma_wait3A_36] : memref<10000x128xf32, #tpu.memory_space<hbm>> -> memref<10000x128xf32, #tpu.memory_space<hbm>>
      tpu.wait_indirect_dma semaphore(%arg14 : memref<!tpu.dma_semaphore, #tpu.memory_space<semaphore_mem>>) src(%dma_wait3A_37 : memref<10000x128xf32, #tpu.memory_space<hbm>>) dst(%arg11 : memref<128x128xf32, #tpu.memory_space<vmem>>)
      %dma_start3A_38 = arith.constant 0 : i32
      %dma_start3A_39 = arith.constant 0 : i32
      %dma_start3A_40 = tpu.memref_slice %arg9[%dma_start3A_38, %dma_start3A_39] : memref<2x128xi32, #tpu.memory_space<vmem>> -> memref<1x128xi32, #tpu.memory_space<vmem>>
      %dma_start3A_41 = tpu.memref_squeeze %dma_start3A_40 : memref<1x128xi32, #tpu.memory_space<vmem>> -> memref<128xi32, #tpu.memory_space<vmem>>
      %dma_start3A_42 = arith.constant 0 : i32
      %dma_start3A_43 = arith.constant 0 : i32
      %dma_start3A_44 = tpu.memref_slice %arg13[%dma_start3A_42, %dma_start3A_43] : memref<10112x128xf32, #tpu.memory_space<vmem_shared>> -> memref<10112x128xf32, #tpu.memory_space<vmem_shared>>
      tpu.enqueue_indirect_dma source(%arg11 : memref<128x128xf32, #tpu.memory_space<vmem>>) target(%dma_start3A_44 : memref<10112x128xf32, #tpu.memory_space<vmem_shared>>) offsets(%dma_start3A_41 : memref<128xi32, #tpu.memory_space<vmem>>) semaphore(%arg16 : memref<!tpu.dma_semaphore, #tpu.memory_space<semaphore_mem>>) {add = true}
      %gt3A = arith.constant 0 : i32
      %gt3A_45 = arith.cmpi sgt, %scan3A_28, %gt3A : i32
      %convert_element_type3A = arith.extui %gt3A_45 : i1 to i32
      %cond3A = arith.constant 0 : i32
      %cond3A_46 = arith.cmpi ne, %convert_element_type3A, %cond3A : i32
      scf.if %cond3A_46 {
        %dma_wait3A_250 = arith.constant 1 : i32
        %dma_wait3A_251 = arith.constant 0 : i32
        %dma_wait3A_252 = tpu.memref_slice %arg10[%dma_wait3A_250, %dma_wait3A_251] : memref<2x128xi32, #tpu.memory_space<vmem>> -> memref<1x128xi32, #tpu.memory_space<vmem>>
        %dma_wait3A_253 = tpu.memref_squeeze %dma_wait3A_252 : memref<1x128xi32, #tpu.memory_space<vmem>> -> memref<128xi32, #tpu.memory_space<vmem>>
        %dma_wait3A_254 = arith.constant 0 : i32
        %dma_wait3A_255 = arith.constant 0 : i32
        %dma_wait3A_256 = tpu.memref_slice %arg13[%dma_wait3A_254, %dma_wait3A_255] : memref<10112x128xf32, #tpu.memory_space<vmem_shared>> -> memref<10112x128xf32, #tpu.memory_space<vmem_shared>>
        tpu.wait_indirect_dma semaphore(%arg17 : memref<!tpu.dma_semaphore, #tpu.memory_space<semaphore_mem>>) src(%arg12 : memref<128x128xf32, #tpu.memory_space<vmem>>) dst(%dma_wait3A_256 : memref<10112x128xf32, #tpu.memory_space<vmem_shared>>)
      } else {
      }
      %add3A_47 = arith.constant 2 : i32
      %add3A_48 = arith.addi %mul3A_30, %add3A_47 : i32
      %dma_start3A_49 = arith.constant 0 : i32
      %dma_start3A_50 = arith.constant 0 : i32
      %dma_start3A_51 = tpu.memref_slice %arg3[%add3A, %dma_start3A_49, %dma_start3A_50] : memref<32x84x128xi32, #tpu.memory_space<hbm>> -> memref<1x84x128xi32, #tpu.memory_space<hbm>>
      %dma_start3A_52 = tpu.memref_squeeze %dma_start3A_51 : memref<1x84x128xi32, #tpu.memory_space<hbm>> -> memref<84x128xi32, #tpu.memory_space<hbm>>
      %dma_start3A_53 = arith.constant 0 : i32
      %dma_start3A_54 = tpu.memref_slice %dma_start3A_52[%add3A_48, %dma_start3A_53] : memref<84x128xi32, #tpu.memory_space<hbm>> -> memref<2x128xi32, #tpu.memory_space<hbm>>
      %dma_start3A_55 = arith.constant 0 : i32
      %dma_start3A_56 = arith.constant 0 : i32
      %dma_start3A_57 = tpu.memref_slice %arg3[%add3A, %dma_start3A_55, %dma_start3A_56] : memref<32x84x128xi32, #tpu.memory_space<hbm>> -> memref<1x84x128xi32, #tpu.memory_space<hbm>>
      %dma_start3A_58 = tpu.memref_squeeze %dma_start3A_57 : memref<1x84x128xi32, #tpu.memory_space<hbm>> -> memref<84x128xi32, #tpu.memory_space<hbm>>
      %dma_start3A_59 = arith.constant 0 : i32
      %dma_start3A_60 = tpu.memref_slice %dma_start3A_58[%add3A_48, %dma_start3A_59] : memref<84x128xi32, #tpu.memory_space<hbm>> -> memref<2x128xi32, #tpu.memory_space<hbm>>
      tpu.enqueue_dma source(%dma_start3A_60 : memref<2x128xi32, #tpu.memory_space<hbm>>) target(%arg8 : memref<2x128xi32, #tpu.memory_space<vmem>>) target_semaphore(%arg20 : memref<!tpu.dma_semaphore, #tpu.memory_space<semaphore_mem>>)
      %add3A_61 = arith.constant 2 : i32
      %add3A_62 = arith.addi %mul3A_30, %add3A_61 : i32
      %dma_start3A_63 = arith.constant 0 : i32
      %dma_start3A_64 = arith.constant 0 : i32
      %dma_start3A_65 = tpu.memref_slice %arg4[%add3A, %dma_start3A_63, %dma_start3A_64] : memref<32x84x128xi32, #tpu.memory_space<hbm>> -> memref<1x84x128xi32, #tpu.memory_space<hbm>>
      %dma_start3A_66 = tpu.memref_squeeze %dma_start3A_65 : memref<1x84x128xi32, #tpu.memory_space<hbm>> -> memref<84x128xi32, #tpu.memory_space<hbm>>
      %dma_start3A_67 = arith.constant 0 : i32
      %dma_start3A_68 = tpu.memref_slice %dma_start3A_66[%add3A_62, %dma_start3A_67] : memref<84x128xi32, #tpu.memory_space<hbm>> -> memref<2x128xi32, #tpu.memory_space<hbm>>
      %dma_start3A_69 = arith.constant 0 : i32
      %dma_start3A_70 = arith.constant 0 : i32
      %dma_start3A_71 = tpu.memref_slice %arg4[%add3A, %dma_start3A_69, %dma_start3A_70] : memref<32x84x128xi32, #tpu.memory_space<hbm>> -> memref<1x84x128xi32, #tpu.memory_space<hbm>>
      %dma_start3A_72 = tpu.memref_squeeze %dma_start3A_71 : memref<1x84x128xi32, #tpu.memory_space<hbm>> -> memref<84x128xi32, #tpu.memory_space<hbm>>
      %dma_start3A_73 = arith.constant 0 : i32
      %dma_start3A_74 = tpu.memref_slice %dma_start3A_72[%add3A_62, %dma_start3A_73] : memref<84x128xi32, #tpu.memory_space<hbm>> -> memref<2x128xi32, #tpu.memory_space<hbm>>
      tpu.enqueue_dma source(%dma_start3A_74 : memref<2x128xi32, #tpu.memory_space<hbm>>) target(%arg10 : memref<2x128xi32, #tpu.memory_space<vmem>>) target_semaphore(%arg21 : memref<!tpu.dma_semaphore, #tpu.memory_space<semaphore_mem>>)
      %dma_start3A_75 = arith.constant 1 : i32
      %dma_start3A_76 = arith.constant 0 : i32
      %dma_start3A_77 = tpu.memref_slice %arg7[%dma_start3A_75, %dma_start3A_76] : memref<2x128xi32, #tpu.memory_space<vmem>> -> memref<1x128xi32, #tpu.memory_space<vmem>>
      %dma_start3A_78 = tpu.memref_squeeze %dma_start3A_77 : memref<1x128xi32, #tpu.memory_space<vmem>> -> memref<128xi32, #tpu.memory_space<vmem>>
      %dma_start3A_79 = arith.constant 0 : i32
      %dma_start3A_80 = arith.constant 0 : i32
      %dma_start3A_81 = tpu.memref_slice %arg2[%dma_start3A_79, %dma_start3A_80] : memref<10000x128xf32, #tpu.memory_space<hbm>> -> memref<10000x128xf32, #tpu.memory_space<hbm>>
      tpu.enqueue_indirect_dma source(%dma_start3A_81 : memref<10000x128xf32, #tpu.memory_space<hbm>>) target(%arg12 : memref<128x128xf32, #tpu.memory_space<vmem>>) offsets(%dma_start3A_78 : memref<128xi32, #tpu.memory_space<vmem>>) semaphore(%arg15 : memref<!tpu.dma_semaphore, #tpu.memory_space<semaphore_mem>>)
      %dma_wait3A_82 = arith.constant 1 : i32
      %dma_wait3A_83 = arith.constant 0 : i32
      %dma_wait3A_84 = tpu.memref_slice %arg7[%dma_wait3A_82, %dma_wait3A_83] : memref<2x128xi32, #tpu.memory_space<vmem>> -> memref<1x128xi32, #tpu.memory_space<vmem>>
      %dma_wait3A_85 = tpu.memref_squeeze %dma_wait3A_84 : memref<1x128xi32, #tpu.memory_space<vmem>> -> memref<128xi32, #tpu.memory_space<vmem>>
      %dma_wait3A_86 = arith.constant 0 : i32
      %dma_wait3A_87 = arith.constant 0 : i32
      %dma_wait3A_88 = tpu.memref_slice %arg2[%dma_wait3A_86, %dma_wait3A_87] : memref<10000x128xf32, #tpu.memory_space<hbm>> -> memref<10000x128xf32, #tpu.memory_space<hbm>>
      tpu.wait_indirect_dma semaphore(%arg15 : memref<!tpu.dma_semaphore, #tpu.memory_space<semaphore_mem>>) src(%dma_wait3A_88 : memref<10000x128xf32, #tpu.memory_space<hbm>>) dst(%arg12 : memref<128x128xf32, #tpu.memory_space<vmem>>)
      %dma_start3A_89 = arith.constant 1 : i32
      %dma_start3A_90 = arith.constant 0 : i32
      %dma_start3A_91 = tpu.memref_slice %arg9[%dma_start3A_89, %dma_start3A_90] : memref<2x128xi32, #tpu.memory_space<vmem>> -> memref<1x128xi32, #tpu.memory_space<vmem>>
      %dma_start3A_92 = tpu.memref_squeeze %dma_start3A_91 : memref<1x128xi32, #tpu.memory_space<vmem>> -> memref<128xi32, #tpu.memory_space<vmem>>
      %dma_start3A_93 = arith.constant 0 : i32
      %dma_start3A_94 = arith.constant 0 : i32
      %dma_start3A_95 = tpu.memref_slice %arg13[%dma_start3A_93, %dma_start3A_94] : memref<10112x128xf32, #tpu.memory_space<vmem_shared>> -> memref<10112x128xf32, #tpu.memory_space<vmem_shared>>
      tpu.enqueue_indirect_dma source(%arg12 : memref<128x128xf32, #tpu.memory_space<vmem>>) target(%dma_start3A_95 : memref<10112x128xf32, #tpu.memory_space<vmem_shared>>) offsets(%dma_start3A_92 : memref<128xi32, #tpu.memory_space<vmem>>) semaphore(%arg17 : memref<!tpu.dma_semaphore, #tpu.memory_space<semaphore_mem>>) {add = true}
      %dma_wait3A_96 = arith.constant 0 : i32
      %dma_wait3A_97 = arith.constant 0 : i32
      %dma_wait3A_98 = tpu.memref_slice %arg9[%dma_wait3A_96, %dma_wait3A_97] : memref<2x128xi32, #tpu.memory_space<vmem>> -> memref<1x128xi32, #tpu.memory_space<vmem>>
      %dma_wait3A_99 = tpu.memref_squeeze %dma_wait3A_98 : memref<1x128xi32, #tpu.memory_space<vmem>> -> memref<128xi32, #tpu.memory_space<vmem>>
      %dma_wait3A_100 = arith.constant 0 : i32
      %dma_wait3A_101 = arith.constant 0 : i32
      %dma_wait3A_102 = tpu.memref_slice %arg13[%dma_wait3A_100, %dma_wait3A_101] : memref<10112x128xf32, #tpu.memory_space<vmem_shared>> -> memref<10112x128xf32, #tpu.memory_space<vmem_shared>>
      tpu.wait_indirect_dma semaphore(%arg16 : memref<!tpu.dma_semaphore, #tpu.memory_space<semaphore_mem>>) src(%arg11 : memref<128x128xf32, #tpu.memory_space<vmem>>) dst(%dma_wait3A_102 : memref<10112x128xf32, #tpu.memory_space<vmem_shared>>)
      %add3A_103 = arith.constant 2 : i32
      %add3A_104 = arith.addi %mul3A_30, %add3A_103 : i32
      %dma_wait3A_105 = arith.constant 0 : i32
      %dma_wait3A_106 = arith.constant 0 : i32
      %dma_wait3A_107 = tpu.memref_slice %arg3[%add3A, %dma_wait3A_105, %dma_wait3A_106] : memref<32x84x128xi32, #tpu.memory_space<hbm>> -> memref<1x84x128xi32, #tpu.memory_space<hbm>>
      %dma_wait3A_108 = tpu.memref_squeeze %dma_wait3A_107 : memref<1x84x128xi32, #tpu.memory_space<hbm>> -> memref<84x128xi32, #tpu.memory_space<hbm>>
      %dma_wait3A_109 = arith.constant 0 : i32
      %dma_wait3A_110 = tpu.memref_slice %dma_wait3A_108[%add3A_104, %dma_wait3A_109] : memref<84x128xi32, #tpu.memory_space<hbm>> -> memref<2x128xi32, #tpu.memory_space<hbm>>
      %dma_wait3A_111 = arith.constant 0 : i32
      %dma_wait3A_112 = arith.constant 0 : i32
      %dma_wait3A_113 = tpu.memref_slice %arg3[%add3A, %dma_wait3A_111, %dma_wait3A_112] : memref<32x84x128xi32, #tpu.memory_space<hbm>> -> memref<1x84x128xi32, #tpu.memory_space<hbm>>
      %dma_wait3A_114 = tpu.memref_squeeze %dma_wait3A_113 : memref<1x84x128xi32, #tpu.memory_space<hbm>> -> memref<84x128xi32, #tpu.memory_space<hbm>>
      %dma_wait3A_115 = arith.constant 0 : i32
      %dma_wait3A_116 = tpu.memref_slice %dma_wait3A_114[%add3A_104, %dma_wait3A_115] : memref<84x128xi32, #tpu.memory_space<hbm>> -> memref<2x128xi32, #tpu.memory_space<hbm>>
      tpu.wait_dma2 semaphore(%arg20 : memref<!tpu.dma_semaphore, #tpu.memory_space<semaphore_mem>>) src(%dma_wait3A_116 : memref<2x128xi32, #tpu.memory_space<hbm>>) dst(%arg8 : memref<2x128xi32, #tpu.memory_space<vmem>>)
      %add3A_117 = arith.constant 2 : i32
      %add3A_118 = arith.addi %mul3A_30, %add3A_117 : i32
      %dma_wait3A_119 = arith.constant 0 : i32
      %dma_wait3A_120 = arith.constant 0 : i32
      %dma_wait3A_121 = tpu.memref_slice %arg4[%add3A, %dma_wait3A_119, %dma_wait3A_120] : memref<32x84x128xi32, #tpu.memory_space<hbm>> -> memref<1x84x128xi32, #tpu.memory_space<hbm>>
      %dma_wait3A_122 = tpu.memref_squeeze %dma_wait3A_121 : memref<1x84x128xi32, #tpu.memory_space<hbm>> -> memref<84x128xi32, #tpu.memory_space<hbm>>
      %dma_wait3A_123 = arith.constant 0 : i32
      %dma_wait3A_124 = tpu.memref_slice %dma_wait3A_122[%add3A_118, %dma_wait3A_123] : memref<84x128xi32, #tpu.memory_space<hbm>> -> memref<2x128xi32, #tpu.memory_space<hbm>>
      %dma_wait3A_125 = arith.constant 0 : i32
      %dma_wait3A_126 = arith.constant 0 : i32
      %dma_wait3A_127 = tpu.memref_slice %arg4[%add3A, %dma_wait3A_125, %dma_wait3A_126] : memref<32x84x128xi32, #tpu.memory_space<hbm>> -> memref<1x84x128xi32, #tpu.memory_space<hbm>>
      %dma_wait3A_128 = tpu.memref_squeeze %dma_wait3A_127 : memref<1x84x128xi32, #tpu.memory_space<hbm>> -> memref<84x128xi32, #tpu.memory_space<hbm>>
      %dma_wait3A_129 = arith.constant 0 : i32
      %dma_wait3A_130 = tpu.memref_slice %dma_wait3A_128[%add3A_118, %dma_wait3A_129] : memref<84x128xi32, #tpu.memory_space<hbm>> -> memref<2x128xi32, #tpu.memory_space<hbm>>
      tpu.wait_dma2 semaphore(%arg21 : memref<!tpu.dma_semaphore, #tpu.memory_space<semaphore_mem>>) src(%dma_wait3A_130 : memref<2x128xi32, #tpu.memory_space<hbm>>) dst(%arg10 : memref<2x128xi32, #tpu.memory_space<vmem>>)
      %dma_start3A_131 = arith.constant 0 : i32
      %dma_start3A_132 = arith.constant 0 : i32
      %dma_start3A_133 = tpu.memref_slice %arg8[%dma_start3A_131, %dma_start3A_132] : memref<2x128xi32, #tpu.memory_space<vmem>> -> memref<1x128xi32, #tpu.memory_space<vmem>>
      %dma_start3A_134 = tpu.memref_squeeze %dma_start3A_133 : memref<1x128xi32, #tpu.memory_space<vmem>> -> memref<128xi32, #tpu.memory_space<vmem>>
      %dma_start3A_135 = arith.constant 0 : i32
      %dma_start3A_136 = arith.constant 0 : i32
      %dma_start3A_137 = tpu.memref_slice %arg2[%dma_start3A_135, %dma_start3A_136] : memref<10000x128xf32, #tpu.memory_space<hbm>> -> memref<10000x128xf32, #tpu.memory_space<hbm>>
      tpu.enqueue_indirect_dma source(%dma_start3A_137 : memref<10000x128xf32, #tpu.memory_space<hbm>>) target(%arg11 : memref<128x128xf32, #tpu.memory_space<vmem>>) offsets(%dma_start3A_134 : memref<128xi32, #tpu.memory_space<vmem>>) semaphore(%arg14 : memref<!tpu.dma_semaphore, #tpu.memory_space<semaphore_mem>>)
      %dma_wait3A_138 = arith.constant 0 : i32
      %dma_wait3A_139 = arith.constant 0 : i32
      %dma_wait3A_140 = tpu.memref_slice %arg8[%dma_wait3A_138, %dma_wait3A_139] : memref<2x128xi32, #tpu.memory_space<vmem>> -> memref<1x128xi32, #tpu.memory_space<vmem>>
      %dma_wait3A_141 = tpu.memref_squeeze %dma_wait3A_140 : memref<1x128xi32, #tpu.memory_space<vmem>> -> memref<128xi32, #tpu.memory_space<vmem>>
      %dma_wait3A_142 = arith.constant 0 : i32
      %dma_wait3A_143 = arith.constant 0 : i32
      %dma_wait3A_144 = tpu.memref_slice %arg2[%dma_wait3A_142, %dma_wait3A_143] : memref<10000x128xf32, #tpu.memory_space<hbm>> -> memref<10000x128xf32, #tpu.memory_space<hbm>>
      tpu.wait_indirect_dma semaphore(%arg14 : memref<!tpu.dma_semaphore, #tpu.memory_space<semaphore_mem>>) src(%dma_wait3A_144 : memref<10000x128xf32, #tpu.memory_space<hbm>>) dst(%arg11 : memref<128x128xf32, #tpu.memory_space<vmem>>)
      %dma_start3A_145 = arith.constant 0 : i32
      %dma_start3A_146 = arith.constant 0 : i32
      %dma_start3A_147 = tpu.memref_slice %arg10[%dma_start3A_145, %dma_start3A_146] : memref<2x128xi32, #tpu.memory_space<vmem>> -> memref<1x128xi32, #tpu.memory_space<vmem>>
      %dma_start3A_148 = tpu.memref_squeeze %dma_start3A_147 : memref<1x128xi32, #tpu.memory_space<vmem>> -> memref<128xi32, #tpu.memory_space<vmem>>
      %dma_start3A_149 = arith.constant 0 : i32
      %dma_start3A_150 = arith.constant 0 : i32
      %dma_start3A_151 = tpu.memref_slice %arg13[%dma_start3A_149, %dma_start3A_150] : memref<10112x128xf32, #tpu.memory_space<vmem_shared>> -> memref<10112x128xf32, #tpu.memory_space<vmem_shared>>
      tpu.enqueue_indirect_dma source(%arg11 : memref<128x128xf32, #tpu.memory_space<vmem>>) target(%dma_start3A_151 : memref<10112x128xf32, #tpu.memory_space<vmem_shared>>) offsets(%dma_start3A_148 : memref<128xi32, #tpu.memory_space<vmem>>) semaphore(%arg16 : memref<!tpu.dma_semaphore, #tpu.memory_space<semaphore_mem>>) {add = true}
      %dma_wait3A_152 = arith.constant 1 : i32
      %dma_wait3A_153 = arith.constant 0 : i32
      %dma_wait3A_154 = tpu.memref_slice %arg9[%dma_wait3A_152, %dma_wait3A_153] : memref<2x128xi32, #tpu.memory_space<vmem>> -> memref<1x128xi32, #tpu.memory_space<vmem>>
      %dma_wait3A_155 = tpu.memref_squeeze %dma_wait3A_154 : memref<1x128xi32, #tpu.memory_space<vmem>> -> memref<128xi32, #tpu.memory_space<vmem>>
      %dma_wait3A_156 = arith.constant 0 : i32
      %dma_wait3A_157 = arith.constant 0 : i32
      %dma_wait3A_158 = tpu.memref_slice %arg13[%dma_wait3A_156, %dma_wait3A_157] : memref<10112x128xf32, #tpu.memory_space<vmem_shared>> -> memref<10112x128xf32, #tpu.memory_space<vmem_shared>>
      tpu.wait_indirect_dma semaphore(%arg17 : memref<!tpu.dma_semaphore, #tpu.memory_space<semaphore_mem>>) src(%arg12 : memref<128x128xf32, #tpu.memory_space<vmem>>) dst(%dma_wait3A_158 : memref<10112x128xf32, #tpu.memory_space<vmem_shared>>)
      %add3A_159 = arith.constant 4 : i32
      %add3A_160 = arith.addi %mul3A_30, %add3A_159 : i32
      %dma_start3A_161 = arith.constant 0 : i32
      %dma_start3A_162 = arith.constant 0 : i32
      %dma_start3A_163 = tpu.memref_slice %arg3[%add3A, %dma_start3A_161, %dma_start3A_162] : memref<32x84x128xi32, #tpu.memory_space<hbm>> -> memref<1x84x128xi32, #tpu.memory_space<hbm>>
      %dma_start3A_164 = tpu.memref_squeeze %dma_start3A_163 : memref<1x84x128xi32, #tpu.memory_space<hbm>> -> memref<84x128xi32, #tpu.memory_space<hbm>>
      %dma_start3A_165 = arith.constant 0 : i32
      %dma_start3A_166 = tpu.memref_slice %dma_start3A_164[%add3A_160, %dma_start3A_165] : memref<84x128xi32, #tpu.memory_space<hbm>> -> memref<2x128xi32, #tpu.memory_space<hbm>>
      %dma_start3A_167 = arith.constant 0 : i32
      %dma_start3A_168 = arith.constant 0 : i32
      %dma_start3A_169 = tpu.memref_slice %arg3[%add3A, %dma_start3A_167, %dma_start3A_168] : memref<32x84x128xi32, #tpu.memory_space<hbm>> -> memref<1x84x128xi32, #tpu.memory_space<hbm>>
      %dma_start3A_170 = tpu.memref_squeeze %dma_start3A_169 : memref<1x84x128xi32, #tpu.memory_space<hbm>> -> memref<84x128xi32, #tpu.memory_space<hbm>>
      %dma_start3A_171 = arith.constant 0 : i32
      %dma_start3A_172 = tpu.memref_slice %dma_start3A_170[%add3A_160, %dma_start3A_171] : memref<84x128xi32, #tpu.memory_space<hbm>> -> memref<2x128xi32, #tpu.memory_space<hbm>>
      tpu.enqueue_dma source(%dma_start3A_172 : memref<2x128xi32, #tpu.memory_space<hbm>>) target(%arg7 : memref<2x128xi32, #tpu.memory_space<vmem>>) target_semaphore(%arg18 : memref<!tpu.dma_semaphore, #tpu.memory_space<semaphore_mem>>)
      %add3A_173 = arith.constant 4 : i32
      %add3A_174 = arith.addi %mul3A_30, %add3A_173 : i32
      %dma_start3A_175 = arith.constant 0 : i32
      %dma_start3A_176 = arith.constant 0 : i32
      %dma_start3A_177 = tpu.memref_slice %arg4[%add3A, %dma_start3A_175, %dma_start3A_176] : memref<32x84x128xi32, #tpu.memory_space<hbm>> -> memref<1x84x128xi32, #tpu.memory_space<hbm>>
      %dma_start3A_178 = tpu.memref_squeeze %dma_start3A_177 : memref<1x84x128xi32, #tpu.memory_space<hbm>> -> memref<84x128xi32, #tpu.memory_space<hbm>>
      %dma_start3A_179 = arith.constant 0 : i32
      %dma_start3A_180 = tpu.memref_slice %dma_start3A_178[%add3A_174, %dma_start3A_179] : memref<84x128xi32, #tpu.memory_space<hbm>> -> memref<2x128xi32, #tpu.memory_space<hbm>>
      %dma_start3A_181 = arith.constant 0 : i32
      %dma_start3A_182 = arith.constant 0 : i32
      %dma_start3A_183 = tpu.memref_slice %arg4[%add3A, %dma_start3A_181, %dma_start3A_182] : memref<32x84x128xi32, #tpu.memory_space<hbm>> -> memref<1x84x128xi32, #tpu.memory_space<hbm>>
      %dma_start3A_184 = tpu.memref_squeeze %dma_start3A_183 : memref<1x84x128xi32, #tpu.memory_space<hbm>> -> memref<84x128xi32, #tpu.memory_space<hbm>>
      %dma_start3A_185 = arith.constant 0 : i32
      %dma_start3A_186 = tpu.memref_slice %dma_start3A_184[%add3A_174, %dma_start3A_185] : memref<84x128xi32, #tpu.memory_space<hbm>> -> memref<2x128xi32, #tpu.memory_space<hbm>>
      tpu.enqueue_dma source(%dma_start3A_186 : memref<2x128xi32, #tpu.memory_space<hbm>>) target(%arg9 : memref<2x128xi32, #tpu.memory_space<vmem>>) target_semaphore(%arg19 : memref<!tpu.dma_semaphore, #tpu.memory_space<semaphore_mem>>)
      %dma_start3A_187 = arith.constant 1 : i32
      %dma_start3A_188 = arith.constant 0 : i32
      %dma_start3A_189 = tpu.memref_slice %arg8[%dma_start3A_187, %dma_start3A_188] : memref<2x128xi32, #tpu.memory_space<vmem>> -> memref<1x128xi32, #tpu.memory_space<vmem>>
      %dma_start3A_190 = tpu.memref_squeeze %dma_start3A_189 : memref<1x128xi32, #tpu.memory_space<vmem>> -> memref<128xi32, #tpu.memory_space<vmem>>
      %dma_start3A_191 = arith.constant 0 : i32
      %dma_start3A_192 = arith.constant 0 : i32
      %dma_start3A_193 = tpu.memref_slice %arg2[%dma_start3A_191, %dma_start3A_192] : memref<10000x128xf32, #tpu.memory_space<hbm>> -> memref<10000x128xf32, #tpu.memory_space<hbm>>
      tpu.enqueue_indirect_dma source(%dma_start3A_193 : memref<10000x128xf32, #tpu.memory_space<hbm>>) target(%arg12 : memref<128x128xf32, #tpu.memory_space<vmem>>) offsets(%dma_start3A_190 : memref<128xi32, #tpu.memory_space<vmem>>) semaphore(%arg15 : memref<!tpu.dma_semaphore, #tpu.memory_space<semaphore_mem>>)
      %dma_wait3A_194 = arith.constant 1 : i32
      %dma_wait3A_195 = arith.constant 0 : i32
      %dma_wait3A_196 = tpu.memref_slice %arg8[%dma_wait3A_194, %dma_wait3A_195] : memref<2x128xi32, #tpu.memory_space<vmem>> -> memref<1x128xi32, #tpu.memory_space<vmem>>
      %dma_wait3A_197 = tpu.memref_squeeze %dma_wait3A_196 : memref<1x128xi32, #tpu.memory_space<vmem>> -> memref<128xi32, #tpu.memory_space<vmem>>
      %dma_wait3A_198 = arith.constant 0 : i32
      %dma_wait3A_199 = arith.constant 0 : i32
      %dma_wait3A_200 = tpu.memref_slice %arg2[%dma_wait3A_198, %dma_wait3A_199] : memref<10000x128xf32, #tpu.memory_space<hbm>> -> memref<10000x128xf32, #tpu.memory_space<hbm>>
      tpu.wait_indirect_dma semaphore(%arg15 : memref<!tpu.dma_semaphore, #tpu.memory_space<semaphore_mem>>) src(%dma_wait3A_200 : memref<10000x128xf32, #tpu.memory_space<hbm>>) dst(%arg12 : memref<128x128xf32, #tpu.memory_space<vmem>>)
      %dma_start3A_201 = arith.constant 1 : i32
      %dma_start3A_202 = arith.constant 0 : i32
      %dma_start3A_203 = tpu.memref_slice %arg10[%dma_start3A_201, %dma_start3A_202] : memref<2x128xi32, #tpu.memory_space<vmem>> -> memref<1x128xi32, #tpu.memory_space<vmem>>
      %dma_start3A_204 = tpu.memref_squeeze %dma_start3A_203 : memref<1x128xi32, #tpu.memory_space<vmem>> -> memref<128xi32, #tpu.memory_space<vmem>>
      %dma_start3A_205 = arith.constant 0 : i32
      %dma_start3A_206 = arith.constant 0 : i32
      %dma_start3A_207 = tpu.memref_slice %arg13[%dma_start3A_205, %dma_start3A_206] : memref<10112x128xf32, #tpu.memory_space<vmem_shared>> -> memref<10112x128xf32, #tpu.memory_space<vmem_shared>>
      tpu.enqueue_indirect_dma source(%arg12 : memref<128x128xf32, #tpu.memory_space<vmem>>) target(%dma_start3A_207 : memref<10112x128xf32, #tpu.memory_space<vmem_shared>>) offsets(%dma_start3A_204 : memref<128xi32, #tpu.memory_space<vmem>>) semaphore(%arg17 : memref<!tpu.dma_semaphore, #tpu.memory_space<semaphore_mem>>) {add = true}
      %dma_wait3A_208 = arith.constant 0 : i32
      %dma_wait3A_209 = arith.constant 0 : i32
      %dma_wait3A_210 = tpu.memref_slice %arg10[%dma_wait3A_208, %dma_wait3A_209] : memref<2x128xi32, #tpu.memory_space<vmem>> -> memref<1x128xi32, #tpu.memory_space<vmem>>
      %dma_wait3A_211 = tpu.memref_squeeze %dma_wait3A_210 : memref<1x128xi32, #tpu.memory_space<vmem>> -> memref<128xi32, #tpu.memory_space<vmem>>
      %dma_wait3A_212 = arith.constant 0 : i32
      %dma_wait3A_213 = arith.constant 0 : i32
      %dma_wait3A_214 = tpu.memref_slice %arg13[%dma_wait3A_212, %dma_wait3A_213] : memref<10112x128xf32, #tpu.memory_space<vmem_shared>> -> memref<10112x128xf32, #tpu.memory_space<vmem_shared>>
      tpu.wait_indirect_dma semaphore(%arg16 : memref<!tpu.dma_semaphore, #tpu.memory_space<semaphore_mem>>) src(%arg11 : memref<128x128xf32, #tpu.memory_space<vmem>>) dst(%dma_wait3A_214 : memref<10112x128xf32, #tpu.memory_space<vmem_shared>>)
      %add3A_215 = arith.constant 4 : i32
      %add3A_216 = arith.addi %mul3A_30, %add3A_215 : i32
      %dma_wait3A_217 = arith.constant 0 : i32
      %dma_wait3A_218 = arith.constant 0 : i32
      %dma_wait3A_219 = tpu.memref_slice %arg3[%add3A, %dma_wait3A_217, %dma_wait3A_218] : memref<32x84x128xi32, #tpu.memory_space<hbm>> -> memref<1x84x128xi32, #tpu.memory_space<hbm>>
      %dma_wait3A_220 = tpu.memref_squeeze %dma_wait3A_219 : memref<1x84x128xi32, #tpu.memory_space<hbm>> -> memref<84x128xi32, #tpu.memory_space<hbm>>
      %dma_wait3A_221 = arith.constant 0 : i32
      %dma_wait3A_222 = tpu.memref_slice %dma_wait3A_220[%add3A_216, %dma_wait3A_221] : memref<84x128xi32, #tpu.memory_space<hbm>> -> memref<2x128xi32, #tpu.memory_space<hbm>>
      %dma_wait3A_223 = arith.constant 0 : i32
      %dma_wait3A_224 = arith.constant 0 : i32
      %dma_wait3A_225 = tpu.memref_slice %arg3[%add3A, %dma_wait3A_223, %dma_wait3A_224] : memref<32x84x128xi32, #tpu.memory_space<hbm>> -> memref<1x84x128xi32, #tpu.memory_space<hbm>>
      %dma_wait3A_226 = tpu.memref_squeeze %dma_wait3A_225 : memref<1x84x128xi32, #tpu.memory_space<hbm>> -> memref<84x128xi32, #tpu.memory_space<hbm>>
      %dma_wait3A_227 = arith.constant 0 : i32
      %dma_wait3A_228 = tpu.memref_slice %dma_wait3A_226[%add3A_216, %dma_wait3A_227] : memref<84x128xi32, #tpu.memory_space<hbm>> -> memref<2x128xi32, #tpu.memory_space<hbm>>
      tpu.wait_dma2 semaphore(%arg18 : memref<!tpu.dma_semaphore, #tpu.memory_space<semaphore_mem>>) src(%dma_wait3A_228 : memref<2x128xi32, #tpu.memory_space<hbm>>) dst(%arg7 : memref<2x128xi32, #tpu.memory_space<vmem>>)
      %add3A_229 = arith.constant 4 : i32
      %add3A_230 = arith.addi %mul3A_30, %add3A_229 : i32
      %dma_wait3A_231 = arith.constant 0 : i32
      %dma_wait3A_232 = arith.constant 0 : i32
      %dma_wait3A_233 = tpu.memref_slice %arg4[%add3A, %dma_wait3A_231, %dma_wait3A_232] : memref<32x84x128xi32, #tpu.memory_space<hbm>> -> memref<1x84x128xi32, #tpu.memory_space<hbm>>
      %dma_wait3A_234 = tpu.memref_squeeze %dma_wait3A_233 : memref<1x84x128xi32, #tpu.memory_space<hbm>> -> memref<84x128xi32, #tpu.memory_space<hbm>>
      %dma_wait3A_235 = arith.constant 0 : i32
      %dma_wait3A_236 = tpu.memref_slice %dma_wait3A_234[%add3A_230, %dma_wait3A_235] : memref<84x128xi32, #tpu.memory_space<hbm>> -> memref<2x128xi32, #tpu.memory_space<hbm>>
      %dma_wait3A_237 = arith.constant 0 : i32
      %dma_wait3A_238 = arith.constant 0 : i32
      %dma_wait3A_239 = tpu.memref_slice %arg4[%add3A, %dma_wait3A_237, %dma_wait3A_238] : memref<32x84x128xi32, #tpu.memory_space<hbm>> -> memref<1x84x128xi32, #tpu.memory_space<hbm>>
      %dma_wait3A_240 = tpu.memref_squeeze %dma_wait3A_239 : memref<1x84x128xi32, #tpu.memory_space<hbm>> -> memref<84x128xi32, #tpu.memory_space<hbm>>
      %dma_wait3A_241 = arith.constant 0 : i32
      %dma_wait3A_242 = tpu.memref_slice %dma_wait3A_240[%add3A_230, %dma_wait3A_241] : memref<84x128xi32, #tpu.memory_space<hbm>> -> memref<2x128xi32, #tpu.memory_space<hbm>>
      tpu.wait_dma2 semaphore(%arg19 : memref<!tpu.dma_semaphore, #tpu.memory_space<semaphore_mem>>) src(%dma_wait3A_242 : memref<2x128xi32, #tpu.memory_space<hbm>>) dst(%arg9 : memref<2x128xi32, #tpu.memory_space<vmem>>)
      %dma_start3A_243 = arith.constant 0 : i32
      %dma_start3A_244 = arith.constant 0 : i32
      %dma_start3A_245 = tpu.memref_slice %arg7[%dma_start3A_243, %dma_start3A_244] : memref<2x128xi32, #tpu.memory_space<vmem>> -> memref<1x128xi32, #tpu.memory_space<vmem>>
      %dma_start3A_246 = tpu.memref_squeeze %dma_start3A_245 : memref<1x128xi32, #tpu.memory_space<vmem>> -> memref<128xi32, #tpu.memory_space<vmem>>
      %dma_start3A_247 = arith.constant 0 : i32
      %dma_start3A_248 = arith.constant 0 : i32
      %dma_start3A_249 = tpu.memref_slice %arg2[%dma_start3A_247, %dma_start3A_248] : memref<10000x128xf32, #tpu.memory_space<hbm>> -> memref<10000x128xf32, #tpu.memory_space<hbm>>
      tpu.enqueue_indirect_dma source(%dma_start3A_249 : memref<10000x128xf32, #tpu.memory_space<hbm>>) target(%arg11 : memref<128x128xf32, #tpu.memory_space<vmem>>) offsets(%dma_start3A_246 : memref<128xi32, #tpu.memory_space<vmem>>) semaphore(%arg14 : memref<!tpu.dma_semaphore, #tpu.memory_space<semaphore_mem>>)
    }
    %scan3A_13 = arith.constant 20 : i32
    %dma_wait3A = arith.constant 1 : i32
    %dma_wait3A_14 = arith.constant 0 : i32
    %dma_wait3A_15 = tpu.memref_slice %arg10[%dma_wait3A, %dma_wait3A_14] : memref<2x128xi32, #tpu.memory_space<vmem>> -> memref<1x128xi32, #tpu.memory_space<vmem>>
    %dma_wait3A_16 = tpu.memref_squeeze %dma_wait3A_15 : memref<1x128xi32, #tpu.memory_space<vmem>> -> memref<128xi32, #tpu.memory_space<vmem>>
    %dma_wait3A_17 = arith.constant 0 : i32
    %dma_wait3A_18 = arith.constant 0 : i32
    %dma_wait3A_19 = tpu.memref_slice %arg13[%dma_wait3A_17, %dma_wait3A_18] : memref<10112x128xf32, #tpu.memory_space<vmem_shared>> -> memref<10112x128xf32, #tpu.memory_space<vmem_shared>>
    tpu.wait_indirect_dma semaphore(%arg17 : memref<!tpu.dma_semaphore, #tpu.memory_space<semaphore_mem>>) src(%arg12 : memref<128x128xf32, #tpu.memory_space<vmem>>) dst(%dma_wait3A_19 : memref<10112x128xf32, #tpu.memory_space<vmem_shared>>)
    %dma_wait3A_20 = arith.constant 0 : i32
    %dma_wait3A_21 = arith.constant 0 : i32
    %dma_wait3A_22 = tpu.memref_slice %arg7[%dma_wait3A_20, %dma_wait3A_21] : memref<2x128xi32, #tpu.memory_space<vmem>> -> memref<1x128xi32, #tpu.memory_space<vmem>>
    %dma_wait3A_23 = tpu.memref_squeeze %dma_wait3A_22 : memref<1x128xi32, #tpu.memory_space<vmem>> -> memref<128xi32, #tpu.memory_space<vmem>>
    %dma_wait3A_24 = arith.constant 0 : i32
    %dma_wait3A_25 = arith.constant 0 : i32
    %dma_wait3A_26 = tpu.memref_slice %arg2[%dma_wait3A_24, %dma_wait3A_25] : memref<10000x128xf32, #tpu.memory_space<hbm>> -> memref<10000x128xf32, #tpu.memory_space<hbm>>
    tpu.wait_indirect_dma semaphore(%arg14 : memref<!tpu.dma_semaphore, #tpu.memory_space<semaphore_mem>>) src(%dma_wait3A_26 : memref<10000x128xf32, #tpu.memory_space<hbm>>) dst(%arg11 : memref<128x128xf32, #tpu.memory_space<vmem>>)
    %barrier3A_27 = arith.constant 0 : index
    tpu.barrier barrier_id(%barrier3A_27)
    "tpu.region"() ({
      %run_scoped3A = tpu.sem_alloc : memref<!tpu.dma_semaphore, #tpu.memory_space<semaphore_mem>>
      %dma_start3A_28 = arith.constant 0 : i32
      %dma_start3A_29 = arith.constant 0 : i32
      %dma_start3A_30 = tpu.memref_slice %arg6[%arg0, %dma_start3A_28, %dma_start3A_29] : memref<2x10112x128xf32, #tpu.memory_space<hbm>> -> memref<1x10112x128xf32, #tpu.memory_space<hbm>>
      %dma_start3A_31 = tpu.memref_squeeze %dma_start3A_30 : memref<1x10112x128xf32, #tpu.memory_space<hbm>> -> memref<10112x128xf32, #tpu.memory_space<hbm>>
      %dma_start3A_32 = arith.constant 0 : i32
      %dma_start3A_33 = tpu.memref_slice %dma_start3A_31[%mul3A_2, %dma_start3A_32] : memref<10112x128xf32, #tpu.memory_space<hbm>> -> memref<632x128xf32, #tpu.memory_space<hbm>>
      %dma_start3A_34 = arith.constant 0 : i32
      %dma_start3A_35 = tpu.memref_slice %arg13[%mul3A_2, %dma_start3A_34] : memref<10112x128xf32, #tpu.memory_space<vmem_shared>> -> memref<632x128xf32, #tpu.memory_space<vmem_shared>>
      tpu.enqueue_dma source(%dma_start3A_35 : memref<632x128xf32, #tpu.memory_space<vmem_shared>>) target(%dma_start3A_33 : memref<632x128xf32, #tpu.memory_space<hbm>>) target_semaphore(%run_scoped3A : memref<!tpu.dma_semaphore, #tpu.memory_space<semaphore_mem>>)
      %dma_wait3A_36 = arith.constant 0 : i32
      %dma_wait3A_37 = arith.constant 0 : i32
      %dma_wait3A_38 = tpu.memref_slice %arg6[%arg0, %dma_wait3A_36, %dma_wait3A_37] : memref<2x10112x128xf32, #tpu.memory_space<hbm>> -> memref<1x10112x128xf32, #tpu.memory_space<hbm>>
      %dma_wait3A_39 = tpu.memref_squeeze %dma_wait3A_38 : memref<1x10112x128xf32, #tpu.memory_space<hbm>> -> memref<10112x128xf32, #tpu.memory_space<hbm>>
      %dma_wait3A_40 = arith.constant 0 : i32
      %dma_wait3A_41 = tpu.memref_slice %dma_wait3A_39[%mul3A_2, %dma_wait3A_40] : memref<10112x128xf32, #tpu.memory_space<hbm>> -> memref<632x128xf32, #tpu.memory_space<hbm>>
      %dma_wait3A_42 = arith.constant 0 : i32
      %dma_wait3A_43 = tpu.memref_slice %arg13[%mul3A_2, %dma_wait3A_42] : memref<10112x128xf32, #tpu.memory_space<vmem_shared>> -> memref<632x128xf32, #tpu.memory_space<vmem_shared>>
      tpu.wait_dma2 semaphore(%run_scoped3A : memref<!tpu.dma_semaphore, #tpu.memory_space<semaphore_mem>>) src(%dma_wait3A_43 : memref<632x128xf32, #tpu.memory_space<vmem_shared>>) dst(%dma_wait3A_41 : memref<632x128xf32, #tpu.memory_space<hbm>>)
      tpu.yield
    }) : () -> ()
    return
  }
}

module attributes {stable_mosaic.version = 14 : i64} {
  func.func @_pre_body(%arg0: i32, %arg1: memref<1000x128xf32, #tpu.memory_space<vmem>>, %arg2: memref<128x128xf32, #tpu.memory_space<vmem>>, %arg3: memref<128x128xf32, #tpu.memory_space<vmem>>, %arg4: memref<1x128xf32, #tpu.memory_space<vmem>>, %arg5: memref<1000x128xf32, #tpu.memory_space<vmem>>, %arg6: memref<1000x128xf32, #tpu.memory_space<vmem>>) attributes {dimension_semantics = [#tpu.dimension_semantics<arbitrary>], iteration_bounds = array<i64: 10>, scalar_prefetch = 0 : i64, scratch_operands = 0 : i64, tpu.core_type = #tpu.core_type<tc>, window_params = [{transform_indices = @transform_0, window_bounds = array<i64: 1000, 128>}, {pipeline_mode = #tpu.pipeline_mode<synchronous>, transform_indices = @transform_1, window_bounds = array<i64: 128, 128>}, {pipeline_mode = #tpu.pipeline_mode<synchronous>, transform_indices = @transform_2, window_bounds = array<i64: 128, 128>}, {pipeline_mode = #tpu.pipeline_mode<synchronous>, transform_indices = @transform_3, window_bounds = array<i64: 1, 128>}, {transform_indices = @transform_4, window_bounds = array<i64: 1000, 128>}, {transform_indices = @transform_5, window_bounds = array<i64: 1000, 128>}]} {
    %get3A = arith.constant 0 : index
    %get3A_0 = arith.constant 0 : index
    %get3A_1 = vector.load %arg1[%get3A, %get3A_0] : memref<1000x128xf32, #tpu.memory_space<vmem>>, vector<1000x128xf32>
    %get3A_2 = arith.constant 0 : index
    %get3A_3 = arith.constant 0 : index
    %get3A_4 = vector.load %arg2[%get3A_2, %get3A_3] : memref<128x128xf32, #tpu.memory_space<vmem>>, vector<128x128xf32>
    %dot_general3A = arith.constant dense<0.000000e+00> : vector<1000x128xf32>
    %dot_general3A_5 = tpu.matmul %get3A_1, %get3A_4, %dot_general3A {dimension_numbers = #tpu.dot_dimension_numbers<[1], [0], [0], [1], [0, 0, 1, 1], [], []>, precision = #tpu.contract_precision<fp32>, transpose_lhs_hint = false} : vector<1000x128xf32>, vector<128x128xf32>, vector<1000x128xf32> -> vector<1000x128xf32>
    %swap3A = arith.constant 0 : index
    %swap3A_6 = arith.constant 0 : index
    %swap3A_7 = vector.load %arg5[%swap3A, %swap3A_6] : memref<1000x128xf32, #tpu.memory_space<vmem>>, vector<1000x128xf32>
    tpu.vector_store %arg5[%swap3A, %swap3A_6], %dot_general3A_5 {strides = array<i32>} : memref<1000x128xf32, #tpu.memory_space<vmem>>, vector<1000x128xf32>,
    %get3A_8 = arith.constant 0 : index
    %get3A_9 = arith.constant 0 : index
    %get3A_10 = vector.load %arg3[%get3A_8, %get3A_9] : memref<128x128xf32, #tpu.memory_space<vmem>>, vector<128x128xf32>
    %dot_general3A_11 = arith.constant dense<0.000000e+00> : vector<1000x128xf32>
    %dot_general3A_12 = tpu.matmul %get3A_1, %get3A_10, %dot_general3A_11 {dimension_numbers = #tpu.dot_dimension_numbers<[1], [0], [0], [1], [0, 0, 1, 1], [], []>, precision = #tpu.contract_precision<fp32>, transpose_lhs_hint = false} : vector<1000x128xf32>, vector<128x128xf32>, vector<1000x128xf32> -> vector<1000x128xf32>
    %get3A_13 = arith.constant 0 : index
    %get3A_14 = arith.constant 0 : index
    %get3A_15 = vector.load %arg4[%get3A_13, %get3A_14] : memref<1x128xf32, #tpu.memory_space<vmem>>, vector<1x128xf32>
    %add3A = vector.broadcast %get3A_15 : vector<1x128xf32> to vector<1000x128xf32>
    %add3A_16 = arith.addf %dot_general3A_12, %add3A : vector<1000x128xf32>
    %swap3A_17 = arith.constant 0 : index
    %swap3A_18 = arith.constant 0 : index
    %swap3A_19 = vector.load %arg6[%swap3A_17, %swap3A_18] : memref<1000x128xf32, #tpu.memory_space<vmem>>, vector<1000x128xf32>
    tpu.vector_store %arg6[%swap3A_17, %swap3A_18], %add3A_16 {strides = array<i32>} : memref<1000x128xf32, #tpu.memory_space<vmem>>, vector<1000x128xf32>,
    return
  }
  func.func @transform_0(%arg0: i32) -> (i32, i32) {
    %c0_i32 = arith.constant 0 : i32
    %c0_i32_0 = arith.constant 0 : i32
    return %arg0, %c0_i32 : i32, i32
  }
  func.func @transform_1(%arg0: i32) -> (i32, i32) {
    %c0_i32 = arith.constant 0 : i32
    %c0_i32_0 = arith.constant 0 : i32
    %c0_i32_1 = arith.constant 0 : i32
    return %c0_i32, %c0_i32_0 : i32, i32
  }
  func.func @transform_2(%arg0: i32) -> (i32, i32) {
    %c0_i32 = arith.constant 0 : i32
    %c0_i32_0 = arith.constant 0 : i32
    %c0_i32_1 = arith.constant 0 : i32
    return %c0_i32, %c0_i32_0 : i32, i32
  }
  func.func @transform_3(%arg0: i32) -> (i32, i32) {
    %c0_i32 = arith.constant 0 : i32
    %c0_i32_0 = arith.constant 0 : i32
    %c0_i32_1 = arith.constant 0 : i32
    return %c0_i32, %c0_i32_0 : i32, i32
  }
  func.func @transform_4(%arg0: i32) -> (i32, i32) {
    %c0_i32 = arith.constant 0 : i32
    %c0_i32_0 = arith.constant 0 : i32
    return %arg0, %c0_i32 : i32, i32
  }
  func.func @transform_5(%arg0: i32) -> (i32, i32) {
    %c0_i32 = arith.constant 0 : i32
    %c0_i32_0 = arith.constant 0 : i32
    return %arg0, %c0_i32 : i32, i32
  }
}

module attributes {stable_mosaic.version = 14 : i64} {
  func.func @_mid_body(%arg0: i32, %arg1: memref<2x1000x128xf32, #tpu.memory_space<vmem>>, %arg2: memref<1000x128xf32, #tpu.memory_space<vmem>>, %arg3: memref<128x128xf32, #tpu.memory_space<vmem>>, %arg4: memref<128x128xf32, #tpu.memory_space<vmem>>, %arg5: memref<1x128xf32, #tpu.memory_space<vmem>>, %arg6: memref<1000x128xf32, #tpu.memory_space<vmem>>, %arg7: memref<1000x128xf32, #tpu.memory_space<vmem>>) attributes {dimension_semantics = [#tpu.dimension_semantics<arbitrary>], iteration_bounds = array<i64: 10>, scalar_prefetch = 0 : i64, scratch_operands = 0 : i64, tpu.core_type = #tpu.core_type<tc>, window_params = [{transform_indices = @transform_0, window_bounds = array<i64: 2, 1000, 128>}, {transform_indices = @transform_1, window_bounds = array<i64: 1000, 128>}, {pipeline_mode = #tpu.pipeline_mode<synchronous>, transform_indices = @transform_2, window_bounds = array<i64: 128, 128>}, {pipeline_mode = #tpu.pipeline_mode<synchronous>, transform_indices = @transform_3, window_bounds = array<i64: 128, 128>}, {pipeline_mode = #tpu.pipeline_mode<synchronous>, transform_indices = @transform_4, window_bounds = array<i64: 1, 128>}, {transform_indices = @transform_5, window_bounds = array<i64: 1000, 128>}, {transform_indices = @transform_6, window_bounds = array<i64: 1000, 128>}]} {
    %get3A = arith.constant 0 : index
    %get3A_0 = arith.constant 0 : index
    %get3A_1 = arith.constant 0 : index
    %get3A_2 = vector.load %arg1[%get3A, %get3A_0, %get3A_1] : memref<2x1000x128xf32, #tpu.memory_space<vmem>>, vector<1x1000x128xf32>
    %get3A_3 = vector.shape_cast %get3A_2 : vector<1x1000x128xf32> to vector<1000x128xf32>
    %get3A_4 = arith.constant 1 : index
    %get3A_5 = arith.constant 0 : index
    %get3A_6 = arith.constant 0 : index
    %get3A_7 = vector.load %arg1[%get3A_4, %get3A_5, %get3A_6] : memref<2x1000x128xf32, #tpu.memory_space<vmem>>, vector<1x1000x128xf32>
    %get3A_8 = vector.shape_cast %get3A_7 : vector<1x1000x128xf32> to vector<1000x128xf32>
    %add3A = arith.addf %get3A_3, %get3A_8 : vector<1000x128xf32>
    %get3A_9 = arith.constant 0 : index
    %get3A_10 = arith.constant 0 : index
    %get3A_11 = vector.load %arg2[%get3A_9, %get3A_10] : memref<1000x128xf32, #tpu.memory_space<vmem>>, vector<1000x128xf32>
    %add3A_12 = arith.addf %add3A, %get3A_11 : vector<1000x128xf32>
    %max3A = arith.constant 0.000000e+00 : f32
    %max3A_13 = vector.broadcast %max3A : f32 to vector<1000x128xf32>
    %max3A_14 = arith.maximumf %add3A_12, %max3A_13 : vector<1000x128xf32>
    %get3A_15 = arith.constant 0 : index
    %get3A_16 = arith.constant 0 : index
    %get3A_17 = vector.load %arg3[%get3A_15, %get3A_16] : memref<128x128xf32, #tpu.memory_space<vmem>>, vector<128x128xf32>
    %dot_general3A = arith.constant dense<0.000000e+00> : vector<1000x128xf32>
    %dot_general3A_18 = tpu.matmul %max3A_14, %get3A_17, %dot_general3A {dimension_numbers = #tpu.dot_dimension_numbers<[1], [0], [0], [1], [0, 0, 1, 1], [], []>, precision = #tpu.contract_precision<fp32>, transpose_lhs_hint = false} : vector<1000x128xf32>, vector<128x128xf32>, vector<1000x128xf32> -> vector<1000x128xf32>
    %swap3A = arith.constant 0 : index
    %swap3A_19 = arith.constant 0 : index
    %swap3A_20 = vector.load %arg6[%swap3A, %swap3A_19] : memref<1000x128xf32, #tpu.memory_space<vmem>>, vector<1000x128xf32>
    tpu.vector_store %arg6[%swap3A, %swap3A_19], %dot_general3A_18 {strides = array<i32>} : memref<1000x128xf32, #tpu.memory_space<vmem>>, vector<1000x128xf32>,
    %get3A_21 = arith.constant 0 : index
    %get3A_22 = arith.constant 0 : index
    %get3A_23 = vector.load %arg4[%get3A_21, %get3A_22] : memref<128x128xf32, #tpu.memory_space<vmem>>, vector<128x128xf32>
    %dot_general3A_24 = arith.constant dense<0.000000e+00> : vector<1000x128xf32>
    %dot_general3A_25 = tpu.matmul %max3A_14, %get3A_23, %dot_general3A_24 {dimension_numbers = #tpu.dot_dimension_numbers<[1], [0], [0], [1], [0, 0, 1, 1], [], []>, precision = #tpu.contract_precision<fp32>, transpose_lhs_hint = false} : vector<1000x128xf32>, vector<128x128xf32>, vector<1000x128xf32> -> vector<1000x128xf32>
    %get3A_26 = arith.constant 0 : index
    %get3A_27 = arith.constant 0 : index
    %get3A_28 = vector.load %arg5[%get3A_26, %get3A_27] : memref<1x128xf32, #tpu.memory_space<vmem>>, vector<1x128xf32>
    %add3A_29 = vector.broadcast %get3A_28 : vector<1x128xf32> to vector<1000x128xf32>
    %add3A_30 = arith.addf %dot_general3A_25, %add3A_29 : vector<1000x128xf32>
    %swap3A_31 = arith.constant 0 : index
    %swap3A_32 = arith.constant 0 : index
    %swap3A_33 = vector.load %arg7[%swap3A_31, %swap3A_32] : memref<1000x128xf32, #tpu.memory_space<vmem>>, vector<1000x128xf32>
    tpu.vector_store %arg7[%swap3A_31, %swap3A_32], %add3A_30 {strides = array<i32>} : memref<1000x128xf32, #tpu.memory_space<vmem>>, vector<1000x128xf32>,
    return
  }
  func.func @transform_0(%arg0: i32) -> (i32, i32, i32) {
    %c0_i32 = arith.constant 0 : i32
    %c0_i32_0 = arith.constant 0 : i32
    %c0_i32_1 = arith.constant 0 : i32
    return %c0_i32, %arg0, %c0_i32_0 : i32, i32, i32
  }
  func.func @transform_1(%arg0: i32) -> (i32, i32) {
    %c0_i32 = arith.constant 0 : i32
    %c0_i32_0 = arith.constant 0 : i32
    return %arg0, %c0_i32 : i32, i32
  }
  func.func @transform_2(%arg0: i32) -> (i32, i32) {
    %c0_i32 = arith.constant 0 : i32
    %c0_i32_0 = arith.constant 0 : i32
    %c0_i32_1 = arith.constant 0 : i32
    return %c0_i32, %c0_i32_0 : i32, i32
  }
  func.func @transform_3(%arg0: i32) -> (i32, i32) {
    %c0_i32 = arith.constant 0 : i32
    %c0_i32_0 = arith.constant 0 : i32
    %c0_i32_1 = arith.constant 0 : i32
    return %c0_i32, %c0_i32_0 : i32, i32
  }
  func.func @transform_4(%arg0: i32) -> (i32, i32) {
    %c0_i32 = arith.constant 0 : i32
    %c0_i32_0 = arith.constant 0 : i32
    %c0_i32_1 = arith.constant 0 : i32
    return %c0_i32, %c0_i32_0 : i32, i32
  }
  func.func @transform_5(%arg0: i32) -> (i32, i32) {
    %c0_i32 = arith.constant 0 : i32
    %c0_i32_0 = arith.constant 0 : i32
    return %arg0, %c0_i32 : i32, i32
  }
  func.func @transform_6(%arg0: i32) -> (i32, i32) {
    %c0_i32 = arith.constant 0 : i32
    %c0_i32_0 = arith.constant 0 : i32
    return %arg0, %c0_i32 : i32, i32
  }
}

module attributes {stable_mosaic.version = 14 : i64} {
  func.func @_post_body(%arg0: i32, %arg1: memref<2x1000x128xf32, #tpu.memory_space<vmem>>, %arg2: memref<1000x128xf32, #tpu.memory_space<vmem>>, %arg3: memref<1x1x1000xi32, #tpu.memory_space<vmem>>, %arg4: memref<128x128xf32, #tpu.memory_space<vmem>>, %arg5: memref<1x128xf32, #tpu.memory_space<vmem>>, %arg6: memref<128x1xf32, #tpu.memory_space<vmem>>, %arg7: memref<1x1xf32, #tpu.memory_space<vmem>>, %arg8: memref<16x128xf32, #tpu.memory_space<vmem>>, %arg9: memref<16x128xf32, #tpu.memory_space<vmem>>, %arg10: memref<16x128xf32, #tpu.memory_space<vmem>>) attributes {dimension_semantics = [#tpu.dimension_semantics<arbitrary>], iteration_bounds = array<i64: 10>, scalar_prefetch = 0 : i64, scratch_operands = 2 : i64, tpu.core_type = #tpu.core_type<tc>, window_params = [{transform_indices = @transform_0, window_bounds = array<i64: 2, 1000, 128>}, {transform_indices = @transform_1, window_bounds = array<i64: 1000, 128>}, {transform_indices = @transform_2, window_bounds = array<i64: 1, 1, 1000>}, {pipeline_mode = #tpu.pipeline_mode<synchronous>, transform_indices = @transform_3, window_bounds = array<i64: 128, 128>}, {pipeline_mode = #tpu.pipeline_mode<synchronous>, transform_indices = @transform_4, window_bounds = array<i64: 1, 128>}, {pipeline_mode = #tpu.pipeline_mode<synchronous>, transform_indices = @transform_5, window_bounds = array<i64: 128, 1>}, {pipeline_mode = #tpu.pipeline_mode<synchronous>, transform_indices = @transform_6, window_bounds = array<i64: 1, 1>}, {pipeline_mode = #tpu.pipeline_mode<synchronous>, transform_indices = @transform_7, window_bounds = array<i64: 16, 128>}]} {
    %eq3A = arith.constant 0 : i32
    %eq3A_0 = arith.cmpi eq, %arg0, %eq3A : i32
    %convert_element_type3A = arith.extui %eq3A_0 : i1 to i32
    %cond3A = arith.constant 0 : i32
    %cond3A_1 = arith.cmpi ne, %convert_element_type3A, %cond3A : i32
    scf.if %cond3A_1 {
      %broadcast_in_dim3A_48 = arith.constant 0.000000e+00 : f32
      %broadcast_in_dim3A_49 = vector.broadcast %broadcast_in_dim3A_48 : f32 to vector<16x128xf32>
      %swap3A_50 = arith.constant 0 : index
      %swap3A_51 = arith.constant 0 : index
      %swap3A_52 = vector.load %arg9[%swap3A_50, %swap3A_51] : memref<16x128xf32, #tpu.memory_space<vmem>>, vector<16x128xf32>
      tpu.vector_store %arg9[%swap3A_50, %swap3A_51], %broadcast_in_dim3A_49 {strides = array<i32>} : memref<16x128xf32, #tpu.memory_space<vmem>>, vector<16x128xf32>,
      %broadcast_in_dim3A_53 = arith.constant 0.000000e+00 : f32
      %broadcast_in_dim3A_54 = vector.broadcast %broadcast_in_dim3A_53 : f32 to vector<16x128xf32>
      %swap3A_55 = arith.constant 0 : index
      %swap3A_56 = arith.constant 0 : index
      %swap3A_57 = vector.load %arg10[%swap3A_55, %swap3A_56] : memref<16x128xf32, #tpu.memory_space<vmem>>, vector<16x128xf32>
      tpu.vector_store %arg10[%swap3A_55, %swap3A_56], %broadcast_in_dim3A_54 {strides = array<i32>} : memref<16x128xf32, #tpu.memory_space<vmem>>, vector<16x128xf32>,
    } else {
    }
    %get3A = arith.constant 0 : index
    %get3A_2 = arith.constant 0 : index
    %get3A_3 = arith.constant 0 : index
    %get3A_4 = vector.load %arg1[%get3A, %get3A_2, %get3A_3] : memref<2x1000x128xf32, #tpu.memory_space<vmem>>, vector<1x1000x128xf32>
    %get3A_5 = vector.shape_cast %get3A_4 : vector<1x1000x128xf32> to vector<1000x128xf32>
    %get3A_6 = arith.constant 1 : index
    %get3A_7 = arith.constant 0 : index
    %get3A_8 = arith.constant 0 : index
    %get3A_9 = vector.load %arg1[%get3A_6, %get3A_7, %get3A_8] : memref<2x1000x128xf32, #tpu.memory_space<vmem>>, vector<1x1000x128xf32>
    %get3A_10 = vector.shape_cast %get3A_9 : vector<1x1000x128xf32> to vector<1000x128xf32>
    %add3A = arith.addf %get3A_5, %get3A_10 : vector<1000x128xf32>
    %get3A_11 = arith.constant 0 : index
    %get3A_12 = arith.constant 0 : index
    %get3A_13 = vector.load %arg2[%get3A_11, %get3A_12] : memref<1000x128xf32, #tpu.memory_space<vmem>>, vector<1000x128xf32>
    %add3A_14 = arith.addf %add3A, %get3A_13 : vector<1000x128xf32>
    %max3A = arith.constant 0.000000e+00 : f32
    %max3A_15 = vector.broadcast %max3A : f32 to vector<1000x128xf32>
    %max3A_16 = arith.maximumf %add3A_14, %max3A_15 : vector<1000x128xf32>
    %get3A_17 = arith.constant 0 : index
    %get3A_18 = arith.constant 0 : index
    %get3A_19 = arith.constant 0 : index
    %get3A_20 = vector.load %arg3[%get3A_17, %get3A_18, %get3A_19] : memref<1x1x1000xi32, #tpu.memory_space<vmem>>, vector<1x1x1000xi32>
    %get3A_21 = vector.shape_cast %get3A_20 : vector<1x1x1000xi32> to vector<1000xi32>
    %broadcast_in_dim3A = vector.shape_cast %get3A_21 : vector<1000xi32> to vector<1x1000xi32>
    %iota3A = tpu.iota {dimensions = array<i32: 0>} : vector<16x1000xi32>
    %eq3A_22 = vector.broadcast %broadcast_in_dim3A : vector<1x1000xi32> to vector<16x1000xi32>
    %eq3A_23 = arith.cmpi eq, %eq3A_22, %iota3A : vector<16x1000xi32>
    %convert_element_type3A_24 = arith.extui %eq3A_23 : vector<16x1000xi1> to vector<16x1000xi32>
    %convert_element_type3A_25 = arith.sitofp %convert_element_type3A_24 : vector<16x1000xi32> to vector<16x1000xf32>
    %get3A_26 = arith.constant 0 : index
    %get3A_27 = arith.constant 0 : index
    %get3A_28 = vector.load %arg9[%get3A_26, %get3A_27] : memref<16x128xf32, #tpu.memory_space<vmem>>, vector<16x128xf32>
    %dot_general3A = arith.constant dense<0.000000e+00> : vector<16x128xf32>
    %dot_general3A_29 = tpu.matmul %convert_element_type3A_25, %max3A_16, %dot_general3A {dimension_numbers = #tpu.dot_dimension_numbers<[1], [0], [0], [1], [0, 0, 1, 1], [], []>, precision = #tpu.contract_precision<fp32>, transpose_lhs_hint = false} : vector<16x1000xf32>, vector<1000x128xf32>, vector<16x128xf32> -> vector<16x128xf32>
    %add3A_30 = arith.addf %get3A_28, %dot_general3A_29 : vector<16x128xf32>
    %swap3A = arith.constant 0 : index
    %swap3A_31 = arith.constant 0 : index
    %swap3A_32 = vector.load %arg9[%swap3A, %swap3A_31] : memref<16x128xf32, #tpu.memory_space<vmem>>, vector<16x128xf32>
    tpu.vector_store %arg9[%swap3A, %swap3A_31], %add3A_30 {strides = array<i32>} : memref<16x128xf32, #tpu.memory_space<vmem>>, vector<16x128xf32>,
    %get3A_33 = arith.constant 0 : index
    %get3A_34 = arith.constant 0 : index
    %get3A_35 = vector.load %arg10[%get3A_33, %get3A_34] : memref<16x128xf32, #tpu.memory_space<vmem>>, vector<16x128xf32>
    %reduce_sum3A = arith.constant dense<0.000000e+00> : vector<16xf32>
    %reduce_sum3A_36 = vector.multi_reduction <add>, %convert_element_type3A_25, %reduce_sum3A [1] : vector<16x1000xf32> to vector<16xf32>
    %broadcast_in_dim3A_37 = vector.shape_cast %reduce_sum3A_36 : vector<16xf32> to vector<16x1xf32>
    %add3A_38 = vector.broadcast %broadcast_in_dim3A_37 : vector<16x1xf32> to vector<16x128xf32>
    %add3A_39 = arith.addf %get3A_35, %add3A_38 : vector<16x128xf32>
    %swap3A_40 = arith.constant 0 : index
    %swap3A_41 = arith.constant 0 : index
    %swap3A_42 = vector.load %arg10[%swap3A_40, %swap3A_41] : memref<16x128xf32, #tpu.memory_space<vmem>>, vector<16x128xf32>
    tpu.vector_store %arg10[%swap3A_40, %swap3A_41], %add3A_39 {strides = array<i32>} : memref<16x128xf32, #tpu.memory_space<vmem>>, vector<16x128xf32>,
    %eq3A_43 = arith.constant 9 : i32
    %eq3A_44 = arith.cmpi eq, %arg0, %eq3A_43 : i32
    %convert_element_type3A_45 = arith.extui %eq3A_44 : i1 to i32
    %cond3A_46 = arith.constant 0 : i32
    %cond3A_47 = arith.cmpi ne, %convert_element_type3A_45, %cond3A_46 : i32
    scf.if %cond3A_47 {
      %get3A_48 = arith.constant 0 : index
      %get3A_49 = arith.constant 0 : index
      %get3A_50 = vector.load %arg9[%get3A_48, %get3A_49] : memref<16x128xf32, #tpu.memory_space<vmem>>, vector<16x128xf32>
      %get3A_51 = arith.constant 0 : index
      %get3A_52 = arith.constant 0 : index
      %get3A_53 = vector.load %arg10[%get3A_51, %get3A_52] : memref<16x128xf32, #tpu.memory_space<vmem>>, vector<16x128xf32>
      %max3A_54 = arith.constant 1.000000e+00 : f32
      %max3A_55 = vector.broadcast %max3A_54 : f32 to vector<16x128xf32>
      %max3A_56 = arith.maximumf %get3A_53, %max3A_55 : vector<16x128xf32>
      %div3A = arith.divf %get3A_50, %max3A_56 : vector<16x128xf32>
      %get3A_57 = arith.constant 0 : index
      %get3A_58 = arith.constant 0 : index
      %get3A_59 = vector.load %arg4[%get3A_57, %get3A_58] : memref<128x128xf32, #tpu.memory_space<vmem>>, vector<128x128xf32>
      %dot_general3A_60 = arith.constant dense<0.000000e+00> : vector<16x128xf32>
      %dot_general3A_61 = tpu.matmul %div3A, %get3A_59, %dot_general3A_60 {dimension_numbers = #tpu.dot_dimension_numbers<[1], [0], [0], [1], [0, 0, 1, 1], [], []>, precision = #tpu.contract_precision<fp32>, transpose_lhs_hint = false} : vector<16x128xf32>, vector<128x128xf32>, vector<16x128xf32> -> vector<16x128xf32>
      %get3A_62 = arith.constant 0 : index
      %get3A_63 = arith.constant 0 : index
      %get3A_64 = vector.load %arg5[%get3A_62, %get3A_63] : memref<1x128xf32, #tpu.memory_space<vmem>>, vector<1x128xf32>
      %add3A_65 = vector.broadcast %get3A_64 : vector<1x128xf32> to vector<16x128xf32>
      %add3A_66 = arith.addf %dot_general3A_61, %add3A_65 : vector<16x128xf32>
      %get3A_67 = arith.constant 0 : index
      %get3A_68 = arith.constant 0 : index
      %get3A_69 = vector.load %arg6[%get3A_67, %get3A_68] : memref<128x1xf32, #tpu.memory_space<vmem>>, vector<128x1xf32>
      %dot_general3A_70 = arith.constant dense<0.000000e+00> : vector<16x1xf32>
      %dot_general3A_71 = tpu.matmul %add3A_66, %get3A_69, %dot_general3A_70 {dimension_numbers = #tpu.dot_dimension_numbers<[1], [0], [0], [1], [0, 0, 1, 1], [], []>, precision = #tpu.contract_precision<fp32>, transpose_lhs_hint = false} : vector<16x128xf32>, vector<128x1xf32>, vector<16x1xf32> -> vector<16x1xf32>
      %get3A_72 = arith.constant 0 : index
      %get3A_73 = arith.constant 0 : index
      %get3A_74 = vector.load %arg7[%get3A_72, %get3A_73] : memref<1x1xf32, #tpu.memory_space<vmem>>, vector<1x1xf32>
      %add3A_75 = vector.broadcast %get3A_74 : vector<1x1xf32> to vector<16x1xf32>
      %add3A_76 = arith.addf %dot_general3A_71, %add3A_75 : vector<16x1xf32>
      %broadcast_in_dim3A_77 = vector.shape_cast %add3A_76 : vector<16x1xf32> to vector<16x1xf32>
      %broadcast_in_dim3A_78 = vector.broadcast %broadcast_in_dim3A_77 : vector<16x1xf32> to vector<16x128xf32>
      %swap3A_79 = arith.constant 0 : index
      %swap3A_80 = arith.constant 0 : index
      %swap3A_81 = vector.load %arg8[%swap3A_79, %swap3A_80] : memref<16x128xf32, #tpu.memory_space<vmem>>, vector<16x128xf32>
      tpu.vector_store %arg8[%swap3A_79, %swap3A_80], %broadcast_in_dim3A_78 {strides = array<i32>} : memref<16x128xf32, #tpu.memory_space<vmem>>, vector<16x128xf32>,
    } else {
    }
    return
  }
  func.func @transform_0(%arg0: i32) -> (i32, i32, i32) {
    %c0_i32 = arith.constant 0 : i32
    %c0_i32_0 = arith.constant 0 : i32
    %c0_i32_1 = arith.constant 0 : i32
    return %c0_i32, %arg0, %c0_i32_0 : i32, i32, i32
  }
  func.func @transform_1(%arg0: i32) -> (i32, i32) {
    %c0_i32 = arith.constant 0 : i32
    %c0_i32_0 = arith.constant 0 : i32
    return %arg0, %c0_i32 : i32, i32
  }
  func.func @transform_2(%arg0: i32) -> (i32, i32, i32) {
    %c0_i32 = arith.constant 0 : i32
    %c0_i32_0 = arith.constant 0 : i32
    %c0_i32_1 = arith.constant 0 : i32
    return %arg0, %c0_i32, %c0_i32_0 : i32, i32, i32
  }
  func.func @transform_3(%arg0: i32) -> (i32, i32) {
    %c0_i32 = arith.constant 0 : i32
    %c0_i32_0 = arith.constant 0 : i32
    %c0_i32_1 = arith.constant 0 : i32
    return %c0_i32, %c0_i32_0 : i32, i32
  }
  func.func @transform_4(%arg0: i32) -> (i32, i32) {
    %c0_i32 = arith.constant 0 : i32
    %c0_i32_0 = arith.constant 0 : i32
    %c0_i32_1 = arith.constant 0 : i32
    return %c0_i32, %c0_i32_0 : i32, i32
  }
  func.func @transform_5(%arg0: i32) -> (i32, i32) {
    %c0_i32 = arith.constant 0 : i32
    %c0_i32_0 = arith.constant 0 : i32
    %c0_i32_1 = arith.constant 0 : i32
    return %c0_i32, %c0_i32_0 : i32, i32
  }
  func.func @transform_6(%arg0: i32) -> (i32, i32) {
    %c0_i32 = arith.constant 0 : i32
    %c0_i32_0 = arith.constant 0 : i32
    %c0_i32_1 = arith.constant 0 : i32
    return %c0_i32, %c0_i32_0 : i32, i32
  }
  func.func @transform_7(%arg0: i32) -> (i32, i32) {
    %c0_i32 = arith.constant 0 : i32
    %c0_i32_0 = arith.constant 0 : i32
    %c0_i32_1 = arith.constant 0 : i32
    return %c0_i32, %c0_i32_0 : i32, i32
  }
}

</mosaic_0001>

<sc_bundles>
// kernel: kernel.11.cloned.1.call-start
scs
__scs_entry_jumppad:
0x0: {  	(pc) =	sbr.rel $0x88, $3  }
0x1: {  	(tag) =	ssettag $0x0;
	lr =	simm.s32 $0x1  }
0x2: {  	[smem:$0x3F8E] =	sst lr;
	_ =	strace $0xD0000000  }
0x3: {  	_ = 	snop  }
0x4: {  	_ = 	snop  }
0x5: {  	_ = 	snop  }
0x6: {  	_ = 	snop  }
0x7: {  	_ = 	snop  }
__scs_overlays_trampoline_lowered:
0x8: {  	[smem:$0x3F9D] =	sst s0  }
0x9: {  	[smem:$0x3F9E] =	sst s1  }
0xa: {  	[smem:$0x3F9F] =	sst s2  }
0xb: {  	[smem:$0x3FA0] =	sst s3  }
0xc: {  	[smem:$0x3FA1] =	sst s4  }
0xd: {  	[smem:$0x3FA2] =	sst s5  }
0xe: {  	[smem:$0x3FA3] =	sst s6  }
0xf: {  	[smem:$0x3FA4] =	sst s7  }
0x10: {  	[smem:$0x3FA5] =	sst s8  }
0x11: {  	[smem:$0x3FA6] =	sst s9;
	s0 =	simm.s32 @!p0 $0x0  }
0x12: {  	s1 =	sld [smem:$0x3F8C];
	s0 =	simm.s32 @p0 $0x1  }
0x13: {  	[smem:$0x3FA7] =	sst s0;
	s0 =	simm.s32 @!p1 $0x0  }
0x14: {  	s2 =	sld [smem:$0x3F8B];
	s0 =	simm.s32 @p1 $0x1  }
0x15: {  	[smem:$0x3FA8] =	sst s0;
	s0 =	simm.s32 @!p2 $0x0  }
0x16: {  	s3 =	sld [smem:$0x3FDB];
	s0 =	simm.s32 @p2 $0x1  }
0x17: {  	s4 =	simm.s32 $0x1BF5;
	[smem:$0x3FAA] =	sst s0  }
0x18: {  	s0 =	sld [smem:$0x3F8D];
	_ =	swait.ge [sflag:s4], $0x0  }
0x19: {  	s7 =	sld [smem:$0x3F8E]  }
0x1a: {  	s8 =	sadd.s32 $0xFFFFE003, lr  }
0x1b: {  	s9 =	sadd.s32 $0xFFFFFEF7, lr;
	s5 =	simm.s32 $0xFFFFFFFF;
	p2 =	slt.u32 s8, $0xFFFFF086  }
0x1c: {  	p1 =	slt.u32 s9, $0xF7A;
	s5 =	simm.s32 @!p2 $0x0  }
0x1d: {  	s5 =	simm.s32 @p1 $0x1;
	p0 =	seq.s32 s7, s2  }
0x1e: {  	s7 =	smul.u32 @!p0 $0xF7A, s2;
	p2 =	seq.s32 @!p0 s5, $0x0  }
0x1f: {  	s9 =	smul.u32 $0xF7A, s1;
	s8 =	simm.s32 @!p0 $0x1BF5;
	p2 =	por !p2, p0  }
0x20: {  	[sflag:s8] =	ssyncset.s32 @!p0 $0xFFFFF086;
	s6 =	sadd.s32 @!p0 s3, s7;
	s7 =	simm.s32 @!p0 $0x108  }
0x21: {  	s3 =	sadd.s32 s3, s9;
	s6 =	sadd.s32 @!p0 $0x88, s6;
	s7 =	simm.s32 @p2 $0x1082  }
0x22: {  	[simem:s7], [sflag:s8] =	dma.local @!p0 [hbm:s6], $0xF7A  }
0x23: {  	s9 =	sor.u32 $0xD0000000, s2;
	s6 =	simm.s32 $0x108;
	_ =	swait.ge @!p0 [sflag:s8], $0x0  }
0x24: {  	s3 =	sadd.s32 $0x88, s3;
	s6 =	simm.s32 @!p1 $0x1082;
	[sflag:s4] =	ssyncset.s32 $0xFFFFF086  }
0x25: {  	[simem:s6], [sflag:s4] =	dma.local [hbm:s3], $0xF7A  }
0x26: {  	[smem:$0x3F8E] =	sst s1;
	(tag) =	ssettag s2;
	_ =	strace s9  }
0x27: {  	s1 =	sld [smem:$0x3F9E]  }
0x28: {  	s2 =	sld [smem:$0x3F9F]  }
0x29: {  	s4 =	sld [smem:$0x3FA1]  }
0x2a: {  	p0 =	seq.s32 s5, $0x0;
	s5 =	sld [smem:$0x3FA2]  }
0x2b: {  	s6 =	sld [smem:$0x3FA3]  }
0x2c: {  	s7 =	sld [smem:$0x3FA4]  }
0x2d: {  	s3 =	simm.s32 $0x108;
	s8 =	sld [smem:$0x3FA5]  }
0x2e: {  	s3 =	simm.s32 @!p0 $0x1082;
	s9 =	sld [smem:$0x3FA6]  }
0x2f: {  	lr =	sadd.s32 s0, s3;
	s0 =	sld [smem:$0x3F9D]  }
0x30: {  	s3 =	sld [smem:$0x3FA0]  }
0x31: {  	[smem:$0x3FA9] =	sst s10  }
0x32: {  	s10 =	sld [smem:$0x3FA7];
	_ =	sdelay $0x3  }
0x33: {  	p0 =	seq.s32 s10, $0x1;
	s10 =	sld [smem:$0x3FA9];
	_ =	sdelay $0x3  }
0x34: {  	[smem:$0x3FA9] =	sst s10  }
0x35: {  	s10 =	sld [smem:$0x3FA8];
	_ =	sdelay $0x3  }
0x36: {  	p1 =	seq.s32 s10, $0x1;
	s10 =	sld [smem:$0x3FA9];
	_ =	sdelay $0x3  }
0x37: {  	[smem:$0x3FA9] =	sst s10  }
0x38: {  	s10 =	sld [smem:$0x3FAA]  }
0x39: {  	_ = 	snop;
	(pc) =	sbr.ind lr, $3  }
0x3a: {  	_ = 	snop  }
0x3b: {  	_ = 	snop  }
0x3c: {  	p2 =	seq.s32 s10, $0x1;
	s10 =	sld [smem:$0x3FA9]  }
0x3d: {  	_ =	shalt  }
0x3e: {  	_ =	shalt  }
0x3f: {  	_ =	shalt  }
0x40: {  	_ =	shalt  }
0x41: {  	_ =	shalt  }
0x42: {  	_ =	shalt  }
0x43: {  	_ =	shalt  }
0x44: {  	_ =	shalt  }
0x45: {  	_ =	shalt  }
0x46: {  	_ =	shalt  }
0x47: {  	_ =	shalt  }
0x48: {  	_ =	shalt  }
0x49: {  	_ =	shalt  }
0x4a: {  	_ =	shalt  }
0x4b: {  	_ =	shalt  }
0x4c: {  	_ =	shalt  }
0x4d: {  	_ =	shalt  }
0x4e: {  	_ =	shalt  }
0x4f: {  	_ =	shalt  }
0x50: {  	_ =	shalt  }
0x51: {  	_ =	shalt  }
0x52: {  	_ =	shalt  }
0x53: {  	_ =	shalt  }
0x54: {  	_ =	shalt  }
0x55: {  	_ =	shalt  }
0x56: {  	_ =	shalt  }
0x57: {  	_ =	shalt  }
0x58: {  	_ =	shalt  }
0x59: {  	_ =	shalt  }
0x5a: {  	_ =	shalt  }
0x5b: {  	_ =	shalt  }
0x5c: {  	_ =	shalt  }
0x5d: {  	_ =	shalt  }
0x5e: {  	_ =	shalt  }
0x5f: {  	_ =	shalt  }
0x60: {  	_ =	shalt  }
0x61: {  	_ =	shalt  }
0x62: {  	_ =	shalt  }
0x63: {  	_ =	shalt  }
0x64: {  	_ =	shalt  }
0x65: {  	_ =	shalt  }
0x66: {  	_ =	shalt  }
0x67: {  	_ =	shalt  }
0x68: {  	_ =	shalt  }
0x69: {  	_ =	shalt  }
0x6a: {  	_ =	shalt  }
0x6b: {  	_ =	shalt  }
0x6c: {  	_ =	shalt  }
0x6d: {  	_ =	shalt  }
0x6e: {  	_ =	shalt  }
0x6f: {  	_ =	shalt  }
0x70: {  	_ =	shalt  }
0x71: {  	_ =	shalt  }
0x72: {  	_ =	shalt  }
0x73: {  	_ =	shalt  }
0x74: {  	_ =	shalt  }
0x75: {  	_ =	shalt  }
0x76: {  	_ =	shalt  }
0x77: {  	_ =	shalt  }
0x78: {  	_ =	shalt  }
0x79: {  	_ =	shalt  }
0x7a: {  	_ =	shalt  }
0x7b: {  	_ =	shalt  }
0x7c: {  	_ =	shalt  }
0x7d: {  	_ =	shalt  }
0x7e: {  	_ =	shalt  }
0x7f: {  	_ =	shalt  }
0x80: {  	_ =	shalt  }
0x81: {  	_ =	shalt  }
0x82: {  	_ =	shalt  }
0x83: {  	_ =	shalt  }
0x84: {  	_ =	shalt  }
0x85: {  	_ =	shalt  }
0x86: {  	_ =	shalt  }
0x87: {  	_ =	shalt  }
.Lfunc_end0:
.L_simem_size_0:
called_computation_lowered:
.L_overlay_start_0:
0x88: {  	s2 =	sld [smem:$0x3FD9]  }
0x89: {  	s3 =	sld [smem:$0x3FFE];
	_ =	sdelay $0x1  }
0x8a: {  	s1 =	srdreg.scid  }
0x8b: {  	s0 =	sand.u32 $0x1, s1  }
0x8c: {  	s16 =	sshll.u32 s0, $0xA;
	s2 =	sadd.s32 s3, s2  }
0x8d: {  	s2 =	sadd.s32 s2, s16  }
0x8e: {  	[smem:$0x3FB5] =	sst s2  }
0x8f: {  	_ = 	snop  }
0x90: {  	(tm) =	ssettm $0x1  }
0x91: {  	s17 =	sld [smem:$0x3FFB];
	_ =	sdelay $0x3  }
0x92: {  	_ =	strace s17  }
0x93: {  	s2 =	sld [smem:$0x3FFC];
	_ =	sdelay $0x3  }
0x94: {  	_ =	strace s2  }
0x95: {  	s2 =	sld [smem:$0x3FFD];
	_ =	sdelay $0x3  }
0x96: {  	_ =	strace s2  }
0x97: {  	_ =	strace $0x8FFFFFFF  }
0x98: {  	s18 =	sld [smem:$0x3FDB];
	_ =	sdelay $0x1  }
0x99: {  	s19 =	simm.s32 $_scs_section_size  }
0x9a: {  	s4 =	simm.s32 $_size__tile_overlayer_lowered;
	s5 =	simm.s32 $_tile_overlayer_lowered  }
0x9b: {  	s22 =	simm.s32 $0x1BFF;
	s21 =	sshll.u32 s5, $0x1;
	s2 =	sadd.s32 s19, s18  }
0x9c: {  	s6 =	simm.s32 $0x0;
	s20 =	sshll.u32 s4, $0x1;
	s4 =	sadd.s32 s21, s2  }
0x9d: {  	[timem:s6], [sflag:s22] =	dma.local [hbm:s4], s20  }
0x9e: {  	_ =	swait.ge [sflag:s22], s20  }
0x9f: {  	s3 =	ssub.s32 $0x0, s20;
	[sflag:s22] =	ssyncset.done $0x0  }
0xa0: {  	[sflag:s22] =	ssyncadd.s32 s3;
	_ =	sdelay $0x1  }
0xa1: {  	s23 =	simm.s32 $0x1B8B  }
0xa2: {  	_ =	swait.ge [sflag:s23], $0x1  }
0xa3: {  	[sflag:s23] =	ssyncset.done $0x0  }
0xa4: {  	s25 =	simm.s32 $0x1B8E;
	s24 =	sld [smem:$0x3FFE];
	[sflag:s23] =	ssyncadd.s32 $0xFFFFFFFF  }
0xa5: {  	s26 =	simm.s32 $execute0_lowered;
	[smem:$0x3FD2] =	sst s25  }
0xa6: {  	s4 =	sshll.u32 s26, $0x1;
	_ =	strace $0x80000046;
	[dreg:$0x1] =	wrdreg $0xFFFFFFFF  }
0xa7: {  	s28 =	simm.s32 $_size_execute0_lowered;
	s2 =	sadd.s32 s2, s4;
	[dreg:$0x0] =	wrdreg $0x0  }
0xa8: {  	s4 =	sshll.u32 s28, $0x1;
	[dreg:$0x2] =	wrdreg s2  }
0xa9: {  	[dreg:$0x3] =	wrdreg s4  }
0xaa: {  	[dreg:$0x4] =	wrdreg $0xC0  }
0xab: {  	_ =	task [dreg:s6], $0x5FFFF  }
0xac: {  	[dreg:$0x1] =	wrdreg $0xFFFFFFFF  }
0xad: {  	[dreg:$0x0] =	wrdreg $0x60  }
0xae: {  	[dreg:$0x2] =	wrdreg s24  }
0xaf: {  	[dreg:$0x3] =	wrdreg $0x84000  }
0xb0: {  	[dreg:$0x4] =	wrdreg $0x9  }
0xb1: {  	_ =	task.clear_ibuf [dreg:s6], $0x5FFFF;
	_ =	strace $0x90000046  }
0xb2: {  	s29 =	simm.s32 $0x9;
	_ =	strace $0x80000048  }
0xb3: {  	_ =	swait.ge [sflag:s29], $0x1  }
0xb4: {  	[sflag:s29] =	ssyncadd.s32 $0xFFFFFFFF  }
0xb5: {  	_ =	strace $0x90000048  }
0xb6: {  	_ =	sfence  }
0xb7: {  	s30 =	sld [smem:$0x0];
	_ =	sdelay $0x2  }
0xb8: {  	s31 =	sshll.u32 s1, $0xD;
	s1 =	sshrl.u32 s1, $0x2  }
0xb9: {  	s3 =	sand.u32 $0x4000, s31;
	s1 =	sadd.s32 s1, s30  }
0xba: {  	s0 =	sor.u32 s3, s0;
	s1 =	sshll.u32 s1, $0x11  }
0xbb: {  	s0 =	sor.u32 s1, s0  }
0xbc: {  	s0 =	sadd.s32 $0x8F2B, s0  }
0xbd: {  	[sflag:s0] =	ssyncadd.remote.s32 $0x1  }
0xbe: {  	_ =	sfence.sel $0xFFFF  }
0xbf: {  	[dreg:$0x0] =	wrdreg $0xFFFFFFFF;
	(pc) =	sbr.abs _section_cstart, $3  }
0xc0: {  	[dreg:$0x1] =	wrdreg $0xFFFFFFFF  }
0xc1: {  	_ =	task.clear_ibuf [dreg:s6], $0x2FFFF;
	_ =	strace $0x9FFFFFFF  }
0xc2: {  	(tm) =	ssettm $0x7FFFFFFF  }
0xc3: {  	_ =	shalt  }
tec
execute0_lowered:
.L_overlay_start_1:
0x0: {  	(tag) =	ssettag $0x1  }
0x1: {  	s0 =	srdreg.scid  }
0x2: {  	s9 =	stileid.u32;
	s1 =	rddreg [dreg:$0x0]  }
0x3: {  	s2 =	rddreg [dreg:$0x1];
	s11 =	simm.s32 $0x9;
	s12 =	simm.s32 $0x200  }
0x4: {  	s13 =	simm.s32 $0x80;
	s14 =	simm.s32 $0x400;
	s15 =	simm.s32 $0x1  }
0x5: {  	s17 =	simm.s32 $0x100;
	s19 =	simm.s32 $0x300;
	s28 =	simm.s32 $0x4  }
0x6: {  	s29 =	simm.s32 $0x180;
	s30 =	simm.s32 $0x380;
	s31 =	simm.s32 $0x5  }
0x7: {  	s0 =	sand.u32 $0x1, s0;
	s3 =	sshll.u32 s9, $0x1;
	s24 =	smul.u32 $0x2780, s9  }
0x8: {  	s7 =	smul.u32 $0x4F000, s9;
	s22 =	sshll.u32 s9, $0x6;
	s4 =	sor.u32 s0, s3  }
0x9: {  	s3 =	simm.s32 $0x0;
	s6 =	smul.u32 $0x27800, s0;
	s0 =	ssub.s32 $0x2, s0  }
0xa: {  	s5 =	smul.u32 $0x580, s4;
	[smem:$0x7FF] =	sst s3;
	s4 =	sadd.s32 $0x1A200, s1  }
0xb: {  	s8 =	sadd.s32 s24, s1;
	s20 =	sshrl.u32 s0, $0x1;
	s21 =	sshrl.u32 s7, $0x2  }
0xc: {  	_ =	strace $0x80000047;
	s0 =	ssub.s32 s0, s20;
	s10 =	sadd.s32 s21, s2  }
0xd: {  	s23 =	sadd.s32 $0x41400, s8;
	s20 =	simm.s32 $0x4400;
	s21 =	simm.s32 $0x2  }
0xe: {  	s5 =	sadd.s32 s5, s1;
	s1 =	sadd.s32 s6, s1;
	[dreg:$0x3] =	wrdreg s23  }
0xf: {  	s6 =	sor.u32 $0x1C09, s22;
	s0 =	smax.u32 s0, $0x1;
	s10 =	sshrl.u32 s10, $0x3  }
0x10: {  	s22 =	simm.s32 $0x280;
	s23 =	simm.s32 $0x3;
	s7 =	sadd.s32 $0x4200, s5  }
0x11: {  	s8 =	sadd.s32 $0xF200, s5;
	s1 =	sadd.s32 $0x68C00, s1;
	[dreg:$0x4] =	wrdreg s0  }
0x12: {  	s0 =	simm.s32 $0x0;
	s25 =	sadd.s32 $0x20, s7;
	s26 =	sadd.s32 $0x20, s8  }
0x13: {  	s24 =	sadd.s32 s24, s1;
	s1 =	simm.s32 $0x6;
	[dreg:$0x5] =	wrdreg s25  }
0x14: {  	[dreg:$0x6] =	wrdreg s26;
	s25 =	simm.s32 $0x7;
	s26 =	simm.s32 $0x8  }
.LBB2_1:
0x15: {  	s5 =	rddreg [dreg:$0x3]  }
0x16: {  	[spmem:s10], [sflag:s6] =	dma.local [hbm:s5], $0x2780  }
0x17: {  	_ =	swait.ge [sflag:s11], $0x2780  }
0x18: {  	[sflag:s11] =	ssyncset.done $0x0  }
0x19: {  	[sflag:s11] =	ssyncadd.s32 $0xFFFFD880  }
0x1a: {  	[bflag:$0x0] =	sbarrier.arrive $0xFFFF  }
0x1b: {  	[tilespmem:s3], [sflag:$0x9] =	stream.linear.gather [hbm4b:s7+s3], $0x100, $0x38;
	[tilespmem:$0x1C000] =	vst v63  }
0x1c: {  	_ =	swait.ge [sflag:s11], $0x100  }
0x1d: {  	[sflag:s11] =	ssyncset.done $0x0  }
0x1e: {  	[sflag:s11] =	ssyncadd.s32 $0xFFFFFF00  }
0x1f: {  	[tilespmem:s12], [sflag:$0x9] =	stream.linear.gather [hbm4b:s8+s3], $0x100, $0x38;
	[tilespmem:$0x1C000] =	vst v63  }
0x20: {  	_ =	swait.ge [sflag:s11], $0x100  }
0x21: {  	[sflag:s11] =	ssyncset.done $0x0  }
0x22: {  	[sflag:s11] =	ssyncadd.s32 $0xFFFFFF00  }
0x23: {  	[tilespmem:s14], [sflag:$0x1] =	stream.indirect.gather [hbm4b:s4+s13], $0x80, s3, s13, $0xb8;
	[tilespmem:$0x1C000] =	vst v63  }
0x24: {  	_ =	swait.ge [sflag:s15], $0x4000  }
0x25: {  	[sflag:s15] =	ssyncset.done $0x0  }
0x26: {  	[sflag:s15] =	ssyncadd.s32 $0xFFFFC000  }
0x27: {  	[spmem:s2] =	stream.indirect.scatter.add.f32 [tilespmem:s14], [sflag:$0x3], $0x80, s12, s13, $0xb8;
	[tilespmem:$0x1C000] =	vst v63  }
0x28: {  	s16 =	rddreg [dreg:$0x5]  }
0x29: {  	[tilespmem:s17], [sflag:$0x7] =	stream.linear.gather [hbm4b:s16+s3], $0x100, $0x38;
	[tilespmem:$0x1C000] =	vst v63  }
0x2a: {  	s18 =	rddreg [dreg:$0x6]  }
0x2b: {  	[tilespmem:s19], [sflag:$0x8] =	stream.linear.gather [hbm4b:s18+s3], $0x100, $0x38;
	[tilespmem:$0x1C000] =	vst v63  }
0x2c: {  	_ = 	snop  }
0x2d: {  	[tilespmem:s20], [sflag:$0x2] =	stream.indirect.gather [hbm4b:s4+s13], $0x80, s13, s13, $0xb8;
	[tilespmem:$0x1C000] =	vst v63  }
0x2e: {  	_ =	swait.ge [sflag:s21], $0x4000  }
0x2f: {  	[sflag:s21] =	ssyncset.done $0x0  }
0x30: {  	[sflag:s21] =	ssyncadd.s32 $0xFFFFC000  }
0x31: {  	[spmem:s2] =	stream.indirect.scatter.add.f32 [tilespmem:s20], [sflag:$0x4], $0x80, s22, s13, $0xb8;
	[tilespmem:$0x1C000] =	vst v63  }
0x32: {  	_ =	swait.ge [sflag:s23], $0x4000  }
0x33: {  	[sflag:s23] =	ssyncset.done $0x0  }
0x34: {  	[sflag:s23] =	ssyncadd.s32 $0xFFFFC000  }
0x35: {  	_ =	swait.ge [sflag:s25], $0x100  }
0x36: {  	[sflag:s25] =	ssyncset.done $0x0  }
0x37: {  	[sflag:s25] =	ssyncadd.s32 $0xFFFFFF00  }
0x38: {  	_ =	swait.ge [sflag:s26], $0x100  }
0x39: {  	[sflag:s26] =	ssyncset.done $0x0  }
0x3a: {  	[sflag:s26] =	ssyncadd.s32 $0xFFFFFF00  }
0x3b: {  	[tilespmem:s14], [sflag:$0x1] =	stream.indirect.gather [hbm4b:s4+s13], $0x80, s17, s13, $0xb8;
	[tilespmem:$0x1C000] =	vst v63  }
0x3c: {  	_ =	swait.ge [sflag:s15], $0x4000  }
0x3d: {  	[sflag:s15] =	ssyncset.done $0x0  }
0x3e: {  	[sflag:s15] =	ssyncadd.s32 $0xFFFFC000  }
0x3f: {  	[spmem:s2] =	stream.indirect.scatter.add.f32 [tilespmem:s14], [sflag:$0x3], $0x80, s19, s13, $0xb8;
	[tilespmem:$0x1C000] =	vst v63  }
0x40: {  	_ =	swait.ge [sflag:s28], $0x4000  }
0x41: {  	[sflag:s28] =	ssyncset.done $0x0  }
0x42: {  	s9 =	sadd.s32 $0x40, s7;
	[sflag:s28] =	ssyncadd.s32 $0xFFFFC000  }
0x43: {  	[tilespmem:s3], [sflag:$0x5] =	stream.linear.gather [hbm4b:s9+s3], $0x100, $0x38;
	[tilespmem:$0x1C000] =	vst v63  }
0x44: {  	s16 =	sadd.s32 $0x40, s8  }
0x45: {  	[tilespmem:s12], [sflag:$0x6] =	stream.linear.gather [hbm4b:s16+s3], $0x100, $0x38;
	[tilespmem:$0x1C000] =	vst v63  }
0x46: {  	_ = 	snop  }
0x47: {  	[tilespmem:s20], [sflag:$0x2] =	stream.indirect.gather [hbm4b:s4+s13], $0x80, s29, s13, $0xb8;
	[tilespmem:$0x1C000] =	vst v63  }
0x48: {  	_ =	swait.ge [sflag:s21], $0x4000  }
0x49: {  	[sflag:s21] =	ssyncset.done $0x0  }
0x4a: {  	[sflag:s21] =	ssyncadd.s32 $0xFFFFC000  }
0x4b: {  	[spmem:s2] =	stream.indirect.scatter.add.f32 [tilespmem:s20], [sflag:$0x4], $0x80, s30, s13, $0xb8;
	[tilespmem:$0x1C000] =	vst v63  }
0x4c: {  	_ =	swait.ge [sflag:s23], $0x4000  }
0x4d: {  	[sflag:s23] =	ssyncset.done $0x0  }
0x4e: {  	[sflag:s23] =	ssyncadd.s32 $0xFFFFC000  }
0x4f: {  	_ =	swait.ge [sflag:s31], $0x100  }
0x50: {  	[sflag:s31] =	ssyncset.done $0x0  }
0x51: {  	[sflag:s31] =	ssyncadd.s32 $0xFFFFFF00  }
0x52: {  	_ =	swait.ge [sflag:s1], $0x100  }
0x53: {  	[sflag:s1] =	ssyncset.done $0x0  }
0x54: {  	[sflag:s1] =	ssyncadd.s32 $0xFFFFFF00  }
0x55: {  	[tilespmem:s14], [sflag:$0x1] =	stream.indirect.gather [hbm4b:s4+s13], $0x80, s3, s13, $0xb8;
	[tilespmem:$0x1C000] =	vst v63  }
0x56: {  	_ =	swait.ge [sflag:s15], $0x4000  }
0x57: {  	[sflag:s15] =	ssyncset.done $0x0  }
0x58: {  	[sflag:s15] =	ssyncadd.s32 $0xFFFFC000  }
0x59: {  	[spmem:s2] =	stream.indirect.scatter.add.f32 [tilespmem:s14], [sflag:$0x3], $0x80, s12, s13, $0xb8;
	[tilespmem:$0x1C000] =	vst v63  }
0x5a: {  	_ =	swait.ge [sflag:s28], $0x4000  }
0x5b: {  	s5 =	sadd.s32 $0xFFFFFB40, s7;
	[sflag:s28] =	ssyncset.done $0x0  }
0x5c: {  	s9 =	sadd.s32 $0x520, s5;
	s16 =	sadd.s32 $0xFFFFFB40, s8;
	[sflag:s28] =	ssyncadd.s32 $0xFFFFC000  }
0x5d: {  	[tilespmem:s17], [sflag:$0x7] =	stream.linear.gather [hbm4b:s9+s3], $0x100, $0x38;
	[tilespmem:$0x1C000] =	vst v63  }
0x5e: {  	s18 =	sadd.s32 $0x520, s16  }
0x5f: {  	[tilespmem:s19], [sflag:$0x8] =	stream.linear.gather [hbm4b:s18+s3], $0x100, $0x38;
	[tilespmem:$0x1C000] =	vst v63  }
0x60: {  	_ = 	snop  }
0x61: {  	[tilespmem:s20], [sflag:$0x2] =	stream.indirect.gather [hbm4b:s4+s13], $0x80, s13, s13, $0xb8;
	[tilespmem:$0x1C000] =	vst v63  }
0x62: {  	_ =	swait.ge [sflag:s21], $0x4000  }
0x63: {  	[sflag:s21] =	ssyncset.done $0x0  }
0x64: {  	[sflag:s21] =	ssyncadd.s32 $0xFFFFC000  }
0x65: {  	[spmem:s2] =	stream.indirect.scatter.add.f32 [tilespmem:s20], [sflag:$0x4], $0x80, s22, s13, $0xb8;
	[tilespmem:$0x1C000] =	vst v63  }
0x66: {  	_ =	swait.ge [sflag:s23], $0x4000  }
0x67: {  	[sflag:s23] =	ssyncset.done $0x0  }
0x68: {  	[sflag:s23] =	ssyncadd.s32 $0xFFFFC000  }
0x69: {  	_ =	swait.ge [sflag:s25], $0x100  }
0x6a: {  	[sflag:s25] =	ssyncset.done $0x0  }
0x6b: {  	[sflag:s25] =	ssyncadd.s32 $0xFFFFFF00  }
0x6c: {  	_ =	swait.ge [sflag:s26], $0x100  }
0x6d: {  	[sflag:s26] =	ssyncset.done $0x0  }
0x6e: {  	[sflag:s26] =	ssyncadd.s32 $0xFFFFFF00  }
0x6f: {  	[tilespmem:s14], [sflag:$0x1] =	stream.indirect.gather [hbm4b:s4+s13], $0x80, s17, s13, $0xb8;
	[tilespmem:$0x1C000] =	vst v63  }
0x70: {  	_ =	swait.ge [sflag:s15], $0x4000  }
0x71: {  	[sflag:s15] =	ssyncset.done $0x0  }
0x72: {  	[sflag:s15] =	ssyncadd.s32 $0xFFFFC000  }
0x73: {  	[spmem:s2] =	stream.indirect.scatter.add.f32 [tilespmem:s14], [sflag:$0x3], $0x80, s19, s13, $0xb8;
	[tilespmem:$0x1C000] =	vst v63  }
0x74: {  	_ =	swait.ge [sflag:s28], $0x4000  }
0x75: {  	[sflag:s28] =	ssyncset.done $0x0  }
0x76: {  	s5 =	sadd.s32 $0x540, s5;
	[sflag:s28] =	ssyncadd.s32 $0xFFFFC000  }
0x77: {  	[tilespmem:s3], [sflag:$0x5] =	stream.linear.gather [hbm4b:s5+s3], $0x100, $0x38;
	[tilespmem:$0x1C000] =	vst v63  }
0x78: {  	s18 =	sadd.s32 $0x540, s16  }
0x79: {  	[tilespmem:s12], [sflag:$0x6] =	stream.linear.gather [hbm4b:s18+s3], $0x100, $0x38;
	[tilespmem:$0x1C000] =	vst v63  }
0x7a: {  	_ = 	snop  }
0x7b: {  	[tilespmem:s20], [sflag:$0x2] =	stream.indirect.gather [hbm4b:s4+s13], $0x80, s29, s13, $0xb8;
	[tilespmem:$0x1C000] =	vst v63  }
0x7c: {  	_ =	swait.ge [sflag:s21], $0x4000  }
0x7d: {  	[sflag:s21] =	ssyncset.done $0x0  }
0x7e: {  	[sflag:s21] =	ssyncadd.s32 $0xFFFFC000  }
0x7f: {  	[spmem:s2] =	stream.indirect.scatter.add.f32 [tilespmem:s20], [sflag:$0x4], $0x80, s30, s13, $0xb8;
	[tilespmem:$0x1C000] =	vst v63  }
0x80: {  	_ =	swait.ge [sflag:s23], $0x4000  }
0x81: {  	[sflag:s23] =	ssyncset.done $0x0  }
0x82: {  	[sflag:s23] =	ssyncadd.s32 $0xFFFFC000  }
0x83: {  	_ =	swait.ge [sflag:s31], $0x100  }
0x84: {  	[sflag:s31] =	ssyncset.done $0x0  }
0x85: {  	[sflag:s31] =	ssyncadd.s32 $0xFFFFFF00  }
0x86: {  	_ =	swait.ge [sflag:s1], $0x100  }
0x87: {  	[sflag:s1] =	ssyncset.done $0x0  }
0x88: {  	s5 =	simm.s32 $0xFFFFFB80;
	[sflag:s1] =	ssyncadd.s32 $0xFFFFFF00  }
.LBB2_2:
0x89: {  	[tilespmem:s14], [sflag:$0x1] =	stream.indirect.gather [hbm4b:s4+s13], $0x80, s3, s13, $0xb8;
	[tilespmem:$0x1C000] =	vst v63  }
0x8a: {  	s9 =	smov.u32 s5  }
0x8b: {  	p0 =	sne.s32 s5, $0xFFFFFFC0;
	s5 =	sadd.s32 $0x40, s5;
	_ =	swait.ge [sflag:s15], $0x4000  }
0x8c: {  	[sflag:s15] =	ssyncset.done $0x0  }
0x8d: {  	[sflag:s15] =	ssyncadd.s32 $0xFFFFC000  }
0x8e: {  	[spmem:s2] =	stream.indirect.scatter.add.f32 [tilespmem:s14], [sflag:$0x3], $0x80, s12, s13, $0xb8;
	[tilespmem:$0x1C000] =	vst v63  }
0x8f: {  	_ =	swait.ge [sflag:s28], $0x4000  }
0x90: {  	s16 =	sadd.s32 s9, s7;
	[sflag:s28] =	ssyncset.done $0x0  }
0x91: {  	s9 =	sadd.s32 s9, s8;
	s18 =	sadd.s32 $0x520, s16;
	[sflag:s28] =	ssyncadd.s32 $0xFFFFC000  }
0x92: {  	[tilespmem:s17], [sflag:$0x7] =	stream.linear.gather [hbm4b:s18+s3], $0x100, $0x38;
	[tilespmem:$0x1C000] =	vst v63  }
0x93: {  	s18 =	sadd.s32 $0x520, s9  }
0x94: {  	[tilespmem:s19], [sflag:$0x8] =	stream.linear.gather [hbm4b:s18+s3], $0x100, $0x38;
	[tilespmem:$0x1C000] =	vst v63  }
0x95: {  	_ = 	snop  }
0x96: {  	[tilespmem:s20], [sflag:$0x2] =	stream.indirect.gather [hbm4b:s4+s13], $0x80, s13, s13, $0xb8;
	[tilespmem:$0x1C000] =	vst v63  }
0x97: {  	_ =	swait.ge [sflag:s21], $0x4000  }
0x98: {  	[sflag:s21] =	ssyncset.done $0x0  }
0x99: {  	[sflag:s21] =	ssyncadd.s32 $0xFFFFC000  }
0x9a: {  	[spmem:s2] =	stream.indirect.scatter.add.f32 [tilespmem:s20], [sflag:$0x4], $0x80, s22, s13, $0xb8;
	[tilespmem:$0x1C000] =	vst v63  }
0x9b: {  	_ =	swait.ge [sflag:s23], $0x4000  }
0x9c: {  	[sflag:s23] =	ssyncset.done $0x0  }
0x9d: {  	[sflag:s23] =	ssyncadd.s32 $0xFFFFC000  }
0x9e: {  	_ =	swait.ge [sflag:s25], $0x100  }
0x9f: {  	[sflag:s25] =	ssyncset.done $0x0  }
0xa0: {  	[sflag:s25] =	ssyncadd.s32 $0xFFFFFF00  }
0xa1: {  	_ =	swait.ge [sflag:s26], $0x100  }
0xa2: {  	[sflag:s26] =	ssyncset.done $0x0  }
0xa3: {  	[sflag:s26] =	ssyncadd.s32 $0xFFFFFF00  }
0xa4: {  	[tilespmem:s14], [sflag:$0x1] =	stream.indirect.gather [hbm4b:s4+s13], $0x80, s17, s13, $0xb8;
	[tilespmem:$0x1C000] =	vst v63  }
0xa5: {  	_ =	swait.ge [sflag:s15], $0x4000  }
0xa6: {  	[sflag:s15] =	ssyncset.done $0x0  }
0xa7: {  	[sflag:s15] =	ssyncadd.s32 $0xFFFFC000  }
0xa8: {  	[spmem:s2] =	stream.indirect.scatter.add.f32 [tilespmem:s14], [sflag:$0x3], $0x80, s19, s13, $0xb8;
	[tilespmem:$0x1C000] =	vst v63  }
0xa9: {  	_ =	swait.ge [sflag:s28], $0x4000  }
0xaa: {  	[sflag:s28] =	ssyncset.done $0x0  }
0xab: {  	s16 =	sadd.s32 $0x540, s16;
	[sflag:s28] =	ssyncadd.s32 $0xFFFFC000  }
0xac: {  	[tilespmem:s3], [sflag:$0x5] =	stream.linear.gather [hbm4b:s16+s3], $0x100, $0x38;
	[tilespmem:$0x1C000] =	vst v63  }
0xad: {  	s9 =	sadd.s32 $0x540, s9  }
0xae: {  	[tilespmem:s12], [sflag:$0x6] =	stream.linear.gather [hbm4b:s9+s3], $0x100, $0x38;
	[tilespmem:$0x1C000] =	vst v63  }
0xaf: {  	_ = 	snop  }
0xb0: {  	[tilespmem:s20], [sflag:$0x2] =	stream.indirect.gather [hbm4b:s4+s13], $0x80, s29, s13, $0xb8;
	[tilespmem:$0x1C000] =	vst v63  }
0xb1: {  	_ =	swait.ge [sflag:s21], $0x4000  }
0xb2: {  	[sflag:s21] =	ssyncset.done $0x0  }
0xb3: {  	[sflag:s21] =	ssyncadd.s32 $0xFFFFC000  }
0xb4: {  	[spmem:s2] =	stream.indirect.scatter.add.f32 [tilespmem:s20], [sflag:$0x4], $0x80, s30, s13, $0xb8;
	[tilespmem:$0x1C000] =	vst v63  }
0xb5: {  	_ =	swait.ge [sflag:s23], $0x4000  }
0xb6: {  	[sflag:s23] =	ssyncset.done $0x0  }
0xb7: {  	[sflag:s23] =	ssyncadd.s32 $0xFFFFC000  }
0xb8: {  	_ =	swait.ge [sflag:s31], $0x100  }
.Ltmp0:
0xb9: {  	[sflag:s31] =	ssyncset.done $0x0;
	(pc) =	sbr.rel @p0 .LBB2_2-.Ltmp0, $4  }
0xba: {  	[sflag:s31] =	ssyncadd.s32 $0xFFFFFF00  }
0xbb: {  	_ =	swait.ge [sflag:s1], $0x100  }
0xbc: {  	[sflag:s1] =	ssyncset.done $0x0  }
0xbd: {  	[sflag:s1] =	ssyncadd.s32 $0xFFFFFF00  }
0xbe: {  	[tilespmem:s14], [sflag:$0x1] =	stream.indirect.gather [hbm4b:s4+s13], $0x80, s3, s13, $0xb8;
	[tilespmem:$0x1C000] =	vst v63  }
0xbf: {  	_ =	swait.ge [sflag:s28], $0x4000  }
0xc0: {  	[sflag:s28] =	ssyncset.done $0x0  }
0xc1: {  	[sflag:s28] =	ssyncadd.s32 $0xFFFFC000  }
0xc2: {  	_ =	swait.ge [sflag:s15], $0x4000  }
0xc3: {  	[sflag:s15] =	ssyncset.done $0x0  }
0xc4: {  	[sflag:s15] =	ssyncadd.s32 $0xFFFFC000  }
0xc5: {  	[bflag:$0x0] =	sbarrier.arrive $0xFFFF  }
0xc6: {  	[hbm:s24], [sflag:s6] =	dma.local [spmem:s10], $0x2780  }
0xc7: {  	_ =	swait.ge [sflag:s11], $0x2780  }
0xc8: {  	s0 =	sadd.s32 $0x1, s0;
	s5 =	rddreg [dreg:$0x4]  }
0xc9: {  	p0 =	sne.s32 s0, s5  }
.Ltmp1:
0xca: {  	_ = 	snop;
	(pc) =	sbr.rel @p0 .LBB2_1-.Ltmp1, $3  }
0xcb: {  	_ =	sdelay $0x1  }
0xcc: {  	[sflag:s11] =	ssyncset.done $0x0  }
0xcd: {  	[sflag:s11] =	ssyncadd.s32 $0xFFFFD880  }
0xce: {  	_ =	sfence.sel $0x180000  }
0xcf: {  	[bflag:$0x0] =	sbarrier.arrive $0xFFFF  }
0xd0: {  	_ =	strace $0x90000047  }
0xd1: {  	s0 =	stileid.u32;
	[bflag:$0x2] =	sbarrier.arrive $0xFFFF  }
0xd2: {  	p0 =	sne.s32 s0, $0x0;
	s0 =	rddreg [dreg:$0x2]  }
0xd3: {  	s0 =	sadd.s32 @!p0 $0x100000, s0  }
0xd4: {  	[sflag:s0] =	ssyncadd.tile.s32 @!p0 $0x1;
	_ =	shalt  }
.Lfunc_end2:
_tile_overlayer_lowered:
.L_overlay_start_2:
0xd5: {  	(tag) =	ssettag $0x2  }
0xd6: {  	s0 =	rddreg [dreg:$0x0];
	s2 =	stileid.u32  }
0xd7: {  	s1 =	rddreg [dreg:$0x1];
	p0 =	sne.s32 s2, $0x0  }
0xd8: {  	s3 =	rddreg [dreg:$0x2];
	[bflag:$0x3] =	sbarrier.arrive $0xFFFF;
	s2 =	simm.s32 @!p0 $0x1C09  }
0xd9: {  	[timem:s3], [sflag:s2] =	dma.local @!p0 [hbm:s0], s1  }
0xda: {  	s0 =	simm.s32 @!p0 $0x9  }
0xdb: {  	_ =	swait.ge @!p0 [sflag:s0], s1  }
0xdc: {  	s1 =	ssub.s32 @!p0 $0x0, s1;
	[sflag:s0] =	ssyncset.done @!p0 $0x0  }
0xdd: {  	[sflag:s0] =	ssyncadd.s32 @!p0 s1  }
0xde: {  	[bflag:$0x3] =	sbarrier.arrive $0xFFFF  }
0xdf: {  	_ =	shalt  }

// kernel: kernel.14.cloned.1.call-start
scs
__scs_entry_jumppad:
0x0: {  	(pc) =	sbr.rel $0x88, $3  }
0x1: {  	(tag) =	ssettag $0x0;
	lr =	simm.s32 $0x1  }
0x2: {  	[smem:$0x3F8E] =	sst lr;
	_ =	strace $0xD0000000  }
0x3: {  	_ = 	snop  }
0x4: {  	_ = 	snop  }
0x5: {  	_ = 	snop  }
0x6: {  	_ = 	snop  }
0x7: {  	_ = 	snop  }
__scs_overlays_trampoline_lowered:
0x8: {  	[smem:$0x3F9D] =	sst s0  }
0x9: {  	[smem:$0x3F9E] =	sst s1  }
0xa: {  	[smem:$0x3F9F] =	sst s2  }
0xb: {  	[smem:$0x3FA0] =	sst s3  }
0xc: {  	[smem:$0x3FA1] =	sst s4  }
0xd: {  	[smem:$0x3FA2] =	sst s5  }
0xe: {  	[smem:$0x3FA3] =	sst s6  }
0xf: {  	[smem:$0x3FA4] =	sst s7  }
0x10: {  	[smem:$0x3FA5] =	sst s8  }
0x11: {  	[smem:$0x3FA6] =	sst s9;
	s0 =	simm.s32 @!p0 $0x0  }
0x12: {  	s1 =	sld [smem:$0x3F8C];
	s0 =	simm.s32 @p0 $0x1  }
0x13: {  	[smem:$0x3FA7] =	sst s0;
	s0 =	simm.s32 @!p1 $0x0  }
0x14: {  	s2 =	sld [smem:$0x3F8B];
	s0 =	simm.s32 @p1 $0x1  }
0x15: {  	[smem:$0x3FA8] =	sst s0;
	s0 =	simm.s32 @!p2 $0x0  }
0x16: {  	s3 =	sld [smem:$0x3FDB];
	s0 =	simm.s32 @p2 $0x1  }
0x17: {  	s4 =	simm.s32 $0x1BF5;
	[smem:$0x3FAA] =	sst s0  }
0x18: {  	s0 =	sld [smem:$0x3F8D];
	_ =	swait.ge [sflag:s4], $0x0  }
0x19: {  	s7 =	sld [smem:$0x3F8E]  }
0x1a: {  	s8 =	sadd.s32 $0xFFFFE003, lr  }
0x1b: {  	s9 =	sadd.s32 $0xFFFFFEF7, lr;
	s5 =	simm.s32 $0xFFFFFFFF;
	p2 =	slt.u32 s8, $0xFFFFF086  }
0x1c: {  	p1 =	slt.u32 s9, $0xF7A;
	s5 =	simm.s32 @!p2 $0x0  }
0x1d: {  	s5 =	simm.s32 @p1 $0x1;
	p0 =	seq.s32 s7, s2  }
0x1e: {  	s7 =	smul.u32 @!p0 $0xF7A, s2;
	p2 =	seq.s32 @!p0 s5, $0x0  }
0x1f: {  	s9 =	smul.u32 $0xF7A, s1;
	s8 =	simm.s32 @!p0 $0x1BF5;
	p2 =	por !p2, p0  }
0x20: {  	[sflag:s8] =	ssyncset.s32 @!p0 $0xFFFFF086;
	s6 =	sadd.s32 @!p0 s3, s7;
	s7 =	simm.s32 @!p0 $0x108  }
0x21: {  	s3 =	sadd.s32 s3, s9;
	s6 =	sadd.s32 @!p0 $0x88, s6;
	s7 =	simm.s32 @p2 $0x1082  }
0x22: {  	[simem:s7], [sflag:s8] =	dma.local @!p0 [hbm:s6], $0xF7A  }
0x23: {  	s9 =	sor.u32 $0xD0000000, s2;
	s6 =	simm.s32 $0x108;
	_ =	swait.ge @!p0 [sflag:s8], $0x0  }
0x24: {  	s3 =	sadd.s32 $0x88, s3;
	s6 =	simm.s32 @!p1 $0x1082;
	[sflag:s4] =	ssyncset.s32 $0xFFFFF086  }
0x25: {  	[simem:s6], [sflag:s4] =	dma.local [hbm:s3], $0xF7A  }
0x26: {  	[smem:$0x3F8E] =	sst s1;
	(tag) =	ssettag s2;
	_ =	strace s9  }
0x27: {  	s1 =	sld [smem:$0x3F9E]  }
0x28: {  	s2 =	sld [smem:$0x3F9F]  }
0x29: {  	s4 =	sld [smem:$0x3FA1]  }
0x2a: {  	p0 =	seq.s32 s5, $0x0;
	s5 =	sld [smem:$0x3FA2]  }
0x2b: {  	s6 =	sld [smem:$0x3FA3]  }
0x2c: {  	s7 =	sld [smem:$0x3FA4]  }
0x2d: {  	s3 =	simm.s32 $0x108;
	s8 =	sld [smem:$0x3FA5]  }
0x2e: {  	s3 =	simm.s32 @!p0 $0x1082;
	s9 =	sld [smem:$0x3FA6]  }
0x2f: {  	lr =	sadd.s32 s0, s3;
	s0 =	sld [smem:$0x3F9D]  }
0x30: {  	s3 =	sld [smem:$0x3FA0]  }
0x31: {  	[smem:$0x3FA9] =	sst s10  }
0x32: {  	s10 =	sld [smem:$0x3FA7];
	_ =	sdelay $0x3  }
0x33: {  	p0 =	seq.s32 s10, $0x1;
	s10 =	sld [smem:$0x3FA9];
	_ =	sdelay $0x3  }
0x34: {  	[smem:$0x3FA9] =	sst s10  }
0x35: {  	s10 =	sld [smem:$0x3FA8];
	_ =	sdelay $0x3  }
0x36: {  	p1 =	seq.s32 s10, $0x1;
	s10 =	sld [smem:$0x3FA9];
	_ =	sdelay $0x3  }
0x37: {  	[smem:$0x3FA9] =	sst s10  }
0x38: {  	s10 =	sld [smem:$0x3FAA]  }
0x39: {  	_ = 	snop;
	(pc) =	sbr.ind lr, $3  }
0x3a: {  	_ = 	snop  }
0x3b: {  	_ = 	snop  }
0x3c: {  	p2 =	seq.s32 s10, $0x1;
	s10 =	sld [smem:$0x3FA9]  }
0x3d: {  	_ =	shalt  }
0x3e: {  	_ =	shalt  }
0x3f: {  	_ =	shalt  }
0x40: {  	_ =	shalt  }
0x41: {  	_ =	shalt  }
0x42: {  	_ =	shalt  }
0x43: {  	_ =	shalt  }
0x44: {  	_ =	shalt  }
0x45: {  	_ =	shalt  }
0x46: {  	_ =	shalt  }
0x47: {  	_ =	shalt  }
0x48: {  	_ =	shalt  }
0x49: {  	_ =	shalt  }
0x4a: {  	_ =	shalt  }
0x4b: {  	_ =	shalt  }
0x4c: {  	_ =	shalt  }
0x4d: {  	_ =	shalt  }
0x4e: {  	_ =	shalt  }
0x4f: {  	_ =	shalt  }
0x50: {  	_ =	shalt  }
0x51: {  	_ =	shalt  }
0x52: {  	_ =	shalt  }
0x53: {  	_ =	shalt  }
0x54: {  	_ =	shalt  }
0x55: {  	_ =	shalt  }
0x56: {  	_ =	shalt  }
0x57: {  	_ =	shalt  }
0x58: {  	_ =	shalt  }
0x59: {  	_ =	shalt  }
0x5a: {  	_ =	shalt  }
0x5b: {  	_ =	shalt  }
0x5c: {  	_ =	shalt  }
0x5d: {  	_ =	shalt  }
0x5e: {  	_ =	shalt  }
0x5f: {  	_ =	shalt  }
0x60: {  	_ =	shalt  }
0x61: {  	_ =	shalt  }
0x62: {  	_ =	shalt  }
0x63: {  	_ =	shalt  }
0x64: {  	_ =	shalt  }
0x65: {  	_ =	shalt  }
0x66: {  	_ =	shalt  }
0x67: {  	_ =	shalt  }
0x68: {  	_ =	shalt  }
0x69: {  	_ =	shalt  }
0x6a: {  	_ =	shalt  }
0x6b: {  	_ =	shalt  }
0x6c: {  	_ =	shalt  }
0x6d: {  	_ =	shalt  }
0x6e: {  	_ =	shalt  }
0x6f: {  	_ =	shalt  }
0x70: {  	_ =	shalt  }
0x71: {  	_ =	shalt  }
0x72: {  	_ =	shalt  }
0x73: {  	_ =	shalt  }
0x74: {  	_ =	shalt  }
0x75: {  	_ =	shalt  }
0x76: {  	_ =	shalt  }
0x77: {  	_ =	shalt  }
0x78: {  	_ =	shalt  }
0x79: {  	_ =	shalt  }
0x7a: {  	_ =	shalt  }
0x7b: {  	_ =	shalt  }
0x7c: {  	_ =	shalt  }
0x7d: {  	_ =	shalt  }
0x7e: {  	_ =	shalt  }
0x7f: {  	_ =	shalt  }
0x80: {  	_ =	shalt  }
0x81: {  	_ =	shalt  }
0x82: {  	_ =	shalt  }
0x83: {  	_ =	shalt  }
0x84: {  	_ =	shalt  }
0x85: {  	_ =	shalt  }
0x86: {  	_ =	shalt  }
0x87: {  	_ =	shalt  }
.Lfunc_end0:
.L_simem_size_0:
called_computation.1_lowered:
.L_overlay_start_0:
0x88: {  	s2 =	sld [smem:$0x3FD9]  }
0x89: {  	s3 =	sld [smem:$0x3FFE];
	_ =	sdelay $0x1  }
0x8a: {  	s1 =	srdreg.scid  }
0x8b: {  	s0 =	sand.u32 $0x1, s1  }
0x8c: {  	s16 =	sshll.u32 s0, $0xA;
	s2 =	sadd.s32 s3, s2  }
0x8d: {  	s2 =	sadd.s32 s2, s16  }
0x8e: {  	[smem:$0x3FB5] =	sst s2  }
0x8f: {  	_ = 	snop  }
0x90: {  	(tm) =	ssettm $0x1  }
0x91: {  	s17 =	sld [smem:$0x3FFB];
	_ =	sdelay $0x3  }
0x92: {  	_ =	strace s17  }
0x93: {  	s2 =	sld [smem:$0x3FFC];
	_ =	sdelay $0x3  }
0x94: {  	_ =	strace s2  }
0x95: {  	s2 =	sld [smem:$0x3FFD];
	_ =	sdelay $0x3  }
0x96: {  	_ =	strace s2  }
0x97: {  	_ =	strace $0x8FFFFFFF  }
0x98: {  	s18 =	sld [smem:$0x3FDB];
	_ =	sdelay $0x1  }
0x99: {  	s19 =	simm.s32 $_scs_section_size  }
0x9a: {  	s4 =	simm.s32 $_size__tile_overlayer_lowered;
	s5 =	simm.s32 $_tile_overlayer_lowered  }
0x9b: {  	s22 =	simm.s32 $0x1BFF;
	s21 =	sshll.u32 s5, $0x1;
	s2 =	sadd.s32 s19, s18  }
0x9c: {  	s6 =	simm.s32 $0x0;
	s20 =	sshll.u32 s4, $0x1;
	s4 =	sadd.s32 s21, s2  }
0x9d: {  	[timem:s6], [sflag:s22] =	dma.local [hbm:s4], s20  }
0x9e: {  	_ =	swait.ge [sflag:s22], s20  }
0x9f: {  	s3 =	ssub.s32 $0x0, s20;
	[sflag:s22] =	ssyncset.done $0x0  }
0xa0: {  	[sflag:s22] =	ssyncadd.s32 s3;
	_ =	sdelay $0x1  }
0xa1: {  	s23 =	simm.s32 $0x1B8B  }
0xa2: {  	_ =	swait.ge [sflag:s23], $0x1  }
0xa3: {  	[sflag:s23] =	ssyncset.done $0x0  }
0xa4: {  	s25 =	simm.s32 $0x1B8E;
	s24 =	sld [smem:$0x3FFE];
	[sflag:s23] =	ssyncadd.s32 $0xFFFFFFFF  }
0xa5: {  	s26 =	simm.s32 $execute0_lowered;
	[smem:$0x3FD2] =	sst s25  }
0xa6: {  	s4 =	sshll.u32 s26, $0x1;
	_ =	strace $0x80000049;
	[dreg:$0x1] =	wrdreg $0xFFFFFFFF  }
0xa7: {  	s28 =	simm.s32 $_size_execute0_lowered;
	s2 =	sadd.s32 s2, s4;
	[dreg:$0x0] =	wrdreg $0x0  }
0xa8: {  	s4 =	sshll.u32 s28, $0x1;
	[dreg:$0x2] =	wrdreg s2  }
0xa9: {  	[dreg:$0x3] =	wrdreg s4  }
0xaa: {  	[dreg:$0x4] =	wrdreg $0xC0  }
0xab: {  	_ =	task [dreg:s6], $0x5FFFF  }
0xac: {  	[dreg:$0x1] =	wrdreg $0xFFFFFFFF  }
0xad: {  	[dreg:$0x0] =	wrdreg $0x60  }
0xae: {  	[dreg:$0x2] =	wrdreg s24  }
0xaf: {  	[dreg:$0x3] =	wrdreg $0x84000  }
0xb0: {  	[dreg:$0x4] =	wrdreg $0x9  }
0xb1: {  	_ =	task.clear_ibuf [dreg:s6], $0x5FFFF;
	_ =	strace $0x90000049  }
0xb2: {  	s29 =	simm.s32 $0x9;
	_ =	strace $0x8000004B  }
0xb3: {  	_ =	swait.ge [sflag:s29], $0x1  }
0xb4: {  	[sflag:s29] =	ssyncadd.s32 $0xFFFFFFFF  }
0xb5: {  	_ =	strace $0x9000004B  }
0xb6: {  	_ =	sfence  }
0xb7: {  	s30 =	sld [smem:$0x0];
	_ =	sdelay $0x2  }
0xb8: {  	s31 =	sshll.u32 s1, $0xD;
	s1 =	sshrl.u32 s1, $0x2  }
0xb9: {  	s3 =	sand.u32 $0x4000, s31;
	s1 =	sadd.s32 s1, s30  }
0xba: {  	s0 =	sor.u32 s3, s0;
	s1 =	sshll.u32 s1, $0x11  }
0xbb: {  	s0 =	sor.u32 s1, s0  }
0xbc: {  	s0 =	sadd.s32 $0x8F2B, s0  }
0xbd: {  	[sflag:s0] =	ssyncadd.remote.s32 $0x1  }
0xbe: {  	_ =	sfence.sel $0xFFFF  }
0xbf: {  	[dreg:$0x0] =	wrdreg $0xFFFFFFFF;
	(pc) =	sbr.abs _section_cstart, $3  }
0xc0: {  	[dreg:$0x1] =	wrdreg $0xFFFFFFFF  }
0xc1: {  	_ =	task.clear_ibuf [dreg:s6], $0x2FFFF;
	_ =	strace $0x9FFFFFFF  }
0xc2: {  	(tm) =	ssettm $0x7FFFFFFF  }
0xc3: {  	_ =	shalt  }
tec
execute0_lowered:
.L_overlay_start_1:
0x0: {  	(tag) =	ssettag $0x1  }
0x1: {  	s0 =	srdreg.scid  }
0x2: {  	s9 =	stileid.u32;
	s1 =	rddreg [dreg:$0x0]  }
0x3: {  	s2 =	rddreg [dreg:$0x1];
	s11 =	simm.s32 $0x9;
	s12 =	simm.s32 $0x200  }
0x4: {  	s13 =	simm.s32 $0x80;
	s14 =	simm.s32 $0x400;
	s15 =	simm.s32 $0x1  }
0x5: {  	s17 =	simm.s32 $0x100;
	s19 =	simm.s32 $0x300;
	s28 =	simm.s32 $0x4  }
0x6: {  	s29 =	simm.s32 $0x180;
	s30 =	simm.s32 $0x380;
	s31 =	simm.s32 $0x5  }
0x7: {  	s0 =	sand.u32 $0x1, s0;
	s3 =	sshll.u32 s9, $0x1;
	s24 =	smul.u32 $0x2780, s9  }
0x8: {  	s7 =	smul.u32 $0x4F000, s9;
	s22 =	sshll.u32 s9, $0x6;
	s4 =	sor.u32 s0, s3  }
0x9: {  	s3 =	simm.s32 $0x0;
	s6 =	smul.u32 $0x27800, s0;
	s0 =	ssub.s32 $0x2, s0  }
0xa: {  	s5 =	smul.u32 $0x580, s4;
	[smem:$0x7FF] =	sst s3;
	s4 =	sadd.s32 $0x1A200, s1  }
0xb: {  	s8 =	sadd.s32 s24, s1;
	s20 =	sshrl.u32 s0, $0x1;
	s21 =	sshrl.u32 s7, $0x2  }
0xc: {  	_ =	strace $0x8000004A;
	s0 =	ssub.s32 s0, s20;
	s10 =	sadd.s32 s21, s2  }
0xd: {  	s23 =	sadd.s32 $0x41400, s8;
	s20 =	simm.s32 $0x4400;
	s21 =	simm.s32 $0x2  }
0xe: {  	s5 =	sadd.s32 s5, s1;
	s1 =	sadd.s32 s6, s1;
	[dreg:$0x3] =	wrdreg s23  }
0xf: {  	s6 =	sor.u32 $0x1C09, s22;
	s0 =	smax.u32 s0, $0x1;
	s10 =	sshrl.u32 s10, $0x3  }
0x10: {  	s22 =	simm.s32 $0x280;
	s23 =	simm.s32 $0x3;
	s7 =	sadd.s32 $0x4200, s5  }
0x11: {  	s8 =	sadd.s32 $0xF200, s5;
	s1 =	sadd.s32 $0x68C00, s1;
	[dreg:$0x4] =	wrdreg s0  }
0x12: {  	s0 =	simm.s32 $0x0;
	s25 =	sadd.s32 $0x20, s7;
	s26 =	sadd.s32 $0x20, s8  }
0x13: {  	s24 =	sadd.s32 s24, s1;
	s1 =	simm.s32 $0x6;
	[dreg:$0x5] =	wrdreg s25  }
0x14: {  	[dreg:$0x6] =	wrdreg s26;
	s25 =	simm.s32 $0x7;
	s26 =	simm.s32 $0x8  }
.LBB2_1:
0x15: {  	s5 =	rddreg [dreg:$0x3]  }
0x16: {  	[spmem:s10], [sflag:s6] =	dma.local [hbm:s5], $0x2780  }
0x17: {  	_ =	swait.ge [sflag:s11], $0x2780  }
0x18: {  	[sflag:s11] =	ssyncset.done $0x0  }
0x19: {  	[sflag:s11] =	ssyncadd.s32 $0xFFFFD880  }
0x1a: {  	[bflag:$0x0] =	sbarrier.arrive $0xFFFF  }
0x1b: {  	[tilespmem:s3], [sflag:$0x9] =	stream.linear.gather [hbm4b:s7+s3], $0x100, $0x38;
	[tilespmem:$0x1C000] =	vst v63  }
0x1c: {  	_ =	swait.ge [sflag:s11], $0x100  }
0x1d: {  	[sflag:s11] =	ssyncset.done $0x0  }
0x1e: {  	[sflag:s11] =	ssyncadd.s32 $0xFFFFFF00  }
0x1f: {  	[tilespmem:s12], [sflag:$0x9] =	stream.linear.gather [hbm4b:s8+s3], $0x100, $0x38;
	[tilespmem:$0x1C000] =	vst v63  }
0x20: {  	_ =	swait.ge [sflag:s11], $0x100  }
0x21: {  	[sflag:s11] =	ssyncset.done $0x0  }
0x22: {  	[sflag:s11] =	ssyncadd.s32 $0xFFFFFF00  }
0x23: {  	[tilespmem:s14], [sflag:$0x1] =	stream.indirect.gather [hbm4b:s4+s13], $0x80, s3, s13, $0xb8;
	[tilespmem:$0x1C000] =	vst v63  }
0x24: {  	_ =	swait.ge [sflag:s15], $0x4000  }
0x25: {  	[sflag:s15] =	ssyncset.done $0x0  }
0x26: {  	[sflag:s15] =	ssyncadd.s32 $0xFFFFC000  }
0x27: {  	[spmem:s2] =	stream.indirect.scatter.add.f32 [tilespmem:s14], [sflag:$0x3], $0x80, s12, s13, $0xb8;
	[tilespmem:$0x1C000] =	vst v63  }
0x28: {  	s16 =	rddreg [dreg:$0x5]  }
0x29: {  	[tilespmem:s17], [sflag:$0x7] =	stream.linear.gather [hbm4b:s16+s3], $0x100, $0x38;
	[tilespmem:$0x1C000] =	vst v63  }
0x2a: {  	s18 =	rddreg [dreg:$0x6]  }
0x2b: {  	[tilespmem:s19], [sflag:$0x8] =	stream.linear.gather [hbm4b:s18+s3], $0x100, $0x38;
	[tilespmem:$0x1C000] =	vst v63  }
0x2c: {  	_ = 	snop  }
0x2d: {  	[tilespmem:s20], [sflag:$0x2] =	stream.indirect.gather [hbm4b:s4+s13], $0x80, s13, s13, $0xb8;
	[tilespmem:$0x1C000] =	vst v63  }
0x2e: {  	_ =	swait.ge [sflag:s21], $0x4000  }
0x2f: {  	[sflag:s21] =	ssyncset.done $0x0  }
0x30: {  	[sflag:s21] =	ssyncadd.s32 $0xFFFFC000  }
0x31: {  	[spmem:s2] =	stream.indirect.scatter.add.f32 [tilespmem:s20], [sflag:$0x4], $0x80, s22, s13, $0xb8;
	[tilespmem:$0x1C000] =	vst v63  }
0x32: {  	_ =	swait.ge [sflag:s23], $0x4000  }
0x33: {  	[sflag:s23] =	ssyncset.done $0x0  }
0x34: {  	[sflag:s23] =	ssyncadd.s32 $0xFFFFC000  }
0x35: {  	_ =	swait.ge [sflag:s25], $0x100  }
0x36: {  	[sflag:s25] =	ssyncset.done $0x0  }
0x37: {  	[sflag:s25] =	ssyncadd.s32 $0xFFFFFF00  }
0x38: {  	_ =	swait.ge [sflag:s26], $0x100  }
0x39: {  	[sflag:s26] =	ssyncset.done $0x0  }
0x3a: {  	[sflag:s26] =	ssyncadd.s32 $0xFFFFFF00  }
0x3b: {  	[tilespmem:s14], [sflag:$0x1] =	stream.indirect.gather [hbm4b:s4+s13], $0x80, s17, s13, $0xb8;
	[tilespmem:$0x1C000] =	vst v63  }
0x3c: {  	_ =	swait.ge [sflag:s15], $0x4000  }
0x3d: {  	[sflag:s15] =	ssyncset.done $0x0  }
0x3e: {  	[sflag:s15] =	ssyncadd.s32 $0xFFFFC000  }
0x3f: {  	[spmem:s2] =	stream.indirect.scatter.add.f32 [tilespmem:s14], [sflag:$0x3], $0x80, s19, s13, $0xb8;
	[tilespmem:$0x1C000] =	vst v63  }
0x40: {  	_ =	swait.ge [sflag:s28], $0x4000  }
0x41: {  	[sflag:s28] =	ssyncset.done $0x0  }
0x42: {  	s9 =	sadd.s32 $0x40, s7;
	[sflag:s28] =	ssyncadd.s32 $0xFFFFC000  }
0x43: {  	[tilespmem:s3], [sflag:$0x5] =	stream.linear.gather [hbm4b:s9+s3], $0x100, $0x38;
	[tilespmem:$0x1C000] =	vst v63  }
0x44: {  	s16 =	sadd.s32 $0x40, s8  }
0x45: {  	[tilespmem:s12], [sflag:$0x6] =	stream.linear.gather [hbm4b:s16+s3], $0x100, $0x38;
	[tilespmem:$0x1C000] =	vst v63  }
0x46: {  	_ = 	snop  }
0x47: {  	[tilespmem:s20], [sflag:$0x2] =	stream.indirect.gather [hbm4b:s4+s13], $0x80, s29, s13, $0xb8;
	[tilespmem:$0x1C000] =	vst v63  }
0x48: {  	_ =	swait.ge [sflag:s21], $0x4000  }
0x49: {  	[sflag:s21] =	ssyncset.done $0x0  }
0x4a: {  	[sflag:s21] =	ssyncadd.s32 $0xFFFFC000  }
0x4b: {  	[spmem:s2] =	stream.indirect.scatter.add.f32 [tilespmem:s20], [sflag:$0x4], $0x80, s30, s13, $0xb8;
	[tilespmem:$0x1C000] =	vst v63  }
0x4c: {  	_ =	swait.ge [sflag:s23], $0x4000  }
0x4d: {  	[sflag:s23] =	ssyncset.done $0x0  }
0x4e: {  	[sflag:s23] =	ssyncadd.s32 $0xFFFFC000  }
0x4f: {  	_ =	swait.ge [sflag:s31], $0x100  }
0x50: {  	[sflag:s31] =	ssyncset.done $0x0  }
0x51: {  	[sflag:s31] =	ssyncadd.s32 $0xFFFFFF00  }
0x52: {  	_ =	swait.ge [sflag:s1], $0x100  }
0x53: {  	[sflag:s1] =	ssyncset.done $0x0  }
0x54: {  	[sflag:s1] =	ssyncadd.s32 $0xFFFFFF00  }
0x55: {  	[tilespmem:s14], [sflag:$0x1] =	stream.indirect.gather [hbm4b:s4+s13], $0x80, s3, s13, $0xb8;
	[tilespmem:$0x1C000] =	vst v63  }
0x56: {  	_ =	swait.ge [sflag:s15], $0x4000  }
0x57: {  	[sflag:s15] =	ssyncset.done $0x0  }
0x58: {  	[sflag:s15] =	ssyncadd.s32 $0xFFFFC000  }
0x59: {  	[spmem:s2] =	stream.indirect.scatter.add.f32 [tilespmem:s14], [sflag:$0x3], $0x80, s12, s13, $0xb8;
	[tilespmem:$0x1C000] =	vst v63  }
0x5a: {  	_ =	swait.ge [sflag:s28], $0x4000  }
0x5b: {  	s5 =	sadd.s32 $0xFFFFFB40, s7;
	[sflag:s28] =	ssyncset.done $0x0  }
0x5c: {  	s9 =	sadd.s32 $0x520, s5;
	s16 =	sadd.s32 $0xFFFFFB40, s8;
	[sflag:s28] =	ssyncadd.s32 $0xFFFFC000  }
0x5d: {  	[tilespmem:s17], [sflag:$0x7] =	stream.linear.gather [hbm4b:s9+s3], $0x100, $0x38;
	[tilespmem:$0x1C000] =	vst v63  }
0x5e: {  	s18 =	sadd.s32 $0x520, s16  }
0x5f: {  	[tilespmem:s19], [sflag:$0x8] =	stream.linear.gather [hbm4b:s18+s3], $0x100, $0x38;
	[tilespmem:$0x1C000] =	vst v63  }
0x60: {  	_ = 	snop  }
0x61: {  	[tilespmem:s20], [sflag:$0x2] =	stream.indirect.gather [hbm4b:s4+s13], $0x80, s13, s13, $0xb8;
	[tilespmem:$0x1C000] =	vst v63  }
0x62: {  	_ =	swait.ge [sflag:s21], $0x4000  }
0x63: {  	[sflag:s21] =	ssyncset.done $0x0  }
0x64: {  	[sflag:s21] =	ssyncadd.s32 $0xFFFFC000  }
0x65: {  	[spmem:s2] =	stream.indirect.scatter.add.f32 [tilespmem:s20], [sflag:$0x4], $0x80, s22, s13, $0xb8;
	[tilespmem:$0x1C000] =	vst v63  }
0x66: {  	_ =	swait.ge [sflag:s23], $0x4000  }
0x67: {  	[sflag:s23] =	ssyncset.done $0x0  }
0x68: {  	[sflag:s23] =	ssyncadd.s32 $0xFFFFC000  }
0x69: {  	_ =	swait.ge [sflag:s25], $0x100  }
0x6a: {  	[sflag:s25] =	ssyncset.done $0x0  }
0x6b: {  	[sflag:s25] =	ssyncadd.s32 $0xFFFFFF00  }
0x6c: {  	_ =	swait.ge [sflag:s26], $0x100  }
0x6d: {  	[sflag:s26] =	ssyncset.done $0x0  }
0x6e: {  	[sflag:s26] =	ssyncadd.s32 $0xFFFFFF00  }
0x6f: {  	[tilespmem:s14], [sflag:$0x1] =	stream.indirect.gather [hbm4b:s4+s13], $0x80, s17, s13, $0xb8;
	[tilespmem:$0x1C000] =	vst v63  }
0x70: {  	_ =	swait.ge [sflag:s15], $0x4000  }
0x71: {  	[sflag:s15] =	ssyncset.done $0x0  }
0x72: {  	[sflag:s15] =	ssyncadd.s32 $0xFFFFC000  }
0x73: {  	[spmem:s2] =	stream.indirect.scatter.add.f32 [tilespmem:s14], [sflag:$0x3], $0x80, s19, s13, $0xb8;
	[tilespmem:$0x1C000] =	vst v63  }
0x74: {  	_ =	swait.ge [sflag:s28], $0x4000  }
0x75: {  	[sflag:s28] =	ssyncset.done $0x0  }
0x76: {  	s5 =	sadd.s32 $0x540, s5;
	[sflag:s28] =	ssyncadd.s32 $0xFFFFC000  }
0x77: {  	[tilespmem:s3], [sflag:$0x5] =	stream.linear.gather [hbm4b:s5+s3], $0x100, $0x38;
	[tilespmem:$0x1C000] =	vst v63  }
0x78: {  	s18 =	sadd.s32 $0x540, s16  }
0x79: {  	[tilespmem:s12], [sflag:$0x6] =	stream.linear.gather [hbm4b:s18+s3], $0x100, $0x38;
	[tilespmem:$0x1C000] =	vst v63  }
0x7a: {  	_ = 	snop  }
0x7b: {  	[tilespmem:s20], [sflag:$0x2] =	stream.indirect.gather [hbm4b:s4+s13], $0x80, s29, s13, $0xb8;
	[tilespmem:$0x1C000] =	vst v63  }
0x7c: {  	_ =	swait.ge [sflag:s21], $0x4000  }
0x7d: {  	[sflag:s21] =	ssyncset.done $0x0  }
0x7e: {  	[sflag:s21] =	ssyncadd.s32 $0xFFFFC000  }
0x7f: {  	[spmem:s2] =	stream.indirect.scatter.add.f32 [tilespmem:s20], [sflag:$0x4], $0x80, s30, s13, $0xb8;
	[tilespmem:$0x1C000] =	vst v63  }
0x80: {  	_ =	swait.ge [sflag:s23], $0x4000  }
0x81: {  	[sflag:s23] =	ssyncset.done $0x0  }
0x82: {  	[sflag:s23] =	ssyncadd.s32 $0xFFFFC000  }
0x83: {  	_ =	swait.ge [sflag:s31], $0x100  }
0x84: {  	[sflag:s31] =	ssyncset.done $0x0  }
0x85: {  	[sflag:s31] =	ssyncadd.s32 $0xFFFFFF00  }
0x86: {  	_ =	swait.ge [sflag:s1], $0x100  }
0x87: {  	[sflag:s1] =	ssyncset.done $0x0  }
0x88: {  	s5 =	simm.s32 $0xFFFFFB80;
	[sflag:s1] =	ssyncadd.s32 $0xFFFFFF00  }
.LBB2_2:
0x89: {  	[tilespmem:s14], [sflag:$0x1] =	stream.indirect.gather [hbm4b:s4+s13], $0x80, s3, s13, $0xb8;
	[tilespmem:$0x1C000] =	vst v63  }
0x8a: {  	s9 =	smov.u32 s5  }
0x8b: {  	p0 =	sne.s32 s5, $0xFFFFFFC0;
	s5 =	sadd.s32 $0x40, s5;
	_ =	swait.ge [sflag:s15], $0x4000  }
0x8c: {  	[sflag:s15] =	ssyncset.done $0x0  }
0x8d: {  	[sflag:s15] =	ssyncadd.s32 $0xFFFFC000  }
0x8e: {  	[spmem:s2] =	stream.indirect.scatter.add.f32 [tilespmem:s14], [sflag:$0x3], $0x80, s12, s13, $0xb8;
	[tilespmem:$0x1C000] =	vst v63  }
0x8f: {  	_ =	swait.ge [sflag:s28], $0x4000  }
0x90: {  	s16 =	sadd.s32 s9, s7;
	[sflag:s28] =	ssyncset.done $0x0  }
0x91: {  	s9 =	sadd.s32 s9, s8;
	s18 =	sadd.s32 $0x520, s16;
	[sflag:s28] =	ssyncadd.s32 $0xFFFFC000  }
0x92: {  	[tilespmem:s17], [sflag:$0x7] =	stream.linear.gather [hbm4b:s18+s3], $0x100, $0x38;
	[tilespmem:$0x1C000] =	vst v63  }
0x93: {  	s18 =	sadd.s32 $0x520, s9  }
0x94: {  	[tilespmem:s19], [sflag:$0x8] =	stream.linear.gather [hbm4b:s18+s3], $0x100, $0x38;
	[tilespmem:$0x1C000] =	vst v63  }
0x95: {  	_ = 	snop  }
0x96: {  	[tilespmem:s20], [sflag:$0x2] =	stream.indirect.gather [hbm4b:s4+s13], $0x80, s13, s13, $0xb8;
	[tilespmem:$0x1C000] =	vst v63  }
0x97: {  	_ =	swait.ge [sflag:s21], $0x4000  }
0x98: {  	[sflag:s21] =	ssyncset.done $0x0  }
0x99: {  	[sflag:s21] =	ssyncadd.s32 $0xFFFFC000  }
0x9a: {  	[spmem:s2] =	stream.indirect.scatter.add.f32 [tilespmem:s20], [sflag:$0x4], $0x80, s22, s13, $0xb8;
	[tilespmem:$0x1C000] =	vst v63  }
0x9b: {  	_ =	swait.ge [sflag:s23], $0x4000  }
0x9c: {  	[sflag:s23] =	ssyncset.done $0x0  }
0x9d: {  	[sflag:s23] =	ssyncadd.s32 $0xFFFFC000  }
0x9e: {  	_ =	swait.ge [sflag:s25], $0x100  }
0x9f: {  	[sflag:s25] =	ssyncset.done $0x0  }
0xa0: {  	[sflag:s25] =	ssyncadd.s32 $0xFFFFFF00  }
0xa1: {  	_ =	swait.ge [sflag:s26], $0x100  }
0xa2: {  	[sflag:s26] =	ssyncset.done $0x0  }
0xa3: {  	[sflag:s26] =	ssyncadd.s32 $0xFFFFFF00  }
0xa4: {  	[tilespmem:s14], [sflag:$0x1] =	stream.indirect.gather [hbm4b:s4+s13], $0x80, s17, s13, $0xb8;
	[tilespmem:$0x1C000] =	vst v63  }
0xa5: {  	_ =	swait.ge [sflag:s15], $0x4000  }
0xa6: {  	[sflag:s15] =	ssyncset.done $0x0  }
0xa7: {  	[sflag:s15] =	ssyncadd.s32 $0xFFFFC000  }
0xa8: {  	[spmem:s2] =	stream.indirect.scatter.add.f32 [tilespmem:s14], [sflag:$0x3], $0x80, s19, s13, $0xb8;
	[tilespmem:$0x1C000] =	vst v63  }
0xa9: {  	_ =	swait.ge [sflag:s28], $0x4000  }
0xaa: {  	[sflag:s28] =	ssyncset.done $0x0  }
0xab: {  	s16 =	sadd.s32 $0x540, s16;
	[sflag:s28] =	ssyncadd.s32 $0xFFFFC000  }
0xac: {  	[tilespmem:s3], [sflag:$0x5] =	stream.linear.gather [hbm4b:s16+s3], $0x100, $0x38;
	[tilespmem:$0x1C000] =	vst v63  }
0xad: {  	s9 =	sadd.s32 $0x540, s9  }
0xae: {  	[tilespmem:s12], [sflag:$0x6] =	stream.linear.gather [hbm4b:s9+s3], $0x100, $0x38;
	[tilespmem:$0x1C000] =	vst v63  }
0xaf: {  	_ = 	snop  }
0xb0: {  	[tilespmem:s20], [sflag:$0x2] =	stream.indirect.gather [hbm4b:s4+s13], $0x80, s29, s13, $0xb8;
	[tilespmem:$0x1C000] =	vst v63  }
0xb1: {  	_ =	swait.ge [sflag:s21], $0x4000  }
0xb2: {  	[sflag:s21] =	ssyncset.done $0x0  }
0xb3: {  	[sflag:s21] =	ssyncadd.s32 $0xFFFFC000  }
0xb4: {  	[spmem:s2] =	stream.indirect.scatter.add.f32 [tilespmem:s20], [sflag:$0x4], $0x80, s30, s13, $0xb8;
	[tilespmem:$0x1C000] =	vst v63  }
0xb5: {  	_ =	swait.ge [sflag:s23], $0x4000  }
0xb6: {  	[sflag:s23] =	ssyncset.done $0x0  }
0xb7: {  	[sflag:s23] =	ssyncadd.s32 $0xFFFFC000  }
0xb8: {  	_ =	swait.ge [sflag:s31], $0x100  }
.Ltmp0:
0xb9: {  	[sflag:s31] =	ssyncset.done $0x0;
	(pc) =	sbr.rel @p0 .LBB2_2-.Ltmp0, $4  }
0xba: {  	[sflag:s31] =	ssyncadd.s32 $0xFFFFFF00  }
0xbb: {  	_ =	swait.ge [sflag:s1], $0x100  }
0xbc: {  	[sflag:s1] =	ssyncset.done $0x0  }
0xbd: {  	[sflag:s1] =	ssyncadd.s32 $0xFFFFFF00  }
0xbe: {  	[tilespmem:s14], [sflag:$0x1] =	stream.indirect.gather [hbm4b:s4+s13], $0x80, s3, s13, $0xb8;
	[tilespmem:$0x1C000] =	vst v63  }
0xbf: {  	_ =	swait.ge [sflag:s28], $0x4000  }
0xc0: {  	[sflag:s28] =	ssyncset.done $0x0  }
0xc1: {  	[sflag:s28] =	ssyncadd.s32 $0xFFFFC000  }
0xc2: {  	_ =	swait.ge [sflag:s15], $0x4000  }
0xc3: {  	[sflag:s15] =	ssyncset.done $0x0  }
0xc4: {  	[sflag:s15] =	ssyncadd.s32 $0xFFFFC000  }
0xc5: {  	[bflag:$0x0] =	sbarrier.arrive $0xFFFF  }
0xc6: {  	[hbm:s24], [sflag:s6] =	dma.local [spmem:s10], $0x2780  }
0xc7: {  	_ =	swait.ge [sflag:s11], $0x2780  }
0xc8: {  	s0 =	sadd.s32 $0x1, s0;
	s5 =	rddreg [dreg:$0x4]  }
0xc9: {  	p0 =	sne.s32 s0, s5  }
.Ltmp1:
0xca: {  	_ = 	snop;
	(pc) =	sbr.rel @p0 .LBB2_1-.Ltmp1, $3  }
0xcb: {  	_ =	sdelay $0x1  }
0xcc: {  	[sflag:s11] =	ssyncset.done $0x0  }
0xcd: {  	[sflag:s11] =	ssyncadd.s32 $0xFFFFD880  }
0xce: {  	_ =	sfence.sel $0x180000  }
0xcf: {  	[bflag:$0x0] =	sbarrier.arrive $0xFFFF  }
0xd0: {  	_ =	strace $0x9000004A  }
0xd1: {  	s0 =	stileid.u32;
	[bflag:$0x2] =	sbarrier.arrive $0xFFFF  }
0xd2: {  	p0 =	sne.s32 s0, $0x0;
	s0 =	rddreg [dreg:$0x2]  }
0xd3: {  	s0 =	sadd.s32 @!p0 $0x100000, s0  }
0xd4: {  	[sflag:s0] =	ssyncadd.tile.s32 @!p0 $0x1;
	_ =	shalt  }
.Lfunc_end2:
_tile_overlayer_lowered:
.L_overlay_start_2:
0xd5: {  	(tag) =	ssettag $0x2  }
0xd6: {  	s0 =	rddreg [dreg:$0x0];
	s2 =	stileid.u32  }
0xd7: {  	s1 =	rddreg [dreg:$0x1];
	p0 =	sne.s32 s2, $0x0  }
0xd8: {  	s3 =	rddreg [dreg:$0x2];
	[bflag:$0x3] =	sbarrier.arrive $0xFFFF;
	s2 =	simm.s32 @!p0 $0x1C09  }
0xd9: {  	[timem:s3], [sflag:s2] =	dma.local @!p0 [hbm:s0], s1  }
0xda: {  	s0 =	simm.s32 @!p0 $0x9  }
0xdb: {  	_ =	swait.ge @!p0 [sflag:s0], s1  }
0xdc: {  	s1 =	ssub.s32 @!p0 $0x0, s1;
	[sflag:s0] =	ssyncset.done @!p0 $0x0  }
0xdd: {  	[sflag:s0] =	ssyncadd.s32 @!p0 s1  }
0xde: {  	[bflag:$0x3] =	sbarrier.arrive $0xFFFF  }
0xdf: {  	_ =	shalt  }

// kernel: kernel.17.cloned.1.call-start
scs
__scs_entry_jumppad:
0x0: {  	(pc) =	sbr.rel $0x88, $3  }
0x1: {  	(tag) =	ssettag $0x0;
	lr =	simm.s32 $0x1  }
0x2: {  	[smem:$0x3F8E] =	sst lr;
	_ =	strace $0xD0000000  }
0x3: {  	_ = 	snop  }
0x4: {  	_ = 	snop  }
0x5: {  	_ = 	snop  }
0x6: {  	_ = 	snop  }
0x7: {  	_ = 	snop  }
__scs_overlays_trampoline_lowered:
0x8: {  	[smem:$0x3F9D] =	sst s0  }
0x9: {  	[smem:$0x3F9E] =	sst s1  }
0xa: {  	[smem:$0x3F9F] =	sst s2  }
0xb: {  	[smem:$0x3FA0] =	sst s3  }
0xc: {  	[smem:$0x3FA1] =	sst s4  }
0xd: {  	[smem:$0x3FA2] =	sst s5  }
0xe: {  	[smem:$0x3FA3] =	sst s6  }
0xf: {  	[smem:$0x3FA4] =	sst s7  }
0x10: {  	[smem:$0x3FA5] =	sst s8  }
0x11: {  	[smem:$0x3FA6] =	sst s9;
	s0 =	simm.s32 @!p0 $0x0  }
0x12: {  	s1 =	sld [smem:$0x3F8C];
	s0 =	simm.s32 @p0 $0x1  }
0x13: {  	[smem:$0x3FA7] =	sst s0;
	s0 =	simm.s32 @!p1 $0x0  }
0x14: {  	s2 =	sld [smem:$0x3F8B];
	s0 =	simm.s32 @p1 $0x1  }
0x15: {  	[smem:$0x3FA8] =	sst s0;
	s0 =	simm.s32 @!p2 $0x0  }
0x16: {  	s3 =	sld [smem:$0x3FDB];
	s0 =	simm.s32 @p2 $0x1  }
0x17: {  	s4 =	simm.s32 $0x1BF5;
	[smem:$0x3FAA] =	sst s0  }
0x18: {  	s0 =	sld [smem:$0x3F8D];
	_ =	swait.ge [sflag:s4], $0x0  }
0x19: {  	s7 =	sld [smem:$0x3F8E]  }
0x1a: {  	s8 =	sadd.s32 $0xFFFFE003, lr  }
0x1b: {  	s9 =	sadd.s32 $0xFFFFFEF7, lr;
	s5 =	simm.s32 $0xFFFFFFFF;
	p2 =	slt.u32 s8, $0xFFFFF086  }
0x1c: {  	p1 =	slt.u32 s9, $0xF7A;
	s5 =	simm.s32 @!p2 $0x0  }
0x1d: {  	s5 =	simm.s32 @p1 $0x1;
	p0 =	seq.s32 s7, s2  }
0x1e: {  	s7 =	smul.u32 @!p0 $0xF7A, s2;
	p2 =	seq.s32 @!p0 s5, $0x0  }
0x1f: {  	s9 =	smul.u32 $0xF7A, s1;
	s8 =	simm.s32 @!p0 $0x1BF5;
	p2 =	por !p2, p0  }
0x20: {  	[sflag:s8] =	ssyncset.s32 @!p0 $0xFFFFF086;
	s6 =	sadd.s32 @!p0 s3, s7;
	s7 =	simm.s32 @!p0 $0x108  }
0x21: {  	s3 =	sadd.s32 s3, s9;
	s6 =	sadd.s32 @!p0 $0x88, s6;
	s7 =	simm.s32 @p2 $0x1082  }
0x22: {  	[simem:s7], [sflag:s8] =	dma.local @!p0 [hbm:s6], $0xF7A  }
0x23: {  	s9 =	sor.u32 $0xD0000000, s2;
	s6 =	simm.s32 $0x108;
	_ =	swait.ge @!p0 [sflag:s8], $0x0  }
0x24: {  	s3 =	sadd.s32 $0x88, s3;
	s6 =	simm.s32 @!p1 $0x1082;
	[sflag:s4] =	ssyncset.s32 $0xFFFFF086  }
0x25: {  	[simem:s6], [sflag:s4] =	dma.local [hbm:s3], $0xF7A  }
0x26: {  	[smem:$0x3F8E] =	sst s1;
	(tag) =	ssettag s2;
	_ =	strace s9  }
0x27: {  	s1 =	sld [smem:$0x3F9E]  }
0x28: {  	s2 =	sld [smem:$0x3F9F]  }
0x29: {  	s4 =	sld [smem:$0x3FA1]  }
0x2a: {  	p0 =	seq.s32 s5, $0x0;
	s5 =	sld [smem:$0x3FA2]  }
0x2b: {  	s6 =	sld [smem:$0x3FA3]  }
0x2c: {  	s7 =	sld [smem:$0x3FA4]  }
0x2d: {  	s3 =	simm.s32 $0x108;
	s8 =	sld [smem:$0x3FA5]  }
0x2e: {  	s3 =	simm.s32 @!p0 $0x1082;
	s9 =	sld [smem:$0x3FA6]  }
0x2f: {  	lr =	sadd.s32 s0, s3;
	s0 =	sld [smem:$0x3F9D]  }
0x30: {  	s3 =	sld [smem:$0x3FA0]  }
0x31: {  	[smem:$0x3FA9] =	sst s10  }
0x32: {  	s10 =	sld [smem:$0x3FA7];
	_ =	sdelay $0x3  }
0x33: {  	p0 =	seq.s32 s10, $0x1;
	s10 =	sld [smem:$0x3FA9];
	_ =	sdelay $0x3  }
0x34: {  	[smem:$0x3FA9] =	sst s10  }
0x35: {  	s10 =	sld [smem:$0x3FA8];
	_ =	sdelay $0x3  }
0x36: {  	p1 =	seq.s32 s10, $0x1;
	s10 =	sld [smem:$0x3FA9];
	_ =	sdelay $0x3  }
0x37: {  	[smem:$0x3FA9] =	sst s10  }
0x38: {  	s10 =	sld [smem:$0x3FAA]  }
0x39: {  	_ = 	snop;
	(pc) =	sbr.ind lr, $3  }
0x3a: {  	_ = 	snop  }
0x3b: {  	_ = 	snop  }
0x3c: {  	p2 =	seq.s32 s10, $0x1;
	s10 =	sld [smem:$0x3FA9]  }
0x3d: {  	_ =	shalt  }
0x3e: {  	_ =	shalt  }
0x3f: {  	_ =	shalt  }
0x40: {  	_ =	shalt  }
0x41: {  	_ =	shalt  }
0x42: {  	_ =	shalt  }
0x43: {  	_ =	shalt  }
0x44: {  	_ =	shalt  }
0x45: {  	_ =	shalt  }
0x46: {  	_ =	shalt  }
0x47: {  	_ =	shalt  }
0x48: {  	_ =	shalt  }
0x49: {  	_ =	shalt  }
0x4a: {  	_ =	shalt  }
0x4b: {  	_ =	shalt  }
0x4c: {  	_ =	shalt  }
0x4d: {  	_ =	shalt  }
0x4e: {  	_ =	shalt  }
0x4f: {  	_ =	shalt  }
0x50: {  	_ =	shalt  }
0x51: {  	_ =	shalt  }
0x52: {  	_ =	shalt  }
0x53: {  	_ =	shalt  }
0x54: {  	_ =	shalt  }
0x55: {  	_ =	shalt  }
0x56: {  	_ =	shalt  }
0x57: {  	_ =	shalt  }
0x58: {  	_ =	shalt  }
0x59: {  	_ =	shalt  }
0x5a: {  	_ =	shalt  }
0x5b: {  	_ =	shalt  }
0x5c: {  	_ =	shalt  }
0x5d: {  	_ =	shalt  }
0x5e: {  	_ =	shalt  }
0x5f: {  	_ =	shalt  }
0x60: {  	_ =	shalt  }
0x61: {  	_ =	shalt  }
0x62: {  	_ =	shalt  }
0x63: {  	_ =	shalt  }
0x64: {  	_ =	shalt  }
0x65: {  	_ =	shalt  }
0x66: {  	_ =	shalt  }
0x67: {  	_ =	shalt  }
0x68: {  	_ =	shalt  }
0x69: {  	_ =	shalt  }
0x6a: {  	_ =	shalt  }
0x6b: {  	_ =	shalt  }
0x6c: {  	_ =	shalt  }
0x6d: {  	_ =	shalt  }
0x6e: {  	_ =	shalt  }
0x6f: {  	_ =	shalt  }
0x70: {  	_ =	shalt  }
0x71: {  	_ =	shalt  }
0x72: {  	_ =	shalt  }
0x73: {  	_ =	shalt  }
0x74: {  	_ =	shalt  }
0x75: {  	_ =	shalt  }
0x76: {  	_ =	shalt  }
0x77: {  	_ =	shalt  }
0x78: {  	_ =	shalt  }
0x79: {  	_ =	shalt  }
0x7a: {  	_ =	shalt  }
0x7b: {  	_ =	shalt  }
0x7c: {  	_ =	shalt  }
0x7d: {  	_ =	shalt  }
0x7e: {  	_ =	shalt  }
0x7f: {  	_ =	shalt  }
0x80: {  	_ =	shalt  }
0x81: {  	_ =	shalt  }
0x82: {  	_ =	shalt  }
0x83: {  	_ =	shalt  }
0x84: {  	_ =	shalt  }
0x85: {  	_ =	shalt  }
0x86: {  	_ =	shalt  }
0x87: {  	_ =	shalt  }
.Lfunc_end0:
.L_simem_size_0:
called_computation.2_lowered:
.L_overlay_start_0:
0x88: {  	s2 =	sld [smem:$0x3FD9]  }
0x89: {  	s3 =	sld [smem:$0x3FFE];
	_ =	sdelay $0x1  }
0x8a: {  	s1 =	srdreg.scid  }
0x8b: {  	s0 =	sand.u32 $0x1, s1  }
0x8c: {  	s16 =	sshll.u32 s0, $0xA;
	s2 =	sadd.s32 s3, s2  }
0x8d: {  	s2 =	sadd.s32 s2, s16  }
0x8e: {  	[smem:$0x3FB5] =	sst s2  }
0x8f: {  	_ = 	snop  }
0x90: {  	(tm) =	ssettm $0x1  }
0x91: {  	s17 =	sld [smem:$0x3FFB];
	_ =	sdelay $0x3  }
0x92: {  	_ =	strace s17  }
0x93: {  	s2 =	sld [smem:$0x3FFC];
	_ =	sdelay $0x3  }
0x94: {  	_ =	strace s2  }
0x95: {  	s2 =	sld [smem:$0x3FFD];
	_ =	sdelay $0x3  }
0x96: {  	_ =	strace s2  }
0x97: {  	_ =	strace $0x8FFFFFFF  }
0x98: {  	s18 =	sld [smem:$0x3FDB];
	_ =	sdelay $0x1  }
0x99: {  	s19 =	simm.s32 $_scs_section_size  }
0x9a: {  	s4 =	simm.s32 $_size__tile_overlayer_lowered;
	s5 =	simm.s32 $_tile_overlayer_lowered  }
0x9b: {  	s22 =	simm.s32 $0x1BFF;
	s21 =	sshll.u32 s5, $0x1;
	s2 =	sadd.s32 s19, s18  }
0x9c: {  	s6 =	simm.s32 $0x0;
	s20 =	sshll.u32 s4, $0x1;
	s4 =	sadd.s32 s21, s2  }
0x9d: {  	[timem:s6], [sflag:s22] =	dma.local [hbm:s4], s20  }
0x9e: {  	_ =	swait.ge [sflag:s22], s20  }
0x9f: {  	s3 =	ssub.s32 $0x0, s20;
	[sflag:s22] =	ssyncset.done $0x0  }
0xa0: {  	[sflag:s22] =	ssyncadd.s32 s3;
	_ =	sdelay $0x1  }
0xa1: {  	s23 =	simm.s32 $0x1B8B  }
0xa2: {  	_ =	swait.ge [sflag:s23], $0x1  }
0xa3: {  	[sflag:s23] =	ssyncset.done $0x0  }
0xa4: {  	s25 =	simm.s32 $0x1B8E;
	s24 =	sld [smem:$0x3FFE];
	[sflag:s23] =	ssyncadd.s32 $0xFFFFFFFF  }
0xa5: {  	s26 =	simm.s32 $execute0_lowered;
	[smem:$0x3FD2] =	sst s25  }
0xa6: {  	s4 =	sshll.u32 s26, $0x1;
	_ =	strace $0x8000004C;
	[dreg:$0x1] =	wrdreg $0xFFFFFFFF  }
0xa7: {  	s28 =	simm.s32 $_size_execute0_lowered;
	s2 =	sadd.s32 s2, s4;
	[dreg:$0x0] =	wrdreg $0x0  }
0xa8: {  	s4 =	sshll.u32 s28, $0x1;
	[dreg:$0x2] =	wrdreg s2  }
0xa9: {  	[dreg:$0x3] =	wrdreg s4  }
0xaa: {  	[dreg:$0x4] =	wrdreg $0xC0  }
0xab: {  	_ =	task [dreg:s6], $0x5FFFF  }
0xac: {  	[dreg:$0x1] =	wrdreg $0xFFFFFFFF  }
0xad: {  	[dreg:$0x0] =	wrdreg $0x60  }
0xae: {  	[dreg:$0x2] =	wrdreg s24  }
0xaf: {  	[dreg:$0x3] =	wrdreg $0x84000  }
0xb0: {  	[dreg:$0x4] =	wrdreg $0x9  }
0xb1: {  	_ =	task.clear_ibuf [dreg:s6], $0x5FFFF;
	_ =	strace $0x9000004C  }
0xb2: {  	s29 =	simm.s32 $0x9;
	_ =	strace $0x8000004E  }
0xb3: {  	_ =	swait.ge [sflag:s29], $0x1  }
0xb4: {  	[sflag:s29] =	ssyncadd.s32 $0xFFFFFFFF  }
0xb5: {  	_ =	strace $0x9000004E  }
0xb6: {  	_ =	sfence  }
0xb7: {  	s30 =	sld [smem:$0x0];
	_ =	sdelay $0x2  }
0xb8: {  	s31 =	sshll.u32 s1, $0xD;
	s1 =	sshrl.u32 s1, $0x2  }
0xb9: {  	s3 =	sand.u32 $0x4000, s31;
	s1 =	sadd.s32 s1, s30  }
0xba: {  	s0 =	sor.u32 s3, s0;
	s1 =	sshll.u32 s1, $0x11  }
0xbb: {  	s0 =	sor.u32 s1, s0  }
0xbc: {  	s0 =	sadd.s32 $0x8F2B, s0  }
0xbd: {  	[sflag:s0] =	ssyncadd.remote.s32 $0x1  }
0xbe: {  	_ =	sfence.sel $0xFFFF  }
0xbf: {  	[dreg:$0x0] =	wrdreg $0xFFFFFFFF;
	(pc) =	sbr.abs _section_cstart, $3  }
0xc0: {  	[dreg:$0x1] =	wrdreg $0xFFFFFFFF  }
0xc1: {  	_ =	task.clear_ibuf [dreg:s6], $0x2FFFF;
	_ =	strace $0x9FFFFFFF  }
0xc2: {  	(tm) =	ssettm $0x7FFFFFFF  }
0xc3: {  	_ =	shalt  }
tec
execute0_lowered:
.L_overlay_start_1:
0x0: {  	(tag) =	ssettag $0x1  }
0x1: {  	s0 =	srdreg.scid  }
0x2: {  	s9 =	stileid.u32;
	s1 =	rddreg [dreg:$0x0]  }
0x3: {  	s2 =	rddreg [dreg:$0x1];
	s11 =	simm.s32 $0x9;
	s12 =	simm.s32 $0x200  }
0x4: {  	s13 =	simm.s32 $0x80;
	s14 =	simm.s32 $0x400;
	s15 =	simm.s32 $0x1  }
0x5: {  	s17 =	simm.s32 $0x100;
	s19 =	simm.s32 $0x300;
	s28 =	simm.s32 $0x4  }
0x6: {  	s29 =	simm.s32 $0x180;
	s30 =	simm.s32 $0x380;
	s31 =	simm.s32 $0x5  }
0x7: {  	s0 =	sand.u32 $0x1, s0;
	s3 =	sshll.u32 s9, $0x1;
	s24 =	smul.u32 $0x2780, s9  }
0x8: {  	s7 =	smul.u32 $0x4F000, s9;
	s22 =	sshll.u32 s9, $0x6;
	s4 =	sor.u32 s0, s3  }
0x9: {  	s3 =	simm.s32 $0x0;
	s6 =	smul.u32 $0x27800, s0;
	s0 =	ssub.s32 $0x2, s0  }
0xa: {  	s5 =	smul.u32 $0x580, s4;
	[smem:$0x7FF] =	sst s3;
	s4 =	sadd.s32 $0x1A200, s1  }
0xb: {  	s8 =	sadd.s32 s24, s1;
	s20 =	sshrl.u32 s0, $0x1;
	s21 =	sshrl.u32 s7, $0x2  }
0xc: {  	_ =	strace $0x8000004D;
	s0 =	ssub.s32 s0, s20;
	s10 =	sadd.s32 s21, s2  }
0xd: {  	s23 =	sadd.s32 $0x41400, s8;
	s20 =	simm.s32 $0x4400;
	s21 =	simm.s32 $0x2  }
0xe: {  	s5 =	sadd.s32 s5, s1;
	s1 =	sadd.s32 s6, s1;
	[dreg:$0x3] =	wrdreg s23  }
0xf: {  	s6 =	sor.u32 $0x1C09, s22;
	s0 =	smax.u32 s0, $0x1;
	s10 =	sshrl.u32 s10, $0x3  }
0x10: {  	s22 =	simm.s32 $0x280;
	s23 =	simm.s32 $0x3;
	s7 =	sadd.s32 $0x4200, s5  }
0x11: {  	s8 =	sadd.s32 $0xF200, s5;
	s1 =	sadd.s32 $0x68C00, s1;
	[dreg:$0x4] =	wrdreg s0  }
0x12: {  	s0 =	simm.s32 $0x0;
	s25 =	sadd.s32 $0x20, s7;
	s26 =	sadd.s32 $0x20, s8  }
0x13: {  	s24 =	sadd.s32 s24, s1;
	s1 =	simm.s32 $0x6;
	[dreg:$0x5] =	wrdreg s25  }
0x14: {  	[dreg:$0x6] =	wrdreg s26;
	s25 =	simm.s32 $0x7;
	s26 =	simm.s32 $0x8  }
.LBB2_1:
0x15: {  	s5 =	rddreg [dreg:$0x3]  }
0x16: {  	[spmem:s10], [sflag:s6] =	dma.local [hbm:s5], $0x2780  }
0x17: {  	_ =	swait.ge [sflag:s11], $0x2780  }
0x18: {  	[sflag:s11] =	ssyncset.done $0x0  }
0x19: {  	[sflag:s11] =	ssyncadd.s32 $0xFFFFD880  }
0x1a: {  	[bflag:$0x0] =	sbarrier.arrive $0xFFFF  }
0x1b: {  	[tilespmem:s3], [sflag:$0x9] =	stream.linear.gather [hbm4b:s7+s3], $0x100, $0x38;
	[tilespmem:$0x1C000] =	vst v63  }
0x1c: {  	_ =	swait.ge [sflag:s11], $0x100  }
0x1d: {  	[sflag:s11] =	ssyncset.done $0x0  }
0x1e: {  	[sflag:s11] =	ssyncadd.s32 $0xFFFFFF00  }
0x1f: {  	[tilespmem:s12], [sflag:$0x9] =	stream.linear.gather [hbm4b:s8+s3], $0x100, $0x38;
	[tilespmem:$0x1C000] =	vst v63  }
0x20: {  	_ =	swait.ge [sflag:s11], $0x100  }
0x21: {  	[sflag:s11] =	ssyncset.done $0x0  }
0x22: {  	[sflag:s11] =	ssyncadd.s32 $0xFFFFFF00  }
0x23: {  	[tilespmem:s14], [sflag:$0x1] =	stream.indirect.gather [hbm4b:s4+s13], $0x80, s3, s13, $0xb8;
	[tilespmem:$0x1C000] =	vst v63  }
0x24: {  	_ =	swait.ge [sflag:s15], $0x4000  }
0x25: {  	[sflag:s15] =	ssyncset.done $0x0  }
0x26: {  	[sflag:s15] =	ssyncadd.s32 $0xFFFFC000  }
0x27: {  	[spmem:s2] =	stream.indirect.scatter.add.f32 [tilespmem:s14], [sflag:$0x3], $0x80, s12, s13, $0xb8;
	[tilespmem:$0x1C000] =	vst v63  }
0x28: {  	s16 =	rddreg [dreg:$0x5]  }
0x29: {  	[tilespmem:s17], [sflag:$0x7] =	stream.linear.gather [hbm4b:s16+s3], $0x100, $0x38;
	[tilespmem:$0x1C000] =	vst v63  }
0x2a: {  	s18 =	rddreg [dreg:$0x6]  }
0x2b: {  	[tilespmem:s19], [sflag:$0x8] =	stream.linear.gather [hbm4b:s18+s3], $0x100, $0x38;
	[tilespmem:$0x1C000] =	vst v63  }
0x2c: {  	_ = 	snop  }
0x2d: {  	[tilespmem:s20], [sflag:$0x2] =	stream.indirect.gather [hbm4b:s4+s13], $0x80, s13, s13, $0xb8;
	[tilespmem:$0x1C000] =	vst v63  }
0x2e: {  	_ =	swait.ge [sflag:s21], $0x4000  }
0x2f: {  	[sflag:s21] =	ssyncset.done $0x0  }
0x30: {  	[sflag:s21] =	ssyncadd.s32 $0xFFFFC000  }
0x31: {  	[spmem:s2] =	stream.indirect.scatter.add.f32 [tilespmem:s20], [sflag:$0x4], $0x80, s22, s13, $0xb8;
	[tilespmem:$0x1C000] =	vst v63  }
0x32: {  	_ =	swait.ge [sflag:s23], $0x4000  }
0x33: {  	[sflag:s23] =	ssyncset.done $0x0  }
0x34: {  	[sflag:s23] =	ssyncadd.s32 $0xFFFFC000  }
0x35: {  	_ =	swait.ge [sflag:s25], $0x100  }
0x36: {  	[sflag:s25] =	ssyncset.done $0x0  }
0x37: {  	[sflag:s25] =	ssyncadd.s32 $0xFFFFFF00  }
0x38: {  	_ =	swait.ge [sflag:s26], $0x100  }
0x39: {  	[sflag:s26] =	ssyncset.done $0x0  }
0x3a: {  	[sflag:s26] =	ssyncadd.s32 $0xFFFFFF00  }
0x3b: {  	[tilespmem:s14], [sflag:$0x1] =	stream.indirect.gather [hbm4b:s4+s13], $0x80, s17, s13, $0xb8;
	[tilespmem:$0x1C000] =	vst v63  }
0x3c: {  	_ =	swait.ge [sflag:s15], $0x4000  }
0x3d: {  	[sflag:s15] =	ssyncset.done $0x0  }
0x3e: {  	[sflag:s15] =	ssyncadd.s32 $0xFFFFC000  }
0x3f: {  	[spmem:s2] =	stream.indirect.scatter.add.f32 [tilespmem:s14], [sflag:$0x3], $0x80, s19, s13, $0xb8;
	[tilespmem:$0x1C000] =	vst v63  }
0x40: {  	_ =	swait.ge [sflag:s28], $0x4000  }
0x41: {  	[sflag:s28] =	ssyncset.done $0x0  }
0x42: {  	s9 =	sadd.s32 $0x40, s7;
	[sflag:s28] =	ssyncadd.s32 $0xFFFFC000  }
0x43: {  	[tilespmem:s3], [sflag:$0x5] =	stream.linear.gather [hbm4b:s9+s3], $0x100, $0x38;
	[tilespmem:$0x1C000] =	vst v63  }
0x44: {  	s16 =	sadd.s32 $0x40, s8  }
0x45: {  	[tilespmem:s12], [sflag:$0x6] =	stream.linear.gather [hbm4b:s16+s3], $0x100, $0x38;
	[tilespmem:$0x1C000] =	vst v63  }
0x46: {  	_ = 	snop  }
0x47: {  	[tilespmem:s20], [sflag:$0x2] =	stream.indirect.gather [hbm4b:s4+s13], $0x80, s29, s13, $0xb8;
	[tilespmem:$0x1C000] =	vst v63  }
0x48: {  	_ =	swait.ge [sflag:s21], $0x4000  }
0x49: {  	[sflag:s21] =	ssyncset.done $0x0  }
0x4a: {  	[sflag:s21] =	ssyncadd.s32 $0xFFFFC000  }
0x4b: {  	[spmem:s2] =	stream.indirect.scatter.add.f32 [tilespmem:s20], [sflag:$0x4], $0x80, s30, s13, $0xb8;
	[tilespmem:$0x1C000] =	vst v63  }
0x4c: {  	_ =	swait.ge [sflag:s23], $0x4000  }
0x4d: {  	[sflag:s23] =	ssyncset.done $0x0  }
0x4e: {  	[sflag:s23] =	ssyncadd.s32 $0xFFFFC000  }
0x4f: {  	_ =	swait.ge [sflag:s31], $0x100  }
0x50: {  	[sflag:s31] =	ssyncset.done $0x0  }
0x51: {  	[sflag:s31] =	ssyncadd.s32 $0xFFFFFF00  }
0x52: {  	_ =	swait.ge [sflag:s1], $0x100  }
0x53: {  	[sflag:s1] =	ssyncset.done $0x0  }
0x54: {  	[sflag:s1] =	ssyncadd.s32 $0xFFFFFF00  }
0x55: {  	[tilespmem:s14], [sflag:$0x1] =	stream.indirect.gather [hbm4b:s4+s13], $0x80, s3, s13, $0xb8;
	[tilespmem:$0x1C000] =	vst v63  }
0x56: {  	_ =	swait.ge [sflag:s15], $0x4000  }
0x57: {  	[sflag:s15] =	ssyncset.done $0x0  }
0x58: {  	[sflag:s15] =	ssyncadd.s32 $0xFFFFC000  }
0x59: {  	[spmem:s2] =	stream.indirect.scatter.add.f32 [tilespmem:s14], [sflag:$0x3], $0x80, s12, s13, $0xb8;
	[tilespmem:$0x1C000] =	vst v63  }
0x5a: {  	_ =	swait.ge [sflag:s28], $0x4000  }
0x5b: {  	s5 =	sadd.s32 $0xFFFFFB40, s7;
	[sflag:s28] =	ssyncset.done $0x0  }
0x5c: {  	s9 =	sadd.s32 $0x520, s5;
	s16 =	sadd.s32 $0xFFFFFB40, s8;
	[sflag:s28] =	ssyncadd.s32 $0xFFFFC000  }
0x5d: {  	[tilespmem:s17], [sflag:$0x7] =	stream.linear.gather [hbm4b:s9+s3], $0x100, $0x38;
	[tilespmem:$0x1C000] =	vst v63  }
0x5e: {  	s18 =	sadd.s32 $0x520, s16  }
0x5f: {  	[tilespmem:s19], [sflag:$0x8] =	stream.linear.gather [hbm4b:s18+s3], $0x100, $0x38;
	[tilespmem:$0x1C000] =	vst v63  }
0x60: {  	_ = 	snop  }
0x61: {  	[tilespmem:s20], [sflag:$0x2] =	stream.indirect.gather [hbm4b:s4+s13], $0x80, s13, s13, $0xb8;
	[tilespmem:$0x1C000] =	vst v63  }
0x62: {  	_ =	swait.ge [sflag:s21], $0x4000  }
0x63: {  	[sflag:s21] =	ssyncset.done $0x0  }
0x64: {  	[sflag:s21] =	ssyncadd.s32 $0xFFFFC000  }
0x65: {  	[spmem:s2] =	stream.indirect.scatter.add.f32 [tilespmem:s20], [sflag:$0x4], $0x80, s22, s13, $0xb8;
	[tilespmem:$0x1C000] =	vst v63  }
0x66: {  	_ =	swait.ge [sflag:s23], $0x4000  }
0x67: {  	[sflag:s23] =	ssyncset.done $0x0  }
0x68: {  	[sflag:s23] =	ssyncadd.s32 $0xFFFFC000  }
0x69: {  	_ =	swait.ge [sflag:s25], $0x100  }
0x6a: {  	[sflag:s25] =	ssyncset.done $0x0  }
0x6b: {  	[sflag:s25] =	ssyncadd.s32 $0xFFFFFF00  }
0x6c: {  	_ =	swait.ge [sflag:s26], $0x100  }
0x6d: {  	[sflag:s26] =	ssyncset.done $0x0  }
0x6e: {  	[sflag:s26] =	ssyncadd.s32 $0xFFFFFF00  }
0x6f: {  	[tilespmem:s14], [sflag:$0x1] =	stream.indirect.gather [hbm4b:s4+s13], $0x80, s17, s13, $0xb8;
	[tilespmem:$0x1C000] =	vst v63  }
0x70: {  	_ =	swait.ge [sflag:s15], $0x4000  }
0x71: {  	[sflag:s15] =	ssyncset.done $0x0  }
0x72: {  	[sflag:s15] =	ssyncadd.s32 $0xFFFFC000  }
0x73: {  	[spmem:s2] =	stream.indirect.scatter.add.f32 [tilespmem:s14], [sflag:$0x3], $0x80, s19, s13, $0xb8;
	[tilespmem:$0x1C000] =	vst v63  }
0x74: {  	_ =	swait.ge [sflag:s28], $0x4000  }
0x75: {  	[sflag:s28] =	ssyncset.done $0x0  }
0x76: {  	s5 =	sadd.s32 $0x540, s5;
	[sflag:s28] =	ssyncadd.s32 $0xFFFFC000  }
0x77: {  	[tilespmem:s3], [sflag:$0x5] =	stream.linear.gather [hbm4b:s5+s3], $0x100, $0x38;
	[tilespmem:$0x1C000] =	vst v63  }
0x78: {  	s18 =	sadd.s32 $0x540, s16  }
0x79: {  	[tilespmem:s12], [sflag:$0x6] =	stream.linear.gather [hbm4b:s18+s3], $0x100, $0x38;
	[tilespmem:$0x1C000] =	vst v63  }
0x7a: {  	_ = 	snop  }
0x7b: {  	[tilespmem:s20], [sflag:$0x2] =	stream.indirect.gather [hbm4b:s4+s13], $0x80, s29, s13, $0xb8;
	[tilespmem:$0x1C000] =	vst v63  }
0x7c: {  	_ =	swait.ge [sflag:s21], $0x4000  }
0x7d: {  	[sflag:s21] =	ssyncset.done $0x0  }
0x7e: {  	[sflag:s21] =	ssyncadd.s32 $0xFFFFC000  }
0x7f: {  	[spmem:s2] =	stream.indirect.scatter.add.f32 [tilespmem:s20], [sflag:$0x4], $0x80, s30, s13, $0xb8;
	[tilespmem:$0x1C000] =	vst v63  }
0x80: {  	_ =	swait.ge [sflag:s23], $0x4000  }
0x81: {  	[sflag:s23] =	ssyncset.done $0x0  }
0x82: {  	[sflag:s23] =	ssyncadd.s32 $0xFFFFC000  }
0x83: {  	_ =	swait.ge [sflag:s31], $0x100  }
0x84: {  	[sflag:s31] =	ssyncset.done $0x0  }
0x85: {  	[sflag:s31] =	ssyncadd.s32 $0xFFFFFF00  }
0x86: {  	_ =	swait.ge [sflag:s1], $0x100  }
0x87: {  	[sflag:s1] =	ssyncset.done $0x0  }
0x88: {  	s5 =	simm.s32 $0xFFFFFB80;
	[sflag:s1] =	ssyncadd.s32 $0xFFFFFF00  }
.LBB2_2:
0x89: {  	[tilespmem:s14], [sflag:$0x1] =	stream.indirect.gather [hbm4b:s4+s13], $0x80, s3, s13, $0xb8;
	[tilespmem:$0x1C000] =	vst v63  }
0x8a: {  	s9 =	smov.u32 s5  }
0x8b: {  	p0 =	sne.s32 s5, $0xFFFFFFC0;
	s5 =	sadd.s32 $0x40, s5;
	_ =	swait.ge [sflag:s15], $0x4000  }
0x8c: {  	[sflag:s15] =	ssyncset.done $0x0  }
0x8d: {  	[sflag:s15] =	ssyncadd.s32 $0xFFFFC000  }
0x8e: {  	[spmem:s2] =	stream.indirect.scatter.add.f32 [tilespmem:s14], [sflag:$0x3], $0x80, s12, s13, $0xb8;
	[tilespmem:$0x1C000] =	vst v63  }
0x8f: {  	_ =	swait.ge [sflag:s28], $0x4000  }
0x90: {  	s16 =	sadd.s32 s9, s7;
	[sflag:s28] =	ssyncset.done $0x0  }
0x91: {  	s9 =	sadd.s32 s9, s8;
	s18 =	sadd.s32 $0x520, s16;
	[sflag:s28] =	ssyncadd.s32 $0xFFFFC000  }
0x92: {  	[tilespmem:s17], [sflag:$0x7] =	stream.linear.gather [hbm4b:s18+s3], $0x100, $0x38;
	[tilespmem:$0x1C000] =	vst v63  }
0x93: {  	s18 =	sadd.s32 $0x520, s9  }
0x94: {  	[tilespmem:s19], [sflag:$0x8] =	stream.linear.gather [hbm4b:s18+s3], $0x100, $0x38;
	[tilespmem:$0x1C000] =	vst v63  }
0x95: {  	_ = 	snop  }
0x96: {  	[tilespmem:s20], [sflag:$0x2] =	stream.indirect.gather [hbm4b:s4+s13], $0x80, s13, s13, $0xb8;
	[tilespmem:$0x1C000] =	vst v63  }
0x97: {  	_ =	swait.ge [sflag:s21], $0x4000  }
0x98: {  	[sflag:s21] =	ssyncset.done $0x0  }
0x99: {  	[sflag:s21] =	ssyncadd.s32 $0xFFFFC000  }
0x9a: {  	[spmem:s2] =	stream.indirect.scatter.add.f32 [tilespmem:s20], [sflag:$0x4], $0x80, s22, s13, $0xb8;
	[tilespmem:$0x1C000] =	vst v63  }
0x9b: {  	_ =	swait.ge [sflag:s23], $0x4000  }
0x9c: {  	[sflag:s23] =	ssyncset.done $0x0  }
0x9d: {  	[sflag:s23] =	ssyncadd.s32 $0xFFFFC000  }
0x9e: {  	_ =	swait.ge [sflag:s25], $0x100  }
0x9f: {  	[sflag:s25] =	ssyncset.done $0x0  }
0xa0: {  	[sflag:s25] =	ssyncadd.s32 $0xFFFFFF00  }
0xa1: {  	_ =	swait.ge [sflag:s26], $0x100  }
0xa2: {  	[sflag:s26] =	ssyncset.done $0x0  }
0xa3: {  	[sflag:s26] =	ssyncadd.s32 $0xFFFFFF00  }
0xa4: {  	[tilespmem:s14], [sflag:$0x1] =	stream.indirect.gather [hbm4b:s4+s13], $0x80, s17, s13, $0xb8;
	[tilespmem:$0x1C000] =	vst v63  }
0xa5: {  	_ =	swait.ge [sflag:s15], $0x4000  }
0xa6: {  	[sflag:s15] =	ssyncset.done $0x0  }
0xa7: {  	[sflag:s15] =	ssyncadd.s32 $0xFFFFC000  }
0xa8: {  	[spmem:s2] =	stream.indirect.scatter.add.f32 [tilespmem:s14], [sflag:$0x3], $0x80, s19, s13, $0xb8;
	[tilespmem:$0x1C000] =	vst v63  }
0xa9: {  	_ =	swait.ge [sflag:s28], $0x4000  }
0xaa: {  	[sflag:s28] =	ssyncset.done $0x0  }
0xab: {  	s16 =	sadd.s32 $0x540, s16;
	[sflag:s28] =	ssyncadd.s32 $0xFFFFC000  }
0xac: {  	[tilespmem:s3], [sflag:$0x5] =	stream.linear.gather [hbm4b:s16+s3], $0x100, $0x38;
	[tilespmem:$0x1C000] =	vst v63  }
0xad: {  	s9 =	sadd.s32 $0x540, s9  }
0xae: {  	[tilespmem:s12], [sflag:$0x6] =	stream.linear.gather [hbm4b:s9+s3], $0x100, $0x38;
	[tilespmem:$0x1C000] =	vst v63  }
0xaf: {  	_ = 	snop  }
0xb0: {  	[tilespmem:s20], [sflag:$0x2] =	stream.indirect.gather [hbm4b:s4+s13], $0x80, s29, s13, $0xb8;
	[tilespmem:$0x1C000] =	vst v63  }
0xb1: {  	_ =	swait.ge [sflag:s21], $0x4000  }
0xb2: {  	[sflag:s21] =	ssyncset.done $0x0  }
0xb3: {  	[sflag:s21] =	ssyncadd.s32 $0xFFFFC000  }
0xb4: {  	[spmem:s2] =	stream.indirect.scatter.add.f32 [tilespmem:s20], [sflag:$0x4], $0x80, s30, s13, $0xb8;
	[tilespmem:$0x1C000] =	vst v63  }
0xb5: {  	_ =	swait.ge [sflag:s23], $0x4000  }
0xb6: {  	[sflag:s23] =	ssyncset.done $0x0  }
0xb7: {  	[sflag:s23] =	ssyncadd.s32 $0xFFFFC000  }
0xb8: {  	_ =	swait.ge [sflag:s31], $0x100  }
.Ltmp0:
0xb9: {  	[sflag:s31] =	ssyncset.done $0x0;
	(pc) =	sbr.rel @p0 .LBB2_2-.Ltmp0, $4  }
0xba: {  	[sflag:s31] =	ssyncadd.s32 $0xFFFFFF00  }
0xbb: {  	_ =	swait.ge [sflag:s1], $0x100  }
0xbc: {  	[sflag:s1] =	ssyncset.done $0x0  }
0xbd: {  	[sflag:s1] =	ssyncadd.s32 $0xFFFFFF00  }
0xbe: {  	[tilespmem:s14], [sflag:$0x1] =	stream.indirect.gather [hbm4b:s4+s13], $0x80, s3, s13, $0xb8;
	[tilespmem:$0x1C000] =	vst v63  }
0xbf: {  	_ =	swait.ge [sflag:s28], $0x4000  }
0xc0: {  	[sflag:s28] =	ssyncset.done $0x0  }
0xc1: {  	[sflag:s28] =	ssyncadd.s32 $0xFFFFC000  }
0xc2: {  	_ =	swait.ge [sflag:s15], $0x4000  }
0xc3: {  	[sflag:s15] =	ssyncset.done $0x0  }
0xc4: {  	[sflag:s15] =	ssyncadd.s32 $0xFFFFC000  }
0xc5: {  	[bflag:$0x0] =	sbarrier.arrive $0xFFFF  }
0xc6: {  	[hbm:s24], [sflag:s6] =	dma.local [spmem:s10], $0x2780  }
0xc7: {  	_ =	swait.ge [sflag:s11], $0x2780  }
0xc8: {  	s0 =	sadd.s32 $0x1, s0;
	s5 =	rddreg [dreg:$0x4]  }
0xc9: {  	p0 =	sne.s32 s0, s5  }
.Ltmp1:
0xca: {  	_ = 	snop;
	(pc) =	sbr.rel @p0 .LBB2_1-.Ltmp1, $3  }
0xcb: {  	_ =	sdelay $0x1  }
0xcc: {  	[sflag:s11] =	ssyncset.done $0x0  }
0xcd: {  	[sflag:s11] =	ssyncadd.s32 $0xFFFFD880  }
0xce: {  	_ =	sfence.sel $0x180000  }
0xcf: {  	[bflag:$0x0] =	sbarrier.arrive $0xFFFF  }
0xd0: {  	_ =	strace $0x9000004D  }
0xd1: {  	s0 =	stileid.u32;
	[bflag:$0x2] =	sbarrier.arrive $0xFFFF  }
0xd2: {  	p0 =	sne.s32 s0, $0x0;
	s0 =	rddreg [dreg:$0x2]  }
0xd3: {  	s0 =	sadd.s32 @!p0 $0x100000, s0  }
0xd4: {  	[sflag:s0] =	ssyncadd.tile.s32 @!p0 $0x1;
	_ =	shalt  }
.Lfunc_end2:
_tile_overlayer_lowered:
.L_overlay_start_2:
0xd5: {  	(tag) =	ssettag $0x2  }
0xd6: {  	s0 =	rddreg [dreg:$0x0];
	s2 =	stileid.u32  }
0xd7: {  	s1 =	rddreg [dreg:$0x1];
	p0 =	sne.s32 s2, $0x0  }
0xd8: {  	s3 =	rddreg [dreg:$0x2];
	[bflag:$0x3] =	sbarrier.arrive $0xFFFF;
	s2 =	simm.s32 @!p0 $0x1C09  }
0xd9: {  	[timem:s3], [sflag:s2] =	dma.local @!p0 [hbm:s0], s1  }
0xda: {  	s0 =	simm.s32 @!p0 $0x9  }
0xdb: {  	_ =	swait.ge @!p0 [sflag:s0], s1  }
0xdc: {  	s1 =	ssub.s32 @!p0 $0x0, s1;
	[sflag:s0] =	ssyncset.done @!p0 $0x0  }
0xdd: {  	[sflag:s0] =	ssyncadd.s32 @!p0 s1  }
0xde: {  	[bflag:$0x3] =	sbarrier.arrive $0xFFFF  }
0xdf: {  	_ =	shalt  }

// kernel: kernel.20.cloned.1.call-start
scs
__scs_entry_jumppad:
0x0: {  	(pc) =	sbr.rel $0x88, $3  }
0x1: {  	(tag) =	ssettag $0x0;
	lr =	simm.s32 $0x1  }
0x2: {  	[smem:$0x3F8E] =	sst lr;
	_ =	strace $0xD0000000  }
0x3: {  	_ = 	snop  }
0x4: {  	_ = 	snop  }
0x5: {  	_ = 	snop  }
0x6: {  	_ = 	snop  }
0x7: {  	_ = 	snop  }
__scs_overlays_trampoline_lowered:
0x8: {  	[smem:$0x3F9D] =	sst s0  }
0x9: {  	[smem:$0x3F9E] =	sst s1  }
0xa: {  	[smem:$0x3F9F] =	sst s2  }
0xb: {  	[smem:$0x3FA0] =	sst s3  }
0xc: {  	[smem:$0x3FA1] =	sst s4  }
0xd: {  	[smem:$0x3FA2] =	sst s5  }
0xe: {  	[smem:$0x3FA3] =	sst s6  }
0xf: {  	[smem:$0x3FA4] =	sst s7  }
0x10: {  	[smem:$0x3FA5] =	sst s8  }
0x11: {  	[smem:$0x3FA6] =	sst s9;
	s0 =	simm.s32 @!p0 $0x0  }
0x12: {  	s1 =	sld [smem:$0x3F8C];
	s0 =	simm.s32 @p0 $0x1  }
0x13: {  	[smem:$0x3FA7] =	sst s0;
	s0 =	simm.s32 @!p1 $0x0  }
0x14: {  	s2 =	sld [smem:$0x3F8B];
	s0 =	simm.s32 @p1 $0x1  }
0x15: {  	[smem:$0x3FA8] =	sst s0;
	s0 =	simm.s32 @!p2 $0x0  }
0x16: {  	s3 =	sld [smem:$0x3FDB];
	s0 =	simm.s32 @p2 $0x1  }
0x17: {  	s4 =	simm.s32 $0x1BF5;
	[smem:$0x3FAA] =	sst s0  }
0x18: {  	s0 =	sld [smem:$0x3F8D];
	_ =	swait.ge [sflag:s4], $0x0  }
0x19: {  	s7 =	sld [smem:$0x3F8E]  }
0x1a: {  	s8 =	sadd.s32 $0xFFFFE003, lr  }
0x1b: {  	s9 =	sadd.s32 $0xFFFFFEF7, lr;
	s5 =	simm.s32 $0xFFFFFFFF;
	p2 =	slt.u32 s8, $0xFFFFF086  }
0x1c: {  	p1 =	slt.u32 s9, $0xF7A;
	s5 =	simm.s32 @!p2 $0x0  }
0x1d: {  	s5 =	simm.s32 @p1 $0x1;
	p0 =	seq.s32 s7, s2  }
0x1e: {  	s7 =	smul.u32 @!p0 $0xF7A, s2;
	p2 =	seq.s32 @!p0 s5, $0x0  }
0x1f: {  	s9 =	smul.u32 $0xF7A, s1;
	s8 =	simm.s32 @!p0 $0x1BF5;
	p2 =	por !p2, p0  }
0x20: {  	[sflag:s8] =	ssyncset.s32 @!p0 $0xFFFFF086;
	s6 =	sadd.s32 @!p0 s3, s7;
	s7 =	simm.s32 @!p0 $0x108  }
0x21: {  	s3 =	sadd.s32 s3, s9;
	s6 =	sadd.s32 @!p0 $0x88, s6;
	s7 =	simm.s32 @p2 $0x1082  }
0x22: {  	[simem:s7], [sflag:s8] =	dma.local @!p0 [hbm:s6], $0xF7A  }
0x23: {  	s9 =	sor.u32 $0xD0000000, s2;
	s6 =	simm.s32 $0x108;
	_ =	swait.ge @!p0 [sflag:s8], $0x0  }
0x24: {  	s3 =	sadd.s32 $0x88, s3;
	s6 =	simm.s32 @!p1 $0x1082;
	[sflag:s4] =	ssyncset.s32 $0xFFFFF086  }
0x25: {  	[simem:s6], [sflag:s4] =	dma.local [hbm:s3], $0xF7A  }
0x26: {  	[smem:$0x3F8E] =	sst s1;
	(tag) =	ssettag s2;
	_ =	strace s9  }
0x27: {  	s1 =	sld [smem:$0x3F9E]  }
0x28: {  	s2 =	sld [smem:$0x3F9F]  }
0x29: {  	s4 =	sld [smem:$0x3FA1]  }
0x2a: {  	p0 =	seq.s32 s5, $0x0;
	s5 =	sld [smem:$0x3FA2]  }
0x2b: {  	s6 =	sld [smem:$0x3FA3]  }
0x2c: {  	s7 =	sld [smem:$0x3FA4]  }
0x2d: {  	s3 =	simm.s32 $0x108;
	s8 =	sld [smem:$0x3FA5]  }
0x2e: {  	s3 =	simm.s32 @!p0 $0x1082;
	s9 =	sld [smem:$0x3FA6]  }
0x2f: {  	lr =	sadd.s32 s0, s3;
	s0 =	sld [smem:$0x3F9D]  }
0x30: {  	s3 =	sld [smem:$0x3FA0]  }
0x31: {  	[smem:$0x3FA9] =	sst s10  }
0x32: {  	s10 =	sld [smem:$0x3FA7];
	_ =	sdelay $0x3  }
0x33: {  	p0 =	seq.s32 s10, $0x1;
	s10 =	sld [smem:$0x3FA9];
	_ =	sdelay $0x3  }
0x34: {  	[smem:$0x3FA9] =	sst s10  }
0x35: {  	s10 =	sld [smem:$0x3FA8];
	_ =	sdelay $0x3  }
0x36: {  	p1 =	seq.s32 s10, $0x1;
	s10 =	sld [smem:$0x3FA9];
	_ =	sdelay $0x3  }
0x37: {  	[smem:$0x3FA9] =	sst s10  }
0x38: {  	s10 =	sld [smem:$0x3FAA]  }
0x39: {  	_ = 	snop;
	(pc) =	sbr.ind lr, $3  }
0x3a: {  	_ = 	snop  }
0x3b: {  	_ = 	snop  }
0x3c: {  	p2 =	seq.s32 s10, $0x1;
	s10 =	sld [smem:$0x3FA9]  }
0x3d: {  	_ =	shalt  }
0x3e: {  	_ =	shalt  }
0x3f: {  	_ =	shalt  }
0x40: {  	_ =	shalt  }
0x41: {  	_ =	shalt  }
0x42: {  	_ =	shalt  }
0x43: {  	_ =	shalt  }
0x44: {  	_ =	shalt  }
0x45: {  	_ =	shalt  }
0x46: {  	_ =	shalt  }
0x47: {  	_ =	shalt  }
0x48: {  	_ =	shalt  }
0x49: {  	_ =	shalt  }
0x4a: {  	_ =	shalt  }
0x4b: {  	_ =	shalt  }
0x4c: {  	_ =	shalt  }
0x4d: {  	_ =	shalt  }
0x4e: {  	_ =	shalt  }
0x4f: {  	_ =	shalt  }
0x50: {  	_ =	shalt  }
0x51: {  	_ =	shalt  }
0x52: {  	_ =	shalt  }
0x53: {  	_ =	shalt  }
0x54: {  	_ =	shalt  }
0x55: {  	_ =	shalt  }
0x56: {  	_ =	shalt  }
0x57: {  	_ =	shalt  }
0x58: {  	_ =	shalt  }
0x59: {  	_ =	shalt  }
0x5a: {  	_ =	shalt  }
0x5b: {  	_ =	shalt  }
0x5c: {  	_ =	shalt  }
0x5d: {  	_ =	shalt  }
0x5e: {  	_ =	shalt  }
0x5f: {  	_ =	shalt  }
0x60: {  	_ =	shalt  }
0x61: {  	_ =	shalt  }
0x62: {  	_ =	shalt  }
0x63: {  	_ =	shalt  }
0x64: {  	_ =	shalt  }
0x65: {  	_ =	shalt  }
0x66: {  	_ =	shalt  }
0x67: {  	_ =	shalt  }
0x68: {  	_ =	shalt  }
0x69: {  	_ =	shalt  }
0x6a: {  	_ =	shalt  }
0x6b: {  	_ =	shalt  }
0x6c: {  	_ =	shalt  }
0x6d: {  	_ =	shalt  }
0x6e: {  	_ =	shalt  }
0x6f: {  	_ =	shalt  }
0x70: {  	_ =	shalt  }
0x71: {  	_ =	shalt  }
0x72: {  	_ =	shalt  }
0x73: {  	_ =	shalt  }
0x74: {  	_ =	shalt  }
0x75: {  	_ =	shalt  }
0x76: {  	_ =	shalt  }
0x77: {  	_ =	shalt  }
0x78: {  	_ =	shalt  }
0x79: {  	_ =	shalt  }
0x7a: {  	_ =	shalt  }
0x7b: {  	_ =	shalt  }
0x7c: {  	_ =	shalt  }
0x7d: {  	_ =	shalt  }
0x7e: {  	_ =	shalt  }
0x7f: {  	_ =	shalt  }
0x80: {  	_ =	shalt  }
0x81: {  	_ =	shalt  }
0x82: {  	_ =	shalt  }
0x83: {  	_ =	shalt  }
0x84: {  	_ =	shalt  }
0x85: {  	_ =	shalt  }
0x86: {  	_ =	shalt  }
0x87: {  	_ =	shalt  }
.Lfunc_end0:
.L_simem_size_0:
called_computation.3_lowered:
.L_overlay_start_0:
0x88: {  	s2 =	sld [smem:$0x3FD9]  }
0x89: {  	s3 =	sld [smem:$0x3FFE];
	_ =	sdelay $0x1  }
0x8a: {  	s1 =	srdreg.scid  }
0x8b: {  	s0 =	sand.u32 $0x1, s1  }
0x8c: {  	s16 =	sshll.u32 s0, $0xA;
	s2 =	sadd.s32 s3, s2  }
0x8d: {  	s2 =	sadd.s32 s2, s16  }
0x8e: {  	[smem:$0x3FB5] =	sst s2  }
0x8f: {  	_ = 	snop  }
0x90: {  	(tm) =	ssettm $0x1  }
0x91: {  	s17 =	sld [smem:$0x3FFB];
	_ =	sdelay $0x3  }
0x92: {  	_ =	strace s17  }
0x93: {  	s2 =	sld [smem:$0x3FFC];
	_ =	sdelay $0x3  }
0x94: {  	_ =	strace s2  }
0x95: {  	s2 =	sld [smem:$0x3FFD];
	_ =	sdelay $0x3  }
0x96: {  	_ =	strace s2  }
0x97: {  	_ =	strace $0x8FFFFFFF  }
0x98: {  	s18 =	sld [smem:$0x3FDB];
	_ =	sdelay $0x1  }
0x99: {  	s19 =	simm.s32 $_scs_section_size  }
0x9a: {  	s4 =	simm.s32 $_size__tile_overlayer_lowered;
	s5 =	simm.s32 $_tile_overlayer_lowered  }
0x9b: {  	s22 =	simm.s32 $0x1BFF;
	s21 =	sshll.u32 s5, $0x1;
	s2 =	sadd.s32 s19, s18  }
0x9c: {  	s6 =	simm.s32 $0x0;
	s20 =	sshll.u32 s4, $0x1;
	s4 =	sadd.s32 s21, s2  }
0x9d: {  	[timem:s6], [sflag:s22] =	dma.local [hbm:s4], s20  }
0x9e: {  	_ =	swait.ge [sflag:s22], s20  }
0x9f: {  	s3 =	ssub.s32 $0x0, s20;
	[sflag:s22] =	ssyncset.done $0x0  }
0xa0: {  	[sflag:s22] =	ssyncadd.s32 s3;
	_ =	sdelay $0x1  }
0xa1: {  	s23 =	simm.s32 $0x1B8B  }
0xa2: {  	_ =	swait.ge [sflag:s23], $0x1  }
0xa3: {  	[sflag:s23] =	ssyncset.done $0x0  }
0xa4: {  	s25 =	simm.s32 $0x1B8E;
	s24 =	sld [smem:$0x3FFE];
	[sflag:s23] =	ssyncadd.s32 $0xFFFFFFFF  }
0xa5: {  	s26 =	simm.s32 $execute0_lowered;
	[smem:$0x3FD2] =	sst s25  }
0xa6: {  	s4 =	sshll.u32 s26, $0x1;
	_ =	strace $0x8000004F;
	[dreg:$0x1] =	wrdreg $0xFFFFFFFF  }
0xa7: {  	s28 =	simm.s32 $_size_execute0_lowered;
	s2 =	sadd.s32 s2, s4;
	[dreg:$0x0] =	wrdreg $0x0  }
0xa8: {  	s4 =	sshll.u32 s28, $0x1;
	[dreg:$0x2] =	wrdreg s2  }
0xa9: {  	[dreg:$0x3] =	wrdreg s4  }
0xaa: {  	[dreg:$0x4] =	wrdreg $0xC0  }
0xab: {  	_ =	task [dreg:s6], $0x5FFFF  }
0xac: {  	[dreg:$0x1] =	wrdreg $0xFFFFFFFF  }
0xad: {  	[dreg:$0x0] =	wrdreg $0x60  }
0xae: {  	[dreg:$0x2] =	wrdreg s24  }
0xaf: {  	[dreg:$0x3] =	wrdreg $0x84000  }
0xb0: {  	[dreg:$0x4] =	wrdreg $0x9  }
0xb1: {  	_ =	task.clear_ibuf [dreg:s6], $0x5FFFF;
	_ =	strace $0x9000004F  }
0xb2: {  	s29 =	simm.s32 $0x9;
	_ =	strace $0x80000051  }
0xb3: {  	_ =	swait.ge [sflag:s29], $0x1  }
0xb4: {  	[sflag:s29] =	ssyncadd.s32 $0xFFFFFFFF  }
0xb5: {  	_ =	strace $0x90000051  }
0xb6: {  	_ =	sfence  }
0xb7: {  	s30 =	sld [smem:$0x0];
	_ =	sdelay $0x2  }
0xb8: {  	s31 =	sshll.u32 s1, $0xD;
	s1 =	sshrl.u32 s1, $0x2  }
0xb9: {  	s3 =	sand.u32 $0x4000, s31;
	s1 =	sadd.s32 s1, s30  }
0xba: {  	s0 =	sor.u32 s3, s0;
	s1 =	sshll.u32 s1, $0x11  }
0xbb: {  	s0 =	sor.u32 s1, s0  }
0xbc: {  	s0 =	sadd.s32 $0x8F2B, s0  }
0xbd: {  	[sflag:s0] =	ssyncadd.remote.s32 $0x1  }
0xbe: {  	_ =	sfence.sel $0xFFFF  }
0xbf: {  	[dreg:$0x0] =	wrdreg $0xFFFFFFFF;
	(pc) =	sbr.abs _section_cstart, $3  }
0xc0: {  	[dreg:$0x1] =	wrdreg $0xFFFFFFFF  }
0xc1: {  	_ =	task.clear_ibuf [dreg:s6], $0x2FFFF;
	_ =	strace $0x9FFFFFFF  }
0xc2: {  	(tm) =	ssettm $0x7FFFFFFF  }
0xc3: {  	_ =	shalt  }
tec
execute0_lowered:
.L_overlay_start_1:
0x0: {  	(tag) =	ssettag $0x1  }
0x1: {  	s0 =	srdreg.scid  }
0x2: {  	s9 =	stileid.u32;
	s1 =	rddreg [dreg:$0x0]  }
0x3: {  	s2 =	rddreg [dreg:$0x1];
	s11 =	simm.s32 $0x9;
	s12 =	simm.s32 $0x200  }
0x4: {  	s13 =	simm.s32 $0x80;
	s14 =	simm.s32 $0x400;
	s15 =	simm.s32 $0x1  }
0x5: {  	s17 =	simm.s32 $0x100;
	s19 =	simm.s32 $0x300;
	s28 =	simm.s32 $0x4  }
0x6: {  	s29 =	simm.s32 $0x180;
	s30 =	simm.s32 $0x380;
	s31 =	simm.s32 $0x5  }
0x7: {  	s0 =	sand.u32 $0x1, s0;
	s3 =	sshll.u32 s9, $0x1;
	s24 =	smul.u32 $0x2780, s9  }
0x8: {  	s7 =	smul.u32 $0x4F000, s9;
	s22 =	sshll.u32 s9, $0x6;
	s4 =	sor.u32 s0, s3  }
0x9: {  	s3 =	simm.s32 $0x0;
	s6 =	smul.u32 $0x27800, s0;
	s0 =	ssub.s32 $0x2, s0  }
0xa: {  	s5 =	smul.u32 $0x580, s4;
	[smem:$0x7FF] =	sst s3;
	s4 =	sadd.s32 $0x1A200, s1  }
0xb: {  	s8 =	sadd.s32 s24, s1;
	s20 =	sshrl.u32 s0, $0x1;
	s21 =	sshrl.u32 s7, $0x2  }
0xc: {  	_ =	strace $0x80000050;
	s0 =	ssub.s32 s0, s20;
	s10 =	sadd.s32 s21, s2  }
0xd: {  	s23 =	sadd.s32 $0x41400, s8;
	s20 =	simm.s32 $0x4400;
	s21 =	simm.s32 $0x2  }
0xe: {  	s5 =	sadd.s32 s5, s1;
	s1 =	sadd.s32 s6, s1;
	[dreg:$0x3] =	wrdreg s23  }
0xf: {  	s6 =	sor.u32 $0x1C09, s22;
	s0 =	smax.u32 s0, $0x1;
	s10 =	sshrl.u32 s10, $0x3  }
0x10: {  	s22 =	simm.s32 $0x280;
	s23 =	simm.s32 $0x3;
	s7 =	sadd.s32 $0x4200, s5  }
0x11: {  	s8 =	sadd.s32 $0xF200, s5;
	s1 =	sadd.s32 $0x68C00, s1;
	[dreg:$0x4] =	wrdreg s0  }
0x12: {  	s0 =	simm.s32 $0x0;
	s25 =	sadd.s32 $0x20, s7;
	s26 =	sadd.s32 $0x20, s8  }
0x13: {  	s24 =	sadd.s32 s24, s1;
	s1 =	simm.s32 $0x6;
	[dreg:$0x5] =	wrdreg s25  }
0x14: {  	[dreg:$0x6] =	wrdreg s26;
	s25 =	simm.s32 $0x7;
	s26 =	simm.s32 $0x8  }
.LBB2_1:
0x15: {  	s5 =	rddreg [dreg:$0x3]  }
0x16: {  	[spmem:s10], [sflag:s6] =	dma.local [hbm:s5], $0x2780  }
0x17: {  	_ =	swait.ge [sflag:s11], $0x2780  }
0x18: {  	[sflag:s11] =	ssyncset.done $0x0  }
0x19: {  	[sflag:s11] =	ssyncadd.s32 $0xFFFFD880  }
0x1a: {  	[bflag:$0x0] =	sbarrier.arrive $0xFFFF  }
0x1b: {  	[tilespmem:s3], [sflag:$0x9] =	stream.linear.gather [hbm4b:s7+s3], $0x100, $0x38;
	[tilespmem:$0x1C000] =	vst v63  }
0x1c: {  	_ =	swait.ge [sflag:s11], $0x100  }
0x1d: {  	[sflag:s11] =	ssyncset.done $0x0  }
0x1e: {  	[sflag:s11] =	ssyncadd.s32 $0xFFFFFF00  }
0x1f: {  	[tilespmem:s12], [sflag:$0x9] =	stream.linear.gather [hbm4b:s8+s3], $0x100, $0x38;
	[tilespmem:$0x1C000] =	vst v63  }
0x20: {  	_ =	swait.ge [sflag:s11], $0x100  }
0x21: {  	[sflag:s11] =	ssyncset.done $0x0  }
0x22: {  	[sflag:s11] =	ssyncadd.s32 $0xFFFFFF00  }
0x23: {  	[tilespmem:s14], [sflag:$0x1] =	stream.indirect.gather [hbm4b:s4+s13], $0x80, s3, s13, $0xb8;
	[tilespmem:$0x1C000] =	vst v63  }
0x24: {  	_ =	swait.ge [sflag:s15], $0x4000  }
0x25: {  	[sflag:s15] =	ssyncset.done $0x0  }
0x26: {  	[sflag:s15] =	ssyncadd.s32 $0xFFFFC000  }
0x27: {  	[spmem:s2] =	stream.indirect.scatter.add.f32 [tilespmem:s14], [sflag:$0x3], $0x80, s12, s13, $0xb8;
	[tilespmem:$0x1C000] =	vst v63  }
0x28: {  	s16 =	rddreg [dreg:$0x5]  }
0x29: {  	[tilespmem:s17], [sflag:$0x7] =	stream.linear.gather [hbm4b:s16+s3], $0x100, $0x38;
	[tilespmem:$0x1C000] =	vst v63  }
0x2a: {  	s18 =	rddreg [dreg:$0x6]  }
0x2b: {  	[tilespmem:s19], [sflag:$0x8] =	stream.linear.gather [hbm4b:s18+s3], $0x100, $0x38;
	[tilespmem:$0x1C000] =	vst v63  }
0x2c: {  	_ = 	snop  }
0x2d: {  	[tilespmem:s20], [sflag:$0x2] =	stream.indirect.gather [hbm4b:s4+s13], $0x80, s13, s13, $0xb8;
	[tilespmem:$0x1C000] =	vst v63  }
0x2e: {  	_ =	swait.ge [sflag:s21], $0x4000  }
0x2f: {  	[sflag:s21] =	ssyncset.done $0x0  }
0x30: {  	[sflag:s21] =	ssyncadd.s32 $0xFFFFC000  }
0x31: {  	[spmem:s2] =	stream.indirect.scatter.add.f32 [tilespmem:s20], [sflag:$0x4], $0x80, s22, s13, $0xb8;
	[tilespmem:$0x1C000] =	vst v63  }
0x32: {  	_ =	swait.ge [sflag:s23], $0x4000  }
0x33: {  	[sflag:s23] =	ssyncset.done $0x0  }
0x34: {  	[sflag:s23] =	ssyncadd.s32 $0xFFFFC000  }
0x35: {  	_ =	swait.ge [sflag:s25], $0x100  }
0x36: {  	[sflag:s25] =	ssyncset.done $0x0  }
0x37: {  	[sflag:s25] =	ssyncadd.s32 $0xFFFFFF00  }
0x38: {  	_ =	swait.ge [sflag:s26], $0x100  }
0x39: {  	[sflag:s26] =	ssyncset.done $0x0  }
0x3a: {  	[sflag:s26] =	ssyncadd.s32 $0xFFFFFF00  }
0x3b: {  	[tilespmem:s14], [sflag:$0x1] =	stream.indirect.gather [hbm4b:s4+s13], $0x80, s17, s13, $0xb8;
	[tilespmem:$0x1C000] =	vst v63  }
0x3c: {  	_ =	swait.ge [sflag:s15], $0x4000  }
0x3d: {  	[sflag:s15] =	ssyncset.done $0x0  }
0x3e: {  	[sflag:s15] =	ssyncadd.s32 $0xFFFFC000  }
0x3f: {  	[spmem:s2] =	stream.indirect.scatter.add.f32 [tilespmem:s14], [sflag:$0x3], $0x80, s19, s13, $0xb8;
	[tilespmem:$0x1C000] =	vst v63  }
0x40: {  	_ =	swait.ge [sflag:s28], $0x4000  }
0x41: {  	[sflag:s28] =	ssyncset.done $0x0  }
0x42: {  	s9 =	sadd.s32 $0x40, s7;
	[sflag:s28] =	ssyncadd.s32 $0xFFFFC000  }
0x43: {  	[tilespmem:s3], [sflag:$0x5] =	stream.linear.gather [hbm4b:s9+s3], $0x100, $0x38;
	[tilespmem:$0x1C000] =	vst v63  }
0x44: {  	s16 =	sadd.s32 $0x40, s8  }
0x45: {  	[tilespmem:s12], [sflag:$0x6] =	stream.linear.gather [hbm4b:s16+s3], $0x100, $0x38;
	[tilespmem:$0x1C000] =	vst v63  }
0x46: {  	_ = 	snop  }
0x47: {  	[tilespmem:s20], [sflag:$0x2] =	stream.indirect.gather [hbm4b:s4+s13], $0x80, s29, s13, $0xb8;
	[tilespmem:$0x1C000] =	vst v63  }
0x48: {  	_ =	swait.ge [sflag:s21], $0x4000  }
0x49: {  	[sflag:s21] =	ssyncset.done $0x0  }
0x4a: {  	[sflag:s21] =	ssyncadd.s32 $0xFFFFC000  }
0x4b: {  	[spmem:s2] =	stream.indirect.scatter.add.f32 [tilespmem:s20], [sflag:$0x4], $0x80, s30, s13, $0xb8;
	[tilespmem:$0x1C000] =	vst v63  }
0x4c: {  	_ =	swait.ge [sflag:s23], $0x4000  }
0x4d: {  	[sflag:s23] =	ssyncset.done $0x0  }
0x4e: {  	[sflag:s23] =	ssyncadd.s32 $0xFFFFC000  }
0x4f: {  	_ =	swait.ge [sflag:s31], $0x100  }
0x50: {  	[sflag:s31] =	ssyncset.done $0x0  }
0x51: {  	[sflag:s31] =	ssyncadd.s32 $0xFFFFFF00  }
0x52: {  	_ =	swait.ge [sflag:s1], $0x100  }
0x53: {  	[sflag:s1] =	ssyncset.done $0x0  }
0x54: {  	[sflag:s1] =	ssyncadd.s32 $0xFFFFFF00  }
0x55: {  	[tilespmem:s14], [sflag:$0x1] =	stream.indirect.gather [hbm4b:s4+s13], $0x80, s3, s13, $0xb8;
	[tilespmem:$0x1C000] =	vst v63  }
0x56: {  	_ =	swait.ge [sflag:s15], $0x4000  }
0x57: {  	[sflag:s15] =	ssyncset.done $0x0  }
0x58: {  	[sflag:s15] =	ssyncadd.s32 $0xFFFFC000  }
0x59: {  	[spmem:s2] =	stream.indirect.scatter.add.f32 [tilespmem:s14], [sflag:$0x3], $0x80, s12, s13, $0xb8;
	[tilespmem:$0x1C000] =	vst v63  }
0x5a: {  	_ =	swait.ge [sflag:s28], $0x4000  }
0x5b: {  	s5 =	sadd.s32 $0xFFFFFB40, s7;
	[sflag:s28] =	ssyncset.done $0x0  }
0x5c: {  	s9 =	sadd.s32 $0x520, s5;
	s16 =	sadd.s32 $0xFFFFFB40, s8;
	[sflag:s28] =	ssyncadd.s32 $0xFFFFC000  }
0x5d: {  	[tilespmem:s17], [sflag:$0x7] =	stream.linear.gather [hbm4b:s9+s3], $0x100, $0x38;
	[tilespmem:$0x1C000] =	vst v63  }
0x5e: {  	s18 =	sadd.s32 $0x520, s16  }
0x5f: {  	[tilespmem:s19], [sflag:$0x8] =	stream.linear.gather [hbm4b:s18+s3], $0x100, $0x38;
	[tilespmem:$0x1C000] =	vst v63  }
0x60: {  	_ = 	snop  }
0x61: {  	[tilespmem:s20], [sflag:$0x2] =	stream.indirect.gather [hbm4b:s4+s13], $0x80, s13, s13, $0xb8;
	[tilespmem:$0x1C000] =	vst v63  }
0x62: {  	_ =	swait.ge [sflag:s21], $0x4000  }
0x63: {  	[sflag:s21] =	ssyncset.done $0x0  }
0x64: {  	[sflag:s21] =	ssyncadd.s32 $0xFFFFC000  }
0x65: {  	[spmem:s2] =	stream.indirect.scatter.add.f32 [tilespmem:s20], [sflag:$0x4], $0x80, s22, s13, $0xb8;
	[tilespmem:$0x1C000] =	vst v63  }
0x66: {  	_ =	swait.ge [sflag:s23], $0x4000  }
0x67: {  	[sflag:s23] =	ssyncset.done $0x0  }
0x68: {  	[sflag:s23] =	ssyncadd.s32 $0xFFFFC000  }
0x69: {  	_ =	swait.ge [sflag:s25], $0x100  }
0x6a: {  	[sflag:s25] =	ssyncset.done $0x0  }
0x6b: {  	[sflag:s25] =	ssyncadd.s32 $0xFFFFFF00  }
0x6c: {  	_ =	swait.ge [sflag:s26], $0x100  }
0x6d: {  	[sflag:s26] =	ssyncset.done $0x0  }
0x6e: {  	[sflag:s26] =	ssyncadd.s32 $0xFFFFFF00  }
0x6f: {  	[tilespmem:s14], [sflag:$0x1] =	stream.indirect.gather [hbm4b:s4+s13], $0x80, s17, s13, $0xb8;
	[tilespmem:$0x1C000] =	vst v63  }
0x70: {  	_ =	swait.ge [sflag:s15], $0x4000  }
0x71: {  	[sflag:s15] =	ssyncset.done $0x0  }
0x72: {  	[sflag:s15] =	ssyncadd.s32 $0xFFFFC000  }
0x73: {  	[spmem:s2] =	stream.indirect.scatter.add.f32 [tilespmem:s14], [sflag:$0x3], $0x80, s19, s13, $0xb8;
	[tilespmem:$0x1C000] =	vst v63  }
0x74: {  	_ =	swait.ge [sflag:s28], $0x4000  }
0x75: {  	[sflag:s28] =	ssyncset.done $0x0  }
0x76: {  	s5 =	sadd.s32 $0x540, s5;
	[sflag:s28] =	ssyncadd.s32 $0xFFFFC000  }
0x77: {  	[tilespmem:s3], [sflag:$0x5] =	stream.linear.gather [hbm4b:s5+s3], $0x100, $0x38;
	[tilespmem:$0x1C000] =	vst v63  }
0x78: {  	s18 =	sadd.s32 $0x540, s16  }
0x79: {  	[tilespmem:s12], [sflag:$0x6] =	stream.linear.gather [hbm4b:s18+s3], $0x100, $0x38;
	[tilespmem:$0x1C000] =	vst v63  }
0x7a: {  	_ = 	snop  }
0x7b: {  	[tilespmem:s20], [sflag:$0x2] =	stream.indirect.gather [hbm4b:s4+s13], $0x80, s29, s13, $0xb8;
	[tilespmem:$0x1C000] =	vst v63  }
0x7c: {  	_ =	swait.ge [sflag:s21], $0x4000  }
0x7d: {  	[sflag:s21] =	ssyncset.done $0x0  }
0x7e: {  	[sflag:s21] =	ssyncadd.s32 $0xFFFFC000  }
0x7f: {  	[spmem:s2] =	stream.indirect.scatter.add.f32 [tilespmem:s20], [sflag:$0x4], $0x80, s30, s13, $0xb8;
	[tilespmem:$0x1C000] =	vst v63  }
0x80: {  	_ =	swait.ge [sflag:s23], $0x4000  }
0x81: {  	[sflag:s23] =	ssyncset.done $0x0  }
0x82: {  	[sflag:s23] =	ssyncadd.s32 $0xFFFFC000  }
0x83: {  	_ =	swait.ge [sflag:s31], $0x100  }
0x84: {  	[sflag:s31] =	ssyncset.done $0x0  }
0x85: {  	[sflag:s31] =	ssyncadd.s32 $0xFFFFFF00  }
0x86: {  	_ =	swait.ge [sflag:s1], $0x100  }
0x87: {  	[sflag:s1] =	ssyncset.done $0x0  }
0x88: {  	s5 =	simm.s32 $0xFFFFFB80;
	[sflag:s1] =	ssyncadd.s32 $0xFFFFFF00  }
.LBB2_2:
0x89: {  	[tilespmem:s14], [sflag:$0x1] =	stream.indirect.gather [hbm4b:s4+s13], $0x80, s3, s13, $0xb8;
	[tilespmem:$0x1C000] =	vst v63  }
0x8a: {  	s9 =	smov.u32 s5  }
0x8b: {  	p0 =	sne.s32 s5, $0xFFFFFFC0;
	s5 =	sadd.s32 $0x40, s5;
	_ =	swait.ge [sflag:s15], $0x4000  }
0x8c: {  	[sflag:s15] =	ssyncset.done $0x0  }
0x8d: {  	[sflag:s15] =	ssyncadd.s32 $0xFFFFC000  }
0x8e: {  	[spmem:s2] =	stream.indirect.scatter.add.f32 [tilespmem:s14], [sflag:$0x3], $0x80, s12, s13, $0xb8;
	[tilespmem:$0x1C000] =	vst v63  }
0x8f: {  	_ =	swait.ge [sflag:s28], $0x4000  }
0x90: {  	s16 =	sadd.s32 s9, s7;
	[sflag:s28] =	ssyncset.done $0x0  }
0x91: {  	s9 =	sadd.s32 s9, s8;
	s18 =	sadd.s32 $0x520, s16;
	[sflag:s28] =	ssyncadd.s32 $0xFFFFC000  }
0x92: {  	[tilespmem:s17], [sflag:$0x7] =	stream.linear.gather [hbm4b:s18+s3], $0x100, $0x38;
	[tilespmem:$0x1C000] =	vst v63  }
0x93: {  	s18 =	sadd.s32 $0x520, s9  }
0x94: {  	[tilespmem:s19], [sflag:$0x8] =	stream.linear.gather [hbm4b:s18+s3], $0x100, $0x38;
	[tilespmem:$0x1C000] =	vst v63  }
0x95: {  	_ = 	snop  }
0x96: {  	[tilespmem:s20], [sflag:$0x2] =	stream.indirect.gather [hbm4b:s4+s13], $0x80, s13, s13, $0xb8;
	[tilespmem:$0x1C000] =	vst v63  }
0x97: {  	_ =	swait.ge [sflag:s21], $0x4000  }
0x98: {  	[sflag:s21] =	ssyncset.done $0x0  }
0x99: {  	[sflag:s21] =	ssyncadd.s32 $0xFFFFC000  }
0x9a: {  	[spmem:s2] =	stream.indirect.scatter.add.f32 [tilespmem:s20], [sflag:$0x4], $0x80, s22, s13, $0xb8;
	[tilespmem:$0x1C000] =	vst v63  }
0x9b: {  	_ =	swait.ge [sflag:s23], $0x4000  }
0x9c: {  	[sflag:s23] =	ssyncset.done $0x0  }
0x9d: {  	[sflag:s23] =	ssyncadd.s32 $0xFFFFC000  }
0x9e: {  	_ =	swait.ge [sflag:s25], $0x100  }
0x9f: {  	[sflag:s25] =	ssyncset.done $0x0  }
0xa0: {  	[sflag:s25] =	ssyncadd.s32 $0xFFFFFF00  }
0xa1: {  	_ =	swait.ge [sflag:s26], $0x100  }
0xa2: {  	[sflag:s26] =	ssyncset.done $0x0  }
0xa3: {  	[sflag:s26] =	ssyncadd.s32 $0xFFFFFF00  }
0xa4: {  	[tilespmem:s14], [sflag:$0x1] =	stream.indirect.gather [hbm4b:s4+s13], $0x80, s17, s13, $0xb8;
	[tilespmem:$0x1C000] =	vst v63  }
0xa5: {  	_ =	swait.ge [sflag:s15], $0x4000  }
0xa6: {  	[sflag:s15] =	ssyncset.done $0x0  }
0xa7: {  	[sflag:s15] =	ssyncadd.s32 $0xFFFFC000  }
0xa8: {  	[spmem:s2] =	stream.indirect.scatter.add.f32 [tilespmem:s14], [sflag:$0x3], $0x80, s19, s13, $0xb8;
	[tilespmem:$0x1C000] =	vst v63  }
0xa9: {  	_ =	swait.ge [sflag:s28], $0x4000  }
0xaa: {  	[sflag:s28] =	ssyncset.done $0x0  }
0xab: {  	s16 =	sadd.s32 $0x540, s16;
	[sflag:s28] =	ssyncadd.s32 $0xFFFFC000  }
0xac: {  	[tilespmem:s3], [sflag:$0x5] =	stream.linear.gather [hbm4b:s16+s3], $0x100, $0x38;
	[tilespmem:$0x1C000] =	vst v63  }
0xad: {  	s9 =	sadd.s32 $0x540, s9  }
0xae: {  	[tilespmem:s12], [sflag:$0x6] =	stream.linear.gather [hbm4b:s9+s3], $0x100, $0x38;
	[tilespmem:$0x1C000] =	vst v63  }
0xaf: {  	_ = 	snop  }
0xb0: {  	[tilespmem:s20], [sflag:$0x2] =	stream.indirect.gather [hbm4b:s4+s13], $0x80, s29, s13, $0xb8;
	[tilespmem:$0x1C000] =	vst v63  }
0xb1: {  	_ =	swait.ge [sflag:s21], $0x4000  }
0xb2: {  	[sflag:s21] =	ssyncset.done $0x0  }
0xb3: {  	[sflag:s21] =	ssyncadd.s32 $0xFFFFC000  }
0xb4: {  	[spmem:s2] =	stream.indirect.scatter.add.f32 [tilespmem:s20], [sflag:$0x4], $0x80, s30, s13, $0xb8;
	[tilespmem:$0x1C000] =	vst v63  }
0xb5: {  	_ =	swait.ge [sflag:s23], $0x4000  }
0xb6: {  	[sflag:s23] =	ssyncset.done $0x0  }
0xb7: {  	[sflag:s23] =	ssyncadd.s32 $0xFFFFC000  }
0xb8: {  	_ =	swait.ge [sflag:s31], $0x100  }
.Ltmp0:
0xb9: {  	[sflag:s31] =	ssyncset.done $0x0;
	(pc) =	sbr.rel @p0 .LBB2_2-.Ltmp0, $4  }
0xba: {  	[sflag:s31] =	ssyncadd.s32 $0xFFFFFF00  }
0xbb: {  	_ =	swait.ge [sflag:s1], $0x100  }
0xbc: {  	[sflag:s1] =	ssyncset.done $0x0  }
0xbd: {  	[sflag:s1] =	ssyncadd.s32 $0xFFFFFF00  }
0xbe: {  	[tilespmem:s14], [sflag:$0x1] =	stream.indirect.gather [hbm4b:s4+s13], $0x80, s3, s13, $0xb8;
	[tilespmem:$0x1C000] =	vst v63  }
0xbf: {  	_ =	swait.ge [sflag:s28], $0x4000  }
0xc0: {  	[sflag:s28] =	ssyncset.done $0x0  }
0xc1: {  	[sflag:s28] =	ssyncadd.s32 $0xFFFFC000  }
0xc2: {  	_ =	swait.ge [sflag:s15], $0x4000  }
0xc3: {  	[sflag:s15] =	ssyncset.done $0x0  }
0xc4: {  	[sflag:s15] =	ssyncadd.s32 $0xFFFFC000  }
0xc5: {  	[bflag:$0x0] =	sbarrier.arrive $0xFFFF  }
0xc6: {  	[hbm:s24], [sflag:s6] =	dma.local [spmem:s10], $0x2780  }
0xc7: {  	_ =	swait.ge [sflag:s11], $0x2780  }
0xc8: {  	s0 =	sadd.s32 $0x1, s0;
	s5 =	rddreg [dreg:$0x4]  }
0xc9: {  	p0 =	sne.s32 s0, s5  }
.Ltmp1:
0xca: {  	_ = 	snop;
	(pc) =	sbr.rel @p0 .LBB2_1-.Ltmp1, $3  }
0xcb: {  	_ =	sdelay $0x1  }
0xcc: {  	[sflag:s11] =	ssyncset.done $0x0  }
0xcd: {  	[sflag:s11] =	ssyncadd.s32 $0xFFFFD880  }
0xce: {  	_ =	sfence.sel $0x180000  }
0xcf: {  	[bflag:$0x0] =	sbarrier.arrive $0xFFFF  }
0xd0: {  	_ =	strace $0x90000050  }
0xd1: {  	s0 =	stileid.u32;
	[bflag:$0x2] =	sbarrier.arrive $0xFFFF  }
0xd2: {  	p0 =	sne.s32 s0, $0x0;
	s0 =	rddreg [dreg:$0x2]  }
0xd3: {  	s0 =	sadd.s32 @!p0 $0x100000, s0  }
0xd4: {  	[sflag:s0] =	ssyncadd.tile.s32 @!p0 $0x1;
	_ =	shalt  }
.Lfunc_end2:
_tile_overlayer_lowered:
.L_overlay_start_2:
0xd5: {  	(tag) =	ssettag $0x2  }
0xd6: {  	s0 =	rddreg [dreg:$0x0];
	s2 =	stileid.u32  }
0xd7: {  	s1 =	rddreg [dreg:$0x1];
	p0 =	sne.s32 s2, $0x0  }
0xd8: {  	s3 =	rddreg [dreg:$0x2];
	[bflag:$0x3] =	sbarrier.arrive $0xFFFF;
	s2 =	simm.s32 @!p0 $0x1C09  }
0xd9: {  	[timem:s3], [sflag:s2] =	dma.local @!p0 [hbm:s0], s1  }
0xda: {  	s0 =	simm.s32 @!p0 $0x9  }
0xdb: {  	_ =	swait.ge @!p0 [sflag:s0], s1  }
0xdc: {  	s1 =	ssub.s32 @!p0 $0x0, s1;
	[sflag:s0] =	ssyncset.done @!p0 $0x0  }
0xdd: {  	[sflag:s0] =	ssyncadd.s32 @!p0 s1  }
0xde: {  	[bflag:$0x3] =	sbarrier.arrive $0xFFFF  }
0xdf: {  	_ =	shalt  }

</sc_bundles>
